<compile_context>
chip_gen: v7x
topology: tpu7x:2x2x1
jax: 0.10.2.dev20260603
libtpu: 0.0.44.dev20260713+nightly
codegen_flags: <defaults>
</compile_context>

<pallas_src>
import functools

import jax
import jax.numpy as jnp
from jax import lax
from jax.experimental import pallas as pl
from jax.experimental.pallas import tpu as pltpu
from jax.experimental.pallas import tpu_sc as plsc

N = 10000
E = 640000
H = 128
G = 64
AT = 29
BT = 4
LAYERS = 5

NC = 2
NS = 16
NW = NC * NS
EPW = E // NW
BLK = 64
NBLKP = 320
CBLK = 64
NBUF = 4
NPAD = 10112
RPT = NPAD // NS

_PREC = lax.Precision.HIGHEST


def _ln(h, g, b):
    mu = jnp.mean(h, axis=-1, keepdims=True)
    var = jnp.mean((h - mu) ** 2, axis=-1, keepdims=True)
    return (h - mu) * lax.rsqrt(var + 1e-5) * g + b



def _sc_edge_body(r_hbm, gidx_hbm, sidx_hbm, zinit_hbm, out_hbm,
                  gidx_v, sidx_v, rows_v, aggr_sh, gsem, ssem):
    cid = lax.axis_index("c")
    sid = lax.axis_index("s")
    wid = cid * NS + sid

    base = sid * RPT
    pltpu.sync_copy(zinit_hbm.at[pl.ds(base, RPT)], aggr_sh.at[pl.ds(base, RPT)])
    plsc.subcore_barrier()

    def chunk(c, _):
        pltpu.sync_copy(gidx_hbm.at[wid, pl.ds(c * CBLK, CBLK)], gidx_v)
        pltpu.sync_copy(sidx_hbm.at[wid, pl.ds(c * CBLK, CBLK)], sidx_v)

        for b0 in range(NBUF):
            pltpu.async_copy(r_hbm.at[gidx_v.at[b0]], rows_v.at[b0],
                             gsem.at[b0])

        def blk(k, _):
            b = lax.rem(k, NBUF)
            pltpu.make_async_copy(r_hbm.at[gidx_v.at[k]], rows_v.at[b],
                                  gsem.at[b]).wait()
            pltpu.async_copy(rows_v.at[b], aggr_sh.at[sidx_v.at[k]],
                             ssem.at[b], add=True)

            @pl.when(k + NBUF < CBLK)
            def _():
                pltpu.make_async_copy(rows_v.at[b],
                                      aggr_sh.at[sidx_v.at[k]],
                                      ssem.at[b]).wait()
                pltpu.async_copy(r_hbm.at[gidx_v.at[k + NBUF]], rows_v.at[b],
                                 gsem.at[b])

            return 0

        lax.fori_loop(0, CBLK, blk, 0)
        for b0 in range(NBUF):
            pltpu.make_async_copy(rows_v.at[b0],
                                  aggr_sh.at[sidx_v.at[CBLK - NBUF + b0]],
                                  ssem.at[b0]).wait()
        return 0

    lax.fori_loop(0, NBLKP // CBLK, chunk, 0)
    plsc.subcore_barrier()
    pltpu.sync_copy(aggr_sh.at[pl.ds(base, RPT)],
                    out_hbm.at[cid, pl.ds(base, RPT)])


@functools.cache
def _sc_edge_kernel():
    return pl.kernel(
        _sc_edge_body,
        out_type=jax.ShapeDtypeStruct((NC, NPAD, H), jnp.float32),
        mesh=plsc.VectorSubcoreMesh(core_axis_name="c", subcore_axis_name="s",
                                    num_cores=NC, num_subcores=NS),
        scratch_types=[
            pltpu.VMEM((CBLK, BLK), jnp.int32),
            pltpu.VMEM((CBLK, BLK), jnp.int32),
            pltpu.VMEM((NBUF, BLK, H), jnp.float32),
            pltpu.VMEM_SHARED((NPAD, H), jnp.float32),
            pltpu.SemaphoreType.DMA((NBUF,)),
            pltpu.SemaphoreType.DMA((NBUF,)),
        ],
    )


def _sc_edge(r, gidx, sidx, zinit):
    return _sc_edge_kernel()(r, gidx, sidx, zinit)



RB = 1000
NRB = N // RB


def _embed_body(x1h, aemb, p, vn0, bemb, h0_o, h1_o, r_o):
    h0 = jnp.dot(x1h[...], aemb[...], precision=_PREC)
    h1 = h0 + jnp.dot(p[...], vn0[...], precision=_PREC)
    h0_o[...] = h0
    h1_o[...] = h1
    for t in range(BT):
        r_o[:, t, :] = jnp.maximum(h1 + bemb[t, :], 0.0)


def _embed(x1h, aemb, p, vn0, bemb):
    return pl.pallas_call(
        _embed_body,
        grid=(NRB,),
        in_specs=[
            pl.BlockSpec((RB, AT), lambda i: (i, 0)),
            pl.BlockSpec((AT, H), lambda i: (0, 0)),
            pl.BlockSpec((RB, G), lambda i: (i, 0)),
            pl.BlockSpec((G, H), lambda i: (0, 0)),
            pl.BlockSpec((BT, H), lambda i: (0, 0)),
        ],
        out_specs=[
            pl.BlockSpec((RB, H), lambda i: (i, 0)),
            pl.BlockSpec((RB, H), lambda i: (i, 0)),
            pl.BlockSpec((RB, BT, H), lambda i: (i, 0, 0)),
        ],
        out_shape=[
            jax.ShapeDtypeStruct((N, H), jnp.float32),
            jax.ShapeDtypeStruct((N, H), jnp.float32),
            jax.ShapeDtypeStruct((N, BT, H), jnp.float32),
        ],
    )(x1h, aemb, p, vn0, bemb)


def _dense_body(h1, ag0, ag1, w1, b1, w2, b2, eps, lng, lnb,
                p, vn, wv, bv, vg, vb, h2_o, vn_o, acc):
    i = pl.program_id(0)
    hb = h1[...]
    ag = ag0[0] + ag1[0]
    hc = (1.0 + eps[0, 0]) * hb + ag
    t = jnp.maximum(jnp.dot(hc, w1[...], precision=_PREC) + b1[...], 0.0)
    hc = jnp.dot(t, w2[...], precision=_PREC) + b2[...]
    hc = jnp.maximum(_ln(hc, lng[...], lnb[...]), 0.0)
    h2 = hc + hb
    h2_o[...] = h2

    part = lax.dot_general(p[...], h2, (((0,), (0,)), ((), ())),
                           precision=_PREC)

    @pl.when(i == 0)
    def _():
        acc[...] = part

    @pl.when(i > 0)
    def _():
        acc[...] += part

    @pl.when(i == NRB - 1)
    def _():
        v = jnp.dot(acc[...] + vn[...], wv[...], precision=_PREC) + bv[...]
        vn_o[...] = jnp.maximum(_ln(v, vg[...], vb[...]), 0.0)


def _dense(h1, aggr2, blk, vnp, p, vn):
    return pl.pallas_call(
        _dense_body,
        grid=(NRB,),
        in_specs=[
            pl.BlockSpec((RB, H), lambda i: (i, 0)),
            pl.BlockSpec((1, RB, H), lambda i: (0, i, 0)),
            pl.BlockSpec((1, RB, H), lambda i: (1, i, 0)),
            pl.BlockSpec((H, H), lambda i: (0, 0)),
            pl.BlockSpec((1, H), lambda i: (0, 0)),
            pl.BlockSpec((H, H), lambda i: (0, 0)),
            pl.BlockSpec((1, H), lambda i: (0, 0)),
            pl.BlockSpec((1, 1), lambda i: (0, 0)),
            pl.BlockSpec((1, H), lambda i: (0, 0)),
            pl.BlockSpec((1, H), lambda i: (0, 0)),
            pl.BlockSpec((RB, G), lambda i: (i, 0)),
            pl.BlockSpec((G, H), lambda i: (0, 0)),
            pl.BlockSpec((H, H), lambda i: (0, 0)),
            pl.BlockSpec((1, H), lambda i: (0, 0)),
            pl.BlockSpec((1, H), lambda i: (0, 0)),
            pl.BlockSpec((1, H), lambda i: (0, 0)),
        ],
        out_specs=[
            pl.BlockSpec((RB, H), lambda i: (i, 0)),
            pl.BlockSpec((G, H), lambda i: (0, 0)),
        ],
        out_shape=[
            jax.ShapeDtypeStruct((N, H), jnp.float32),
            jax.ShapeDtypeStruct((G, H), jnp.float32),
        ],
        scratch_shapes=[pltpu.VMEM((G, H), jnp.float32)],
    )(h1, aggr2, aggr2,
      blk['W1'], blk['b1'].reshape(1, H), blk['W2'], blk['b2'].reshape(1, H),
      blk['eps'].reshape(1, 1), blk['ln_g'].reshape(1, H),
      blk['ln_b'].reshape(1, H),
      p, vn, vnp['W'], vnp['b'].reshape(1, H),
      vnp['ln_g'].reshape(1, H), vnp['ln_b'].reshape(1, H))


def _vnadd_body(h2, p, vn, bemb, h1_o, r_o):
    hb = h2[...] + jnp.dot(p[...], vn[...], precision=_PREC)
    h1_o[...] = hb
    for t in range(BT):
        r_o[:, t, :] = jnp.maximum(hb + bemb[t, :], 0.0)


def _vnadd(h2, p, vn, bemb):
    return pl.pallas_call(
        _vnadd_body,
        grid=(NRB,),
        in_specs=[
            pl.BlockSpec((RB, H), lambda i: (i, 0)),
            pl.BlockSpec((RB, G), lambda i: (i, 0)),
            pl.BlockSpec((G, H), lambda i: (0, 0)),
            pl.BlockSpec((BT, H), lambda i: (0, 0)),
        ],
        out_specs=[
            pl.BlockSpec((RB, H), lambda i: (i, 0)),
            pl.BlockSpec((RB, BT, H), lambda i: (i, 0, 0)),
        ],
        out_shape=[
            jax.ShapeDtypeStruct((N, H), jnp.float32),
            jax.ShapeDtypeStruct((N, BT, H), jnp.float32),
        ],
    )(h2, p, vn, bemb)


def _head_body(h0, ha, hb, hc, hd, he, w1, b1, w2, b2, out_o):
    hs = (h0, ha, hb, hc, hd, he)
    acc = jnp.dot(hs[0][...], w1[0], precision=_PREC)
    for k in range(1, LAYERS + 1):
        acc += jnp.dot(hs[k][...], w1[k], precision=_PREC)
    t = jnp.maximum(acc + b1[...], 0.0)
    out_o[...] = jnp.dot(t, w2[...], precision=_PREC) + b2[...]


def _head(hlist, w1, b1, w2p, b2p):
    return pl.pallas_call(
        _head_body,
        grid=(NRB,),
        in_specs=[pl.BlockSpec((RB, H), lambda i: (i, 0))] * (LAYERS + 1)
        + [
            pl.BlockSpec((LAYERS + 1, H, H), lambda i: (0, 0, 0)),
            pl.BlockSpec((1, H), lambda i: (0, 0)),
            pl.BlockSpec((H, H), lambda i: (0, 0)),
            pl.BlockSpec((1, H), lambda i: (0, 0)),
        ],
        out_specs=pl.BlockSpec((RB, H), lambda i: (i, 0)),
        out_shape=jax.ShapeDtypeStruct((N, H), jnp.float32),
    )(*hlist, w1, b1, w2p, b2p)



def kernel(x, edge_index, edge_attr, batch, params):
    f32 = jnp.float32
    src = edge_index[0].astype(jnp.int32)
    dst = edge_index[1].astype(jnp.int32)
    attr = edge_attr.astype(jnp.int32)

    flat = src * BT + attr
    pad = NW * NBLKP * BLK - E
    gidx = jnp.pad(flat.reshape(NW, EPW), ((0, 0), (0, pad // NW)),
                   constant_values=0).reshape(NW, NBLKP, BLK)
    sidx = jnp.pad(dst.reshape(NW, EPW), ((0, 0), (0, pad // NW)),
                   constant_values=N).reshape(NW, NBLKP, BLK)
    zinit = jnp.zeros((NPAD, H), f32)

    x1h = (x[:, None] == jnp.arange(AT, dtype=x.dtype)[None, :]).astype(f32)
    p1h = (batch[:, None] == jnp.arange(G, dtype=batch.dtype)[None, :]).astype(f32)

    prm = params
    vn0 = jnp.broadcast_to(prm['vn_emb'], (G, H)).astype(f32)
    bemb = prm['bond_emb']

    h0, h1, r3 = _embed(x1h, prm['atom_emb'], p1h, vn0, bemb)
    hlist = [h0]
    vn = vn0
    for i in range(LAYERS):
        aggr2 = _sc_edge(r3.reshape(BT * N, H), gidx, sidx, zinit)
        h2, vn = _dense(h1, aggr2, prm['blocks'][i], prm['vn_mlps'][i],
                        p1h, vn)
        hlist.append(h2)
        if i < LAYERS - 1:
            h1, r3 = _vnadd(h2, p1h, vn, bemb)

    ph = prm['head']
    w1 = ph['W1'].reshape(LAYERS + 1, H, H)
    w2p = jnp.pad(ph['W2'], ((0, 0), (0, H - ph['W2'].shape[1])))
    b2p = jnp.pad(ph['b2'], (0, H - ph['b2'].shape[0])).reshape(1, H)
    out = _head(hlist, w1, ph['b1'].reshape(1, H), w2p, b2p)
    return out[:, :ph['W2'].shape[1]]

# --- scband reference (transcript-rebuilt; emitter-appended) ---
"""Pipeline reference for scband-pretrain-gine-37486474559541 (READ-ONLY COPY).

The authoritative reference and input builder live on the scoring server;
editing this copy changes nothing except your own understanding.
"""

import jax, jax.numpy as jnp
import numpy as np

N_NODES = 10000
N_EDGES = 640000
HIDDEN = 128
LAYERS = 5
NUM_GRAPHS = 64
NUM_ATOM_TYPES = 28
NUM_BOND_TYPES = 4


def _init_params(key):
    keys = list(jax.random.split(key, 32))

    def nxt():
        return keys.pop()

    def lin(k, din, dout):
        kw, kb = jax.random.split(k)
        W = jax.random.normal(kw, (din, dout), jnp.float32) * (1.0 / np.sqrt(din))
        b = jnp.zeros((dout,), jnp.float32)
        return W, b

    params = {}
    params['atom_emb'] = jax.random.normal(nxt(), (NUM_ATOM_TYPES + 1, HIDDEN), jnp.float32) * 0.05
    params['bond_emb'] = jax.random.normal(nxt(), (NUM_BOND_TYPES, HIDDEN), jnp.float32) * 0.05
    params['vn_emb'] = jnp.zeros((1, HIDDEN), jnp.float32)
    blocks = []
    vn_mlps = []
    for i in range(LAYERS):
        W1, b1 = lin(nxt(), HIDDEN, HIDDEN)
        W2, b2 = lin(nxt(), HIDDEN, HIDDEN)
        blocks.append({'W1': W1, 'b1': b1, 'W2': W2, 'b2': b2,
                       'eps': jnp.zeros((), jnp.float32),
                       'ln_g': jnp.ones((HIDDEN,), jnp.float32),
                       'ln_b': jnp.zeros((HIDDEN,), jnp.float32)})
        Wv, bv = lin(nxt(), HIDDEN, HIDDEN)
        vn_mlps.append({'W': Wv, 'b': bv,
                        'ln_g': jnp.ones((HIDDEN,), jnp.float32),
                        'ln_b': jnp.zeros((HIDDEN,), jnp.float32)})
    params['blocks'] = blocks
    params['vn_mlps'] = vn_mlps
    jk = HIDDEN * (LAYERS + 1)
    Wh1, bh1 = lin(nxt(), jk, HIDDEN)
    Wh2, bh2 = lin(nxt(), HIDDEN, NUM_ATOM_TYPES)
    params['head'] = {'W1': Wh1, 'b1': bh1, 'W2': Wh2, 'b2': bh2}
    return params


def setup_inputs(seed: int = 0):
    key = jax.random.key(seed)
    k1, k2, k3, k4, k5 = jax.random.split(key, 5)
    x = jax.random.randint(k1, (N_NODES,), 0, NUM_ATOM_TYPES + 1)
    edge_index = jax.random.randint(k2, (2, N_EDGES), 0, N_NODES)
    edge_attr = jax.random.randint(k3, (N_EDGES,), 0, NUM_BOND_TYPES)
    batch = jnp.sort(jax.random.randint(k4, (N_NODES,), 0, NUM_GRAPHS))
    params = _init_params(k5)
    return {'x': x, 'edge_index': edge_index, 'edge_attr': edge_attr, 'batch': batch, 'params': params}


def _layer_norm(h, g, b):
    mu = jnp.mean(h, axis=-1, keepdims=True)
    var = jnp.mean((h - mu) ** 2, axis=-1, keepdims=True)
    return (h - mu) / jnp.sqrt(var + 1e-5) * g + b


def _forward(params, x, edge_index, edge_attr, batch):
    # dropout inactive (eval mode)
    N = x.shape[0]
    h = jnp.take(params['atom_emb'], x, axis=0)
    e = jnp.take(params['bond_emb'], edge_attr, axis=0)
    h_list = [h]
    vn = jnp.tile(params['vn_emb'], (NUM_GRAPHS, 1))
    src = edge_index[0]
    dst = edge_index[1]
    for i in range(LAYERS):
        p = params['blocks'][i]
        h = h + vn[batch]
        h_prev = h
        # GINEConv: msg = relu(x_j + e), sum-aggregate to dst, nn((1+eps)*x + aggr)
        msg = jax.nn.relu(h[src] + e)
        aggr = jax.ops.segment_sum(msg, dst, num_segments=N)
        hc = (1.0 + p['eps']) * h + aggr
        hc = jax.nn.relu(hc @ p['W1'] + p['b1']) @ p['W2'] + p['b2']
        hc = _layer_norm(hc, p['ln_g'], p['ln_b'])
        hc = jax.nn.relu(hc)
        h = hc + h_prev
        h_list.append(h)
        vn_agg = jax.ops.segment_sum(h, batch, num_segments=NUM_GRAPHS)
        vp = params['vn_mlps'][i]
        v = (vn_agg + vn) @ vp['W'] + vp['b']
        v = _layer_norm(v, vp['ln_g'], vp['ln_b'])
        vn = jax.nn.relu(v)
    hj = jnp.concatenate(h_list, axis=-1)
    ph = params['head']
    return jax.nn.relu(hj @ ph['W1'] + ph['b1']) @ ph['W2'] + ph['b2']


def reference(x, edge_index, edge_attr, batch, params):
    return _forward(params, x, edge_index, edge_attr, batch)

if __name__ == "__main__":
    import jax
    _d = setup_inputs()
    print(jax.jit(kernel)(*tuple(_d.values())))

</pallas_src>

<mosaic_0001>
#map = affine_map<(d0, d1) -> (0, 0)>
#map1 = affine_map<(d0, d1) -> (0, 0, 0)>
module attributes {stable_mosaic.version = 14 : i64} {
  func.func @_sc_edge_body(%arg0: i32, %arg1: i32, %arg2: memref<40000x128xf32, #tpu.memory_space<hbm>>, %arg3: memref<32x320x64xi32, #tpu.memory_space<hbm>>, %arg4: memref<32x320x64xi32, #tpu.memory_space<hbm>>, %arg5: memref<10112x128xf32, #tpu.memory_space<hbm>>, %arg6: memref<2x10112x128xf32, #tpu.memory_space<hbm>>, %arg7: memref<64x64xi32, #tpu.memory_space<vmem>>, %arg8: memref<64x64xi32, #tpu.memory_space<vmem>>, %arg9: memref<4x64x128xf32, #tpu.memory_space<vmem>>, %arg10: memref<10112x128xf32, #tpu.memory_space<vmem_shared>>, %arg11: memref<4x!tpu.dma_semaphore, #tpu.memory_space<semaphore_mem>>, %arg12: memref<4x!tpu.dma_semaphore, #tpu.memory_space<semaphore_mem>>) attributes {dimension_semantics = [#tpu.dimension_semantics<core_parallel>, #tpu.dimension_semantics<subcore_parallel>], iteration_bounds = array<i64: 2, 16>, scalar_prefetch = 0 : i64, scratch_operands = 6 : i64, tpu.core_type = #tpu.core_type<sc_vector_subcore>, window_params = [{transform_indices = #map}, {transform_indices = #map1}, {transform_indices = #map1}, {transform_indices = #map}, {transform_indices = #map1}]} {
    %mul3A = arith.constant 16 : i32
    %mul3A_0 = arith.muli %arg0, %mul3A : i32
    %add3A = arith.addi %mul3A_0, %arg1 : i32
    %mul3A_1 = arith.constant 632 : i32
    %mul3A_2 = arith.muli %arg1, %mul3A_1 : i32
    "tpu.region"() ({
      %run_scoped3A = tpu.sem_alloc : memref<!tpu.dma_semaphore, #tpu.memory_space<semaphore_mem>>
      %dma_start3A = arith.constant 0 : i32
      %dma_start3A_10 = tpu.memref_slice %arg10[%mul3A_2, %dma_start3A] : memref<10112x128xf32, #tpu.memory_space<vmem_shared>> -> memref<632x128xf32, #tpu.memory_space<vmem_shared>>
      %dma_start3A_11 = arith.constant 0 : i32
      %dma_start3A_12 = tpu.memref_slice %arg5[%mul3A_2, %dma_start3A_11] : memref<10112x128xf32, #tpu.memory_space<hbm>> -> memref<632x128xf32, #tpu.memory_space<hbm>>
      tpu.enqueue_dma source(%dma_start3A_12 : memref<632x128xf32, #tpu.memory_space<hbm>>) target(%dma_start3A_10 : memref<632x128xf32, #tpu.memory_space<vmem_shared>>) target_semaphore(%run_scoped3A : memref<!tpu.dma_semaphore, #tpu.memory_space<semaphore_mem>>)
      %dma_wait3A = arith.constant 0 : i32
      %dma_wait3A_13 = tpu.memref_slice %arg10[%mul3A_2, %dma_wait3A] : memref<10112x128xf32, #tpu.memory_space<vmem_shared>> -> memref<632x128xf32, #tpu.memory_space<vmem_shared>>
      %dma_wait3A_14 = arith.constant 0 : i32
      %dma_wait3A_15 = tpu.memref_slice %arg5[%mul3A_2, %dma_wait3A_14] : memref<10112x128xf32, #tpu.memory_space<hbm>> -> memref<632x128xf32, #tpu.memory_space<hbm>>
      tpu.wait_dma2 semaphore(%run_scoped3A : memref<!tpu.dma_semaphore, #tpu.memory_space<semaphore_mem>>) src(%dma_wait3A_15 : memref<632x128xf32, #tpu.memory_space<hbm>>) dst(%dma_wait3A_13 : memref<632x128xf32, #tpu.memory_space<vmem_shared>>)
      tpu.yield
    }) : () -> ()
    %barrier3A = arith.constant 0 : index
    tpu.barrier barrier_id(%barrier3A)
    %scan3A = arith.constant 0 : i32
    %scan3A_3 = arith.constant 0 : i32
    %scan3A_4 = arith.constant 5 : i32
    %scan3A_5 = arith.addi %scan3A_3, %scan3A_4 : i32
    %scan3A_6 = arith.constant 1 : i32
    %scan3A_7 = scf.for %scan3A_10 = %scan3A_3 to %scan3A_5 step %scan3A_6 iter_args(%scan3A_11 = %scan3A) -> (i32)  : i32 {
      %mul3A_12 = arith.constant 64 : i32
      %mul3A_13 = arith.muli %scan3A_10, %mul3A_12 : i32
      "tpu.region"() ({
        %run_scoped3A = tpu.sem_alloc : memref<!tpu.dma_semaphore, #tpu.memory_space<semaphore_mem>>
        %dma_start3A_142 = arith.constant 0 : i32
        %dma_start3A_143 = tpu.memref_slice %arg3[%add3A, %mul3A_13, %dma_start3A_142] : memref<32x320x64xi32, #tpu.memory_space<hbm>> -> memref<1x64x64xi32, #tpu.memory_space<hbm>>
        %dma_start3A_144 = tpu.memref_squeeze %dma_start3A_143 : memref<1x64x64xi32, #tpu.memory_space<hbm>> -> memref<64x64xi32, #tpu.memory_space<hbm>>
        %dma_start3A_145 = arith.constant 0 : i32
        %dma_start3A_146 = tpu.memref_slice %arg3[%add3A, %mul3A_13, %dma_start3A_145] : memref<32x320x64xi32, #tpu.memory_space<hbm>> -> memref<1x64x64xi32, #tpu.memory_space<hbm>>
        %dma_start3A_147 = tpu.memref_squeeze %dma_start3A_146 : memref<1x64x64xi32, #tpu.memory_space<hbm>> -> memref<64x64xi32, #tpu.memory_space<hbm>>
        tpu.enqueue_dma source(%dma_start3A_147 : memref<64x64xi32, #tpu.memory_space<hbm>>) target(%arg7 : memref<64x64xi32, #tpu.memory_space<vmem>>) target_semaphore(%run_scoped3A : memref<!tpu.dma_semaphore, #tpu.memory_space<semaphore_mem>>)
        %dma_wait3A_148 = arith.constant 0 : i32
        %dma_wait3A_149 = tpu.memref_slice %arg3[%add3A, %mul3A_13, %dma_wait3A_148] : memref<32x320x64xi32, #tpu.memory_space<hbm>> -> memref<1x64x64xi32, #tpu.memory_space<hbm>>
        %dma_wait3A_150 = tpu.memref_squeeze %dma_wait3A_149 : memref<1x64x64xi32, #tpu.memory_space<hbm>> -> memref<64x64xi32, #tpu.memory_space<hbm>>
        %dma_wait3A_151 = arith.constant 0 : i32
        %dma_wait3A_152 = tpu.memref_slice %arg3[%add3A, %mul3A_13, %dma_wait3A_151] : memref<32x320x64xi32, #tpu.memory_space<hbm>> -> memref<1x64x64xi32, #tpu.memory_space<hbm>>
        %dma_wait3A_153 = tpu.memref_squeeze %dma_wait3A_152 : memref<1x64x64xi32, #tpu.memory_space<hbm>> -> memref<64x64xi32, #tpu.memory_space<hbm>>
        tpu.wait_dma2 semaphore(%run_scoped3A : memref<!tpu.dma_semaphore, #tpu.memory_space<semaphore_mem>>) src(%dma_wait3A_153 : memref<64x64xi32, #tpu.memory_space<hbm>>) dst(%arg7 : memref<64x64xi32, #tpu.memory_space<vmem>>)
        tpu.yield
      }) : () -> ()
      %mul3A_14 = arith.constant 64 : i32
      %mul3A_15 = arith.muli %scan3A_10, %mul3A_14 : i32
      "tpu.region"() ({
        %run_scoped3A = tpu.sem_alloc : memref<!tpu.dma_semaphore, #tpu.memory_space<semaphore_mem>>
        %dma_start3A_142 = arith.constant 0 : i32
        %dma_start3A_143 = tpu.memref_slice %arg4[%add3A, %mul3A_15, %dma_start3A_142] : memref<32x320x64xi32, #tpu.memory_space<hbm>> -> memref<1x64x64xi32, #tpu.memory_space<hbm>>
        %dma_start3A_144 = tpu.memref_squeeze %dma_start3A_143 : memref<1x64x64xi32, #tpu.memory_space<hbm>> -> memref<64x64xi32, #tpu.memory_space<hbm>>
        %dma_start3A_145 = arith.constant 0 : i32
        %dma_start3A_146 = tpu.memref_slice %arg4[%add3A, %mul3A_15, %dma_start3A_145] : memref<32x320x64xi32, #tpu.memory_space<hbm>> -> memref<1x64x64xi32, #tpu.memory_space<hbm>>
        %dma_start3A_147 = tpu.memref_squeeze %dma_start3A_146 : memref<1x64x64xi32, #tpu.memory_space<hbm>> -> memref<64x64xi32, #tpu.memory_space<hbm>>
        tpu.enqueue_dma source(%dma_start3A_147 : memref<64x64xi32, #tpu.memory_space<hbm>>) target(%arg8 : memref<64x64xi32, #tpu.memory_space<vmem>>) target_semaphore(%run_scoped3A : memref<!tpu.dma_semaphore, #tpu.memory_space<semaphore_mem>>)
        %dma_wait3A_148 = arith.constant 0 : i32
        %dma_wait3A_149 = tpu.memref_slice %arg4[%add3A, %mul3A_15, %dma_wait3A_148] : memref<32x320x64xi32, #tpu.memory_space<hbm>> -> memref<1x64x64xi32, #tpu.memory_space<hbm>>
        %dma_wait3A_150 = tpu.memref_squeeze %dma_wait3A_149 : memref<1x64x64xi32, #tpu.memory_space<hbm>> -> memref<64x64xi32, #tpu.memory_space<hbm>>
        %dma_wait3A_151 = arith.constant 0 : i32
        %dma_wait3A_152 = tpu.memref_slice %arg4[%add3A, %mul3A_15, %dma_wait3A_151] : memref<32x320x64xi32, #tpu.memory_space<hbm>> -> memref<1x64x64xi32, #tpu.memory_space<hbm>>
        %dma_wait3A_153 = tpu.memref_squeeze %dma_wait3A_152 : memref<1x64x64xi32, #tpu.memory_space<hbm>> -> memref<64x64xi32, #tpu.memory_space<hbm>>
        tpu.wait_dma2 semaphore(%run_scoped3A : memref<!tpu.dma_semaphore, #tpu.memory_space<semaphore_mem>>) src(%dma_wait3A_153 : memref<64x64xi32, #tpu.memory_space<hbm>>) dst(%arg8 : memref<64x64xi32, #tpu.memory_space<vmem>>)
        tpu.yield
      }) : () -> ()
      %dma_start3A = arith.constant 0 : i32
      %dma_start3A_16 = arith.constant 0 : i32
      %dma_start3A_17 = arith.constant 0 : i32
      %dma_start3A_18 = arith.constant 0 : i32
      %dma_start3A_19 = arith.constant 0 : i32
      %dma_start3A_20 = tpu.memref_slice %arg9[%dma_start3A_16, %dma_start3A_18, %dma_start3A_19] : memref<4x64x128xf32, #tpu.memory_space<vmem>> -> memref<1x64x128xf32, #tpu.memory_space<vmem>>
      %dma_start3A_21 = tpu.memref_squeeze %dma_start3A_20 : memref<1x64x128xf32, #tpu.memory_space<vmem>> -> memref<64x128xf32, #tpu.memory_space<vmem>>
      %dma_start3A_22 = arith.constant 0 : i32
      %dma_start3A_23 = tpu.memref_slice %arg7[%dma_start3A, %dma_start3A_22] : memref<64x64xi32, #tpu.memory_space<vmem>> -> memref<1x64xi32, #tpu.memory_space<vmem>>
      %dma_start3A_24 = tpu.memref_squeeze %dma_start3A_23 : memref<1x64xi32, #tpu.memory_space<vmem>> -> memref<64xi32, #tpu.memory_space<vmem>>
      %dma_start3A_25 = arith.constant 0 : i32
      %dma_start3A_26 = arith.constant 0 : i32
      %dma_start3A_27 = tpu.memref_slice %arg2[%dma_start3A_25, %dma_start3A_26] : memref<40000x128xf32, #tpu.memory_space<hbm>> -> memref<40000x128xf32, #tpu.memory_space<hbm>>
      %dma_start3A_28 = tpu.memref_slice %arg11[%dma_start3A_17] : memref<4x!tpu.dma_semaphore, #tpu.memory_space<semaphore_mem>> -> memref<1x!tpu.dma_semaphore, #tpu.memory_space<semaphore_mem>>
      %dma_start3A_29 = tpu.memref_squeeze %dma_start3A_28 : memref<1x!tpu.dma_semaphore, #tpu.memory_space<semaphore_mem>> -> memref<!tpu.dma_semaphore, #tpu.memory_space<semaphore_mem>>
      tpu.enqueue_indirect_dma source(%dma_start3A_27 : memref<40000x128xf32, #tpu.memory_space<hbm>>) target(%dma_start3A_21 : memref<64x128xf32, #tpu.memory_space<vmem>>) offsets(%dma_start3A_24 : memref<64xi32, #tpu.memory_space<vmem>>) semaphore(%dma_start3A_29 : memref<!tpu.dma_semaphore, #tpu.memory_space<semaphore_mem>>)
      %dma_start3A_30 = arith.constant 1 : i32
      %dma_start3A_31 = arith.constant 1 : i32
      %dma_start3A_32 = arith.constant 1 : i32
      %dma_start3A_33 = arith.constant 0 : i32
      %dma_start3A_34 = arith.constant 0 : i32
      %dma_start3A_35 = tpu.memref_slice %arg9[%dma_start3A_31, %dma_start3A_33, %dma_start3A_34] : memref<4x64x128xf32, #tpu.memory_space<vmem>> -> memref<1x64x128xf32, #tpu.memory_space<vmem>>
      %dma_start3A_36 = tpu.memref_squeeze %dma_start3A_35 : memref<1x64x128xf32, #tpu.memory_space<vmem>> -> memref<64x128xf32, #tpu.memory_space<vmem>>
      %dma_start3A_37 = arith.constant 0 : i32
      %dma_start3A_38 = tpu.memref_slice %arg7[%dma_start3A_30, %dma_start3A_37] : memref<64x64xi32, #tpu.memory_space<vmem>> -> memref<1x64xi32, #tpu.memory_space<vmem>>
      %dma_start3A_39 = tpu.memref_squeeze %dma_start3A_38 : memref<1x64xi32, #tpu.memory_space<vmem>> -> memref<64xi32, #tpu.memory_space<vmem>>
      %dma_start3A_40 = arith.constant 0 : i32
      %dma_start3A_41 = arith.constant 0 : i32
      %dma_start3A_42 = tpu.memref_slice %arg2[%dma_start3A_40, %dma_start3A_41] : memref<40000x128xf32, #tpu.memory_space<hbm>> -> memref<40000x128xf32, #tpu.memory_space<hbm>>
      %dma_start3A_43 = tpu.memref_slice %arg11[%dma_start3A_32] : memref<4x!tpu.dma_semaphore, #tpu.memory_space<semaphore_mem>> -> memref<1x!tpu.dma_semaphore, #tpu.memory_space<semaphore_mem>>
      %dma_start3A_44 = tpu.memref_squeeze %dma_start3A_43 : memref<1x!tpu.dma_semaphore, #tpu.memory_space<semaphore_mem>> -> memref<!tpu.dma_semaphore, #tpu.memory_space<semaphore_mem>>
      tpu.enqueue_indirect_dma source(%dma_start3A_42 : memref<40000x128xf32, #tpu.memory_space<hbm>>) target(%dma_start3A_36 : memref<64x128xf32, #tpu.memory_space<vmem>>) offsets(%dma_start3A_39 : memref<64xi32, #tpu.memory_space<vmem>>) semaphore(%dma_start3A_44 : memref<!tpu.dma_semaphore, #tpu.memory_space<semaphore_mem>>)
      %dma_start3A_45 = arith.constant 2 : i32
      %dma_start3A_46 = arith.constant 2 : i32
      %dma_start3A_47 = arith.constant 2 : i32
      %dma_start3A_48 = arith.constant 0 : i32
      %dma_start3A_49 = arith.constant 0 : i32
      %dma_start3A_50 = tpu.memref_slice %arg9[%dma_start3A_46, %dma_start3A_48, %dma_start3A_49] : memref<4x64x128xf32, #tpu.memory_space<vmem>> -> memref<1x64x128xf32, #tpu.memory_space<vmem>>
      %dma_start3A_51 = tpu.memref_squeeze %dma_start3A_50 : memref<1x64x128xf32, #tpu.memory_space<vmem>> -> memref<64x128xf32, #tpu.memory_space<vmem>>
      %dma_start3A_52 = arith.constant 0 : i32
      %dma_start3A_53 = tpu.memref_slice %arg7[%dma_start3A_45, %dma_start3A_52] : memref<64x64xi32, #tpu.memory_space<vmem>> -> memref<1x64xi32, #tpu.memory_space<vmem>>
      %dma_start3A_54 = tpu.memref_squeeze %dma_start3A_53 : memref<1x64xi32, #tpu.memory_space<vmem>> -> memref<64xi32, #tpu.memory_space<vmem>>
      %dma_start3A_55 = arith.constant 0 : i32
      %dma_start3A_56 = arith.constant 0 : i32
      %dma_start3A_57 = tpu.memref_slice %arg2[%dma_start3A_55, %dma_start3A_56] : memref<40000x128xf32, #tpu.memory_space<hbm>> -> memref<40000x128xf32, #tpu.memory_space<hbm>>
      %dma_start3A_58 = tpu.memref_slice %arg11[%dma_start3A_47] : memref<4x!tpu.dma_semaphore, #tpu.memory_space<semaphore_mem>> -> memref<1x!tpu.dma_semaphore, #tpu.memory_space<semaphore_mem>>
      %dma_start3A_59 = tpu.memref_squeeze %dma_start3A_58 : memref<1x!tpu.dma_semaphore, #tpu.memory_space<semaphore_mem>> -> memref<!tpu.dma_semaphore, #tpu.memory_space<semaphore_mem>>
      tpu.enqueue_indirect_dma source(%dma_start3A_57 : memref<40000x128xf32, #tpu.memory_space<hbm>>) target(%dma_start3A_51 : memref<64x128xf32, #tpu.memory_space<vmem>>) offsets(%dma_start3A_54 : memref<64xi32, #tpu.memory_space<vmem>>) semaphore(%dma_start3A_59 : memref<!tpu.dma_semaphore, #tpu.memory_space<semaphore_mem>>)
      %dma_start3A_60 = arith.constant 3 : i32
      %dma_start3A_61 = arith.constant 3 : i32
      %dma_start3A_62 = arith.constant 3 : i32
      %dma_start3A_63 = arith.constant 0 : i32
      %dma_start3A_64 = arith.constant 0 : i32
      %dma_start3A_65 = tpu.memref_slice %arg9[%dma_start3A_61, %dma_start3A_63, %dma_start3A_64] : memref<4x64x128xf32, #tpu.memory_space<vmem>> -> memref<1x64x128xf32, #tpu.memory_space<vmem>>
      %dma_start3A_66 = tpu.memref_squeeze %dma_start3A_65 : memref<1x64x128xf32, #tpu.memory_space<vmem>> -> memref<64x128xf32, #tpu.memory_space<vmem>>
      %dma_start3A_67 = arith.constant 0 : i32
      %dma_start3A_68 = tpu.memref_slice %arg7[%dma_start3A_60, %dma_start3A_67] : memref<64x64xi32, #tpu.memory_space<vmem>> -> memref<1x64xi32, #tpu.memory_space<vmem>>
      %dma_start3A_69 = tpu.memref_squeeze %dma_start3A_68 : memref<1x64xi32, #tpu.memory_space<vmem>> -> memref<64xi32, #tpu.memory_space<vmem>>
      %dma_start3A_70 = arith.constant 0 : i32
      %dma_start3A_71 = arith.constant 0 : i32
      %dma_start3A_72 = tpu.memref_slice %arg2[%dma_start3A_70, %dma_start3A_71] : memref<40000x128xf32, #tpu.memory_space<hbm>> -> memref<40000x128xf32, #tpu.memory_space<hbm>>
      %dma_start3A_73 = tpu.memref_slice %arg11[%dma_start3A_62] : memref<4x!tpu.dma_semaphore, #tpu.memory_space<semaphore_mem>> -> memref<1x!tpu.dma_semaphore, #tpu.memory_space<semaphore_mem>>
      %dma_start3A_74 = tpu.memref_squeeze %dma_start3A_73 : memref<1x!tpu.dma_semaphore, #tpu.memory_space<semaphore_mem>> -> memref<!tpu.dma_semaphore, #tpu.memory_space<semaphore_mem>>
      tpu.enqueue_indirect_dma source(%dma_start3A_72 : memref<40000x128xf32, #tpu.memory_space<hbm>>) target(%dma_start3A_66 : memref<64x128xf32, #tpu.memory_space<vmem>>) offsets(%dma_start3A_69 : memref<64xi32, #tpu.memory_space<vmem>>) semaphore(%dma_start3A_74 : memref<!tpu.dma_semaphore, #tpu.memory_space<semaphore_mem>>)
      %scan3A_75 = arith.constant 0 : i32
      %scan3A_76 = arith.constant 0 : i32
      %scan3A_77 = arith.constant 64 : i32
      %scan3A_78 = arith.addi %scan3A_76, %scan3A_77 : i32
      %scan3A_79 = arith.constant 1 : i32
      %scan3A_80 = scf.for %scan3A_142 = %scan3A_76 to %scan3A_78 step %scan3A_79 iter_args(%scan3A_143 = %scan3A_75) -> (i32)  : i32 {
        %rem3A = arith.constant 4 : i32
        %rem3A_144 = arith.remsi %scan3A_142, %rem3A : i32
        %dma_wait3A_145 = arith.constant 0 : i32
        %dma_wait3A_146 = arith.constant 0 : i32
        %dma_wait3A_147 = tpu.memref_slice %arg9[%rem3A_144, %dma_wait3A_145, %dma_wait3A_146] : memref<4x64x128xf32, #tpu.memory_space<vmem>> -> memref<1x64x128xf32, #tpu.memory_space<vmem>>
        %dma_wait3A_148 = tpu.memref_squeeze %dma_wait3A_147 : memref<1x64x128xf32, #tpu.memory_space<vmem>> -> memref<64x128xf32, #tpu.memory_space<vmem>>
        %dma_wait3A_149 = arith.constant 0 : i32
        %dma_wait3A_150 = tpu.memref_slice %arg7[%scan3A_142, %dma_wait3A_149] : memref<64x64xi32, #tpu.memory_space<vmem>> -> memref<1x64xi32, #tpu.memory_space<vmem>>
        %dma_wait3A_151 = tpu.memref_squeeze %dma_wait3A_150 : memref<1x64xi32, #tpu.memory_space<vmem>> -> memref<64xi32, #tpu.memory_space<vmem>>
        %dma_wait3A_152 = arith.constant 0 : i32
        %dma_wait3A_153 = arith.constant 0 : i32
        %dma_wait3A_154 = tpu.memref_slice %arg2[%dma_wait3A_152, %dma_wait3A_153] : memref<40000x128xf32, #tpu.memory_space<hbm>> -> memref<40000x128xf32, #tpu.memory_space<hbm>>
        %dma_wait3A_155 = tpu.memref_slice %arg11[%rem3A_144] : memref<4x!tpu.dma_semaphore, #tpu.memory_space<semaphore_mem>> -> memref<1x!tpu.dma_semaphore, #tpu.memory_space<semaphore_mem>>
        %dma_wait3A_156 = tpu.memref_squeeze %dma_wait3A_155 : memref<1x!tpu.dma_semaphore, #tpu.memory_space<semaphore_mem>> -> memref<!tpu.dma_semaphore, #tpu.memory_space<semaphore_mem>>
        tpu.wait_indirect_dma semaphore(%dma_wait3A_156 : memref<!tpu.dma_semaphore, #tpu.memory_space<semaphore_mem>>) src(%dma_wait3A_154 : memref<40000x128xf32, #tpu.memory_space<hbm>>) dst(%dma_wait3A_148 : memref<64x128xf32, #tpu.memory_space<vmem>>)
        %dma_start3A_157 = arith.constant 0 : i32
        %dma_start3A_158 = arith.constant 0 : i32
        %dma_start3A_159 = tpu.memref_slice %arg9[%rem3A_144, %dma_start3A_157, %dma_start3A_158] : memref<4x64x128xf32, #tpu.memory_space<vmem>> -> memref<1x64x128xf32, #tpu.memory_space<vmem>>
        %dma_start3A_160 = tpu.memref_squeeze %dma_start3A_159 : memref<1x64x128xf32, #tpu.memory_space<vmem>> -> memref<64x128xf32, #tpu.memory_space<vmem>>
        %dma_start3A_161 = arith.constant 0 : i32
        %dma_start3A_162 = tpu.memref_slice %arg8[%scan3A_142, %dma_start3A_161] : memref<64x64xi32, #tpu.memory_space<vmem>> -> memref<1x64xi32, #tpu.memory_space<vmem>>
        %dma_start3A_163 = tpu.memref_squeeze %dma_start3A_162 : memref<1x64xi32, #tpu.memory_space<vmem>> -> memref<64xi32, #tpu.memory_space<vmem>>
        %dma_start3A_164 = arith.constant 0 : i32
        %dma_start3A_165 = arith.constant 0 : i32
        %dma_start3A_166 = tpu.memref_slice %arg10[%dma_start3A_164, %dma_start3A_165] : memref<10112x128xf32, #tpu.memory_space<vmem_shared>> -> memref<10112x128xf32, #tpu.memory_space<vmem_shared>>
        %dma_start3A_167 = tpu.memref_slice %arg12[%rem3A_144] : memref<4x!tpu.dma_semaphore, #tpu.memory_space<semaphore_mem>> -> memref<1x!tpu.dma_semaphore, #tpu.memory_space<semaphore_mem>>
        %dma_start3A_168 = tpu.memref_squeeze %dma_start3A_167 : memref<1x!tpu.dma_semaphore, #tpu.memory_space<semaphore_mem>> -> memref<!tpu.dma_semaphore, #tpu.memory_space<semaphore_mem>>
        tpu.enqueue_indirect_dma source(%dma_start3A_160 : memref<64x128xf32, #tpu.memory_space<vmem>>) target(%dma_start3A_166 : memref<10112x128xf32, #tpu.memory_space<vmem_shared>>) offsets(%dma_start3A_163 : memref<64xi32, #tpu.memory_space<vmem>>) semaphore(%dma_start3A_168 : memref<!tpu.dma_semaphore, #tpu.memory_space<semaphore_mem>>) {add = true}
        %add3A_169 = arith.constant 4 : i32
        %add3A_170 = arith.addi %scan3A_142, %add3A_169 : i32
        %lt3A = arith.constant 64 : i32
        %lt3A_171 = arith.cmpi slt, %add3A_170, %lt3A : i32
        %convert_element_type3A = arith.extui %lt3A_171 : i1 to i32
        %cond3A = arith.constant 0 : i32
        %cond3A_172 = arith.cmpi ne, %convert_element_type3A, %cond3A : i32
        scf.if %cond3A_172 {
          %dma_wait3A_174 = arith.constant 0 : i32
          %dma_wait3A_175 = arith.constant 0 : i32
          %dma_wait3A_176 = tpu.memref_slice %arg9[%rem3A_144, %dma_wait3A_174, %dma_wait3A_175] : memref<4x64x128xf32, #tpu.memory_space<vmem>> -> memref<1x64x128xf32, #tpu.memory_space<vmem>>
          %dma_wait3A_177 = tpu.memref_squeeze %dma_wait3A_176 : memref<1x64x128xf32, #tpu.memory_space<vmem>> -> memref<64x128xf32, #tpu.memory_space<vmem>>
          %dma_wait3A_178 = arith.constant 0 : i32
          %dma_wait3A_179 = tpu.memref_slice %arg8[%scan3A_142, %dma_wait3A_178] : memref<64x64xi32, #tpu.memory_space<vmem>> -> memref<1x64xi32, #tpu.memory_space<vmem>>
          %dma_wait3A_180 = tpu.memref_squeeze %dma_wait3A_179 : memref<1x64xi32, #tpu.memory_space<vmem>> -> memref<64xi32, #tpu.memory_space<vmem>>
          %dma_wait3A_181 = arith.constant 0 : i32
          %dma_wait3A_182 = arith.constant 0 : i32
          %dma_wait3A_183 = tpu.memref_slice %arg10[%dma_wait3A_181, %dma_wait3A_182] : memref<10112x128xf32, #tpu.memory_space<vmem_shared>> -> memref<10112x128xf32, #tpu.memory_space<vmem_shared>>
          %dma_wait3A_184 = tpu.memref_slice %arg12[%rem3A_144] : memref<4x!tpu.dma_semaphore, #tpu.memory_space<semaphore_mem>> -> memref<1x!tpu.dma_semaphore, #tpu.memory_space<semaphore_mem>>
          %dma_wait3A_185 = tpu.memref_squeeze %dma_wait3A_184 : memref<1x!tpu.dma_semaphore, #tpu.memory_space<semaphore_mem>> -> memref<!tpu.dma_semaphore, #tpu.memory_space<semaphore_mem>>
          tpu.wait_indirect_dma semaphore(%dma_wait3A_185 : memref<!tpu.dma_semaphore, #tpu.memory_space<semaphore_mem>>) src(%dma_wait3A_177 : memref<64x128xf32, #tpu.memory_space<vmem>>) dst(%dma_wait3A_183 : memref<10112x128xf32, #tpu.memory_space<vmem_shared>>)
          %add3A_186 = arith.constant 4 : i32
          %add3A_187 = arith.addi %scan3A_142, %add3A_186 : i32
          %dma_start3A_188 = arith.constant 0 : i32
          %dma_start3A_189 = arith.constant 0 : i32
          %dma_start3A_190 = tpu.memref_slice %arg9[%rem3A_144, %dma_start3A_188, %dma_start3A_189] : memref<4x64x128xf32, #tpu.memory_space<vmem>> -> memref<1x64x128xf32, #tpu.memory_space<vmem>>
          %dma_start3A_191 = tpu.memref_squeeze %dma_start3A_190 : memref<1x64x128xf32, #tpu.memory_space<vmem>> -> memref<64x128xf32, #tpu.memory_space<vmem>>
          %dma_start3A_192 = arith.constant 0 : i32
          %dma_start3A_193 = tpu.memref_slice %arg7[%add3A_187, %dma_start3A_192] : memref<64x64xi32, #tpu.memory_space<vmem>> -> memref<1x64xi32, #tpu.memory_space<vmem>>
          %dma_start3A_194 = tpu.memref_squeeze %dma_start3A_193 : memref<1x64xi32, #tpu.memory_space<vmem>> -> memref<64xi32, #tpu.memory_space<vmem>>
          %dma_start3A_195 = arith.constant 0 : i32
          %dma_start3A_196 = arith.constant 0 : i32
          %dma_start3A_197 = tpu.memref_slice %arg2[%dma_start3A_195, %dma_start3A_196] : memref<40000x128xf32, #tpu.memory_space<hbm>> -> memref<40000x128xf32, #tpu.memory_space<hbm>>
          %dma_start3A_198 = tpu.memref_slice %arg11[%rem3A_144] : memref<4x!tpu.dma_semaphore, #tpu.memory_space<semaphore_mem>> -> memref<1x!tpu.dma_semaphore, #tpu.memory_space<semaphore_mem>>
          %dma_start3A_199 = tpu.memref_squeeze %dma_start3A_198 : memref<1x!tpu.dma_semaphore, #tpu.memory_space<semaphore_mem>> -> memref<!tpu.dma_semaphore, #tpu.memory_space<semaphore_mem>>
          tpu.enqueue_indirect_dma source(%dma_start3A_197 : memref<40000x128xf32, #tpu.memory_space<hbm>>) target(%dma_start3A_191 : memref<64x128xf32, #tpu.memory_space<vmem>>) offsets(%dma_start3A_194 : memref<64xi32, #tpu.memory_space<vmem>>) semaphore(%dma_start3A_199 : memref<!tpu.dma_semaphore, #tpu.memory_space<semaphore_mem>>)
        } else {
        }
        %scan3A_173 = arith.constant 0 : i32
        scf.yield %scan3A_173 : i32
      }
      %scan3A_81 = arith.constant 64 : i32
      %dma_wait3A = arith.constant 0 : i32
      %dma_wait3A_82 = arith.constant 60 : i32
      %dma_wait3A_83 = arith.constant 0 : i32
      %dma_wait3A_84 = arith.constant 0 : i32
      %dma_wait3A_85 = arith.constant 0 : i32
      %dma_wait3A_86 = tpu.memref_slice %arg9[%dma_wait3A, %dma_wait3A_84, %dma_wait3A_85] : memref<4x64x128xf32, #tpu.memory_space<vmem>> -> memref<1x64x128xf32, #tpu.memory_space<vmem>>
      %dma_wait3A_87 = tpu.memref_squeeze %dma_wait3A_86 : memref<1x64x128xf32, #tpu.memory_space<vmem>> -> memref<64x128xf32, #tpu.memory_space<vmem>>
      %dma_wait3A_88 = arith.constant 0 : i32
      %dma_wait3A_89 = tpu.memref_slice %arg8[%dma_wait3A_82, %dma_wait3A_88] : memref<64x64xi32, #tpu.memory_space<vmem>> -> memref<1x64xi32, #tpu.memory_space<vmem>>
      %dma_wait3A_90 = tpu.memref_squeeze %dma_wait3A_89 : memref<1x64xi32, #tpu.memory_space<vmem>> -> memref<64xi32, #tpu.memory_space<vmem>>
      %dma_wait3A_91 = arith.constant 0 : i32
      %dma_wait3A_92 = arith.constant 0 : i32
      %dma_wait3A_93 = tpu.memref_slice %arg10[%dma_wait3A_91, %dma_wait3A_92] : memref<10112x128xf32, #tpu.memory_space<vmem_shared>> -> memref<10112x128xf32, #tpu.memory_space<vmem_shared>>
      %dma_wait3A_94 = tpu.memref_slice %arg12[%dma_wait3A_83] : memref<4x!tpu.dma_semaphore, #tpu.memory_space<semaphore_mem>> -> memref<1x!tpu.dma_semaphore, #tpu.memory_space<semaphore_mem>>
      %dma_wait3A_95 = tpu.memref_squeeze %dma_wait3A_94 : memref<1x!tpu.dma_semaphore, #tpu.memory_space<semaphore_mem>> -> memref<!tpu.dma_semaphore, #tpu.memory_space<semaphore_mem>>
      tpu.wait_indirect_dma semaphore(%dma_wait3A_95 : memref<!tpu.dma_semaphore, #tpu.memory_space<semaphore_mem>>) src(%dma_wait3A_87 : memref<64x128xf32, #tpu.memory_space<vmem>>) dst(%dma_wait3A_93 : memref<10112x128xf32, #tpu.memory_space<vmem_shared>>)
      %dma_wait3A_96 = arith.constant 1 : i32
      %dma_wait3A_97 = arith.constant 61 : i32
      %dma_wait3A_98 = arith.constant 1 : i32
      %dma_wait3A_99 = arith.constant 0 : i32
      %dma_wait3A_100 = arith.constant 0 : i32
      %dma_wait3A_101 = tpu.memref_slice %arg9[%dma_wait3A_96, %dma_wait3A_99, %dma_wait3A_100] : memref<4x64x128xf32, #tpu.memory_space<vmem>> -> memref<1x64x128xf32, #tpu.memory_space<vmem>>
      %dma_wait3A_102 = tpu.memref_squeeze %dma_wait3A_101 : memref<1x64x128xf32, #tpu.memory_space<vmem>> -> memref<64x128xf32, #tpu.memory_space<vmem>>
      %dma_wait3A_103 = arith.constant 0 : i32
      %dma_wait3A_104 = tpu.memref_slice %arg8[%dma_wait3A_97, %dma_wait3A_103] : memref<64x64xi32, #tpu.memory_space<vmem>> -> memref<1x64xi32, #tpu.memory_space<vmem>>
      %dma_wait3A_105 = tpu.memref_squeeze %dma_wait3A_104 : memref<1x64xi32, #tpu.memory_space<vmem>> -> memref<64xi32, #tpu.memory_space<vmem>>
      %dma_wait3A_106 = arith.constant 0 : i32
      %dma_wait3A_107 = arith.constant 0 : i32
      %dma_wait3A_108 = tpu.memref_slice %arg10[%dma_wait3A_106, %dma_wait3A_107] : memref<10112x128xf32, #tpu.memory_space<vmem_shared>> -> memref<10112x128xf32, #tpu.memory_space<vmem_shared>>
      %dma_wait3A_109 = tpu.memref_slice %arg12[%dma_wait3A_98] : memref<4x!tpu.dma_semaphore, #tpu.memory_space<semaphore_mem>> -> memref<1x!tpu.dma_semaphore, #tpu.memory_space<semaphore_mem>>
      %dma_wait3A_110 = tpu.memref_squeeze %dma_wait3A_109 : memref<1x!tpu.dma_semaphore, #tpu.memory_space<semaphore_mem>> -> memref<!tpu.dma_semaphore, #tpu.memory_space<semaphore_mem>>
      tpu.wait_indirect_dma semaphore(%dma_wait3A_110 : memref<!tpu.dma_semaphore, #tpu.memory_space<semaphore_mem>>) src(%dma_wait3A_102 : memref<64x128xf32, #tpu.memory_space<vmem>>) dst(%dma_wait3A_108 : memref<10112x128xf32, #tpu.memory_space<vmem_shared>>)
      %dma_wait3A_111 = arith.constant 2 : i32
      %dma_wait3A_112 = arith.constant 62 : i32
      %dma_wait3A_113 = arith.constant 2 : i32
      %dma_wait3A_114 = arith.constant 0 : i32
      %dma_wait3A_115 = arith.constant 0 : i32
      %dma_wait3A_116 = tpu.memref_slice %arg9[%dma_wait3A_111, %dma_wait3A_114, %dma_wait3A_115] : memref<4x64x128xf32, #tpu.memory_space<vmem>> -> memref<1x64x128xf32, #tpu.memory_space<vmem>>
      %dma_wait3A_117 = tpu.memref_squeeze %dma_wait3A_116 : memref<1x64x128xf32, #tpu.memory_space<vmem>> -> memref<64x128xf32, #tpu.memory_space<vmem>>
      %dma_wait3A_118 = arith.constant 0 : i32
      %dma_wait3A_119 = tpu.memref_slice %arg8[%dma_wait3A_112, %dma_wait3A_118] : memref<64x64xi32, #tpu.memory_space<vmem>> -> memref<1x64xi32, #tpu.memory_space<vmem>>
      %dma_wait3A_120 = tpu.memref_squeeze %dma_wait3A_119 : memref<1x64xi32, #tpu.memory_space<vmem>> -> memref<64xi32, #tpu.memory_space<vmem>>
      %dma_wait3A_121 = arith.constant 0 : i32
      %dma_wait3A_122 = arith.constant 0 : i32
      %dma_wait3A_123 = tpu.memref_slice %arg10[%dma_wait3A_121, %dma_wait3A_122] : memref<10112x128xf32, #tpu.memory_space<vmem_shared>> -> memref<10112x128xf32, #tpu.memory_space<vmem_shared>>
      %dma_wait3A_124 = tpu.memref_slice %arg12[%dma_wait3A_113] : memref<4x!tpu.dma_semaphore, #tpu.memory_space<semaphore_mem>> -> memref<1x!tpu.dma_semaphore, #tpu.memory_space<semaphore_mem>>
      %dma_wait3A_125 = tpu.memref_squeeze %dma_wait3A_124 : memref<1x!tpu.dma_semaphore, #tpu.memory_space<semaphore_mem>> -> memref<!tpu.dma_semaphore, #tpu.memory_space<semaphore_mem>>
      tpu.wait_indirect_dma semaphore(%dma_wait3A_125 : memref<!tpu.dma_semaphore, #tpu.memory_space<semaphore_mem>>) src(%dma_wait3A_117 : memref<64x128xf32, #tpu.memory_space<vmem>>) dst(%dma_wait3A_123 : memref<10112x128xf32, #tpu.memory_space<vmem_shared>>)
      %dma_wait3A_126 = arith.constant 3 : i32
      %dma_wait3A_127 = arith.constant 63 : i32
      %dma_wait3A_128 = arith.constant 3 : i32
      %dma_wait3A_129 = arith.constant 0 : i32
      %dma_wait3A_130 = arith.constant 0 : i32
      %dma_wait3A_131 = tpu.memref_slice %arg9[%dma_wait3A_126, %dma_wait3A_129, %dma_wait3A_130] : memref<4x64x128xf32, #tpu.memory_space<vmem>> -> memref<1x64x128xf32, #tpu.memory_space<vmem>>
      %dma_wait3A_132 = tpu.memref_squeeze %dma_wait3A_131 : memref<1x64x128xf32, #tpu.memory_space<vmem>> -> memref<64x128xf32, #tpu.memory_space<vmem>>
      %dma_wait3A_133 = arith.constant 0 : i32
      %dma_wait3A_134 = tpu.memref_slice %arg8[%dma_wait3A_127, %dma_wait3A_133] : memref<64x64xi32, #tpu.memory_space<vmem>> -> memref<1x64xi32, #tpu.memory_space<vmem>>
      %dma_wait3A_135 = tpu.memref_squeeze %dma_wait3A_134 : memref<1x64xi32, #tpu.memory_space<vmem>> -> memref<64xi32, #tpu.memory_space<vmem>>
      %dma_wait3A_136 = arith.constant 0 : i32
      %dma_wait3A_137 = arith.constant 0 : i32
      %dma_wait3A_138 = tpu.memref_slice %arg10[%dma_wait3A_136, %dma_wait3A_137] : memref<10112x128xf32, #tpu.memory_space<vmem_shared>> -> memref<10112x128xf32, #tpu.memory_space<vmem_shared>>
      %dma_wait3A_139 = tpu.memref_slice %arg12[%dma_wait3A_128] : memref<4x!tpu.dma_semaphore, #tpu.memory_space<semaphore_mem>> -> memref<1x!tpu.dma_semaphore, #tpu.memory_space<semaphore_mem>>
      %dma_wait3A_140 = tpu.memref_squeeze %dma_wait3A_139 : memref<1x!tpu.dma_semaphore, #tpu.memory_space<semaphore_mem>> -> memref<!tpu.dma_semaphore, #tpu.memory_space<semaphore_mem>>
      tpu.wait_indirect_dma semaphore(%dma_wait3A_140 : memref<!tpu.dma_semaphore, #tpu.memory_space<semaphore_mem>>) src(%dma_wait3A_132 : memref<64x128xf32, #tpu.memory_space<vmem>>) dst(%dma_wait3A_138 : memref<10112x128xf32, #tpu.memory_space<vmem_shared>>)
      %scan3A_141 = arith.constant 0 : i32
      scf.yield %scan3A_141 : i32
    }
    %scan3A_8 = arith.constant 5 : i32
    %barrier3A_9 = arith.constant 0 : index
    tpu.barrier barrier_id(%barrier3A_9)
    "tpu.region"() ({
      %run_scoped3A = tpu.sem_alloc : memref<!tpu.dma_semaphore, #tpu.memory_space<semaphore_mem>>
      %dma_start3A = arith.constant 0 : i32
      %dma_start3A_10 = tpu.memref_slice %arg6[%arg0, %mul3A_2, %dma_start3A] : memref<2x10112x128xf32, #tpu.memory_space<hbm>> -> memref<1x632x128xf32, #tpu.memory_space<hbm>>
      %dma_start3A_11 = tpu.memref_squeeze %dma_start3A_10 : memref<1x632x128xf32, #tpu.memory_space<hbm>> -> memref<632x128xf32, #tpu.memory_space<hbm>>
      %dma_start3A_12 = arith.constant 0 : i32
      %dma_start3A_13 = tpu.memref_slice %arg10[%mul3A_2, %dma_start3A_12] : memref<10112x128xf32, #tpu.memory_space<vmem_shared>> -> memref<632x128xf32, #tpu.memory_space<vmem_shared>>
      tpu.enqueue_dma source(%dma_start3A_13 : memref<632x128xf32, #tpu.memory_space<vmem_shared>>) target(%dma_start3A_11 : memref<632x128xf32, #tpu.memory_space<hbm>>) target_semaphore(%run_scoped3A : memref<!tpu.dma_semaphore, #tpu.memory_space<semaphore_mem>>)
      %dma_wait3A = arith.constant 0 : i32
      %dma_wait3A_14 = tpu.memref_slice %arg6[%arg0, %mul3A_2, %dma_wait3A] : memref<2x10112x128xf32, #tpu.memory_space<hbm>> -> memref<1x632x128xf32, #tpu.memory_space<hbm>>
      %dma_wait3A_15 = tpu.memref_squeeze %dma_wait3A_14 : memref<1x632x128xf32, #tpu.memory_space<hbm>> -> memref<632x128xf32, #tpu.memory_space<hbm>>
      %dma_wait3A_16 = arith.constant 0 : i32
      %dma_wait3A_17 = tpu.memref_slice %arg10[%mul3A_2, %dma_wait3A_16] : memref<10112x128xf32, #tpu.memory_space<vmem_shared>> -> memref<632x128xf32, #tpu.memory_space<vmem_shared>>
      tpu.wait_dma2 semaphore(%run_scoped3A : memref<!tpu.dma_semaphore, #tpu.memory_space<semaphore_mem>>) src(%dma_wait3A_17 : memref<632x128xf32, #tpu.memory_space<vmem_shared>>) dst(%dma_wait3A_15 : memref<632x128xf32, #tpu.memory_space<hbm>>)
      tpu.yield
    }) : () -> ()
    return
  }
}

#map = affine_map<(d0, d1) -> (0, 0)>
#map1 = affine_map<(d0, d1) -> (0, 0, 0)>
module attributes {stable_mosaic.version = 14 : i64} {
  func.func @_sc_edge_body(%arg0: i32, %arg1: i32, %arg2: memref<40000x128xf32, #tpu.memory_space<hbm>>, %arg3: memref<32x320x64xi32, #tpu.memory_space<hbm>>, %arg4: memref<32x320x64xi32, #tpu.memory_space<hbm>>, %arg5: memref<10112x128xf32, #tpu.memory_space<hbm>>, %arg6: memref<2x10112x128xf32, #tpu.memory_space<hbm>>, %arg7: memref<64x64xi32, #tpu.memory_space<vmem>>, %arg8: memref<64x64xi32, #tpu.memory_space<vmem>>, %arg9: memref<4x64x128xf32, #tpu.memory_space<vmem>>, %arg10: memref<10112x128xf32, #tpu.memory_space<vmem_shared>>, %arg11: memref<4x!tpu.dma_semaphore, #tpu.memory_space<semaphore_mem>>, %arg12: memref<4x!tpu.dma_semaphore, #tpu.memory_space<semaphore_mem>>) attributes {dimension_semantics = [#tpu.dimension_semantics<core_parallel>, #tpu.dimension_semantics<subcore_parallel>], iteration_bounds = array<i64: 2, 16>, scalar_prefetch = 0 : i64, scratch_operands = 6 : i64, tpu.core_type = #tpu.core_type<sc_vector_subcore>, window_params = [{transform_indices = #map}, {transform_indices = #map1}, {transform_indices = #map1}, {transform_indices = #map}, {transform_indices = #map1}]} {
    %mul3A = arith.constant 16 : i32
    %mul3A_0 = arith.muli %arg0, %mul3A : i32
    %add3A = arith.addi %mul3A_0, %arg1 : i32
    %mul3A_1 = arith.constant 632 : i32
    %mul3A_2 = arith.muli %arg1, %mul3A_1 : i32
    "tpu.region"() ({
      %run_scoped3A = tpu.sem_alloc : memref<!tpu.dma_semaphore, #tpu.memory_space<semaphore_mem>>
      %dma_start3A = arith.constant 0 : i32
      %dma_start3A_10 = tpu.memref_slice %arg10[%mul3A_2, %dma_start3A] : memref<10112x128xf32, #tpu.memory_space<vmem_shared>> -> memref<632x128xf32, #tpu.memory_space<vmem_shared>>
      %dma_start3A_11 = arith.constant 0 : i32
      %dma_start3A_12 = tpu.memref_slice %arg5[%mul3A_2, %dma_start3A_11] : memref<10112x128xf32, #tpu.memory_space<hbm>> -> memref<632x128xf32, #tpu.memory_space<hbm>>
      tpu.enqueue_dma source(%dma_start3A_12 : memref<632x128xf32, #tpu.memory_space<hbm>>) target(%dma_start3A_10 : memref<632x128xf32, #tpu.memory_space<vmem_shared>>) target_semaphore(%run_scoped3A : memref<!tpu.dma_semaphore, #tpu.memory_space<semaphore_mem>>)
      %dma_wait3A = arith.constant 0 : i32
      %dma_wait3A_13 = tpu.memref_slice %arg10[%mul3A_2, %dma_wait3A] : memref<10112x128xf32, #tpu.memory_space<vmem_shared>> -> memref<632x128xf32, #tpu.memory_space<vmem_shared>>
      %dma_wait3A_14 = arith.constant 0 : i32
      %dma_wait3A_15 = tpu.memref_slice %arg5[%mul3A_2, %dma_wait3A_14] : memref<10112x128xf32, #tpu.memory_space<hbm>> -> memref<632x128xf32, #tpu.memory_space<hbm>>
      tpu.wait_dma2 semaphore(%run_scoped3A : memref<!tpu.dma_semaphore, #tpu.memory_space<semaphore_mem>>) src(%dma_wait3A_15 : memref<632x128xf32, #tpu.memory_space<hbm>>) dst(%dma_wait3A_13 : memref<632x128xf32, #tpu.memory_space<vmem_shared>>)
      tpu.yield
    }) : () -> ()
    %barrier3A = arith.constant 0 : index
    tpu.barrier barrier_id(%barrier3A)
    %scan3A = arith.constant 0 : i32
    %scan3A_3 = arith.constant 0 : i32
    %scan3A_4 = arith.constant 5 : i32
    %scan3A_5 = arith.addi %scan3A_3, %scan3A_4 : i32
    %scan3A_6 = arith.constant 1 : i32
    %scan3A_7 = scf.for %scan3A_10 = %scan3A_3 to %scan3A_5 step %scan3A_6 iter_args(%scan3A_11 = %scan3A) -> (i32)  : i32 {
      %mul3A_12 = arith.constant 64 : i32
      %mul3A_13 = arith.muli %scan3A_10, %mul3A_12 : i32
      "tpu.region"() ({
        %run_scoped3A = tpu.sem_alloc : memref<!tpu.dma_semaphore, #tpu.memory_space<semaphore_mem>>
        %dma_start3A_142 = arith.constant 0 : i32
        %dma_start3A_143 = tpu.memref_slice %arg3[%add3A, %mul3A_13, %dma_start3A_142] : memref<32x320x64xi32, #tpu.memory_space<hbm>> -> memref<1x64x64xi32, #tpu.memory_space<hbm>>
        %dma_start3A_144 = tpu.memref_squeeze %dma_start3A_143 : memref<1x64x64xi32, #tpu.memory_space<hbm>> -> memref<64x64xi32, #tpu.memory_space<hbm>>
        %dma_start3A_145 = arith.constant 0 : i32
        %dma_start3A_146 = tpu.memref_slice %arg3[%add3A, %mul3A_13, %dma_start3A_145] : memref<32x320x64xi32, #tpu.memory_space<hbm>> -> memref<1x64x64xi32, #tpu.memory_space<hbm>>
        %dma_start3A_147 = tpu.memref_squeeze %dma_start3A_146 : memref<1x64x64xi32, #tpu.memory_space<hbm>> -> memref<64x64xi32, #tpu.memory_space<hbm>>
        tpu.enqueue_dma source(%dma_start3A_147 : memref<64x64xi32, #tpu.memory_space<hbm>>) target(%arg7 : memref<64x64xi32, #tpu.memory_space<vmem>>) target_semaphore(%run_scoped3A : memref<!tpu.dma_semaphore, #tpu.memory_space<semaphore_mem>>)
        %dma_wait3A_148 = arith.constant 0 : i32
        %dma_wait3A_149 = tpu.memref_slice %arg3[%add3A, %mul3A_13, %dma_wait3A_148] : memref<32x320x64xi32, #tpu.memory_space<hbm>> -> memref<1x64x64xi32, #tpu.memory_space<hbm>>
        %dma_wait3A_150 = tpu.memref_squeeze %dma_wait3A_149 : memref<1x64x64xi32, #tpu.memory_space<hbm>> -> memref<64x64xi32, #tpu.memory_space<hbm>>
        %dma_wait3A_151 = arith.constant 0 : i32
        %dma_wait3A_152 = tpu.memref_slice %arg3[%add3A, %mul3A_13, %dma_wait3A_151] : memref<32x320x64xi32, #tpu.memory_space<hbm>> -> memref<1x64x64xi32, #tpu.memory_space<hbm>>
        %dma_wait3A_153 = tpu.memref_squeeze %dma_wait3A_152 : memref<1x64x64xi32, #tpu.memory_space<hbm>> -> memref<64x64xi32, #tpu.memory_space<hbm>>
        tpu.wait_dma2 semaphore(%run_scoped3A : memref<!tpu.dma_semaphore, #tpu.memory_space<semaphore_mem>>) src(%dma_wait3A_153 : memref<64x64xi32, #tpu.memory_space<hbm>>) dst(%arg7 : memref<64x64xi32, #tpu.memory_space<vmem>>)
        tpu.yield
      }) : () -> ()
      %mul3A_14 = arith.constant 64 : i32
      %mul3A_15 = arith.muli %scan3A_10, %mul3A_14 : i32
      "tpu.region"() ({
        %run_scoped3A = tpu.sem_alloc : memref<!tpu.dma_semaphore, #tpu.memory_space<semaphore_mem>>
        %dma_start3A_142 = arith.constant 0 : i32
        %dma_start3A_143 = tpu.memref_slice %arg4[%add3A, %mul3A_15, %dma_start3A_142] : memref<32x320x64xi32, #tpu.memory_space<hbm>> -> memref<1x64x64xi32, #tpu.memory_space<hbm>>
        %dma_start3A_144 = tpu.memref_squeeze %dma_start3A_143 : memref<1x64x64xi32, #tpu.memory_space<hbm>> -> memref<64x64xi32, #tpu.memory_space<hbm>>
        %dma_start3A_145 = arith.constant 0 : i32
        %dma_start3A_146 = tpu.memref_slice %arg4[%add3A, %mul3A_15, %dma_start3A_145] : memref<32x320x64xi32, #tpu.memory_space<hbm>> -> memref<1x64x64xi32, #tpu.memory_space<hbm>>
        %dma_start3A_147 = tpu.memref_squeeze %dma_start3A_146 : memref<1x64x64xi32, #tpu.memory_space<hbm>> -> memref<64x64xi32, #tpu.memory_space<hbm>>
        tpu.enqueue_dma source(%dma_start3A_147 : memref<64x64xi32, #tpu.memory_space<hbm>>) target(%arg8 : memref<64x64xi32, #tpu.memory_space<vmem>>) target_semaphore(%run_scoped3A : memref<!tpu.dma_semaphore, #tpu.memory_space<semaphore_mem>>)
        %dma_wait3A_148 = arith.constant 0 : i32
        %dma_wait3A_149 = tpu.memref_slice %arg4[%add3A, %mul3A_15, %dma_wait3A_148] : memref<32x320x64xi32, #tpu.memory_space<hbm>> -> memref<1x64x64xi32, #tpu.memory_space<hbm>>
        %dma_wait3A_150 = tpu.memref_squeeze %dma_wait3A_149 : memref<1x64x64xi32, #tpu.memory_space<hbm>> -> memref<64x64xi32, #tpu.memory_space<hbm>>
        %dma_wait3A_151 = arith.constant 0 : i32
        %dma_wait3A_152 = tpu.memref_slice %arg4[%add3A, %mul3A_15, %dma_wait3A_151] : memref<32x320x64xi32, #tpu.memory_space<hbm>> -> memref<1x64x64xi32, #tpu.memory_space<hbm>>
        %dma_wait3A_153 = tpu.memref_squeeze %dma_wait3A_152 : memref<1x64x64xi32, #tpu.memory_space<hbm>> -> memref<64x64xi32, #tpu.memory_space<hbm>>
        tpu.wait_dma2 semaphore(%run_scoped3A : memref<!tpu.dma_semaphore, #tpu.memory_space<semaphore_mem>>) src(%dma_wait3A_153 : memref<64x64xi32, #tpu.memory_space<hbm>>) dst(%arg8 : memref<64x64xi32, #tpu.memory_space<vmem>>)
        tpu.yield
      }) : () -> ()
      %dma_start3A = arith.constant 0 : i32
      %dma_start3A_16 = arith.constant 0 : i32
      %dma_start3A_17 = arith.constant 0 : i32
      %dma_start3A_18 = arith.constant 0 : i32
      %dma_start3A_19 = arith.constant 0 : i32
      %dma_start3A_20 = tpu.memref_slice %arg9[%dma_start3A_16, %dma_start3A_18, %dma_start3A_19] : memref<4x64x128xf32, #tpu.memory_space<vmem>> -> memref<1x64x128xf32, #tpu.memory_space<vmem>>
      %dma_start3A_21 = tpu.memref_squeeze %dma_start3A_20 : memref<1x64x128xf32, #tpu.memory_space<vmem>> -> memref<64x128xf32, #tpu.memory_space<vmem>>
      %dma_start3A_22 = arith.constant 0 : i32
      %dma_start3A_23 = tpu.memref_slice %arg7[%dma_start3A, %dma_start3A_22] : memref<64x64xi32, #tpu.memory_space<vmem>> -> memref<1x64xi32, #tpu.memory_space<vmem>>
      %dma_start3A_24 = tpu.memref_squeeze %dma_start3A_23 : memref<1x64xi32, #tpu.memory_space<vmem>> -> memref<64xi32, #tpu.memory_space<vmem>>
      %dma_start3A_25 = arith.constant 0 : i32
      %dma_start3A_26 = arith.constant 0 : i32
      %dma_start3A_27 = tpu.memref_slice %arg2[%dma_start3A_25, %dma_start3A_26] : memref<40000x128xf32, #tpu.memory_space<hbm>> -> memref<40000x128xf32, #tpu.memory_space<hbm>>
      %dma_start3A_28 = tpu.memref_slice %arg11[%dma_start3A_17] : memref<4x!tpu.dma_semaphore, #tpu.memory_space<semaphore_mem>> -> memref<1x!tpu.dma_semaphore, #tpu.memory_space<semaphore_mem>>
      %dma_start3A_29 = tpu.memref_squeeze %dma_start3A_28 : memref<1x!tpu.dma_semaphore, #tpu.memory_space<semaphore_mem>> -> memref<!tpu.dma_semaphore, #tpu.memory_space<semaphore_mem>>
      tpu.enqueue_indirect_dma source(%dma_start3A_27 : memref<40000x128xf32, #tpu.memory_space<hbm>>) target(%dma_start3A_21 : memref<64x128xf32, #tpu.memory_space<vmem>>) offsets(%dma_start3A_24 : memref<64xi32, #tpu.memory_space<vmem>>) semaphore(%dma_start3A_29 : memref<!tpu.dma_semaphore, #tpu.memory_space<semaphore_mem>>)
      %dma_start3A_30 = arith.constant 1 : i32
      %dma_start3A_31 = arith.constant 1 : i32
      %dma_start3A_32 = arith.constant 1 : i32
      %dma_start3A_33 = arith.constant 0 : i32
      %dma_start3A_34 = arith.constant 0 : i32
      %dma_start3A_35 = tpu.memref_slice %arg9[%dma_start3A_31, %dma_start3A_33, %dma_start3A_34] : memref<4x64x128xf32, #tpu.memory_space<vmem>> -> memref<1x64x128xf32, #tpu.memory_space<vmem>>
      %dma_start3A_36 = tpu.memref_squeeze %dma_start3A_35 : memref<1x64x128xf32, #tpu.memory_space<vmem>> -> memref<64x128xf32, #tpu.memory_space<vmem>>
      %dma_start3A_37 = arith.constant 0 : i32
      %dma_start3A_38 = tpu.memref_slice %arg7[%dma_start3A_30, %dma_start3A_37] : memref<64x64xi32, #tpu.memory_space<vmem>> -> memref<1x64xi32, #tpu.memory_space<vmem>>
      %dma_start3A_39 = tpu.memref_squeeze %dma_start3A_38 : memref<1x64xi32, #tpu.memory_space<vmem>> -> memref<64xi32, #tpu.memory_space<vmem>>
      %dma_start3A_40 = arith.constant 0 : i32
      %dma_start3A_41 = arith.constant 0 : i32
      %dma_start3A_42 = tpu.memref_slice %arg2[%dma_start3A_40, %dma_start3A_41] : memref<40000x128xf32, #tpu.memory_space<hbm>> -> memref<40000x128xf32, #tpu.memory_space<hbm>>
      %dma_start3A_43 = tpu.memref_slice %arg11[%dma_start3A_32] : memref<4x!tpu.dma_semaphore, #tpu.memory_space<semaphore_mem>> -> memref<1x!tpu.dma_semaphore, #tpu.memory_space<semaphore_mem>>
      %dma_start3A_44 = tpu.memref_squeeze %dma_start3A_43 : memref<1x!tpu.dma_semaphore, #tpu.memory_space<semaphore_mem>> -> memref<!tpu.dma_semaphore, #tpu.memory_space<semaphore_mem>>
      tpu.enqueue_indirect_dma source(%dma_start3A_42 : memref<40000x128xf32, #tpu.memory_space<hbm>>) target(%dma_start3A_36 : memref<64x128xf32, #tpu.memory_space<vmem>>) offsets(%dma_start3A_39 : memref<64xi32, #tpu.memory_space<vmem>>) semaphore(%dma_start3A_44 : memref<!tpu.dma_semaphore, #tpu.memory_space<semaphore_mem>>)
      %dma_start3A_45 = arith.constant 2 : i32
      %dma_start3A_46 = arith.constant 2 : i32
      %dma_start3A_47 = arith.constant 2 : i32
      %dma_start3A_48 = arith.constant 0 : i32
      %dma_start3A_49 = arith.constant 0 : i32
      %dma_start3A_50 = tpu.memref_slice %arg9[%dma_start3A_46, %dma_start3A_48, %dma_start3A_49] : memref<4x64x128xf32, #tpu.memory_space<vmem>> -> memref<1x64x128xf32, #tpu.memory_space<vmem>>
      %dma_start3A_51 = tpu.memref_squeeze %dma_start3A_50 : memref<1x64x128xf32, #tpu.memory_space<vmem>> -> memref<64x128xf32, #tpu.memory_space<vmem>>
      %dma_start3A_52 = arith.constant 0 : i32
      %dma_start3A_53 = tpu.memref_slice %arg7[%dma_start3A_45, %dma_start3A_52] : memref<64x64xi32, #tpu.memory_space<vmem>> -> memref<1x64xi32, #tpu.memory_space<vmem>>
      %dma_start3A_54 = tpu.memref_squeeze %dma_start3A_53 : memref<1x64xi32, #tpu.memory_space<vmem>> -> memref<64xi32, #tpu.memory_space<vmem>>
      %dma_start3A_55 = arith.constant 0 : i32
      %dma_start3A_56 = arith.constant 0 : i32
      %dma_start3A_57 = tpu.memref_slice %arg2[%dma_start3A_55, %dma_start3A_56] : memref<40000x128xf32, #tpu.memory_space<hbm>> -> memref<40000x128xf32, #tpu.memory_space<hbm>>
      %dma_start3A_58 = tpu.memref_slice %arg11[%dma_start3A_47] : memref<4x!tpu.dma_semaphore, #tpu.memory_space<semaphore_mem>> -> memref<1x!tpu.dma_semaphore, #tpu.memory_space<semaphore_mem>>
      %dma_start3A_59 = tpu.memref_squeeze %dma_start3A_58 : memref<1x!tpu.dma_semaphore, #tpu.memory_space<semaphore_mem>> -> memref<!tpu.dma_semaphore, #tpu.memory_space<semaphore_mem>>
      tpu.enqueue_indirect_dma source(%dma_start3A_57 : memref<40000x128xf32, #tpu.memory_space<hbm>>) target(%dma_start3A_51 : memref<64x128xf32, #tpu.memory_space<vmem>>) offsets(%dma_start3A_54 : memref<64xi32, #tpu.memory_space<vmem>>) semaphore(%dma_start3A_59 : memref<!tpu.dma_semaphore, #tpu.memory_space<semaphore_mem>>)
      %dma_start3A_60 = arith.constant 3 : i32
      %dma_start3A_61 = arith.constant 3 : i32
      %dma_start3A_62 = arith.constant 3 : i32
      %dma_start3A_63 = arith.constant 0 : i32
      %dma_start3A_64 = arith.constant 0 : i32
      %dma_start3A_65 = tpu.memref_slice %arg9[%dma_start3A_61, %dma_start3A_63, %dma_start3A_64] : memref<4x64x128xf32, #tpu.memory_space<vmem>> -> memref<1x64x128xf32, #tpu.memory_space<vmem>>
      %dma_start3A_66 = tpu.memref_squeeze %dma_start3A_65 : memref<1x64x128xf32, #tpu.memory_space<vmem>> -> memref<64x128xf32, #tpu.memory_space<vmem>>
      %dma_start3A_67 = arith.constant 0 : i32
      %dma_start3A_68 = tpu.memref_slice %arg7[%dma_start3A_60, %dma_start3A_67] : memref<64x64xi32, #tpu.memory_space<vmem>> -> memref<1x64xi32, #tpu.memory_space<vmem>>
      %dma_start3A_69 = tpu.memref_squeeze %dma_start3A_68 : memref<1x64xi32, #tpu.memory_space<vmem>> -> memref<64xi32, #tpu.memory_space<vmem>>
      %dma_start3A_70 = arith.constant 0 : i32
      %dma_start3A_71 = arith.constant 0 : i32
      %dma_start3A_72 = tpu.memref_slice %arg2[%dma_start3A_70, %dma_start3A_71] : memref<40000x128xf32, #tpu.memory_space<hbm>> -> memref<40000x128xf32, #tpu.memory_space<hbm>>
      %dma_start3A_73 = tpu.memref_slice %arg11[%dma_start3A_62] : memref<4x!tpu.dma_semaphore, #tpu.memory_space<semaphore_mem>> -> memref<1x!tpu.dma_semaphore, #tpu.memory_space<semaphore_mem>>
      %dma_start3A_74 = tpu.memref_squeeze %dma_start3A_73 : memref<1x!tpu.dma_semaphore, #tpu.memory_space<semaphore_mem>> -> memref<!tpu.dma_semaphore, #tpu.memory_space<semaphore_mem>>
      tpu.enqueue_indirect_dma source(%dma_start3A_72 : memref<40000x128xf32, #tpu.memory_space<hbm>>) target(%dma_start3A_66 : memref<64x128xf32, #tpu.memory_space<vmem>>) offsets(%dma_start3A_69 : memref<64xi32, #tpu.memory_space<vmem>>) semaphore(%dma_start3A_74 : memref<!tpu.dma_semaphore, #tpu.memory_space<semaphore_mem>>)
      %scan3A_75 = arith.constant 0 : i32
      %scan3A_76 = arith.constant 0 : i32
      %scan3A_77 = arith.constant 64 : i32
      %scan3A_78 = arith.addi %scan3A_76, %scan3A_77 : i32
      %scan3A_79 = arith.constant 1 : i32
      %scan3A_80 = scf.for %scan3A_142 = %scan3A_76 to %scan3A_78 step %scan3A_79 iter_args(%scan3A_143 = %scan3A_75) -> (i32)  : i32 {
        %rem3A = arith.constant 4 : i32
        %rem3A_144 = arith.remsi %scan3A_142, %rem3A : i32
        %dma_wait3A_145 = arith.constant 0 : i32
        %dma_wait3A_146 = arith.constant 0 : i32
        %dma_wait3A_147 = tpu.memref_slice %arg9[%rem3A_144, %dma_wait3A_145, %dma_wait3A_146] : memref<4x64x128xf32, #tpu.memory_space<vmem>> -> memref<1x64x128xf32, #tpu.memory_space<vmem>>
        %dma_wait3A_148 = tpu.memref_squeeze %dma_wait3A_147 : memref<1x64x128xf32, #tpu.memory_space<vmem>> -> memref<64x128xf32, #tpu.memory_space<vmem>>
        %dma_wait3A_149 = arith.constant 0 : i32
        %dma_wait3A_150 = tpu.memref_slice %arg7[%scan3A_142, %dma_wait3A_149] : memref<64x64xi32, #tpu.memory_space<vmem>> -> memref<1x64xi32, #tpu.memory_space<vmem>>
        %dma_wait3A_151 = tpu.memref_squeeze %dma_wait3A_150 : memref<1x64xi32, #tpu.memory_space<vmem>> -> memref<64xi32, #tpu.memory_space<vmem>>
        %dma_wait3A_152 = arith.constant 0 : i32
        %dma_wait3A_153 = arith.constant 0 : i32
        %dma_wait3A_154 = tpu.memref_slice %arg2[%dma_wait3A_152, %dma_wait3A_153] : memref<40000x128xf32, #tpu.memory_space<hbm>> -> memref<40000x128xf32, #tpu.memory_space<hbm>>
        %dma_wait3A_155 = tpu.memref_slice %arg11[%rem3A_144] : memref<4x!tpu.dma_semaphore, #tpu.memory_space<semaphore_mem>> -> memref<1x!tpu.dma_semaphore, #tpu.memory_space<semaphore_mem>>
        %dma_wait3A_156 = tpu.memref_squeeze %dma_wait3A_155 : memref<1x!tpu.dma_semaphore, #tpu.memory_space<semaphore_mem>> -> memref<!tpu.dma_semaphore, #tpu.memory_space<semaphore_mem>>
        tpu.wait_indirect_dma semaphore(%dma_wait3A_156 : memref<!tpu.dma_semaphore, #tpu.memory_space<semaphore_mem>>) src(%dma_wait3A_154 : memref<40000x128xf32, #tpu.memory_space<hbm>>) dst(%dma_wait3A_148 : memref<64x128xf32, #tpu.memory_space<vmem>>)
        %dma_start3A_157 = arith.constant 0 : i32
        %dma_start3A_158 = arith.constant 0 : i32
        %dma_start3A_159 = tpu.memref_slice %arg9[%rem3A_144, %dma_start3A_157, %dma_start3A_158] : memref<4x64x128xf32, #tpu.memory_space<vmem>> -> memref<1x64x128xf32, #tpu.memory_space<vmem>>
        %dma_start3A_160 = tpu.memref_squeeze %dma_start3A_159 : memref<1x64x128xf32, #tpu.memory_space<vmem>> -> memref<64x128xf32, #tpu.memory_space<vmem>>
        %dma_start3A_161 = arith.constant 0 : i32
        %dma_start3A_162 = tpu.memref_slice %arg8[%scan3A_142, %dma_start3A_161] : memref<64x64xi32, #tpu.memory_space<vmem>> -> memref<1x64xi32, #tpu.memory_space<vmem>>
        %dma_start3A_163 = tpu.memref_squeeze %dma_start3A_162 : memref<1x64xi32, #tpu.memory_space<vmem>> -> memref<64xi32, #tpu.memory_space<vmem>>
        %dma_start3A_164 = arith.constant 0 : i32
        %dma_start3A_165 = arith.constant 0 : i32
        %dma_start3A_166 = tpu.memref_slice %arg10[%dma_start3A_164, %dma_start3A_165] : memref<10112x128xf32, #tpu.memory_space<vmem_shared>> -> memref<10112x128xf32, #tpu.memory_space<vmem_shared>>
        %dma_start3A_167 = tpu.memref_slice %arg12[%rem3A_144] : memref<4x!tpu.dma_semaphore, #tpu.memory_space<semaphore_mem>> -> memref<1x!tpu.dma_semaphore, #tpu.memory_space<semaphore_mem>>
        %dma_start3A_168 = tpu.memref_squeeze %dma_start3A_167 : memref<1x!tpu.dma_semaphore, #tpu.memory_space<semaphore_mem>> -> memref<!tpu.dma_semaphore, #tpu.memory_space<semaphore_mem>>
        tpu.enqueue_indirect_dma source(%dma_start3A_160 : memref<64x128xf32, #tpu.memory_space<vmem>>) target(%dma_start3A_166 : memref<10112x128xf32, #tpu.memory_space<vmem_shared>>) offsets(%dma_start3A_163 : memref<64xi32, #tpu.memory_space<vmem>>) semaphore(%dma_start3A_168 : memref<!tpu.dma_semaphore, #tpu.memory_space<semaphore_mem>>) {add = true}
        %add3A_169 = arith.constant 4 : i32
        %add3A_170 = arith.addi %scan3A_142, %add3A_169 : i32
        %lt3A = arith.constant 64 : i32
        %lt3A_171 = arith.cmpi slt, %add3A_170, %lt3A : i32
        %convert_element_type3A = arith.extui %lt3A_171 : i1 to i32
        %cond3A = arith.constant 0 : i32
        %cond3A_172 = arith.cmpi ne, %convert_element_type3A, %cond3A : i32
        scf.if %cond3A_172 {
          %dma_wait3A_174 = arith.constant 0 : i32
          %dma_wait3A_175 = arith.constant 0 : i32
          %dma_wait3A_176 = tpu.memref_slice %arg9[%rem3A_144, %dma_wait3A_174, %dma_wait3A_175] : memref<4x64x128xf32, #tpu.memory_space<vmem>> -> memref<1x64x128xf32, #tpu.memory_space<vmem>>
          %dma_wait3A_177 = tpu.memref_squeeze %dma_wait3A_176 : memref<1x64x128xf32, #tpu.memory_space<vmem>> -> memref<64x128xf32, #tpu.memory_space<vmem>>
          %dma_wait3A_178 = arith.constant 0 : i32
          %dma_wait3A_179 = tpu.memref_slice %arg8[%scan3A_142, %dma_wait3A_178] : memref<64x64xi32, #tpu.memory_space<vmem>> -> memref<1x64xi32, #tpu.memory_space<vmem>>
          %dma_wait3A_180 = tpu.memref_squeeze %dma_wait3A_179 : memref<1x64xi32, #tpu.memory_space<vmem>> -> memref<64xi32, #tpu.memory_space<vmem>>
          %dma_wait3A_181 = arith.constant 0 : i32
          %dma_wait3A_182 = arith.constant 0 : i32
          %dma_wait3A_183 = tpu.memref_slice %arg10[%dma_wait3A_181, %dma_wait3A_182] : memref<10112x128xf32, #tpu.memory_space<vmem_shared>> -> memref<10112x128xf32, #tpu.memory_space<vmem_shared>>
          %dma_wait3A_184 = tpu.memref_slice %arg12[%rem3A_144] : memref<4x!tpu.dma_semaphore, #tpu.memory_space<semaphore_mem>> -> memref<1x!tpu.dma_semaphore, #tpu.memory_space<semaphore_mem>>
          %dma_wait3A_185 = tpu.memref_squeeze %dma_wait3A_184 : memref<1x!tpu.dma_semaphore, #tpu.memory_space<semaphore_mem>> -> memref<!tpu.dma_semaphore, #tpu.memory_space<semaphore_mem>>
          tpu.wait_indirect_dma semaphore(%dma_wait3A_185 : memref<!tpu.dma_semaphore, #tpu.memory_space<semaphore_mem>>) src(%dma_wait3A_177 : memref<64x128xf32, #tpu.memory_space<vmem>>) dst(%dma_wait3A_183 : memref<10112x128xf32, #tpu.memory_space<vmem_shared>>)
          %add3A_186 = arith.constant 4 : i32
          %add3A_187 = arith.addi %scan3A_142, %add3A_186 : i32
          %dma_start3A_188 = arith.constant 0 : i32
          %dma_start3A_189 = arith.constant 0 : i32
          %dma_start3A_190 = tpu.memref_slice %arg9[%rem3A_144, %dma_start3A_188, %dma_start3A_189] : memref<4x64x128xf32, #tpu.memory_space<vmem>> -> memref<1x64x128xf32, #tpu.memory_space<vmem>>
          %dma_start3A_191 = tpu.memref_squeeze %dma_start3A_190 : memref<1x64x128xf32, #tpu.memory_space<vmem>> -> memref<64x128xf32, #tpu.memory_space<vmem>>
          %dma_start3A_192 = arith.constant 0 : i32
          %dma_start3A_193 = tpu.memref_slice %arg7[%add3A_187, %dma_start3A_192] : memref<64x64xi32, #tpu.memory_space<vmem>> -> memref<1x64xi32, #tpu.memory_space<vmem>>
          %dma_start3A_194 = tpu.memref_squeeze %dma_start3A_193 : memref<1x64xi32, #tpu.memory_space<vmem>> -> memref<64xi32, #tpu.memory_space<vmem>>
          %dma_start3A_195 = arith.constant 0 : i32
          %dma_start3A_196 = arith.constant 0 : i32
          %dma_start3A_197 = tpu.memref_slice %arg2[%dma_start3A_195, %dma_start3A_196] : memref<40000x128xf32, #tpu.memory_space<hbm>> -> memref<40000x128xf32, #tpu.memory_space<hbm>>
          %dma_start3A_198 = tpu.memref_slice %arg11[%rem3A_144] : memref<4x!tpu.dma_semaphore, #tpu.memory_space<semaphore_mem>> -> memref<1x!tpu.dma_semaphore, #tpu.memory_space<semaphore_mem>>
          %dma_start3A_199 = tpu.memref_squeeze %dma_start3A_198 : memref<1x!tpu.dma_semaphore, #tpu.memory_space<semaphore_mem>> -> memref<!tpu.dma_semaphore, #tpu.memory_space<semaphore_mem>>
          tpu.enqueue_indirect_dma source(%dma_start3A_197 : memref<40000x128xf32, #tpu.memory_space<hbm>>) target(%dma_start3A_191 : memref<64x128xf32, #tpu.memory_space<vmem>>) offsets(%dma_start3A_194 : memref<64xi32, #tpu.memory_space<vmem>>) semaphore(%dma_start3A_199 : memref<!tpu.dma_semaphore, #tpu.memory_space<semaphore_mem>>)
        } else {
        }
        %scan3A_173 = arith.constant 0 : i32
        scf.yield %scan3A_173 : i32
      }
      %scan3A_81 = arith.constant 64 : i32
      %dma_wait3A = arith.constant 0 : i32
      %dma_wait3A_82 = arith.constant 60 : i32
      %dma_wait3A_83 = arith.constant 0 : i32
      %dma_wait3A_84 = arith.constant 0 : i32
      %dma_wait3A_85 = arith.constant 0 : i32
      %dma_wait3A_86 = tpu.memref_slice %arg9[%dma_wait3A, %dma_wait3A_84, %dma_wait3A_85] : memref<4x64x128xf32, #tpu.memory_space<vmem>> -> memref<1x64x128xf32, #tpu.memory_space<vmem>>
      %dma_wait3A_87 = tpu.memref_squeeze %dma_wait3A_86 : memref<1x64x128xf32, #tpu.memory_space<vmem>> -> memref<64x128xf32, #tpu.memory_space<vmem>>
      %dma_wait3A_88 = arith.constant 0 : i32
      %dma_wait3A_89 = tpu.memref_slice %arg8[%dma_wait3A_82, %dma_wait3A_88] : memref<64x64xi32, #tpu.memory_space<vmem>> -> memref<1x64xi32, #tpu.memory_space<vmem>>
      %dma_wait3A_90 = tpu.memref_squeeze %dma_wait3A_89 : memref<1x64xi32, #tpu.memory_space<vmem>> -> memref<64xi32, #tpu.memory_space<vmem>>
      %dma_wait3A_91 = arith.constant 0 : i32
      %dma_wait3A_92 = arith.constant 0 : i32
      %dma_wait3A_93 = tpu.memref_slice %arg10[%dma_wait3A_91, %dma_wait3A_92] : memref<10112x128xf32, #tpu.memory_space<vmem_shared>> -> memref<10112x128xf32, #tpu.memory_space<vmem_shared>>
      %dma_wait3A_94 = tpu.memref_slice %arg12[%dma_wait3A_83] : memref<4x!tpu.dma_semaphore, #tpu.memory_space<semaphore_mem>> -> memref<1x!tpu.dma_semaphore, #tpu.memory_space<semaphore_mem>>
      %dma_wait3A_95 = tpu.memref_squeeze %dma_wait3A_94 : memref<1x!tpu.dma_semaphore, #tpu.memory_space<semaphore_mem>> -> memref<!tpu.dma_semaphore, #tpu.memory_space<semaphore_mem>>
      tpu.wait_indirect_dma semaphore(%dma_wait3A_95 : memref<!tpu.dma_semaphore, #tpu.memory_space<semaphore_mem>>) src(%dma_wait3A_87 : memref<64x128xf32, #tpu.memory_space<vmem>>) dst(%dma_wait3A_93 : memref<10112x128xf32, #tpu.memory_space<vmem_shared>>)
      %dma_wait3A_96 = arith.constant 1 : i32
      %dma_wait3A_97 = arith.constant 61 : i32
      %dma_wait3A_98 = arith.constant 1 : i32
      %dma_wait3A_99 = arith.constant 0 : i32
      %dma_wait3A_100 = arith.constant 0 : i32
      %dma_wait3A_101 = tpu.memref_slice %arg9[%dma_wait3A_96, %dma_wait3A_99, %dma_wait3A_100] : memref<4x64x128xf32, #tpu.memory_space<vmem>> -> memref<1x64x128xf32, #tpu.memory_space<vmem>>
      %dma_wait3A_102 = tpu.memref_squeeze %dma_wait3A_101 : memref<1x64x128xf32, #tpu.memory_space<vmem>> -> memref<64x128xf32, #tpu.memory_space<vmem>>
      %dma_wait3A_103 = arith.constant 0 : i32
      %dma_wait3A_104 = tpu.memref_slice %arg8[%dma_wait3A_97, %dma_wait3A_103] : memref<64x64xi32, #tpu.memory_space<vmem>> -> memref<1x64xi32, #tpu.memory_space<vmem>>
      %dma_wait3A_105 = tpu.memref_squeeze %dma_wait3A_104 : memref<1x64xi32, #tpu.memory_space<vmem>> -> memref<64xi32, #tpu.memory_space<vmem>>
      %dma_wait3A_106 = arith.constant 0 : i32
      %dma_wait3A_107 = arith.constant 0 : i32
      %dma_wait3A_108 = tpu.memref_slice %arg10[%dma_wait3A_106, %dma_wait3A_107] : memref<10112x128xf32, #tpu.memory_space<vmem_shared>> -> memref<10112x128xf32, #tpu.memory_space<vmem_shared>>
      %dma_wait3A_109 = tpu.memref_slice %arg12[%dma_wait3A_98] : memref<4x!tpu.dma_semaphore, #tpu.memory_space<semaphore_mem>> -> memref<1x!tpu.dma_semaphore, #tpu.memory_space<semaphore_mem>>
      %dma_wait3A_110 = tpu.memref_squeeze %dma_wait3A_109 : memref<1x!tpu.dma_semaphore, #tpu.memory_space<semaphore_mem>> -> memref<!tpu.dma_semaphore, #tpu.memory_space<semaphore_mem>>
      tpu.wait_indirect_dma semaphore(%dma_wait3A_110 : memref<!tpu.dma_semaphore, #tpu.memory_space<semaphore_mem>>) src(%dma_wait3A_102 : memref<64x128xf32, #tpu.memory_space<vmem>>) dst(%dma_wait3A_108 : memref<10112x128xf32, #tpu.memory_space<vmem_shared>>)
      %dma_wait3A_111 = arith.constant 2 : i32
      %dma_wait3A_112 = arith.constant 62 : i32
      %dma_wait3A_113 = arith.constant 2 : i32
      %dma_wait3A_114 = arith.constant 0 : i32
      %dma_wait3A_115 = arith.constant 0 : i32
      %dma_wait3A_116 = tpu.memref_slice %arg9[%dma_wait3A_111, %dma_wait3A_114, %dma_wait3A_115] : memref<4x64x128xf32, #tpu.memory_space<vmem>> -> memref<1x64x128xf32, #tpu.memory_space<vmem>>
      %dma_wait3A_117 = tpu.memref_squeeze %dma_wait3A_116 : memref<1x64x128xf32, #tpu.memory_space<vmem>> -> memref<64x128xf32, #tpu.memory_space<vmem>>
      %dma_wait3A_118 = arith.constant 0 : i32
      %dma_wait3A_119 = tpu.memref_slice %arg8[%dma_wait3A_112, %dma_wait3A_118] : memref<64x64xi32, #tpu.memory_space<vmem>> -> memref<1x64xi32, #tpu.memory_space<vmem>>
      %dma_wait3A_120 = tpu.memref_squeeze %dma_wait3A_119 : memref<1x64xi32, #tpu.memory_space<vmem>> -> memref<64xi32, #tpu.memory_space<vmem>>
      %dma_wait3A_121 = arith.constant 0 : i32
      %dma_wait3A_122 = arith.constant 0 : i32
      %dma_wait3A_123 = tpu.memref_slice %arg10[%dma_wait3A_121, %dma_wait3A_122] : memref<10112x128xf32, #tpu.memory_space<vmem_shared>> -> memref<10112x128xf32, #tpu.memory_space<vmem_shared>>
      %dma_wait3A_124 = tpu.memref_slice %arg12[%dma_wait3A_113] : memref<4x!tpu.dma_semaphore, #tpu.memory_space<semaphore_mem>> -> memref<1x!tpu.dma_semaphore, #tpu.memory_space<semaphore_mem>>
      %dma_wait3A_125 = tpu.memref_squeeze %dma_wait3A_124 : memref<1x!tpu.dma_semaphore, #tpu.memory_space<semaphore_mem>> -> memref<!tpu.dma_semaphore, #tpu.memory_space<semaphore_mem>>
      tpu.wait_indirect_dma semaphore(%dma_wait3A_125 : memref<!tpu.dma_semaphore, #tpu.memory_space<semaphore_mem>>) src(%dma_wait3A_117 : memref<64x128xf32, #tpu.memory_space<vmem>>) dst(%dma_wait3A_123 : memref<10112x128xf32, #tpu.memory_space<vmem_shared>>)
      %dma_wait3A_126 = arith.constant 3 : i32
      %dma_wait3A_127 = arith.constant 63 : i32
      %dma_wait3A_128 = arith.constant 3 : i32
      %dma_wait3A_129 = arith.constant 0 : i32
      %dma_wait3A_130 = arith.constant 0 : i32
      %dma_wait3A_131 = tpu.memref_slice %arg9[%dma_wait3A_126, %dma_wait3A_129, %dma_wait3A_130] : memref<4x64x128xf32, #tpu.memory_space<vmem>> -> memref<1x64x128xf32, #tpu.memory_space<vmem>>
      %dma_wait3A_132 = tpu.memref_squeeze %dma_wait3A_131 : memref<1x64x128xf32, #tpu.memory_space<vmem>> -> memref<64x128xf32, #tpu.memory_space<vmem>>
      %dma_wait3A_133 = arith.constant 0 : i32
      %dma_wait3A_134 = tpu.memref_slice %arg8[%dma_wait3A_127, %dma_wait3A_133] : memref<64x64xi32, #tpu.memory_space<vmem>> -> memref<1x64xi32, #tpu.memory_space<vmem>>
      %dma_wait3A_135 = tpu.memref_squeeze %dma_wait3A_134 : memref<1x64xi32, #tpu.memory_space<vmem>> -> memref<64xi32, #tpu.memory_space<vmem>>
      %dma_wait3A_136 = arith.constant 0 : i32
      %dma_wait3A_137 = arith.constant 0 : i32
      %dma_wait3A_138 = tpu.memref_slice %arg10[%dma_wait3A_136, %dma_wait3A_137] : memref<10112x128xf32, #tpu.memory_space<vmem_shared>> -> memref<10112x128xf32, #tpu.memory_space<vmem_shared>>
      %dma_wait3A_139 = tpu.memref_slice %arg12[%dma_wait3A_128] : memref<4x!tpu.dma_semaphore, #tpu.memory_space<semaphore_mem>> -> memref<1x!tpu.dma_semaphore, #tpu.memory_space<semaphore_mem>>
      %dma_wait3A_140 = tpu.memref_squeeze %dma_wait3A_139 : memref<1x!tpu.dma_semaphore, #tpu.memory_space<semaphore_mem>> -> memref<!tpu.dma_semaphore, #tpu.memory_space<semaphore_mem>>
      tpu.wait_indirect_dma semaphore(%dma_wait3A_140 : memref<!tpu.dma_semaphore, #tpu.memory_space<semaphore_mem>>) src(%dma_wait3A_132 : memref<64x128xf32, #tpu.memory_space<vmem>>) dst(%dma_wait3A_138 : memref<10112x128xf32, #tpu.memory_space<vmem_shared>>)
      %scan3A_141 = arith.constant 0 : i32
      scf.yield %scan3A_141 : i32
    }
    %scan3A_8 = arith.constant 5 : i32
    %barrier3A_9 = arith.constant 0 : index
    tpu.barrier barrier_id(%barrier3A_9)
    "tpu.region"() ({
      %run_scoped3A = tpu.sem_alloc : memref<!tpu.dma_semaphore, #tpu.memory_space<semaphore_mem>>
      %dma_start3A = arith.constant 0 : i32
      %dma_start3A_10 = tpu.memref_slice %arg6[%arg0, %mul3A_2, %dma_start3A] : memref<2x10112x128xf32, #tpu.memory_space<hbm>> -> memref<1x632x128xf32, #tpu.memory_space<hbm>>
      %dma_start3A_11 = tpu.memref_squeeze %dma_start3A_10 : memref<1x632x128xf32, #tpu.memory_space<hbm>> -> memref<632x128xf32, #tpu.memory_space<hbm>>
      %dma_start3A_12 = arith.constant 0 : i32
      %dma_start3A_13 = tpu.memref_slice %arg10[%mul3A_2, %dma_start3A_12] : memref<10112x128xf32, #tpu.memory_space<vmem_shared>> -> memref<632x128xf32, #tpu.memory_space<vmem_shared>>
      tpu.enqueue_dma source(%dma_start3A_13 : memref<632x128xf32, #tpu.memory_space<vmem_shared>>) target(%dma_start3A_11 : memref<632x128xf32, #tpu.memory_space<hbm>>) target_semaphore(%run_scoped3A : memref<!tpu.dma_semaphore, #tpu.memory_space<semaphore_mem>>)
      %dma_wait3A = arith.constant 0 : i32
      %dma_wait3A_14 = tpu.memref_slice %arg6[%arg0, %mul3A_2, %dma_wait3A] : memref<2x10112x128xf32, #tpu.memory_space<hbm>> -> memref<1x632x128xf32, #tpu.memory_space<hbm>>
      %dma_wait3A_15 = tpu.memref_squeeze %dma_wait3A_14 : memref<1x632x128xf32, #tpu.memory_space<hbm>> -> memref<632x128xf32, #tpu.memory_space<hbm>>
      %dma_wait3A_16 = arith.constant 0 : i32
      %dma_wait3A_17 = tpu.memref_slice %arg10[%mul3A_2, %dma_wait3A_16] : memref<10112x128xf32, #tpu.memory_space<vmem_shared>> -> memref<632x128xf32, #tpu.memory_space<vmem_shared>>
      tpu.wait_dma2 semaphore(%run_scoped3A : memref<!tpu.dma_semaphore, #tpu.memory_space<semaphore_mem>>) src(%dma_wait3A_17 : memref<632x128xf32, #tpu.memory_space<vmem_shared>>) dst(%dma_wait3A_15 : memref<632x128xf32, #tpu.memory_space<hbm>>)
      tpu.yield
    }) : () -> ()
    return
  }
}

#map = affine_map<(d0, d1) -> (0, 0)>
#map1 = affine_map<(d0, d1) -> (0, 0, 0)>
module attributes {stable_mosaic.version = 14 : i64} {
  func.func @_sc_edge_body(%arg0: i32, %arg1: i32, %arg2: memref<40000x128xf32, #tpu.memory_space<hbm>>, %arg3: memref<32x320x64xi32, #tpu.memory_space<hbm>>, %arg4: memref<32x320x64xi32, #tpu.memory_space<hbm>>, %arg5: memref<10112x128xf32, #tpu.memory_space<hbm>>, %arg6: memref<2x10112x128xf32, #tpu.memory_space<hbm>>, %arg7: memref<64x64xi32, #tpu.memory_space<vmem>>, %arg8: memref<64x64xi32, #tpu.memory_space<vmem>>, %arg9: memref<4x64x128xf32, #tpu.memory_space<vmem>>, %arg10: memref<10112x128xf32, #tpu.memory_space<vmem_shared>>, %arg11: memref<4x!tpu.dma_semaphore, #tpu.memory_space<semaphore_mem>>, %arg12: memref<4x!tpu.dma_semaphore, #tpu.memory_space<semaphore_mem>>) attributes {dimension_semantics = [#tpu.dimension_semantics<core_parallel>, #tpu.dimension_semantics<subcore_parallel>], iteration_bounds = array<i64: 2, 16>, scalar_prefetch = 0 : i64, scratch_operands = 6 : i64, tpu.core_type = #tpu.core_type<sc_vector_subcore>, window_params = [{transform_indices = #map}, {transform_indices = #map1}, {transform_indices = #map1}, {transform_indices = #map}, {transform_indices = #map1}]} {
    %mul3A = arith.constant 16 : i32
    %mul3A_0 = arith.muli %arg0, %mul3A : i32
    %add3A = arith.addi %mul3A_0, %arg1 : i32
    %mul3A_1 = arith.constant 632 : i32
    %mul3A_2 = arith.muli %arg1, %mul3A_1 : i32
    "tpu.region"() ({
      %run_scoped3A = tpu.sem_alloc : memref<!tpu.dma_semaphore, #tpu.memory_space<semaphore_mem>>
      %dma_start3A = arith.constant 0 : i32
      %dma_start3A_10 = tpu.memref_slice %arg10[%mul3A_2, %dma_start3A] : memref<10112x128xf32, #tpu.memory_space<vmem_shared>> -> memref<632x128xf32, #tpu.memory_space<vmem_shared>>
      %dma_start3A_11 = arith.constant 0 : i32
      %dma_start3A_12 = tpu.memref_slice %arg5[%mul3A_2, %dma_start3A_11] : memref<10112x128xf32, #tpu.memory_space<hbm>> -> memref<632x128xf32, #tpu.memory_space<hbm>>
      tpu.enqueue_dma source(%dma_start3A_12 : memref<632x128xf32, #tpu.memory_space<hbm>>) target(%dma_start3A_10 : memref<632x128xf32, #tpu.memory_space<vmem_shared>>) target_semaphore(%run_scoped3A : memref<!tpu.dma_semaphore, #tpu.memory_space<semaphore_mem>>)
      %dma_wait3A = arith.constant 0 : i32
      %dma_wait3A_13 = tpu.memref_slice %arg10[%mul3A_2, %dma_wait3A] : memref<10112x128xf32, #tpu.memory_space<vmem_shared>> -> memref<632x128xf32, #tpu.memory_space<vmem_shared>>
      %dma_wait3A_14 = arith.constant 0 : i32
      %dma_wait3A_15 = tpu.memref_slice %arg5[%mul3A_2, %dma_wait3A_14] : memref<10112x128xf32, #tpu.memory_space<hbm>> -> memref<632x128xf32, #tpu.memory_space<hbm>>
      tpu.wait_dma2 semaphore(%run_scoped3A : memref<!tpu.dma_semaphore, #tpu.memory_space<semaphore_mem>>) src(%dma_wait3A_15 : memref<632x128xf32, #tpu.memory_space<hbm>>) dst(%dma_wait3A_13 : memref<632x128xf32, #tpu.memory_space<vmem_shared>>)
      tpu.yield
    }) : () -> ()
    %barrier3A = arith.constant 0 : index
    tpu.barrier barrier_id(%barrier3A)
    %scan3A = arith.constant 0 : i32
    %scan3A_3 = arith.constant 0 : i32
    %scan3A_4 = arith.constant 5 : i32
    %scan3A_5 = arith.addi %scan3A_3, %scan3A_4 : i32
    %scan3A_6 = arith.constant 1 : i32
    %scan3A_7 = scf.for %scan3A_10 = %scan3A_3 to %scan3A_5 step %scan3A_6 iter_args(%scan3A_11 = %scan3A) -> (i32)  : i32 {
      %mul3A_12 = arith.constant 64 : i32
      %mul3A_13 = arith.muli %scan3A_10, %mul3A_12 : i32
      "tpu.region"() ({
        %run_scoped3A = tpu.sem_alloc : memref<!tpu.dma_semaphore, #tpu.memory_space<semaphore_mem>>
        %dma_start3A_142 = arith.constant 0 : i32
        %dma_start3A_143 = tpu.memref_slice %arg3[%add3A, %mul3A_13, %dma_start3A_142] : memref<32x320x64xi32, #tpu.memory_space<hbm>> -> memref<1x64x64xi32, #tpu.memory_space<hbm>>
        %dma_start3A_144 = tpu.memref_squeeze %dma_start3A_143 : memref<1x64x64xi32, #tpu.memory_space<hbm>> -> memref<64x64xi32, #tpu.memory_space<hbm>>
        %dma_start3A_145 = arith.constant 0 : i32
        %dma_start3A_146 = tpu.memref_slice %arg3[%add3A, %mul3A_13, %dma_start3A_145] : memref<32x320x64xi32, #tpu.memory_space<hbm>> -> memref<1x64x64xi32, #tpu.memory_space<hbm>>
        %dma_start3A_147 = tpu.memref_squeeze %dma_start3A_146 : memref<1x64x64xi32, #tpu.memory_space<hbm>> -> memref<64x64xi32, #tpu.memory_space<hbm>>
        tpu.enqueue_dma source(%dma_start3A_147 : memref<64x64xi32, #tpu.memory_space<hbm>>) target(%arg7 : memref<64x64xi32, #tpu.memory_space<vmem>>) target_semaphore(%run_scoped3A : memref<!tpu.dma_semaphore, #tpu.memory_space<semaphore_mem>>)
        %dma_wait3A_148 = arith.constant 0 : i32
        %dma_wait3A_149 = tpu.memref_slice %arg3[%add3A, %mul3A_13, %dma_wait3A_148] : memref<32x320x64xi32, #tpu.memory_space<hbm>> -> memref<1x64x64xi32, #tpu.memory_space<hbm>>
        %dma_wait3A_150 = tpu.memref_squeeze %dma_wait3A_149 : memref<1x64x64xi32, #tpu.memory_space<hbm>> -> memref<64x64xi32, #tpu.memory_space<hbm>>
        %dma_wait3A_151 = arith.constant 0 : i32
        %dma_wait3A_152 = tpu.memref_slice %arg3[%add3A, %mul3A_13, %dma_wait3A_151] : memref<32x320x64xi32, #tpu.memory_space<hbm>> -> memref<1x64x64xi32, #tpu.memory_space<hbm>>
        %dma_wait3A_153 = tpu.memref_squeeze %dma_wait3A_152 : memref<1x64x64xi32, #tpu.memory_space<hbm>> -> memref<64x64xi32, #tpu.memory_space<hbm>>
        tpu.wait_dma2 semaphore(%run_scoped3A : memref<!tpu.dma_semaphore, #tpu.memory_space<semaphore_mem>>) src(%dma_wait3A_153 : memref<64x64xi32, #tpu.memory_space<hbm>>) dst(%arg7 : memref<64x64xi32, #tpu.memory_space<vmem>>)
        tpu.yield
      }) : () -> ()
      %mul3A_14 = arith.constant 64 : i32
      %mul3A_15 = arith.muli %scan3A_10, %mul3A_14 : i32
      "tpu.region"() ({
        %run_scoped3A = tpu.sem_alloc : memref<!tpu.dma_semaphore, #tpu.memory_space<semaphore_mem>>
        %dma_start3A_142 = arith.constant 0 : i32
        %dma_start3A_143 = tpu.memref_slice %arg4[%add3A, %mul3A_15, %dma_start3A_142] : memref<32x320x64xi32, #tpu.memory_space<hbm>> -> memref<1x64x64xi32, #tpu.memory_space<hbm>>
        %dma_start3A_144 = tpu.memref_squeeze %dma_start3A_143 : memref<1x64x64xi32, #tpu.memory_space<hbm>> -> memref<64x64xi32, #tpu.memory_space<hbm>>
        %dma_start3A_145 = arith.constant 0 : i32
        %dma_start3A_146 = tpu.memref_slice %arg4[%add3A, %mul3A_15, %dma_start3A_145] : memref<32x320x64xi32, #tpu.memory_space<hbm>> -> memref<1x64x64xi32, #tpu.memory_space<hbm>>
        %dma_start3A_147 = tpu.memref_squeeze %dma_start3A_146 : memref<1x64x64xi32, #tpu.memory_space<hbm>> -> memref<64x64xi32, #tpu.memory_space<hbm>>
        tpu.enqueue_dma source(%dma_start3A_147 : memref<64x64xi32, #tpu.memory_space<hbm>>) target(%arg8 : memref<64x64xi32, #tpu.memory_space<vmem>>) target_semaphore(%run_scoped3A : memref<!tpu.dma_semaphore, #tpu.memory_space<semaphore_mem>>)
        %dma_wait3A_148 = arith.constant 0 : i32
        %dma_wait3A_149 = tpu.memref_slice %arg4[%add3A, %mul3A_15, %dma_wait3A_148] : memref<32x320x64xi32, #tpu.memory_space<hbm>> -> memref<1x64x64xi32, #tpu.memory_space<hbm>>
        %dma_wait3A_150 = tpu.memref_squeeze %dma_wait3A_149 : memref<1x64x64xi32, #tpu.memory_space<hbm>> -> memref<64x64xi32, #tpu.memory_space<hbm>>
        %dma_wait3A_151 = arith.constant 0 : i32
        %dma_wait3A_152 = tpu.memref_slice %arg4[%add3A, %mul3A_15, %dma_wait3A_151] : memref<32x320x64xi32, #tpu.memory_space<hbm>> -> memref<1x64x64xi32, #tpu.memory_space<hbm>>
        %dma_wait3A_153 = tpu.memref_squeeze %dma_wait3A_152 : memref<1x64x64xi32, #tpu.memory_space<hbm>> -> memref<64x64xi32, #tpu.memory_space<hbm>>
        tpu.wait_dma2 semaphore(%run_scoped3A : memref<!tpu.dma_semaphore, #tpu.memory_space<semaphore_mem>>) src(%dma_wait3A_153 : memref<64x64xi32, #tpu.memory_space<hbm>>) dst(%arg8 : memref<64x64xi32, #tpu.memory_space<vmem>>)
        tpu.yield
      }) : () -> ()
      %dma_start3A = arith.constant 0 : i32
      %dma_start3A_16 = arith.constant 0 : i32
      %dma_start3A_17 = arith.constant 0 : i32
      %dma_start3A_18 = arith.constant 0 : i32
      %dma_start3A_19 = arith.constant 0 : i32
      %dma_start3A_20 = tpu.memref_slice %arg9[%dma_start3A_16, %dma_start3A_18, %dma_start3A_19] : memref<4x64x128xf32, #tpu.memory_space<vmem>> -> memref<1x64x128xf32, #tpu.memory_space<vmem>>
      %dma_start3A_21 = tpu.memref_squeeze %dma_start3A_20 : memref<1x64x128xf32, #tpu.memory_space<vmem>> -> memref<64x128xf32, #tpu.memory_space<vmem>>
      %dma_start3A_22 = arith.constant 0 : i32
      %dma_start3A_23 = tpu.memref_slice %arg7[%dma_start3A, %dma_start3A_22] : memref<64x64xi32, #tpu.memory_space<vmem>> -> memref<1x64xi32, #tpu.memory_space<vmem>>
      %dma_start3A_24 = tpu.memref_squeeze %dma_start3A_23 : memref<1x64xi32, #tpu.memory_space<vmem>> -> memref<64xi32, #tpu.memory_space<vmem>>
      %dma_start3A_25 = arith.constant 0 : i32
      %dma_start3A_26 = arith.constant 0 : i32
      %dma_start3A_27 = tpu.memref_slice %arg2[%dma_start3A_25, %dma_start3A_26] : memref<40000x128xf32, #tpu.memory_space<hbm>> -> memref<40000x128xf32, #tpu.memory_space<hbm>>
      %dma_start3A_28 = tpu.memref_slice %arg11[%dma_start3A_17] : memref<4x!tpu.dma_semaphore, #tpu.memory_space<semaphore_mem>> -> memref<1x!tpu.dma_semaphore, #tpu.memory_space<semaphore_mem>>
      %dma_start3A_29 = tpu.memref_squeeze %dma_start3A_28 : memref<1x!tpu.dma_semaphore, #tpu.memory_space<semaphore_mem>> -> memref<!tpu.dma_semaphore, #tpu.memory_space<semaphore_mem>>
      tpu.enqueue_indirect_dma source(%dma_start3A_27 : memref<40000x128xf32, #tpu.memory_space<hbm>>) target(%dma_start3A_21 : memref<64x128xf32, #tpu.memory_space<vmem>>) offsets(%dma_start3A_24 : memref<64xi32, #tpu.memory_space<vmem>>) semaphore(%dma_start3A_29 : memref<!tpu.dma_semaphore, #tpu.memory_space<semaphore_mem>>)
      %dma_start3A_30 = arith.constant 1 : i32
      %dma_start3A_31 = arith.constant 1 : i32
      %dma_start3A_32 = arith.constant 1 : i32
      %dma_start3A_33 = arith.constant 0 : i32
      %dma_start3A_34 = arith.constant 0 : i32
      %dma_start3A_35 = tpu.memref_slice %arg9[%dma_start3A_31, %dma_start3A_33, %dma_start3A_34] : memref<4x64x128xf32, #tpu.memory_space<vmem>> -> memref<1x64x128xf32, #tpu.memory_space<vmem>>
      %dma_start3A_36 = tpu.memref_squeeze %dma_start3A_35 : memref<1x64x128xf32, #tpu.memory_space<vmem>> -> memref<64x128xf32, #tpu.memory_space<vmem>>
      %dma_start3A_37 = arith.constant 0 : i32
      %dma_start3A_38 = tpu.memref_slice %arg7[%dma_start3A_30, %dma_start3A_37] : memref<64x64xi32, #tpu.memory_space<vmem>> -> memref<1x64xi32, #tpu.memory_space<vmem>>
      %dma_start3A_39 = tpu.memref_squeeze %dma_start3A_38 : memref<1x64xi32, #tpu.memory_space<vmem>> -> memref<64xi32, #tpu.memory_space<vmem>>
      %dma_start3A_40 = arith.constant 0 : i32
      %dma_start3A_41 = arith.constant 0 : i32
      %dma_start3A_42 = tpu.memref_slice %arg2[%dma_start3A_40, %dma_start3A_41] : memref<40000x128xf32, #tpu.memory_space<hbm>> -> memref<40000x128xf32, #tpu.memory_space<hbm>>
      %dma_start3A_43 = tpu.memref_slice %arg11[%dma_start3A_32] : memref<4x!tpu.dma_semaphore, #tpu.memory_space<semaphore_mem>> -> memref<1x!tpu.dma_semaphore, #tpu.memory_space<semaphore_mem>>
      %dma_start3A_44 = tpu.memref_squeeze %dma_start3A_43 : memref<1x!tpu.dma_semaphore, #tpu.memory_space<semaphore_mem>> -> memref<!tpu.dma_semaphore, #tpu.memory_space<semaphore_mem>>
      tpu.enqueue_indirect_dma source(%dma_start3A_42 : memref<40000x128xf32, #tpu.memory_space<hbm>>) target(%dma_start3A_36 : memref<64x128xf32, #tpu.memory_space<vmem>>) offsets(%dma_start3A_39 : memref<64xi32, #tpu.memory_space<vmem>>) semaphore(%dma_start3A_44 : memref<!tpu.dma_semaphore, #tpu.memory_space<semaphore_mem>>)
      %dma_start3A_45 = arith.constant 2 : i32
      %dma_start3A_46 = arith.constant 2 : i32
      %dma_start3A_47 = arith.constant 2 : i32
      %dma_start3A_48 = arith.constant 0 : i32
      %dma_start3A_49 = arith.constant 0 : i32
      %dma_start3A_50 = tpu.memref_slice %arg9[%dma_start3A_46, %dma_start3A_48, %dma_start3A_49] : memref<4x64x128xf32, #tpu.memory_space<vmem>> -> memref<1x64x128xf32, #tpu.memory_space<vmem>>
      %dma_start3A_51 = tpu.memref_squeeze %dma_start3A_50 : memref<1x64x128xf32, #tpu.memory_space<vmem>> -> memref<64x128xf32, #tpu.memory_space<vmem>>
      %dma_start3A_52 = arith.constant 0 : i32
      %dma_start3A_53 = tpu.memref_slice %arg7[%dma_start3A_45, %dma_start3A_52] : memref<64x64xi32, #tpu.memory_space<vmem>> -> memref<1x64xi32, #tpu.memory_space<vmem>>
      %dma_start3A_54 = tpu.memref_squeeze %dma_start3A_53 : memref<1x64xi32, #tpu.memory_space<vmem>> -> memref<64xi32, #tpu.memory_space<vmem>>
      %dma_start3A_55 = arith.constant 0 : i32
      %dma_start3A_56 = arith.constant 0 : i32
      %dma_start3A_57 = tpu.memref_slice %arg2[%dma_start3A_55, %dma_start3A_56] : memref<40000x128xf32, #tpu.memory_space<hbm>> -> memref<40000x128xf32, #tpu.memory_space<hbm>>
      %dma_start3A_58 = tpu.memref_slice %arg11[%dma_start3A_47] : memref<4x!tpu.dma_semaphore, #tpu.memory_space<semaphore_mem>> -> memref<1x!tpu.dma_semaphore, #tpu.memory_space<semaphore_mem>>
      %dma_start3A_59 = tpu.memref_squeeze %dma_start3A_58 : memref<1x!tpu.dma_semaphore, #tpu.memory_space<semaphore_mem>> -> memref<!tpu.dma_semaphore, #tpu.memory_space<semaphore_mem>>
      tpu.enqueue_indirect_dma source(%dma_start3A_57 : memref<40000x128xf32, #tpu.memory_space<hbm>>) target(%dma_start3A_51 : memref<64x128xf32, #tpu.memory_space<vmem>>) offsets(%dma_start3A_54 : memref<64xi32, #tpu.memory_space<vmem>>) semaphore(%dma_start3A_59 : memref<!tpu.dma_semaphore, #tpu.memory_space<semaphore_mem>>)
      %dma_start3A_60 = arith.constant 3 : i32
      %dma_start3A_61 = arith.constant 3 : i32
      %dma_start3A_62 = arith.constant 3 : i32
      %dma_start3A_63 = arith.constant 0 : i32
      %dma_start3A_64 = arith.constant 0 : i32
      %dma_start3A_65 = tpu.memref_slice %arg9[%dma_start3A_61, %dma_start3A_63, %dma_start3A_64] : memref<4x64x128xf32, #tpu.memory_space<vmem>> -> memref<1x64x128xf32, #tpu.memory_space<vmem>>
      %dma_start3A_66 = tpu.memref_squeeze %dma_start3A_65 : memref<1x64x128xf32, #tpu.memory_space<vmem>> -> memref<64x128xf32, #tpu.memory_space<vmem>>
      %dma_start3A_67 = arith.constant 0 : i32
      %dma_start3A_68 = tpu.memref_slice %arg7[%dma_start3A_60, %dma_start3A_67] : memref<64x64xi32, #tpu.memory_space<vmem>> -> memref<1x64xi32, #tpu.memory_space<vmem>>
      %dma_start3A_69 = tpu.memref_squeeze %dma_start3A_68 : memref<1x64xi32, #tpu.memory_space<vmem>> -> memref<64xi32, #tpu.memory_space<vmem>>
      %dma_start3A_70 = arith.constant 0 : i32
      %dma_start3A_71 = arith.constant 0 : i32
      %dma_start3A_72 = tpu.memref_slice %arg2[%dma_start3A_70, %dma_start3A_71] : memref<40000x128xf32, #tpu.memory_space<hbm>> -> memref<40000x128xf32, #tpu.memory_space<hbm>>
      %dma_start3A_73 = tpu.memref_slice %arg11[%dma_start3A_62] : memref<4x!tpu.dma_semaphore, #tpu.memory_space<semaphore_mem>> -> memref<1x!tpu.dma_semaphore, #tpu.memory_space<semaphore_mem>>
      %dma_start3A_74 = tpu.memref_squeeze %dma_start3A_73 : memref<1x!tpu.dma_semaphore, #tpu.memory_space<semaphore_mem>> -> memref<!tpu.dma_semaphore, #tpu.memory_space<semaphore_mem>>
      tpu.enqueue_indirect_dma source(%dma_start3A_72 : memref<40000x128xf32, #tpu.memory_space<hbm>>) target(%dma_start3A_66 : memref<64x128xf32, #tpu.memory_space<vmem>>) offsets(%dma_start3A_69 : memref<64xi32, #tpu.memory_space<vmem>>) semaphore(%dma_start3A_74 : memref<!tpu.dma_semaphore, #tpu.memory_space<semaphore_mem>>)
      %scan3A_75 = arith.constant 0 : i32
      %scan3A_76 = arith.constant 0 : i32
      %scan3A_77 = arith.constant 64 : i32
      %scan3A_78 = arith.addi %scan3A_76, %scan3A_77 : i32
      %scan3A_79 = arith.constant 1 : i32
      %scan3A_80 = scf.for %scan3A_142 = %scan3A_76 to %scan3A_78 step %scan3A_79 iter_args(%scan3A_143 = %scan3A_75) -> (i32)  : i32 {
        %rem3A = arith.constant 4 : i32
        %rem3A_144 = arith.remsi %scan3A_142, %rem3A : i32
        %dma_wait3A_145 = arith.constant 0 : i32
        %dma_wait3A_146 = arith.constant 0 : i32
        %dma_wait3A_147 = tpu.memref_slice %arg9[%rem3A_144, %dma_wait3A_145, %dma_wait3A_146] : memref<4x64x128xf32, #tpu.memory_space<vmem>> -> memref<1x64x128xf32, #tpu.memory_space<vmem>>
        %dma_wait3A_148 = tpu.memref_squeeze %dma_wait3A_147 : memref<1x64x128xf32, #tpu.memory_space<vmem>> -> memref<64x128xf32, #tpu.memory_space<vmem>>
        %dma_wait3A_149 = arith.constant 0 : i32
        %dma_wait3A_150 = tpu.memref_slice %arg7[%scan3A_142, %dma_wait3A_149] : memref<64x64xi32, #tpu.memory_space<vmem>> -> memref<1x64xi32, #tpu.memory_space<vmem>>
        %dma_wait3A_151 = tpu.memref_squeeze %dma_wait3A_150 : memref<1x64xi32, #tpu.memory_space<vmem>> -> memref<64xi32, #tpu.memory_space<vmem>>
        %dma_wait3A_152 = arith.constant 0 : i32
        %dma_wait3A_153 = arith.constant 0 : i32
        %dma_wait3A_154 = tpu.memref_slice %arg2[%dma_wait3A_152, %dma_wait3A_153] : memref<40000x128xf32, #tpu.memory_space<hbm>> -> memref<40000x128xf32, #tpu.memory_space<hbm>>
        %dma_wait3A_155 = tpu.memref_slice %arg11[%rem3A_144] : memref<4x!tpu.dma_semaphore, #tpu.memory_space<semaphore_mem>> -> memref<1x!tpu.dma_semaphore, #tpu.memory_space<semaphore_mem>>
        %dma_wait3A_156 = tpu.memref_squeeze %dma_wait3A_155 : memref<1x!tpu.dma_semaphore, #tpu.memory_space<semaphore_mem>> -> memref<!tpu.dma_semaphore, #tpu.memory_space<semaphore_mem>>
        tpu.wait_indirect_dma semaphore(%dma_wait3A_156 : memref<!tpu.dma_semaphore, #tpu.memory_space<semaphore_mem>>) src(%dma_wait3A_154 : memref<40000x128xf32, #tpu.memory_space<hbm>>) dst(%dma_wait3A_148 : memref<64x128xf32, #tpu.memory_space<vmem>>)
        %dma_start3A_157 = arith.constant 0 : i32
        %dma_start3A_158 = arith.constant 0 : i32
        %dma_start3A_159 = tpu.memref_slice %arg9[%rem3A_144, %dma_start3A_157, %dma_start3A_158] : memref<4x64x128xf32, #tpu.memory_space<vmem>> -> memref<1x64x128xf32, #tpu.memory_space<vmem>>
        %dma_start3A_160 = tpu.memref_squeeze %dma_start3A_159 : memref<1x64x128xf32, #tpu.memory_space<vmem>> -> memref<64x128xf32, #tpu.memory_space<vmem>>
        %dma_start3A_161 = arith.constant 0 : i32
        %dma_start3A_162 = tpu.memref_slice %arg8[%scan3A_142, %dma_start3A_161] : memref<64x64xi32, #tpu.memory_space<vmem>> -> memref<1x64xi32, #tpu.memory_space<vmem>>
        %dma_start3A_163 = tpu.memref_squeeze %dma_start3A_162 : memref<1x64xi32, #tpu.memory_space<vmem>> -> memref<64xi32, #tpu.memory_space<vmem>>
        %dma_start3A_164 = arith.constant 0 : i32
        %dma_start3A_165 = arith.constant 0 : i32
        %dma_start3A_166 = tpu.memref_slice %arg10[%dma_start3A_164, %dma_start3A_165] : memref<10112x128xf32, #tpu.memory_space<vmem_shared>> -> memref<10112x128xf32, #tpu.memory_space<vmem_shared>>
        %dma_start3A_167 = tpu.memref_slice %arg12[%rem3A_144] : memref<4x!tpu.dma_semaphore, #tpu.memory_space<semaphore_mem>> -> memref<1x!tpu.dma_semaphore, #tpu.memory_space<semaphore_mem>>
        %dma_start3A_168 = tpu.memref_squeeze %dma_start3A_167 : memref<1x!tpu.dma_semaphore, #tpu.memory_space<semaphore_mem>> -> memref<!tpu.dma_semaphore, #tpu.memory_space<semaphore_mem>>
        tpu.enqueue_indirect_dma source(%dma_start3A_160 : memref<64x128xf32, #tpu.memory_space<vmem>>) target(%dma_start3A_166 : memref<10112x128xf32, #tpu.memory_space<vmem_shared>>) offsets(%dma_start3A_163 : memref<64xi32, #tpu.memory_space<vmem>>) semaphore(%dma_start3A_168 : memref<!tpu.dma_semaphore, #tpu.memory_space<semaphore_mem>>) {add = true}
        %add3A_169 = arith.constant 4 : i32
        %add3A_170 = arith.addi %scan3A_142, %add3A_169 : i32
        %lt3A = arith.constant 64 : i32
        %lt3A_171 = arith.cmpi slt, %add3A_170, %lt3A : i32
        %convert_element_type3A = arith.extui %lt3A_171 : i1 to i32
        %cond3A = arith.constant 0 : i32
        %cond3A_172 = arith.cmpi ne, %convert_element_type3A, %cond3A : i32
        scf.if %cond3A_172 {
          %dma_wait3A_174 = arith.constant 0 : i32
          %dma_wait3A_175 = arith.constant 0 : i32
          %dma_wait3A_176 = tpu.memref_slice %arg9[%rem3A_144, %dma_wait3A_174, %dma_wait3A_175] : memref<4x64x128xf32, #tpu.memory_space<vmem>> -> memref<1x64x128xf32, #tpu.memory_space<vmem>>
          %dma_wait3A_177 = tpu.memref_squeeze %dma_wait3A_176 : memref<1x64x128xf32, #tpu.memory_space<vmem>> -> memref<64x128xf32, #tpu.memory_space<vmem>>
          %dma_wait3A_178 = arith.constant 0 : i32
          %dma_wait3A_179 = tpu.memref_slice %arg8[%scan3A_142, %dma_wait3A_178] : memref<64x64xi32, #tpu.memory_space<vmem>> -> memref<1x64xi32, #tpu.memory_space<vmem>>
          %dma_wait3A_180 = tpu.memref_squeeze %dma_wait3A_179 : memref<1x64xi32, #tpu.memory_space<vmem>> -> memref<64xi32, #tpu.memory_space<vmem>>
          %dma_wait3A_181 = arith.constant 0 : i32
          %dma_wait3A_182 = arith.constant 0 : i32
          %dma_wait3A_183 = tpu.memref_slice %arg10[%dma_wait3A_181, %dma_wait3A_182] : memref<10112x128xf32, #tpu.memory_space<vmem_shared>> -> memref<10112x128xf32, #tpu.memory_space<vmem_shared>>
          %dma_wait3A_184 = tpu.memref_slice %arg12[%rem3A_144] : memref<4x!tpu.dma_semaphore, #tpu.memory_space<semaphore_mem>> -> memref<1x!tpu.dma_semaphore, #tpu.memory_space<semaphore_mem>>
          %dma_wait3A_185 = tpu.memref_squeeze %dma_wait3A_184 : memref<1x!tpu.dma_semaphore, #tpu.memory_space<semaphore_mem>> -> memref<!tpu.dma_semaphore, #tpu.memory_space<semaphore_mem>>
          tpu.wait_indirect_dma semaphore(%dma_wait3A_185 : memref<!tpu.dma_semaphore, #tpu.memory_space<semaphore_mem>>) src(%dma_wait3A_177 : memref<64x128xf32, #tpu.memory_space<vmem>>) dst(%dma_wait3A_183 : memref<10112x128xf32, #tpu.memory_space<vmem_shared>>)
          %add3A_186 = arith.constant 4 : i32
          %add3A_187 = arith.addi %scan3A_142, %add3A_186 : i32
          %dma_start3A_188 = arith.constant 0 : i32
          %dma_start3A_189 = arith.constant 0 : i32
          %dma_start3A_190 = tpu.memref_slice %arg9[%rem3A_144, %dma_start3A_188, %dma_start3A_189] : memref<4x64x128xf32, #tpu.memory_space<vmem>> -> memref<1x64x128xf32, #tpu.memory_space<vmem>>
          %dma_start3A_191 = tpu.memref_squeeze %dma_start3A_190 : memref<1x64x128xf32, #tpu.memory_space<vmem>> -> memref<64x128xf32, #tpu.memory_space<vmem>>
          %dma_start3A_192 = arith.constant 0 : i32
          %dma_start3A_193 = tpu.memref_slice %arg7[%add3A_187, %dma_start3A_192] : memref<64x64xi32, #tpu.memory_space<vmem>> -> memref<1x64xi32, #tpu.memory_space<vmem>>
          %dma_start3A_194 = tpu.memref_squeeze %dma_start3A_193 : memref<1x64xi32, #tpu.memory_space<vmem>> -> memref<64xi32, #tpu.memory_space<vmem>>
          %dma_start3A_195 = arith.constant 0 : i32
          %dma_start3A_196 = arith.constant 0 : i32
          %dma_start3A_197 = tpu.memref_slice %arg2[%dma_start3A_195, %dma_start3A_196] : memref<40000x128xf32, #tpu.memory_space<hbm>> -> memref<40000x128xf32, #tpu.memory_space<hbm>>
          %dma_start3A_198 = tpu.memref_slice %arg11[%rem3A_144] : memref<4x!tpu.dma_semaphore, #tpu.memory_space<semaphore_mem>> -> memref<1x!tpu.dma_semaphore, #tpu.memory_space<semaphore_mem>>
          %dma_start3A_199 = tpu.memref_squeeze %dma_start3A_198 : memref<1x!tpu.dma_semaphore, #tpu.memory_space<semaphore_mem>> -> memref<!tpu.dma_semaphore, #tpu.memory_space<semaphore_mem>>
          tpu.enqueue_indirect_dma source(%dma_start3A_197 : memref<40000x128xf32, #tpu.memory_space<hbm>>) target(%dma_start3A_191 : memref<64x128xf32, #tpu.memory_space<vmem>>) offsets(%dma_start3A_194 : memref<64xi32, #tpu.memory_space<vmem>>) semaphore(%dma_start3A_199 : memref<!tpu.dma_semaphore, #tpu.memory_space<semaphore_mem>>)
        } else {
        }
        %scan3A_173 = arith.constant 0 : i32
        scf.yield %scan3A_173 : i32
      }
      %scan3A_81 = arith.constant 64 : i32
      %dma_wait3A = arith.constant 0 : i32
      %dma_wait3A_82 = arith.constant 60 : i32
      %dma_wait3A_83 = arith.constant 0 : i32
      %dma_wait3A_84 = arith.constant 0 : i32
      %dma_wait3A_85 = arith.constant 0 : i32
      %dma_wait3A_86 = tpu.memref_slice %arg9[%dma_wait3A, %dma_wait3A_84, %dma_wait3A_85] : memref<4x64x128xf32, #tpu.memory_space<vmem>> -> memref<1x64x128xf32, #tpu.memory_space<vmem>>
      %dma_wait3A_87 = tpu.memref_squeeze %dma_wait3A_86 : memref<1x64x128xf32, #tpu.memory_space<vmem>> -> memref<64x128xf32, #tpu.memory_space<vmem>>
      %dma_wait3A_88 = arith.constant 0 : i32
      %dma_wait3A_89 = tpu.memref_slice %arg8[%dma_wait3A_82, %dma_wait3A_88] : memref<64x64xi32, #tpu.memory_space<vmem>> -> memref<1x64xi32, #tpu.memory_space<vmem>>
      %dma_wait3A_90 = tpu.memref_squeeze %dma_wait3A_89 : memref<1x64xi32, #tpu.memory_space<vmem>> -> memref<64xi32, #tpu.memory_space<vmem>>
      %dma_wait3A_91 = arith.constant 0 : i32
      %dma_wait3A_92 = arith.constant 0 : i32
      %dma_wait3A_93 = tpu.memref_slice %arg10[%dma_wait3A_91, %dma_wait3A_92] : memref<10112x128xf32, #tpu.memory_space<vmem_shared>> -> memref<10112x128xf32, #tpu.memory_space<vmem_shared>>
      %dma_wait3A_94 = tpu.memref_slice %arg12[%dma_wait3A_83] : memref<4x!tpu.dma_semaphore, #tpu.memory_space<semaphore_mem>> -> memref<1x!tpu.dma_semaphore, #tpu.memory_space<semaphore_mem>>
      %dma_wait3A_95 = tpu.memref_squeeze %dma_wait3A_94 : memref<1x!tpu.dma_semaphore, #tpu.memory_space<semaphore_mem>> -> memref<!tpu.dma_semaphore, #tpu.memory_space<semaphore_mem>>
      tpu.wait_indirect_dma semaphore(%dma_wait3A_95 : memref<!tpu.dma_semaphore, #tpu.memory_space<semaphore_mem>>) src(%dma_wait3A_87 : memref<64x128xf32, #tpu.memory_space<vmem>>) dst(%dma_wait3A_93 : memref<10112x128xf32, #tpu.memory_space<vmem_shared>>)
      %dma_wait3A_96 = arith.constant 1 : i32
      %dma_wait3A_97 = arith.constant 61 : i32
      %dma_wait3A_98 = arith.constant 1 : i32
      %dma_wait3A_99 = arith.constant 0 : i32
      %dma_wait3A_100 = arith.constant 0 : i32
      %dma_wait3A_101 = tpu.memref_slice %arg9[%dma_wait3A_96, %dma_wait3A_99, %dma_wait3A_100] : memref<4x64x128xf32, #tpu.memory_space<vmem>> -> memref<1x64x128xf32, #tpu.memory_space<vmem>>
      %dma_wait3A_102 = tpu.memref_squeeze %dma_wait3A_101 : memref<1x64x128xf32, #tpu.memory_space<vmem>> -> memref<64x128xf32, #tpu.memory_space<vmem>>
      %dma_wait3A_103 = arith.constant 0 : i32
      %dma_wait3A_104 = tpu.memref_slice %arg8[%dma_wait3A_97, %dma_wait3A_103] : memref<64x64xi32, #tpu.memory_space<vmem>> -> memref<1x64xi32, #tpu.memory_space<vmem>>
      %dma_wait3A_105 = tpu.memref_squeeze %dma_wait3A_104 : memref<1x64xi32, #tpu.memory_space<vmem>> -> memref<64xi32, #tpu.memory_space<vmem>>
      %dma_wait3A_106 = arith.constant 0 : i32
      %dma_wait3A_107 = arith.constant 0 : i32
      %dma_wait3A_108 = tpu.memref_slice %arg10[%dma_wait3A_106, %dma_wait3A_107] : memref<10112x128xf32, #tpu.memory_space<vmem_shared>> -> memref<10112x128xf32, #tpu.memory_space<vmem_shared>>
      %dma_wait3A_109 = tpu.memref_slice %arg12[%dma_wait3A_98] : memref<4x!tpu.dma_semaphore, #tpu.memory_space<semaphore_mem>> -> memref<1x!tpu.dma_semaphore, #tpu.memory_space<semaphore_mem>>
      %dma_wait3A_110 = tpu.memref_squeeze %dma_wait3A_109 : memref<1x!tpu.dma_semaphore, #tpu.memory_space<semaphore_mem>> -> memref<!tpu.dma_semaphore, #tpu.memory_space<semaphore_mem>>
      tpu.wait_indirect_dma semaphore(%dma_wait3A_110 : memref<!tpu.dma_semaphore, #tpu.memory_space<semaphore_mem>>) src(%dma_wait3A_102 : memref<64x128xf32, #tpu.memory_space<vmem>>) dst(%dma_wait3A_108 : memref<10112x128xf32, #tpu.memory_space<vmem_shared>>)
      %dma_wait3A_111 = arith.constant 2 : i32
      %dma_wait3A_112 = arith.constant 62 : i32
      %dma_wait3A_113 = arith.constant 2 : i32
      %dma_wait3A_114 = arith.constant 0 : i32
      %dma_wait3A_115 = arith.constant 0 : i32
      %dma_wait3A_116 = tpu.memref_slice %arg9[%dma_wait3A_111, %dma_wait3A_114, %dma_wait3A_115] : memref<4x64x128xf32, #tpu.memory_space<vmem>> -> memref<1x64x128xf32, #tpu.memory_space<vmem>>
      %dma_wait3A_117 = tpu.memref_squeeze %dma_wait3A_116 : memref<1x64x128xf32, #tpu.memory_space<vmem>> -> memref<64x128xf32, #tpu.memory_space<vmem>>
      %dma_wait3A_118 = arith.constant 0 : i32
      %dma_wait3A_119 = tpu.memref_slice %arg8[%dma_wait3A_112, %dma_wait3A_118] : memref<64x64xi32, #tpu.memory_space<vmem>> -> memref<1x64xi32, #tpu.memory_space<vmem>>
      %dma_wait3A_120 = tpu.memref_squeeze %dma_wait3A_119 : memref<1x64xi32, #tpu.memory_space<vmem>> -> memref<64xi32, #tpu.memory_space<vmem>>
      %dma_wait3A_121 = arith.constant 0 : i32
      %dma_wait3A_122 = arith.constant 0 : i32
      %dma_wait3A_123 = tpu.memref_slice %arg10[%dma_wait3A_121, %dma_wait3A_122] : memref<10112x128xf32, #tpu.memory_space<vmem_shared>> -> memref<10112x128xf32, #tpu.memory_space<vmem_shared>>
      %dma_wait3A_124 = tpu.memref_slice %arg12[%dma_wait3A_113] : memref<4x!tpu.dma_semaphore, #tpu.memory_space<semaphore_mem>> -> memref<1x!tpu.dma_semaphore, #tpu.memory_space<semaphore_mem>>
      %dma_wait3A_125 = tpu.memref_squeeze %dma_wait3A_124 : memref<1x!tpu.dma_semaphore, #tpu.memory_space<semaphore_mem>> -> memref<!tpu.dma_semaphore, #tpu.memory_space<semaphore_mem>>
      tpu.wait_indirect_dma semaphore(%dma_wait3A_125 : memref<!tpu.dma_semaphore, #tpu.memory_space<semaphore_mem>>) src(%dma_wait3A_117 : memref<64x128xf32, #tpu.memory_space<vmem>>) dst(%dma_wait3A_123 : memref<10112x128xf32, #tpu.memory_space<vmem_shared>>)
      %dma_wait3A_126 = arith.constant 3 : i32
      %dma_wait3A_127 = arith.constant 63 : i32
      %dma_wait3A_128 = arith.constant 3 : i32
      %dma_wait3A_129 = arith.constant 0 : i32
      %dma_wait3A_130 = arith.constant 0 : i32
      %dma_wait3A_131 = tpu.memref_slice %arg9[%dma_wait3A_126, %dma_wait3A_129, %dma_wait3A_130] : memref<4x64x128xf32, #tpu.memory_space<vmem>> -> memref<1x64x128xf32, #tpu.memory_space<vmem>>
      %dma_wait3A_132 = tpu.memref_squeeze %dma_wait3A_131 : memref<1x64x128xf32, #tpu.memory_space<vmem>> -> memref<64x128xf32, #tpu.memory_space<vmem>>
      %dma_wait3A_133 = arith.constant 0 : i32
      %dma_wait3A_134 = tpu.memref_slice %arg8[%dma_wait3A_127, %dma_wait3A_133] : memref<64x64xi32, #tpu.memory_space<vmem>> -> memref<1x64xi32, #tpu.memory_space<vmem>>
      %dma_wait3A_135 = tpu.memref_squeeze %dma_wait3A_134 : memref<1x64xi32, #tpu.memory_space<vmem>> -> memref<64xi32, #tpu.memory_space<vmem>>
      %dma_wait3A_136 = arith.constant 0 : i32
      %dma_wait3A_137 = arith.constant 0 : i32
      %dma_wait3A_138 = tpu.memref_slice %arg10[%dma_wait3A_136, %dma_wait3A_137] : memref<10112x128xf32, #tpu.memory_space<vmem_shared>> -> memref<10112x128xf32, #tpu.memory_space<vmem_shared>>
      %dma_wait3A_139 = tpu.memref_slice %arg12[%dma_wait3A_128] : memref<4x!tpu.dma_semaphore, #tpu.memory_space<semaphore_mem>> -> memref<1x!tpu.dma_semaphore, #tpu.memory_space<semaphore_mem>>
      %dma_wait3A_140 = tpu.memref_squeeze %dma_wait3A_139 : memref<1x!tpu.dma_semaphore, #tpu.memory_space<semaphore_mem>> -> memref<!tpu.dma_semaphore, #tpu.memory_space<semaphore_mem>>
      tpu.wait_indirect_dma semaphore(%dma_wait3A_140 : memref<!tpu.dma_semaphore, #tpu.memory_space<semaphore_mem>>) src(%dma_wait3A_132 : memref<64x128xf32, #tpu.memory_space<vmem>>) dst(%dma_wait3A_138 : memref<10112x128xf32, #tpu.memory_space<vmem_shared>>)
      %scan3A_141 = arith.constant 0 : i32
      scf.yield %scan3A_141 : i32
    }
    %scan3A_8 = arith.constant 5 : i32
    %barrier3A_9 = arith.constant 0 : index
    tpu.barrier barrier_id(%barrier3A_9)
    "tpu.region"() ({
      %run_scoped3A = tpu.sem_alloc : memref<!tpu.dma_semaphore, #tpu.memory_space<semaphore_mem>>
      %dma_start3A = arith.constant 0 : i32
      %dma_start3A_10 = tpu.memref_slice %arg6[%arg0, %mul3A_2, %dma_start3A] : memref<2x10112x128xf32, #tpu.memory_space<hbm>> -> memref<1x632x128xf32, #tpu.memory_space<hbm>>
      %dma_start3A_11 = tpu.memref_squeeze %dma_start3A_10 : memref<1x632x128xf32, #tpu.memory_space<hbm>> -> memref<632x128xf32, #tpu.memory_space<hbm>>
      %dma_start3A_12 = arith.constant 0 : i32
      %dma_start3A_13 = tpu.memref_slice %arg10[%mul3A_2, %dma_start3A_12] : memref<10112x128xf32, #tpu.memory_space<vmem_shared>> -> memref<632x128xf32, #tpu.memory_space<vmem_shared>>
      tpu.enqueue_dma source(%dma_start3A_13 : memref<632x128xf32, #tpu.memory_space<vmem_shared>>) target(%dma_start3A_11 : memref<632x128xf32, #tpu.memory_space<hbm>>) target_semaphore(%run_scoped3A : memref<!tpu.dma_semaphore, #tpu.memory_space<semaphore_mem>>)
      %dma_wait3A = arith.constant 0 : i32
      %dma_wait3A_14 = tpu.memref_slice %arg6[%arg0, %mul3A_2, %dma_wait3A] : memref<2x10112x128xf32, #tpu.memory_space<hbm>> -> memref<1x632x128xf32, #tpu.memory_space<hbm>>
      %dma_wait3A_15 = tpu.memref_squeeze %dma_wait3A_14 : memref<1x632x128xf32, #tpu.memory_space<hbm>> -> memref<632x128xf32, #tpu.memory_space<hbm>>
      %dma_wait3A_16 = arith.constant 0 : i32
      %dma_wait3A_17 = tpu.memref_slice %arg10[%mul3A_2, %dma_wait3A_16] : memref<10112x128xf32, #tpu.memory_space<vmem_shared>> -> memref<632x128xf32, #tpu.memory_space<vmem_shared>>
      tpu.wait_dma2 semaphore(%run_scoped3A : memref<!tpu.dma_semaphore, #tpu.memory_space<semaphore_mem>>) src(%dma_wait3A_17 : memref<632x128xf32, #tpu.memory_space<vmem_shared>>) dst(%dma_wait3A_15 : memref<632x128xf32, #tpu.memory_space<hbm>>)
      tpu.yield
    }) : () -> ()
    return
  }
}

#map = affine_map<(d0, d1) -> (0, 0)>
#map1 = affine_map<(d0, d1) -> (0, 0, 0)>
module attributes {stable_mosaic.version = 14 : i64} {
  func.func @_sc_edge_body(%arg0: i32, %arg1: i32, %arg2: memref<40000x128xf32, #tpu.memory_space<hbm>>, %arg3: memref<32x320x64xi32, #tpu.memory_space<hbm>>, %arg4: memref<32x320x64xi32, #tpu.memory_space<hbm>>, %arg5: memref<10112x128xf32, #tpu.memory_space<hbm>>, %arg6: memref<2x10112x128xf32, #tpu.memory_space<hbm>>, %arg7: memref<64x64xi32, #tpu.memory_space<vmem>>, %arg8: memref<64x64xi32, #tpu.memory_space<vmem>>, %arg9: memref<4x64x128xf32, #tpu.memory_space<vmem>>, %arg10: memref<10112x128xf32, #tpu.memory_space<vmem_shared>>, %arg11: memref<4x!tpu.dma_semaphore, #tpu.memory_space<semaphore_mem>>, %arg12: memref<4x!tpu.dma_semaphore, #tpu.memory_space<semaphore_mem>>) attributes {dimension_semantics = [#tpu.dimension_semantics<core_parallel>, #tpu.dimension_semantics<subcore_parallel>], iteration_bounds = array<i64: 2, 16>, scalar_prefetch = 0 : i64, scratch_operands = 6 : i64, tpu.core_type = #tpu.core_type<sc_vector_subcore>, window_params = [{transform_indices = #map}, {transform_indices = #map1}, {transform_indices = #map1}, {transform_indices = #map}, {transform_indices = #map1}]} {
    %mul3A = arith.constant 16 : i32
    %mul3A_0 = arith.muli %arg0, %mul3A : i32
    %add3A = arith.addi %mul3A_0, %arg1 : i32
    %mul3A_1 = arith.constant 632 : i32
    %mul3A_2 = arith.muli %arg1, %mul3A_1 : i32
    "tpu.region"() ({
      %run_scoped3A = tpu.sem_alloc : memref<!tpu.dma_semaphore, #tpu.memory_space<semaphore_mem>>
      %dma_start3A = arith.constant 0 : i32
      %dma_start3A_10 = tpu.memref_slice %arg10[%mul3A_2, %dma_start3A] : memref<10112x128xf32, #tpu.memory_space<vmem_shared>> -> memref<632x128xf32, #tpu.memory_space<vmem_shared>>
      %dma_start3A_11 = arith.constant 0 : i32
      %dma_start3A_12 = tpu.memref_slice %arg5[%mul3A_2, %dma_start3A_11] : memref<10112x128xf32, #tpu.memory_space<hbm>> -> memref<632x128xf32, #tpu.memory_space<hbm>>
      tpu.enqueue_dma source(%dma_start3A_12 : memref<632x128xf32, #tpu.memory_space<hbm>>) target(%dma_start3A_10 : memref<632x128xf32, #tpu.memory_space<vmem_shared>>) target_semaphore(%run_scoped3A : memref<!tpu.dma_semaphore, #tpu.memory_space<semaphore_mem>>)
      %dma_wait3A = arith.constant 0 : i32
      %dma_wait3A_13 = tpu.memref_slice %arg10[%mul3A_2, %dma_wait3A] : memref<10112x128xf32, #tpu.memory_space<vmem_shared>> -> memref<632x128xf32, #tpu.memory_space<vmem_shared>>
      %dma_wait3A_14 = arith.constant 0 : i32
      %dma_wait3A_15 = tpu.memref_slice %arg5[%mul3A_2, %dma_wait3A_14] : memref<10112x128xf32, #tpu.memory_space<hbm>> -> memref<632x128xf32, #tpu.memory_space<hbm>>
      tpu.wait_dma2 semaphore(%run_scoped3A : memref<!tpu.dma_semaphore, #tpu.memory_space<semaphore_mem>>) src(%dma_wait3A_15 : memref<632x128xf32, #tpu.memory_space<hbm>>) dst(%dma_wait3A_13 : memref<632x128xf32, #tpu.memory_space<vmem_shared>>)
      tpu.yield
    }) : () -> ()
    %barrier3A = arith.constant 0 : index
    tpu.barrier barrier_id(%barrier3A)
    %scan3A = arith.constant 0 : i32
    %scan3A_3 = arith.constant 0 : i32
    %scan3A_4 = arith.constant 5 : i32
    %scan3A_5 = arith.addi %scan3A_3, %scan3A_4 : i32
    %scan3A_6 = arith.constant 1 : i32
    %scan3A_7 = scf.for %scan3A_10 = %scan3A_3 to %scan3A_5 step %scan3A_6 iter_args(%scan3A_11 = %scan3A) -> (i32)  : i32 {
      %mul3A_12 = arith.constant 64 : i32
      %mul3A_13 = arith.muli %scan3A_10, %mul3A_12 : i32
      "tpu.region"() ({
        %run_scoped3A = tpu.sem_alloc : memref<!tpu.dma_semaphore, #tpu.memory_space<semaphore_mem>>
        %dma_start3A_142 = arith.constant 0 : i32
        %dma_start3A_143 = tpu.memref_slice %arg3[%add3A, %mul3A_13, %dma_start3A_142] : memref<32x320x64xi32, #tpu.memory_space<hbm>> -> memref<1x64x64xi32, #tpu.memory_space<hbm>>
        %dma_start3A_144 = tpu.memref_squeeze %dma_start3A_143 : memref<1x64x64xi32, #tpu.memory_space<hbm>> -> memref<64x64xi32, #tpu.memory_space<hbm>>
        %dma_start3A_145 = arith.constant 0 : i32
        %dma_start3A_146 = tpu.memref_slice %arg3[%add3A, %mul3A_13, %dma_start3A_145] : memref<32x320x64xi32, #tpu.memory_space<hbm>> -> memref<1x64x64xi32, #tpu.memory_space<hbm>>
        %dma_start3A_147 = tpu.memref_squeeze %dma_start3A_146 : memref<1x64x64xi32, #tpu.memory_space<hbm>> -> memref<64x64xi32, #tpu.memory_space<hbm>>
        tpu.enqueue_dma source(%dma_start3A_147 : memref<64x64xi32, #tpu.memory_space<hbm>>) target(%arg7 : memref<64x64xi32, #tpu.memory_space<vmem>>) target_semaphore(%run_scoped3A : memref<!tpu.dma_semaphore, #tpu.memory_space<semaphore_mem>>)
        %dma_wait3A_148 = arith.constant 0 : i32
        %dma_wait3A_149 = tpu.memref_slice %arg3[%add3A, %mul3A_13, %dma_wait3A_148] : memref<32x320x64xi32, #tpu.memory_space<hbm>> -> memref<1x64x64xi32, #tpu.memory_space<hbm>>
        %dma_wait3A_150 = tpu.memref_squeeze %dma_wait3A_149 : memref<1x64x64xi32, #tpu.memory_space<hbm>> -> memref<64x64xi32, #tpu.memory_space<hbm>>
        %dma_wait3A_151 = arith.constant 0 : i32
        %dma_wait3A_152 = tpu.memref_slice %arg3[%add3A, %mul3A_13, %dma_wait3A_151] : memref<32x320x64xi32, #tpu.memory_space<hbm>> -> memref<1x64x64xi32, #tpu.memory_space<hbm>>
        %dma_wait3A_153 = tpu.memref_squeeze %dma_wait3A_152 : memref<1x64x64xi32, #tpu.memory_space<hbm>> -> memref<64x64xi32, #tpu.memory_space<hbm>>
        tpu.wait_dma2 semaphore(%run_scoped3A : memref<!tpu.dma_semaphore, #tpu.memory_space<semaphore_mem>>) src(%dma_wait3A_153 : memref<64x64xi32, #tpu.memory_space<hbm>>) dst(%arg7 : memref<64x64xi32, #tpu.memory_space<vmem>>)
        tpu.yield
      }) : () -> ()
      %mul3A_14 = arith.constant 64 : i32
      %mul3A_15 = arith.muli %scan3A_10, %mul3A_14 : i32
      "tpu.region"() ({
        %run_scoped3A = tpu.sem_alloc : memref<!tpu.dma_semaphore, #tpu.memory_space<semaphore_mem>>
        %dma_start3A_142 = arith.constant 0 : i32
        %dma_start3A_143 = tpu.memref_slice %arg4[%add3A, %mul3A_15, %dma_start3A_142] : memref<32x320x64xi32, #tpu.memory_space<hbm>> -> memref<1x64x64xi32, #tpu.memory_space<hbm>>
        %dma_start3A_144 = tpu.memref_squeeze %dma_start3A_143 : memref<1x64x64xi32, #tpu.memory_space<hbm>> -> memref<64x64xi32, #tpu.memory_space<hbm>>
        %dma_start3A_145 = arith.constant 0 : i32
        %dma_start3A_146 = tpu.memref_slice %arg4[%add3A, %mul3A_15, %dma_start3A_145] : memref<32x320x64xi32, #tpu.memory_space<hbm>> -> memref<1x64x64xi32, #tpu.memory_space<hbm>>
        %dma_start3A_147 = tpu.memref_squeeze %dma_start3A_146 : memref<1x64x64xi32, #tpu.memory_space<hbm>> -> memref<64x64xi32, #tpu.memory_space<hbm>>
        tpu.enqueue_dma source(%dma_start3A_147 : memref<64x64xi32, #tpu.memory_space<hbm>>) target(%arg8 : memref<64x64xi32, #tpu.memory_space<vmem>>) target_semaphore(%run_scoped3A : memref<!tpu.dma_semaphore, #tpu.memory_space<semaphore_mem>>)
        %dma_wait3A_148 = arith.constant 0 : i32
        %dma_wait3A_149 = tpu.memref_slice %arg4[%add3A, %mul3A_15, %dma_wait3A_148] : memref<32x320x64xi32, #tpu.memory_space<hbm>> -> memref<1x64x64xi32, #tpu.memory_space<hbm>>
        %dma_wait3A_150 = tpu.memref_squeeze %dma_wait3A_149 : memref<1x64x64xi32, #tpu.memory_space<hbm>> -> memref<64x64xi32, #tpu.memory_space<hbm>>
        %dma_wait3A_151 = arith.constant 0 : i32
        %dma_wait3A_152 = tpu.memref_slice %arg4[%add3A, %mul3A_15, %dma_wait3A_151] : memref<32x320x64xi32, #tpu.memory_space<hbm>> -> memref<1x64x64xi32, #tpu.memory_space<hbm>>
        %dma_wait3A_153 = tpu.memref_squeeze %dma_wait3A_152 : memref<1x64x64xi32, #tpu.memory_space<hbm>> -> memref<64x64xi32, #tpu.memory_space<hbm>>
        tpu.wait_dma2 semaphore(%run_scoped3A : memref<!tpu.dma_semaphore, #tpu.memory_space<semaphore_mem>>) src(%dma_wait3A_153 : memref<64x64xi32, #tpu.memory_space<hbm>>) dst(%arg8 : memref<64x64xi32, #tpu.memory_space<vmem>>)
        tpu.yield
      }) : () -> ()
      %dma_start3A = arith.constant 0 : i32
      %dma_start3A_16 = arith.constant 0 : i32
      %dma_start3A_17 = arith.constant 0 : i32
      %dma_start3A_18 = arith.constant 0 : i32
      %dma_start3A_19 = arith.constant 0 : i32
      %dma_start3A_20 = tpu.memref_slice %arg9[%dma_start3A_16, %dma_start3A_18, %dma_start3A_19] : memref<4x64x128xf32, #tpu.memory_space<vmem>> -> memref<1x64x128xf32, #tpu.memory_space<vmem>>
      %dma_start3A_21 = tpu.memref_squeeze %dma_start3A_20 : memref<1x64x128xf32, #tpu.memory_space<vmem>> -> memref<64x128xf32, #tpu.memory_space<vmem>>
      %dma_start3A_22 = arith.constant 0 : i32
      %dma_start3A_23 = tpu.memref_slice %arg7[%dma_start3A, %dma_start3A_22] : memref<64x64xi32, #tpu.memory_space<vmem>> -> memref<1x64xi32, #tpu.memory_space<vmem>>
      %dma_start3A_24 = tpu.memref_squeeze %dma_start3A_23 : memref<1x64xi32, #tpu.memory_space<vmem>> -> memref<64xi32, #tpu.memory_space<vmem>>
      %dma_start3A_25 = arith.constant 0 : i32
      %dma_start3A_26 = arith.constant 0 : i32
      %dma_start3A_27 = tpu.memref_slice %arg2[%dma_start3A_25, %dma_start3A_26] : memref<40000x128xf32, #tpu.memory_space<hbm>> -> memref<40000x128xf32, #tpu.memory_space<hbm>>
      %dma_start3A_28 = tpu.memref_slice %arg11[%dma_start3A_17] : memref<4x!tpu.dma_semaphore, #tpu.memory_space<semaphore_mem>> -> memref<1x!tpu.dma_semaphore, #tpu.memory_space<semaphore_mem>>
      %dma_start3A_29 = tpu.memref_squeeze %dma_start3A_28 : memref<1x!tpu.dma_semaphore, #tpu.memory_space<semaphore_mem>> -> memref<!tpu.dma_semaphore, #tpu.memory_space<semaphore_mem>>
      tpu.enqueue_indirect_dma source(%dma_start3A_27 : memref<40000x128xf32, #tpu.memory_space<hbm>>) target(%dma_start3A_21 : memref<64x128xf32, #tpu.memory_space<vmem>>) offsets(%dma_start3A_24 : memref<64xi32, #tpu.memory_space<vmem>>) semaphore(%dma_start3A_29 : memref<!tpu.dma_semaphore, #tpu.memory_space<semaphore_mem>>)
      %dma_start3A_30 = arith.constant 1 : i32
      %dma_start3A_31 = arith.constant 1 : i32
      %dma_start3A_32 = arith.constant 1 : i32
      %dma_start3A_33 = arith.constant 0 : i32
      %dma_start3A_34 = arith.constant 0 : i32
      %dma_start3A_35 = tpu.memref_slice %arg9[%dma_start3A_31, %dma_start3A_33, %dma_start3A_34] : memref<4x64x128xf32, #tpu.memory_space<vmem>> -> memref<1x64x128xf32, #tpu.memory_space<vmem>>
      %dma_start3A_36 = tpu.memref_squeeze %dma_start3A_35 : memref<1x64x128xf32, #tpu.memory_space<vmem>> -> memref<64x128xf32, #tpu.memory_space<vmem>>
      %dma_start3A_37 = arith.constant 0 : i32
      %dma_start3A_38 = tpu.memref_slice %arg7[%dma_start3A_30, %dma_start3A_37] : memref<64x64xi32, #tpu.memory_space<vmem>> -> memref<1x64xi32, #tpu.memory_space<vmem>>
      %dma_start3A_39 = tpu.memref_squeeze %dma_start3A_38 : memref<1x64xi32, #tpu.memory_space<vmem>> -> memref<64xi32, #tpu.memory_space<vmem>>
      %dma_start3A_40 = arith.constant 0 : i32
      %dma_start3A_41 = arith.constant 0 : i32
      %dma_start3A_42 = tpu.memref_slice %arg2[%dma_start3A_40, %dma_start3A_41] : memref<40000x128xf32, #tpu.memory_space<hbm>> -> memref<40000x128xf32, #tpu.memory_space<hbm>>
      %dma_start3A_43 = tpu.memref_slice %arg11[%dma_start3A_32] : memref<4x!tpu.dma_semaphore, #tpu.memory_space<semaphore_mem>> -> memref<1x!tpu.dma_semaphore, #tpu.memory_space<semaphore_mem>>
      %dma_start3A_44 = tpu.memref_squeeze %dma_start3A_43 : memref<1x!tpu.dma_semaphore, #tpu.memory_space<semaphore_mem>> -> memref<!tpu.dma_semaphore, #tpu.memory_space<semaphore_mem>>
      tpu.enqueue_indirect_dma source(%dma_start3A_42 : memref<40000x128xf32, #tpu.memory_space<hbm>>) target(%dma_start3A_36 : memref<64x128xf32, #tpu.memory_space<vmem>>) offsets(%dma_start3A_39 : memref<64xi32, #tpu.memory_space<vmem>>) semaphore(%dma_start3A_44 : memref<!tpu.dma_semaphore, #tpu.memory_space<semaphore_mem>>)
      %dma_start3A_45 = arith.constant 2 : i32
      %dma_start3A_46 = arith.constant 2 : i32
      %dma_start3A_47 = arith.constant 2 : i32
      %dma_start3A_48 = arith.constant 0 : i32
      %dma_start3A_49 = arith.constant 0 : i32
      %dma_start3A_50 = tpu.memref_slice %arg9[%dma_start3A_46, %dma_start3A_48, %dma_start3A_49] : memref<4x64x128xf32, #tpu.memory_space<vmem>> -> memref<1x64x128xf32, #tpu.memory_space<vmem>>
      %dma_start3A_51 = tpu.memref_squeeze %dma_start3A_50 : memref<1x64x128xf32, #tpu.memory_space<vmem>> -> memref<64x128xf32, #tpu.memory_space<vmem>>
      %dma_start3A_52 = arith.constant 0 : i32
      %dma_start3A_53 = tpu.memref_slice %arg7[%dma_start3A_45, %dma_start3A_52] : memref<64x64xi32, #tpu.memory_space<vmem>> -> memref<1x64xi32, #tpu.memory_space<vmem>>
      %dma_start3A_54 = tpu.memref_squeeze %dma_start3A_53 : memref<1x64xi32, #tpu.memory_space<vmem>> -> memref<64xi32, #tpu.memory_space<vmem>>
      %dma_start3A_55 = arith.constant 0 : i32
      %dma_start3A_56 = arith.constant 0 : i32
      %dma_start3A_57 = tpu.memref_slice %arg2[%dma_start3A_55, %dma_start3A_56] : memref<40000x128xf32, #tpu.memory_space<hbm>> -> memref<40000x128xf32, #tpu.memory_space<hbm>>
      %dma_start3A_58 = tpu.memref_slice %arg11[%dma_start3A_47] : memref<4x!tpu.dma_semaphore, #tpu.memory_space<semaphore_mem>> -> memref<1x!tpu.dma_semaphore, #tpu.memory_space<semaphore_mem>>
      %dma_start3A_59 = tpu.memref_squeeze %dma_start3A_58 : memref<1x!tpu.dma_semaphore, #tpu.memory_space<semaphore_mem>> -> memref<!tpu.dma_semaphore, #tpu.memory_space<semaphore_mem>>
      tpu.enqueue_indirect_dma source(%dma_start3A_57 : memref<40000x128xf32, #tpu.memory_space<hbm>>) target(%dma_start3A_51 : memref<64x128xf32, #tpu.memory_space<vmem>>) offsets(%dma_start3A_54 : memref<64xi32, #tpu.memory_space<vmem>>) semaphore(%dma_start3A_59 : memref<!tpu.dma_semaphore, #tpu.memory_space<semaphore_mem>>)
      %dma_start3A_60 = arith.constant 3 : i32
      %dma_start3A_61 = arith.constant 3 : i32
      %dma_start3A_62 = arith.constant 3 : i32
      %dma_start3A_63 = arith.constant 0 : i32
      %dma_start3A_64 = arith.constant 0 : i32
      %dma_start3A_65 = tpu.memref_slice %arg9[%dma_start3A_61, %dma_start3A_63, %dma_start3A_64] : memref<4x64x128xf32, #tpu.memory_space<vmem>> -> memref<1x64x128xf32, #tpu.memory_space<vmem>>
      %dma_start3A_66 = tpu.memref_squeeze %dma_start3A_65 : memref<1x64x128xf32, #tpu.memory_space<vmem>> -> memref<64x128xf32, #tpu.memory_space<vmem>>
      %dma_start3A_67 = arith.constant 0 : i32
      %dma_start3A_68 = tpu.memref_slice %arg7[%dma_start3A_60, %dma_start3A_67] : memref<64x64xi32, #tpu.memory_space<vmem>> -> memref<1x64xi32, #tpu.memory_space<vmem>>
      %dma_start3A_69 = tpu.memref_squeeze %dma_start3A_68 : memref<1x64xi32, #tpu.memory_space<vmem>> -> memref<64xi32, #tpu.memory_space<vmem>>
      %dma_start3A_70 = arith.constant 0 : i32
      %dma_start3A_71 = arith.constant 0 : i32
      %dma_start3A_72 = tpu.memref_slice %arg2[%dma_start3A_70, %dma_start3A_71] : memref<40000x128xf32, #tpu.memory_space<hbm>> -> memref<40000x128xf32, #tpu.memory_space<hbm>>
      %dma_start3A_73 = tpu.memref_slice %arg11[%dma_start3A_62] : memref<4x!tpu.dma_semaphore, #tpu.memory_space<semaphore_mem>> -> memref<1x!tpu.dma_semaphore, #tpu.memory_space<semaphore_mem>>
      %dma_start3A_74 = tpu.memref_squeeze %dma_start3A_73 : memref<1x!tpu.dma_semaphore, #tpu.memory_space<semaphore_mem>> -> memref<!tpu.dma_semaphore, #tpu.memory_space<semaphore_mem>>
      tpu.enqueue_indirect_dma source(%dma_start3A_72 : memref<40000x128xf32, #tpu.memory_space<hbm>>) target(%dma_start3A_66 : memref<64x128xf32, #tpu.memory_space<vmem>>) offsets(%dma_start3A_69 : memref<64xi32, #tpu.memory_space<vmem>>) semaphore(%dma_start3A_74 : memref<!tpu.dma_semaphore, #tpu.memory_space<semaphore_mem>>)
      %scan3A_75 = arith.constant 0 : i32
      %scan3A_76 = arith.constant 0 : i32
      %scan3A_77 = arith.constant 64 : i32
      %scan3A_78 = arith.addi %scan3A_76, %scan3A_77 : i32
      %scan3A_79 = arith.constant 1 : i32
      %scan3A_80 = scf.for %scan3A_142 = %scan3A_76 to %scan3A_78 step %scan3A_79 iter_args(%scan3A_143 = %scan3A_75) -> (i32)  : i32 {
        %rem3A = arith.constant 4 : i32
        %rem3A_144 = arith.remsi %scan3A_142, %rem3A : i32
        %dma_wait3A_145 = arith.constant 0 : i32
        %dma_wait3A_146 = arith.constant 0 : i32
        %dma_wait3A_147 = tpu.memref_slice %arg9[%rem3A_144, %dma_wait3A_145, %dma_wait3A_146] : memref<4x64x128xf32, #tpu.memory_space<vmem>> -> memref<1x64x128xf32, #tpu.memory_space<vmem>>
        %dma_wait3A_148 = tpu.memref_squeeze %dma_wait3A_147 : memref<1x64x128xf32, #tpu.memory_space<vmem>> -> memref<64x128xf32, #tpu.memory_space<vmem>>
        %dma_wait3A_149 = arith.constant 0 : i32
        %dma_wait3A_150 = tpu.memref_slice %arg7[%scan3A_142, %dma_wait3A_149] : memref<64x64xi32, #tpu.memory_space<vmem>> -> memref<1x64xi32, #tpu.memory_space<vmem>>
        %dma_wait3A_151 = tpu.memref_squeeze %dma_wait3A_150 : memref<1x64xi32, #tpu.memory_space<vmem>> -> memref<64xi32, #tpu.memory_space<vmem>>
        %dma_wait3A_152 = arith.constant 0 : i32
        %dma_wait3A_153 = arith.constant 0 : i32
        %dma_wait3A_154 = tpu.memref_slice %arg2[%dma_wait3A_152, %dma_wait3A_153] : memref<40000x128xf32, #tpu.memory_space<hbm>> -> memref<40000x128xf32, #tpu.memory_space<hbm>>
        %dma_wait3A_155 = tpu.memref_slice %arg11[%rem3A_144] : memref<4x!tpu.dma_semaphore, #tpu.memory_space<semaphore_mem>> -> memref<1x!tpu.dma_semaphore, #tpu.memory_space<semaphore_mem>>
        %dma_wait3A_156 = tpu.memref_squeeze %dma_wait3A_155 : memref<1x!tpu.dma_semaphore, #tpu.memory_space<semaphore_mem>> -> memref<!tpu.dma_semaphore, #tpu.memory_space<semaphore_mem>>
        tpu.wait_indirect_dma semaphore(%dma_wait3A_156 : memref<!tpu.dma_semaphore, #tpu.memory_space<semaphore_mem>>) src(%dma_wait3A_154 : memref<40000x128xf32, #tpu.memory_space<hbm>>) dst(%dma_wait3A_148 : memref<64x128xf32, #tpu.memory_space<vmem>>)
        %dma_start3A_157 = arith.constant 0 : i32
        %dma_start3A_158 = arith.constant 0 : i32
        %dma_start3A_159 = tpu.memref_slice %arg9[%rem3A_144, %dma_start3A_157, %dma_start3A_158] : memref<4x64x128xf32, #tpu.memory_space<vmem>> -> memref<1x64x128xf32, #tpu.memory_space<vmem>>
        %dma_start3A_160 = tpu.memref_squeeze %dma_start3A_159 : memref<1x64x128xf32, #tpu.memory_space<vmem>> -> memref<64x128xf32, #tpu.memory_space<vmem>>
        %dma_start3A_161 = arith.constant 0 : i32
        %dma_start3A_162 = tpu.memref_slice %arg8[%scan3A_142, %dma_start3A_161] : memref<64x64xi32, #tpu.memory_space<vmem>> -> memref<1x64xi32, #tpu.memory_space<vmem>>
        %dma_start3A_163 = tpu.memref_squeeze %dma_start3A_162 : memref<1x64xi32, #tpu.memory_space<vmem>> -> memref<64xi32, #tpu.memory_space<vmem>>
        %dma_start3A_164 = arith.constant 0 : i32
        %dma_start3A_165 = arith.constant 0 : i32
        %dma_start3A_166 = tpu.memref_slice %arg10[%dma_start3A_164, %dma_start3A_165] : memref<10112x128xf32, #tpu.memory_space<vmem_shared>> -> memref<10112x128xf32, #tpu.memory_space<vmem_shared>>
        %dma_start3A_167 = tpu.memref_slice %arg12[%rem3A_144] : memref<4x!tpu.dma_semaphore, #tpu.memory_space<semaphore_mem>> -> memref<1x!tpu.dma_semaphore, #tpu.memory_space<semaphore_mem>>
        %dma_start3A_168 = tpu.memref_squeeze %dma_start3A_167 : memref<1x!tpu.dma_semaphore, #tpu.memory_space<semaphore_mem>> -> memref<!tpu.dma_semaphore, #tpu.memory_space<semaphore_mem>>
        tpu.enqueue_indirect_dma source(%dma_start3A_160 : memref<64x128xf32, #tpu.memory_space<vmem>>) target(%dma_start3A_166 : memref<10112x128xf32, #tpu.memory_space<vmem_shared>>) offsets(%dma_start3A_163 : memref<64xi32, #tpu.memory_space<vmem>>) semaphore(%dma_start3A_168 : memref<!tpu.dma_semaphore, #tpu.memory_space<semaphore_mem>>) {add = true}
        %add3A_169 = arith.constant 4 : i32
        %add3A_170 = arith.addi %scan3A_142, %add3A_169 : i32
        %lt3A = arith.constant 64 : i32
        %lt3A_171 = arith.cmpi slt, %add3A_170, %lt3A : i32
        %convert_element_type3A = arith.extui %lt3A_171 : i1 to i32
        %cond3A = arith.constant 0 : i32
        %cond3A_172 = arith.cmpi ne, %convert_element_type3A, %cond3A : i32
        scf.if %cond3A_172 {
          %dma_wait3A_174 = arith.constant 0 : i32
          %dma_wait3A_175 = arith.constant 0 : i32
          %dma_wait3A_176 = tpu.memref_slice %arg9[%rem3A_144, %dma_wait3A_174, %dma_wait3A_175] : memref<4x64x128xf32, #tpu.memory_space<vmem>> -> memref<1x64x128xf32, #tpu.memory_space<vmem>>
          %dma_wait3A_177 = tpu.memref_squeeze %dma_wait3A_176 : memref<1x64x128xf32, #tpu.memory_space<vmem>> -> memref<64x128xf32, #tpu.memory_space<vmem>>
          %dma_wait3A_178 = arith.constant 0 : i32
          %dma_wait3A_179 = tpu.memref_slice %arg8[%scan3A_142, %dma_wait3A_178] : memref<64x64xi32, #tpu.memory_space<vmem>> -> memref<1x64xi32, #tpu.memory_space<vmem>>
          %dma_wait3A_180 = tpu.memref_squeeze %dma_wait3A_179 : memref<1x64xi32, #tpu.memory_space<vmem>> -> memref<64xi32, #tpu.memory_space<vmem>>
          %dma_wait3A_181 = arith.constant 0 : i32
          %dma_wait3A_182 = arith.constant 0 : i32
          %dma_wait3A_183 = tpu.memref_slice %arg10[%dma_wait3A_181, %dma_wait3A_182] : memref<10112x128xf32, #tpu.memory_space<vmem_shared>> -> memref<10112x128xf32, #tpu.memory_space<vmem_shared>>
          %dma_wait3A_184 = tpu.memref_slice %arg12[%rem3A_144] : memref<4x!tpu.dma_semaphore, #tpu.memory_space<semaphore_mem>> -> memref<1x!tpu.dma_semaphore, #tpu.memory_space<semaphore_mem>>
          %dma_wait3A_185 = tpu.memref_squeeze %dma_wait3A_184 : memref<1x!tpu.dma_semaphore, #tpu.memory_space<semaphore_mem>> -> memref<!tpu.dma_semaphore, #tpu.memory_space<semaphore_mem>>
          tpu.wait_indirect_dma semaphore(%dma_wait3A_185 : memref<!tpu.dma_semaphore, #tpu.memory_space<semaphore_mem>>) src(%dma_wait3A_177 : memref<64x128xf32, #tpu.memory_space<vmem>>) dst(%dma_wait3A_183 : memref<10112x128xf32, #tpu.memory_space<vmem_shared>>)
          %add3A_186 = arith.constant 4 : i32
          %add3A_187 = arith.addi %scan3A_142, %add3A_186 : i32
          %dma_start3A_188 = arith.constant 0 : i32
          %dma_start3A_189 = arith.constant 0 : i32
          %dma_start3A_190 = tpu.memref_slice %arg9[%rem3A_144, %dma_start3A_188, %dma_start3A_189] : memref<4x64x128xf32, #tpu.memory_space<vmem>> -> memref<1x64x128xf32, #tpu.memory_space<vmem>>
          %dma_start3A_191 = tpu.memref_squeeze %dma_start3A_190 : memref<1x64x128xf32, #tpu.memory_space<vmem>> -> memref<64x128xf32, #tpu.memory_space<vmem>>
          %dma_start3A_192 = arith.constant 0 : i32
          %dma_start3A_193 = tpu.memref_slice %arg7[%add3A_187, %dma_start3A_192] : memref<64x64xi32, #tpu.memory_space<vmem>> -> memref<1x64xi32, #tpu.memory_space<vmem>>
          %dma_start3A_194 = tpu.memref_squeeze %dma_start3A_193 : memref<1x64xi32, #tpu.memory_space<vmem>> -> memref<64xi32, #tpu.memory_space<vmem>>
          %dma_start3A_195 = arith.constant 0 : i32
          %dma_start3A_196 = arith.constant 0 : i32
          %dma_start3A_197 = tpu.memref_slice %arg2[%dma_start3A_195, %dma_start3A_196] : memref<40000x128xf32, #tpu.memory_space<hbm>> -> memref<40000x128xf32, #tpu.memory_space<hbm>>
          %dma_start3A_198 = tpu.memref_slice %arg11[%rem3A_144] : memref<4x!tpu.dma_semaphore, #tpu.memory_space<semaphore_mem>> -> memref<1x!tpu.dma_semaphore, #tpu.memory_space<semaphore_mem>>
          %dma_start3A_199 = tpu.memref_squeeze %dma_start3A_198 : memref<1x!tpu.dma_semaphore, #tpu.memory_space<semaphore_mem>> -> memref<!tpu.dma_semaphore, #tpu.memory_space<semaphore_mem>>
          tpu.enqueue_indirect_dma source(%dma_start3A_197 : memref<40000x128xf32, #tpu.memory_space<hbm>>) target(%dma_start3A_191 : memref<64x128xf32, #tpu.memory_space<vmem>>) offsets(%dma_start3A_194 : memref<64xi32, #tpu.memory_space<vmem>>) semaphore(%dma_start3A_199 : memref<!tpu.dma_semaphore, #tpu.memory_space<semaphore_mem>>)
        } else {
        }
        %scan3A_173 = arith.constant 0 : i32
        scf.yield %scan3A_173 : i32
      }
      %scan3A_81 = arith.constant 64 : i32
      %dma_wait3A = arith.constant 0 : i32
      %dma_wait3A_82 = arith.constant 60 : i32
      %dma_wait3A_83 = arith.constant 0 : i32
      %dma_wait3A_84 = arith.constant 0 : i32
      %dma_wait3A_85 = arith.constant 0 : i32
      %dma_wait3A_86 = tpu.memref_slice %arg9[%dma_wait3A, %dma_wait3A_84, %dma_wait3A_85] : memref<4x64x128xf32, #tpu.memory_space<vmem>> -> memref<1x64x128xf32, #tpu.memory_space<vmem>>
      %dma_wait3A_87 = tpu.memref_squeeze %dma_wait3A_86 : memref<1x64x128xf32, #tpu.memory_space<vmem>> -> memref<64x128xf32, #tpu.memory_space<vmem>>
      %dma_wait3A_88 = arith.constant 0 : i32
      %dma_wait3A_89 = tpu.memref_slice %arg8[%dma_wait3A_82, %dma_wait3A_88] : memref<64x64xi32, #tpu.memory_space<vmem>> -> memref<1x64xi32, #tpu.memory_space<vmem>>
      %dma_wait3A_90 = tpu.memref_squeeze %dma_wait3A_89 : memref<1x64xi32, #tpu.memory_space<vmem>> -> memref<64xi32, #tpu.memory_space<vmem>>
      %dma_wait3A_91 = arith.constant 0 : i32
      %dma_wait3A_92 = arith.constant 0 : i32
      %dma_wait3A_93 = tpu.memref_slice %arg10[%dma_wait3A_91, %dma_wait3A_92] : memref<10112x128xf32, #tpu.memory_space<vmem_shared>> -> memref<10112x128xf32, #tpu.memory_space<vmem_shared>>
      %dma_wait3A_94 = tpu.memref_slice %arg12[%dma_wait3A_83] : memref<4x!tpu.dma_semaphore, #tpu.memory_space<semaphore_mem>> -> memref<1x!tpu.dma_semaphore, #tpu.memory_space<semaphore_mem>>
      %dma_wait3A_95 = tpu.memref_squeeze %dma_wait3A_94 : memref<1x!tpu.dma_semaphore, #tpu.memory_space<semaphore_mem>> -> memref<!tpu.dma_semaphore, #tpu.memory_space<semaphore_mem>>
      tpu.wait_indirect_dma semaphore(%dma_wait3A_95 : memref<!tpu.dma_semaphore, #tpu.memory_space<semaphore_mem>>) src(%dma_wait3A_87 : memref<64x128xf32, #tpu.memory_space<vmem>>) dst(%dma_wait3A_93 : memref<10112x128xf32, #tpu.memory_space<vmem_shared>>)
      %dma_wait3A_96 = arith.constant 1 : i32
      %dma_wait3A_97 = arith.constant 61 : i32
      %dma_wait3A_98 = arith.constant 1 : i32
      %dma_wait3A_99 = arith.constant 0 : i32
      %dma_wait3A_100 = arith.constant 0 : i32
      %dma_wait3A_101 = tpu.memref_slice %arg9[%dma_wait3A_96, %dma_wait3A_99, %dma_wait3A_100] : memref<4x64x128xf32, #tpu.memory_space<vmem>> -> memref<1x64x128xf32, #tpu.memory_space<vmem>>
      %dma_wait3A_102 = tpu.memref_squeeze %dma_wait3A_101 : memref<1x64x128xf32, #tpu.memory_space<vmem>> -> memref<64x128xf32, #tpu.memory_space<vmem>>
      %dma_wait3A_103 = arith.constant 0 : i32
      %dma_wait3A_104 = tpu.memref_slice %arg8[%dma_wait3A_97, %dma_wait3A_103] : memref<64x64xi32, #tpu.memory_space<vmem>> -> memref<1x64xi32, #tpu.memory_space<vmem>>
      %dma_wait3A_105 = tpu.memref_squeeze %dma_wait3A_104 : memref<1x64xi32, #tpu.memory_space<vmem>> -> memref<64xi32, #tpu.memory_space<vmem>>
      %dma_wait3A_106 = arith.constant 0 : i32
      %dma_wait3A_107 = arith.constant 0 : i32
      %dma_wait3A_108 = tpu.memref_slice %arg10[%dma_wait3A_106, %dma_wait3A_107] : memref<10112x128xf32, #tpu.memory_space<vmem_shared>> -> memref<10112x128xf32, #tpu.memory_space<vmem_shared>>
      %dma_wait3A_109 = tpu.memref_slice %arg12[%dma_wait3A_98] : memref<4x!tpu.dma_semaphore, #tpu.memory_space<semaphore_mem>> -> memref<1x!tpu.dma_semaphore, #tpu.memory_space<semaphore_mem>>
      %dma_wait3A_110 = tpu.memref_squeeze %dma_wait3A_109 : memref<1x!tpu.dma_semaphore, #tpu.memory_space<semaphore_mem>> -> memref<!tpu.dma_semaphore, #tpu.memory_space<semaphore_mem>>
      tpu.wait_indirect_dma semaphore(%dma_wait3A_110 : memref<!tpu.dma_semaphore, #tpu.memory_space<semaphore_mem>>) src(%dma_wait3A_102 : memref<64x128xf32, #tpu.memory_space<vmem>>) dst(%dma_wait3A_108 : memref<10112x128xf32, #tpu.memory_space<vmem_shared>>)
      %dma_wait3A_111 = arith.constant 2 : i32
      %dma_wait3A_112 = arith.constant 62 : i32
      %dma_wait3A_113 = arith.constant 2 : i32
      %dma_wait3A_114 = arith.constant 0 : i32
      %dma_wait3A_115 = arith.constant 0 : i32
      %dma_wait3A_116 = tpu.memref_slice %arg9[%dma_wait3A_111, %dma_wait3A_114, %dma_wait3A_115] : memref<4x64x128xf32, #tpu.memory_space<vmem>> -> memref<1x64x128xf32, #tpu.memory_space<vmem>>
      %dma_wait3A_117 = tpu.memref_squeeze %dma_wait3A_116 : memref<1x64x128xf32, #tpu.memory_space<vmem>> -> memref<64x128xf32, #tpu.memory_space<vmem>>
      %dma_wait3A_118 = arith.constant 0 : i32
      %dma_wait3A_119 = tpu.memref_slice %arg8[%dma_wait3A_112, %dma_wait3A_118] : memref<64x64xi32, #tpu.memory_space<vmem>> -> memref<1x64xi32, #tpu.memory_space<vmem>>
      %dma_wait3A_120 = tpu.memref_squeeze %dma_wait3A_119 : memref<1x64xi32, #tpu.memory_space<vmem>> -> memref<64xi32, #tpu.memory_space<vmem>>
      %dma_wait3A_121 = arith.constant 0 : i32
      %dma_wait3A_122 = arith.constant 0 : i32
      %dma_wait3A_123 = tpu.memref_slice %arg10[%dma_wait3A_121, %dma_wait3A_122] : memref<10112x128xf32, #tpu.memory_space<vmem_shared>> -> memref<10112x128xf32, #tpu.memory_space<vmem_shared>>
      %dma_wait3A_124 = tpu.memref_slice %arg12[%dma_wait3A_113] : memref<4x!tpu.dma_semaphore, #tpu.memory_space<semaphore_mem>> -> memref<1x!tpu.dma_semaphore, #tpu.memory_space<semaphore_mem>>
      %dma_wait3A_125 = tpu.memref_squeeze %dma_wait3A_124 : memref<1x!tpu.dma_semaphore, #tpu.memory_space<semaphore_mem>> -> memref<!tpu.dma_semaphore, #tpu.memory_space<semaphore_mem>>
      tpu.wait_indirect_dma semaphore(%dma_wait3A_125 : memref<!tpu.dma_semaphore, #tpu.memory_space<semaphore_mem>>) src(%dma_wait3A_117 : memref<64x128xf32, #tpu.memory_space<vmem>>) dst(%dma_wait3A_123 : memref<10112x128xf32, #tpu.memory_space<vmem_shared>>)
      %dma_wait3A_126 = arith.constant 3 : i32
      %dma_wait3A_127 = arith.constant 63 : i32
      %dma_wait3A_128 = arith.constant 3 : i32
      %dma_wait3A_129 = arith.constant 0 : i32
      %dma_wait3A_130 = arith.constant 0 : i32
      %dma_wait3A_131 = tpu.memref_slice %arg9[%dma_wait3A_126, %dma_wait3A_129, %dma_wait3A_130] : memref<4x64x128xf32, #tpu.memory_space<vmem>> -> memref<1x64x128xf32, #tpu.memory_space<vmem>>
      %dma_wait3A_132 = tpu.memref_squeeze %dma_wait3A_131 : memref<1x64x128xf32, #tpu.memory_space<vmem>> -> memref<64x128xf32, #tpu.memory_space<vmem>>
      %dma_wait3A_133 = arith.constant 0 : i32
      %dma_wait3A_134 = tpu.memref_slice %arg8[%dma_wait3A_127, %dma_wait3A_133] : memref<64x64xi32, #tpu.memory_space<vmem>> -> memref<1x64xi32, #tpu.memory_space<vmem>>
      %dma_wait3A_135 = tpu.memref_squeeze %dma_wait3A_134 : memref<1x64xi32, #tpu.memory_space<vmem>> -> memref<64xi32, #tpu.memory_space<vmem>>
      %dma_wait3A_136 = arith.constant 0 : i32
      %dma_wait3A_137 = arith.constant 0 : i32
      %dma_wait3A_138 = tpu.memref_slice %arg10[%dma_wait3A_136, %dma_wait3A_137] : memref<10112x128xf32, #tpu.memory_space<vmem_shared>> -> memref<10112x128xf32, #tpu.memory_space<vmem_shared>>
      %dma_wait3A_139 = tpu.memref_slice %arg12[%dma_wait3A_128] : memref<4x!tpu.dma_semaphore, #tpu.memory_space<semaphore_mem>> -> memref<1x!tpu.dma_semaphore, #tpu.memory_space<semaphore_mem>>
      %dma_wait3A_140 = tpu.memref_squeeze %dma_wait3A_139 : memref<1x!tpu.dma_semaphore, #tpu.memory_space<semaphore_mem>> -> memref<!tpu.dma_semaphore, #tpu.memory_space<semaphore_mem>>
      tpu.wait_indirect_dma semaphore(%dma_wait3A_140 : memref<!tpu.dma_semaphore, #tpu.memory_space<semaphore_mem>>) src(%dma_wait3A_132 : memref<64x128xf32, #tpu.memory_space<vmem>>) dst(%dma_wait3A_138 : memref<10112x128xf32, #tpu.memory_space<vmem_shared>>)
      %scan3A_141 = arith.constant 0 : i32
      scf.yield %scan3A_141 : i32
    }
    %scan3A_8 = arith.constant 5 : i32
    %barrier3A_9 = arith.constant 0 : index
    tpu.barrier barrier_id(%barrier3A_9)
    "tpu.region"() ({
      %run_scoped3A = tpu.sem_alloc : memref<!tpu.dma_semaphore, #tpu.memory_space<semaphore_mem>>
      %dma_start3A = arith.constant 0 : i32
      %dma_start3A_10 = tpu.memref_slice %arg6[%arg0, %mul3A_2, %dma_start3A] : memref<2x10112x128xf32, #tpu.memory_space<hbm>> -> memref<1x632x128xf32, #tpu.memory_space<hbm>>
      %dma_start3A_11 = tpu.memref_squeeze %dma_start3A_10 : memref<1x632x128xf32, #tpu.memory_space<hbm>> -> memref<632x128xf32, #tpu.memory_space<hbm>>
      %dma_start3A_12 = arith.constant 0 : i32
      %dma_start3A_13 = tpu.memref_slice %arg10[%mul3A_2, %dma_start3A_12] : memref<10112x128xf32, #tpu.memory_space<vmem_shared>> -> memref<632x128xf32, #tpu.memory_space<vmem_shared>>
      tpu.enqueue_dma source(%dma_start3A_13 : memref<632x128xf32, #tpu.memory_space<vmem_shared>>) target(%dma_start3A_11 : memref<632x128xf32, #tpu.memory_space<hbm>>) target_semaphore(%run_scoped3A : memref<!tpu.dma_semaphore, #tpu.memory_space<semaphore_mem>>)
      %dma_wait3A = arith.constant 0 : i32
      %dma_wait3A_14 = tpu.memref_slice %arg6[%arg0, %mul3A_2, %dma_wait3A] : memref<2x10112x128xf32, #tpu.memory_space<hbm>> -> memref<1x632x128xf32, #tpu.memory_space<hbm>>
      %dma_wait3A_15 = tpu.memref_squeeze %dma_wait3A_14 : memref<1x632x128xf32, #tpu.memory_space<hbm>> -> memref<632x128xf32, #tpu.memory_space<hbm>>
      %dma_wait3A_16 = arith.constant 0 : i32
      %dma_wait3A_17 = tpu.memref_slice %arg10[%mul3A_2, %dma_wait3A_16] : memref<10112x128xf32, #tpu.memory_space<vmem_shared>> -> memref<632x128xf32, #tpu.memory_space<vmem_shared>>
      tpu.wait_dma2 semaphore(%run_scoped3A : memref<!tpu.dma_semaphore, #tpu.memory_space<semaphore_mem>>) src(%dma_wait3A_17 : memref<632x128xf32, #tpu.memory_space<vmem_shared>>) dst(%dma_wait3A_15 : memref<632x128xf32, #tpu.memory_space<hbm>>)
      tpu.yield
    }) : () -> ()
    return
  }
}

#map = affine_map<(d0, d1) -> (0, 0)>
#map1 = affine_map<(d0, d1) -> (0, 0, 0)>
module attributes {stable_mosaic.version = 14 : i64} {
  func.func @_sc_edge_body(%arg0: i32, %arg1: i32, %arg2: memref<40000x128xf32, #tpu.memory_space<hbm>>, %arg3: memref<32x320x64xi32, #tpu.memory_space<hbm>>, %arg4: memref<32x320x64xi32, #tpu.memory_space<hbm>>, %arg5: memref<10112x128xf32, #tpu.memory_space<hbm>>, %arg6: memref<2x10112x128xf32, #tpu.memory_space<hbm>>, %arg7: memref<64x64xi32, #tpu.memory_space<vmem>>, %arg8: memref<64x64xi32, #tpu.memory_space<vmem>>, %arg9: memref<4x64x128xf32, #tpu.memory_space<vmem>>, %arg10: memref<10112x128xf32, #tpu.memory_space<vmem_shared>>, %arg11: memref<4x!tpu.dma_semaphore, #tpu.memory_space<semaphore_mem>>, %arg12: memref<4x!tpu.dma_semaphore, #tpu.memory_space<semaphore_mem>>) attributes {dimension_semantics = [#tpu.dimension_semantics<core_parallel>, #tpu.dimension_semantics<subcore_parallel>], iteration_bounds = array<i64: 2, 16>, scalar_prefetch = 0 : i64, scratch_operands = 6 : i64, tpu.core_type = #tpu.core_type<sc_vector_subcore>, window_params = [{transform_indices = #map}, {transform_indices = #map1}, {transform_indices = #map1}, {transform_indices = #map}, {transform_indices = #map1}]} {
    %mul3A = arith.constant 16 : i32
    %mul3A_0 = arith.muli %arg0, %mul3A : i32
    %add3A = arith.addi %mul3A_0, %arg1 : i32
    %mul3A_1 = arith.constant 632 : i32
    %mul3A_2 = arith.muli %arg1, %mul3A_1 : i32
    "tpu.region"() ({
      %run_scoped3A = tpu.sem_alloc : memref<!tpu.dma_semaphore, #tpu.memory_space<semaphore_mem>>
      %dma_start3A = arith.constant 0 : i32
      %dma_start3A_10 = tpu.memref_slice %arg10[%mul3A_2, %dma_start3A] : memref<10112x128xf32, #tpu.memory_space<vmem_shared>> -> memref<632x128xf32, #tpu.memory_space<vmem_shared>>
      %dma_start3A_11 = arith.constant 0 : i32
      %dma_start3A_12 = tpu.memref_slice %arg5[%mul3A_2, %dma_start3A_11] : memref<10112x128xf32, #tpu.memory_space<hbm>> -> memref<632x128xf32, #tpu.memory_space<hbm>>
      tpu.enqueue_dma source(%dma_start3A_12 : memref<632x128xf32, #tpu.memory_space<hbm>>) target(%dma_start3A_10 : memref<632x128xf32, #tpu.memory_space<vmem_shared>>) target_semaphore(%run_scoped3A : memref<!tpu.dma_semaphore, #tpu.memory_space<semaphore_mem>>)
      %dma_wait3A = arith.constant 0 : i32
      %dma_wait3A_13 = tpu.memref_slice %arg10[%mul3A_2, %dma_wait3A] : memref<10112x128xf32, #tpu.memory_space<vmem_shared>> -> memref<632x128xf32, #tpu.memory_space<vmem_shared>>
      %dma_wait3A_14 = arith.constant 0 : i32
      %dma_wait3A_15 = tpu.memref_slice %arg5[%mul3A_2, %dma_wait3A_14] : memref<10112x128xf32, #tpu.memory_space<hbm>> -> memref<632x128xf32, #tpu.memory_space<hbm>>
      tpu.wait_dma2 semaphore(%run_scoped3A : memref<!tpu.dma_semaphore, #tpu.memory_space<semaphore_mem>>) src(%dma_wait3A_15 : memref<632x128xf32, #tpu.memory_space<hbm>>) dst(%dma_wait3A_13 : memref<632x128xf32, #tpu.memory_space<vmem_shared>>)
      tpu.yield
    }) : () -> ()
    %barrier3A = arith.constant 0 : index
    tpu.barrier barrier_id(%barrier3A)
    %scan3A = arith.constant 0 : i32
    %scan3A_3 = arith.constant 0 : i32
    %scan3A_4 = arith.constant 5 : i32
    %scan3A_5 = arith.addi %scan3A_3, %scan3A_4 : i32
    %scan3A_6 = arith.constant 1 : i32
    %scan3A_7 = scf.for %scan3A_10 = %scan3A_3 to %scan3A_5 step %scan3A_6 iter_args(%scan3A_11 = %scan3A) -> (i32)  : i32 {
      %mul3A_12 = arith.constant 64 : i32
      %mul3A_13 = arith.muli %scan3A_10, %mul3A_12 : i32
      "tpu.region"() ({
        %run_scoped3A = tpu.sem_alloc : memref<!tpu.dma_semaphore, #tpu.memory_space<semaphore_mem>>
        %dma_start3A_142 = arith.constant 0 : i32
        %dma_start3A_143 = tpu.memref_slice %arg3[%add3A, %mul3A_13, %dma_start3A_142] : memref<32x320x64xi32, #tpu.memory_space<hbm>> -> memref<1x64x64xi32, #tpu.memory_space<hbm>>
        %dma_start3A_144 = tpu.memref_squeeze %dma_start3A_143 : memref<1x64x64xi32, #tpu.memory_space<hbm>> -> memref<64x64xi32, #tpu.memory_space<hbm>>
        %dma_start3A_145 = arith.constant 0 : i32
        %dma_start3A_146 = tpu.memref_slice %arg3[%add3A, %mul3A_13, %dma_start3A_145] : memref<32x320x64xi32, #tpu.memory_space<hbm>> -> memref<1x64x64xi32, #tpu.memory_space<hbm>>
        %dma_start3A_147 = tpu.memref_squeeze %dma_start3A_146 : memref<1x64x64xi32, #tpu.memory_space<hbm>> -> memref<64x64xi32, #tpu.memory_space<hbm>>
        tpu.enqueue_dma source(%dma_start3A_147 : memref<64x64xi32, #tpu.memory_space<hbm>>) target(%arg7 : memref<64x64xi32, #tpu.memory_space<vmem>>) target_semaphore(%run_scoped3A : memref<!tpu.dma_semaphore, #tpu.memory_space<semaphore_mem>>)
        %dma_wait3A_148 = arith.constant 0 : i32
        %dma_wait3A_149 = tpu.memref_slice %arg3[%add3A, %mul3A_13, %dma_wait3A_148] : memref<32x320x64xi32, #tpu.memory_space<hbm>> -> memref<1x64x64xi32, #tpu.memory_space<hbm>>
        %dma_wait3A_150 = tpu.memref_squeeze %dma_wait3A_149 : memref<1x64x64xi32, #tpu.memory_space<hbm>> -> memref<64x64xi32, #tpu.memory_space<hbm>>
        %dma_wait3A_151 = arith.constant 0 : i32
        %dma_wait3A_152 = tpu.memref_slice %arg3[%add3A, %mul3A_13, %dma_wait3A_151] : memref<32x320x64xi32, #tpu.memory_space<hbm>> -> memref<1x64x64xi32, #tpu.memory_space<hbm>>
        %dma_wait3A_153 = tpu.memref_squeeze %dma_wait3A_152 : memref<1x64x64xi32, #tpu.memory_space<hbm>> -> memref<64x64xi32, #tpu.memory_space<hbm>>
        tpu.wait_dma2 semaphore(%run_scoped3A : memref<!tpu.dma_semaphore, #tpu.memory_space<semaphore_mem>>) src(%dma_wait3A_153 : memref<64x64xi32, #tpu.memory_space<hbm>>) dst(%arg7 : memref<64x64xi32, #tpu.memory_space<vmem>>)
        tpu.yield
      }) : () -> ()
      %mul3A_14 = arith.constant 64 : i32
      %mul3A_15 = arith.muli %scan3A_10, %mul3A_14 : i32
      "tpu.region"() ({
        %run_scoped3A = tpu.sem_alloc : memref<!tpu.dma_semaphore, #tpu.memory_space<semaphore_mem>>
        %dma_start3A_142 = arith.constant 0 : i32
        %dma_start3A_143 = tpu.memref_slice %arg4[%add3A, %mul3A_15, %dma_start3A_142] : memref<32x320x64xi32, #tpu.memory_space<hbm>> -> memref<1x64x64xi32, #tpu.memory_space<hbm>>
        %dma_start3A_144 = tpu.memref_squeeze %dma_start3A_143 : memref<1x64x64xi32, #tpu.memory_space<hbm>> -> memref<64x64xi32, #tpu.memory_space<hbm>>
        %dma_start3A_145 = arith.constant 0 : i32
        %dma_start3A_146 = tpu.memref_slice %arg4[%add3A, %mul3A_15, %dma_start3A_145] : memref<32x320x64xi32, #tpu.memory_space<hbm>> -> memref<1x64x64xi32, #tpu.memory_space<hbm>>
        %dma_start3A_147 = tpu.memref_squeeze %dma_start3A_146 : memref<1x64x64xi32, #tpu.memory_space<hbm>> -> memref<64x64xi32, #tpu.memory_space<hbm>>
        tpu.enqueue_dma source(%dma_start3A_147 : memref<64x64xi32, #tpu.memory_space<hbm>>) target(%arg8 : memref<64x64xi32, #tpu.memory_space<vmem>>) target_semaphore(%run_scoped3A : memref<!tpu.dma_semaphore, #tpu.memory_space<semaphore_mem>>)
        %dma_wait3A_148 = arith.constant 0 : i32
        %dma_wait3A_149 = tpu.memref_slice %arg4[%add3A, %mul3A_15, %dma_wait3A_148] : memref<32x320x64xi32, #tpu.memory_space<hbm>> -> memref<1x64x64xi32, #tpu.memory_space<hbm>>
        %dma_wait3A_150 = tpu.memref_squeeze %dma_wait3A_149 : memref<1x64x64xi32, #tpu.memory_space<hbm>> -> memref<64x64xi32, #tpu.memory_space<hbm>>
        %dma_wait3A_151 = arith.constant 0 : i32
        %dma_wait3A_152 = tpu.memref_slice %arg4[%add3A, %mul3A_15, %dma_wait3A_151] : memref<32x320x64xi32, #tpu.memory_space<hbm>> -> memref<1x64x64xi32, #tpu.memory_space<hbm>>
        %dma_wait3A_153 = tpu.memref_squeeze %dma_wait3A_152 : memref<1x64x64xi32, #tpu.memory_space<hbm>> -> memref<64x64xi32, #tpu.memory_space<hbm>>
        tpu.wait_dma2 semaphore(%run_scoped3A : memref<!tpu.dma_semaphore, #tpu.memory_space<semaphore_mem>>) src(%dma_wait3A_153 : memref<64x64xi32, #tpu.memory_space<hbm>>) dst(%arg8 : memref<64x64xi32, #tpu.memory_space<vmem>>)
        tpu.yield
      }) : () -> ()
      %dma_start3A = arith.constant 0 : i32
      %dma_start3A_16 = arith.constant 0 : i32
      %dma_start3A_17 = arith.constant 0 : i32
      %dma_start3A_18 = arith.constant 0 : i32
      %dma_start3A_19 = arith.constant 0 : i32
      %dma_start3A_20 = tpu.memref_slice %arg9[%dma_start3A_16, %dma_start3A_18, %dma_start3A_19] : memref<4x64x128xf32, #tpu.memory_space<vmem>> -> memref<1x64x128xf32, #tpu.memory_space<vmem>>
      %dma_start3A_21 = tpu.memref_squeeze %dma_start3A_20 : memref<1x64x128xf32, #tpu.memory_space<vmem>> -> memref<64x128xf32, #tpu.memory_space<vmem>>
      %dma_start3A_22 = arith.constant 0 : i32
      %dma_start3A_23 = tpu.memref_slice %arg7[%dma_start3A, %dma_start3A_22] : memref<64x64xi32, #tpu.memory_space<vmem>> -> memref<1x64xi32, #tpu.memory_space<vmem>>
      %dma_start3A_24 = tpu.memref_squeeze %dma_start3A_23 : memref<1x64xi32, #tpu.memory_space<vmem>> -> memref<64xi32, #tpu.memory_space<vmem>>
      %dma_start3A_25 = arith.constant 0 : i32
      %dma_start3A_26 = arith.constant 0 : i32
      %dma_start3A_27 = tpu.memref_slice %arg2[%dma_start3A_25, %dma_start3A_26] : memref<40000x128xf32, #tpu.memory_space<hbm>> -> memref<40000x128xf32, #tpu.memory_space<hbm>>
      %dma_start3A_28 = tpu.memref_slice %arg11[%dma_start3A_17] : memref<4x!tpu.dma_semaphore, #tpu.memory_space<semaphore_mem>> -> memref<1x!tpu.dma_semaphore, #tpu.memory_space<semaphore_mem>>
      %dma_start3A_29 = tpu.memref_squeeze %dma_start3A_28 : memref<1x!tpu.dma_semaphore, #tpu.memory_space<semaphore_mem>> -> memref<!tpu.dma_semaphore, #tpu.memory_space<semaphore_mem>>
      tpu.enqueue_indirect_dma source(%dma_start3A_27 : memref<40000x128xf32, #tpu.memory_space<hbm>>) target(%dma_start3A_21 : memref<64x128xf32, #tpu.memory_space<vmem>>) offsets(%dma_start3A_24 : memref<64xi32, #tpu.memory_space<vmem>>) semaphore(%dma_start3A_29 : memref<!tpu.dma_semaphore, #tpu.memory_space<semaphore_mem>>)
      %dma_start3A_30 = arith.constant 1 : i32
      %dma_start3A_31 = arith.constant 1 : i32
      %dma_start3A_32 = arith.constant 1 : i32
      %dma_start3A_33 = arith.constant 0 : i32
      %dma_start3A_34 = arith.constant 0 : i32
      %dma_start3A_35 = tpu.memref_slice %arg9[%dma_start3A_31, %dma_start3A_33, %dma_start3A_34] : memref<4x64x128xf32, #tpu.memory_space<vmem>> -> memref<1x64x128xf32, #tpu.memory_space<vmem>>
      %dma_start3A_36 = tpu.memref_squeeze %dma_start3A_35 : memref<1x64x128xf32, #tpu.memory_space<vmem>> -> memref<64x128xf32, #tpu.memory_space<vmem>>
      %dma_start3A_37 = arith.constant 0 : i32
      %dma_start3A_38 = tpu.memref_slice %arg7[%dma_start3A_30, %dma_start3A_37] : memref<64x64xi32, #tpu.memory_space<vmem>> -> memref<1x64xi32, #tpu.memory_space<vmem>>
      %dma_start3A_39 = tpu.memref_squeeze %dma_start3A_38 : memref<1x64xi32, #tpu.memory_space<vmem>> -> memref<64xi32, #tpu.memory_space<vmem>>
      %dma_start3A_40 = arith.constant 0 : i32
      %dma_start3A_41 = arith.constant 0 : i32
      %dma_start3A_42 = tpu.memref_slice %arg2[%dma_start3A_40, %dma_start3A_41] : memref<40000x128xf32, #tpu.memory_space<hbm>> -> memref<40000x128xf32, #tpu.memory_space<hbm>>
      %dma_start3A_43 = tpu.memref_slice %arg11[%dma_start3A_32] : memref<4x!tpu.dma_semaphore, #tpu.memory_space<semaphore_mem>> -> memref<1x!tpu.dma_semaphore, #tpu.memory_space<semaphore_mem>>
      %dma_start3A_44 = tpu.memref_squeeze %dma_start3A_43 : memref<1x!tpu.dma_semaphore, #tpu.memory_space<semaphore_mem>> -> memref<!tpu.dma_semaphore, #tpu.memory_space<semaphore_mem>>
      tpu.enqueue_indirect_dma source(%dma_start3A_42 : memref<40000x128xf32, #tpu.memory_space<hbm>>) target(%dma_start3A_36 : memref<64x128xf32, #tpu.memory_space<vmem>>) offsets(%dma_start3A_39 : memref<64xi32, #tpu.memory_space<vmem>>) semaphore(%dma_start3A_44 : memref<!tpu.dma_semaphore, #tpu.memory_space<semaphore_mem>>)
      %dma_start3A_45 = arith.constant 2 : i32
      %dma_start3A_46 = arith.constant 2 : i32
      %dma_start3A_47 = arith.constant 2 : i32
      %dma_start3A_48 = arith.constant 0 : i32
      %dma_start3A_49 = arith.constant 0 : i32
      %dma_start3A_50 = tpu.memref_slice %arg9[%dma_start3A_46, %dma_start3A_48, %dma_start3A_49] : memref<4x64x128xf32, #tpu.memory_space<vmem>> -> memref<1x64x128xf32, #tpu.memory_space<vmem>>
      %dma_start3A_51 = tpu.memref_squeeze %dma_start3A_50 : memref<1x64x128xf32, #tpu.memory_space<vmem>> -> memref<64x128xf32, #tpu.memory_space<vmem>>
      %dma_start3A_52 = arith.constant 0 : i32
      %dma_start3A_53 = tpu.memref_slice %arg7[%dma_start3A_45, %dma_start3A_52] : memref<64x64xi32, #tpu.memory_space<vmem>> -> memref<1x64xi32, #tpu.memory_space<vmem>>
      %dma_start3A_54 = tpu.memref_squeeze %dma_start3A_53 : memref<1x64xi32, #tpu.memory_space<vmem>> -> memref<64xi32, #tpu.memory_space<vmem>>
      %dma_start3A_55 = arith.constant 0 : i32
      %dma_start3A_56 = arith.constant 0 : i32
      %dma_start3A_57 = tpu.memref_slice %arg2[%dma_start3A_55, %dma_start3A_56] : memref<40000x128xf32, #tpu.memory_space<hbm>> -> memref<40000x128xf32, #tpu.memory_space<hbm>>
      %dma_start3A_58 = tpu.memref_slice %arg11[%dma_start3A_47] : memref<4x!tpu.dma_semaphore, #tpu.memory_space<semaphore_mem>> -> memref<1x!tpu.dma_semaphore, #tpu.memory_space<semaphore_mem>>
      %dma_start3A_59 = tpu.memref_squeeze %dma_start3A_58 : memref<1x!tpu.dma_semaphore, #tpu.memory_space<semaphore_mem>> -> memref<!tpu.dma_semaphore, #tpu.memory_space<semaphore_mem>>
      tpu.enqueue_indirect_dma source(%dma_start3A_57 : memref<40000x128xf32, #tpu.memory_space<hbm>>) target(%dma_start3A_51 : memref<64x128xf32, #tpu.memory_space<vmem>>) offsets(%dma_start3A_54 : memref<64xi32, #tpu.memory_space<vmem>>) semaphore(%dma_start3A_59 : memref<!tpu.dma_semaphore, #tpu.memory_space<semaphore_mem>>)
      %dma_start3A_60 = arith.constant 3 : i32
      %dma_start3A_61 = arith.constant 3 : i32
      %dma_start3A_62 = arith.constant 3 : i32
      %dma_start3A_63 = arith.constant 0 : i32
      %dma_start3A_64 = arith.constant 0 : i32
      %dma_start3A_65 = tpu.memref_slice %arg9[%dma_start3A_61, %dma_start3A_63, %dma_start3A_64] : memref<4x64x128xf32, #tpu.memory_space<vmem>> -> memref<1x64x128xf32, #tpu.memory_space<vmem>>
      %dma_start3A_66 = tpu.memref_squeeze %dma_start3A_65 : memref<1x64x128xf32, #tpu.memory_space<vmem>> -> memref<64x128xf32, #tpu.memory_space<vmem>>
      %dma_start3A_67 = arith.constant 0 : i32
      %dma_start3A_68 = tpu.memref_slice %arg7[%dma_start3A_60, %dma_start3A_67] : memref<64x64xi32, #tpu.memory_space<vmem>> -> memref<1x64xi32, #tpu.memory_space<vmem>>
      %dma_start3A_69 = tpu.memref_squeeze %dma_start3A_68 : memref<1x64xi32, #tpu.memory_space<vmem>> -> memref<64xi32, #tpu.memory_space<vmem>>
      %dma_start3A_70 = arith.constant 0 : i32
      %dma_start3A_71 = arith.constant 0 : i32
      %dma_start3A_72 = tpu.memref_slice %arg2[%dma_start3A_70, %dma_start3A_71] : memref<40000x128xf32, #tpu.memory_space<hbm>> -> memref<40000x128xf32, #tpu.memory_space<hbm>>
      %dma_start3A_73 = tpu.memref_slice %arg11[%dma_start3A_62] : memref<4x!tpu.dma_semaphore, #tpu.memory_space<semaphore_mem>> -> memref<1x!tpu.dma_semaphore, #tpu.memory_space<semaphore_mem>>
      %dma_start3A_74 = tpu.memref_squeeze %dma_start3A_73 : memref<1x!tpu.dma_semaphore, #tpu.memory_space<semaphore_mem>> -> memref<!tpu.dma_semaphore, #tpu.memory_space<semaphore_mem>>
      tpu.enqueue_indirect_dma source(%dma_start3A_72 : memref<40000x128xf32, #tpu.memory_space<hbm>>) target(%dma_start3A_66 : memref<64x128xf32, #tpu.memory_space<vmem>>) offsets(%dma_start3A_69 : memref<64xi32, #tpu.memory_space<vmem>>) semaphore(%dma_start3A_74 : memref<!tpu.dma_semaphore, #tpu.memory_space<semaphore_mem>>)
      %scan3A_75 = arith.constant 0 : i32
      %scan3A_76 = arith.constant 0 : i32
      %scan3A_77 = arith.constant 64 : i32
      %scan3A_78 = arith.addi %scan3A_76, %scan3A_77 : i32
      %scan3A_79 = arith.constant 1 : i32
      %scan3A_80 = scf.for %scan3A_142 = %scan3A_76 to %scan3A_78 step %scan3A_79 iter_args(%scan3A_143 = %scan3A_75) -> (i32)  : i32 {
        %rem3A = arith.constant 4 : i32
        %rem3A_144 = arith.remsi %scan3A_142, %rem3A : i32
        %dma_wait3A_145 = arith.constant 0 : i32
        %dma_wait3A_146 = arith.constant 0 : i32
        %dma_wait3A_147 = tpu.memref_slice %arg9[%rem3A_144, %dma_wait3A_145, %dma_wait3A_146] : memref<4x64x128xf32, #tpu.memory_space<vmem>> -> memref<1x64x128xf32, #tpu.memory_space<vmem>>
        %dma_wait3A_148 = tpu.memref_squeeze %dma_wait3A_147 : memref<1x64x128xf32, #tpu.memory_space<vmem>> -> memref<64x128xf32, #tpu.memory_space<vmem>>
        %dma_wait3A_149 = arith.constant 0 : i32
        %dma_wait3A_150 = tpu.memref_slice %arg7[%scan3A_142, %dma_wait3A_149] : memref<64x64xi32, #tpu.memory_space<vmem>> -> memref<1x64xi32, #tpu.memory_space<vmem>>
        %dma_wait3A_151 = tpu.memref_squeeze %dma_wait3A_150 : memref<1x64xi32, #tpu.memory_space<vmem>> -> memref<64xi32, #tpu.memory_space<vmem>>
        %dma_wait3A_152 = arith.constant 0 : i32
        %dma_wait3A_153 = arith.constant 0 : i32
        %dma_wait3A_154 = tpu.memref_slice %arg2[%dma_wait3A_152, %dma_wait3A_153] : memref<40000x128xf32, #tpu.memory_space<hbm>> -> memref<40000x128xf32, #tpu.memory_space<hbm>>
        %dma_wait3A_155 = tpu.memref_slice %arg11[%rem3A_144] : memref<4x!tpu.dma_semaphore, #tpu.memory_space<semaphore_mem>> -> memref<1x!tpu.dma_semaphore, #tpu.memory_space<semaphore_mem>>
        %dma_wait3A_156 = tpu.memref_squeeze %dma_wait3A_155 : memref<1x!tpu.dma_semaphore, #tpu.memory_space<semaphore_mem>> -> memref<!tpu.dma_semaphore, #tpu.memory_space<semaphore_mem>>
        tpu.wait_indirect_dma semaphore(%dma_wait3A_156 : memref<!tpu.dma_semaphore, #tpu.memory_space<semaphore_mem>>) src(%dma_wait3A_154 : memref<40000x128xf32, #tpu.memory_space<hbm>>) dst(%dma_wait3A_148 : memref<64x128xf32, #tpu.memory_space<vmem>>)
        %dma_start3A_157 = arith.constant 0 : i32
        %dma_start3A_158 = arith.constant 0 : i32
        %dma_start3A_159 = tpu.memref_slice %arg9[%rem3A_144, %dma_start3A_157, %dma_start3A_158] : memref<4x64x128xf32, #tpu.memory_space<vmem>> -> memref<1x64x128xf32, #tpu.memory_space<vmem>>
        %dma_start3A_160 = tpu.memref_squeeze %dma_start3A_159 : memref<1x64x128xf32, #tpu.memory_space<vmem>> -> memref<64x128xf32, #tpu.memory_space<vmem>>
        %dma_start3A_161 = arith.constant 0 : i32
        %dma_start3A_162 = tpu.memref_slice %arg8[%scan3A_142, %dma_start3A_161] : memref<64x64xi32, #tpu.memory_space<vmem>> -> memref<1x64xi32, #tpu.memory_space<vmem>>
        %dma_start3A_163 = tpu.memref_squeeze %dma_start3A_162 : memref<1x64xi32, #tpu.memory_space<vmem>> -> memref<64xi32, #tpu.memory_space<vmem>>
        %dma_start3A_164 = arith.constant 0 : i32
        %dma_start3A_165 = arith.constant 0 : i32
        %dma_start3A_166 = tpu.memref_slice %arg10[%dma_start3A_164, %dma_start3A_165] : memref<10112x128xf32, #tpu.memory_space<vmem_shared>> -> memref<10112x128xf32, #tpu.memory_space<vmem_shared>>
        %dma_start3A_167 = tpu.memref_slice %arg12[%rem3A_144] : memref<4x!tpu.dma_semaphore, #tpu.memory_space<semaphore_mem>> -> memref<1x!tpu.dma_semaphore, #tpu.memory_space<semaphore_mem>>
        %dma_start3A_168 = tpu.memref_squeeze %dma_start3A_167 : memref<1x!tpu.dma_semaphore, #tpu.memory_space<semaphore_mem>> -> memref<!tpu.dma_semaphore, #tpu.memory_space<semaphore_mem>>
        tpu.enqueue_indirect_dma source(%dma_start3A_160 : memref<64x128xf32, #tpu.memory_space<vmem>>) target(%dma_start3A_166 : memref<10112x128xf32, #tpu.memory_space<vmem_shared>>) offsets(%dma_start3A_163 : memref<64xi32, #tpu.memory_space<vmem>>) semaphore(%dma_start3A_168 : memref<!tpu.dma_semaphore, #tpu.memory_space<semaphore_mem>>) {add = true}
        %add3A_169 = arith.constant 4 : i32
        %add3A_170 = arith.addi %scan3A_142, %add3A_169 : i32
        %lt3A = arith.constant 64 : i32
        %lt3A_171 = arith.cmpi slt, %add3A_170, %lt3A : i32
        %convert_element_type3A = arith.extui %lt3A_171 : i1 to i32
        %cond3A = arith.constant 0 : i32
        %cond3A_172 = arith.cmpi ne, %convert_element_type3A, %cond3A : i32
        scf.if %cond3A_172 {
          %dma_wait3A_174 = arith.constant 0 : i32
          %dma_wait3A_175 = arith.constant 0 : i32
          %dma_wait3A_176 = tpu.memref_slice %arg9[%rem3A_144, %dma_wait3A_174, %dma_wait3A_175] : memref<4x64x128xf32, #tpu.memory_space<vmem>> -> memref<1x64x128xf32, #tpu.memory_space<vmem>>
          %dma_wait3A_177 = tpu.memref_squeeze %dma_wait3A_176 : memref<1x64x128xf32, #tpu.memory_space<vmem>> -> memref<64x128xf32, #tpu.memory_space<vmem>>
          %dma_wait3A_178 = arith.constant 0 : i32
          %dma_wait3A_179 = tpu.memref_slice %arg8[%scan3A_142, %dma_wait3A_178] : memref<64x64xi32, #tpu.memory_space<vmem>> -> memref<1x64xi32, #tpu.memory_space<vmem>>
          %dma_wait3A_180 = tpu.memref_squeeze %dma_wait3A_179 : memref<1x64xi32, #tpu.memory_space<vmem>> -> memref<64xi32, #tpu.memory_space<vmem>>
          %dma_wait3A_181 = arith.constant 0 : i32
          %dma_wait3A_182 = arith.constant 0 : i32
          %dma_wait3A_183 = tpu.memref_slice %arg10[%dma_wait3A_181, %dma_wait3A_182] : memref<10112x128xf32, #tpu.memory_space<vmem_shared>> -> memref<10112x128xf32, #tpu.memory_space<vmem_shared>>
          %dma_wait3A_184 = tpu.memref_slice %arg12[%rem3A_144] : memref<4x!tpu.dma_semaphore, #tpu.memory_space<semaphore_mem>> -> memref<1x!tpu.dma_semaphore, #tpu.memory_space<semaphore_mem>>
          %dma_wait3A_185 = tpu.memref_squeeze %dma_wait3A_184 : memref<1x!tpu.dma_semaphore, #tpu.memory_space<semaphore_mem>> -> memref<!tpu.dma_semaphore, #tpu.memory_space<semaphore_mem>>
          tpu.wait_indirect_dma semaphore(%dma_wait3A_185 : memref<!tpu.dma_semaphore, #tpu.memory_space<semaphore_mem>>) src(%dma_wait3A_177 : memref<64x128xf32, #tpu.memory_space<vmem>>) dst(%dma_wait3A_183 : memref<10112x128xf32, #tpu.memory_space<vmem_shared>>)
          %add3A_186 = arith.constant 4 : i32
          %add3A_187 = arith.addi %scan3A_142, %add3A_186 : i32
          %dma_start3A_188 = arith.constant 0 : i32
          %dma_start3A_189 = arith.constant 0 : i32
          %dma_start3A_190 = tpu.memref_slice %arg9[%rem3A_144, %dma_start3A_188, %dma_start3A_189] : memref<4x64x128xf32, #tpu.memory_space<vmem>> -> memref<1x64x128xf32, #tpu.memory_space<vmem>>
          %dma_start3A_191 = tpu.memref_squeeze %dma_start3A_190 : memref<1x64x128xf32, #tpu.memory_space<vmem>> -> memref<64x128xf32, #tpu.memory_space<vmem>>
          %dma_start3A_192 = arith.constant 0 : i32
          %dma_start3A_193 = tpu.memref_slice %arg7[%add3A_187, %dma_start3A_192] : memref<64x64xi32, #tpu.memory_space<vmem>> -> memref<1x64xi32, #tpu.memory_space<vmem>>
          %dma_start3A_194 = tpu.memref_squeeze %dma_start3A_193 : memref<1x64xi32, #tpu.memory_space<vmem>> -> memref<64xi32, #tpu.memory_space<vmem>>
          %dma_start3A_195 = arith.constant 0 : i32
          %dma_start3A_196 = arith.constant 0 : i32
          %dma_start3A_197 = tpu.memref_slice %arg2[%dma_start3A_195, %dma_start3A_196] : memref<40000x128xf32, #tpu.memory_space<hbm>> -> memref<40000x128xf32, #tpu.memory_space<hbm>>
          %dma_start3A_198 = tpu.memref_slice %arg11[%rem3A_144] : memref<4x!tpu.dma_semaphore, #tpu.memory_space<semaphore_mem>> -> memref<1x!tpu.dma_semaphore, #tpu.memory_space<semaphore_mem>>
          %dma_start3A_199 = tpu.memref_squeeze %dma_start3A_198 : memref<1x!tpu.dma_semaphore, #tpu.memory_space<semaphore_mem>> -> memref<!tpu.dma_semaphore, #tpu.memory_space<semaphore_mem>>
          tpu.enqueue_indirect_dma source(%dma_start3A_197 : memref<40000x128xf32, #tpu.memory_space<hbm>>) target(%dma_start3A_191 : memref<64x128xf32, #tpu.memory_space<vmem>>) offsets(%dma_start3A_194 : memref<64xi32, #tpu.memory_space<vmem>>) semaphore(%dma_start3A_199 : memref<!tpu.dma_semaphore, #tpu.memory_space<semaphore_mem>>)
        } else {
        }
        %scan3A_173 = arith.constant 0 : i32
        scf.yield %scan3A_173 : i32
      }
      %scan3A_81 = arith.constant 64 : i32
      %dma_wait3A = arith.constant 0 : i32
      %dma_wait3A_82 = arith.constant 60 : i32
      %dma_wait3A_83 = arith.constant 0 : i32
      %dma_wait3A_84 = arith.constant 0 : i32
      %dma_wait3A_85 = arith.constant 0 : i32
      %dma_wait3A_86 = tpu.memref_slice %arg9[%dma_wait3A, %dma_wait3A_84, %dma_wait3A_85] : memref<4x64x128xf32, #tpu.memory_space<vmem>> -> memref<1x64x128xf32, #tpu.memory_space<vmem>>
      %dma_wait3A_87 = tpu.memref_squeeze %dma_wait3A_86 : memref<1x64x128xf32, #tpu.memory_space<vmem>> -> memref<64x128xf32, #tpu.memory_space<vmem>>
      %dma_wait3A_88 = arith.constant 0 : i32
      %dma_wait3A_89 = tpu.memref_slice %arg8[%dma_wait3A_82, %dma_wait3A_88] : memref<64x64xi32, #tpu.memory_space<vmem>> -> memref<1x64xi32, #tpu.memory_space<vmem>>
      %dma_wait3A_90 = tpu.memref_squeeze %dma_wait3A_89 : memref<1x64xi32, #tpu.memory_space<vmem>> -> memref<64xi32, #tpu.memory_space<vmem>>
      %dma_wait3A_91 = arith.constant 0 : i32
      %dma_wait3A_92 = arith.constant 0 : i32
      %dma_wait3A_93 = tpu.memref_slice %arg10[%dma_wait3A_91, %dma_wait3A_92] : memref<10112x128xf32, #tpu.memory_space<vmem_shared>> -> memref<10112x128xf32, #tpu.memory_space<vmem_shared>>
      %dma_wait3A_94 = tpu.memref_slice %arg12[%dma_wait3A_83] : memref<4x!tpu.dma_semaphore, #tpu.memory_space<semaphore_mem>> -> memref<1x!tpu.dma_semaphore, #tpu.memory_space<semaphore_mem>>
      %dma_wait3A_95 = tpu.memref_squeeze %dma_wait3A_94 : memref<1x!tpu.dma_semaphore, #tpu.memory_space<semaphore_mem>> -> memref<!tpu.dma_semaphore, #tpu.memory_space<semaphore_mem>>
      tpu.wait_indirect_dma semaphore(%dma_wait3A_95 : memref<!tpu.dma_semaphore, #tpu.memory_space<semaphore_mem>>) src(%dma_wait3A_87 : memref<64x128xf32, #tpu.memory_space<vmem>>) dst(%dma_wait3A_93 : memref<10112x128xf32, #tpu.memory_space<vmem_shared>>)
      %dma_wait3A_96 = arith.constant 1 : i32
      %dma_wait3A_97 = arith.constant 61 : i32
      %dma_wait3A_98 = arith.constant 1 : i32
      %dma_wait3A_99 = arith.constant 0 : i32
      %dma_wait3A_100 = arith.constant 0 : i32
      %dma_wait3A_101 = tpu.memref_slice %arg9[%dma_wait3A_96, %dma_wait3A_99, %dma_wait3A_100] : memref<4x64x128xf32, #tpu.memory_space<vmem>> -> memref<1x64x128xf32, #tpu.memory_space<vmem>>
      %dma_wait3A_102 = tpu.memref_squeeze %dma_wait3A_101 : memref<1x64x128xf32, #tpu.memory_space<vmem>> -> memref<64x128xf32, #tpu.memory_space<vmem>>
      %dma_wait3A_103 = arith.constant 0 : i32
      %dma_wait3A_104 = tpu.memref_slice %arg8[%dma_wait3A_97, %dma_wait3A_103] : memref<64x64xi32, #tpu.memory_space<vmem>> -> memref<1x64xi32, #tpu.memory_space<vmem>>
      %dma_wait3A_105 = tpu.memref_squeeze %dma_wait3A_104 : memref<1x64xi32, #tpu.memory_space<vmem>> -> memref<64xi32, #tpu.memory_space<vmem>>
      %dma_wait3A_106 = arith.constant 0 : i32
      %dma_wait3A_107 = arith.constant 0 : i32
      %dma_wait3A_108 = tpu.memref_slice %arg10[%dma_wait3A_106, %dma_wait3A_107] : memref<10112x128xf32, #tpu.memory_space<vmem_shared>> -> memref<10112x128xf32, #tpu.memory_space<vmem_shared>>
      %dma_wait3A_109 = tpu.memref_slice %arg12[%dma_wait3A_98] : memref<4x!tpu.dma_semaphore, #tpu.memory_space<semaphore_mem>> -> memref<1x!tpu.dma_semaphore, #tpu.memory_space<semaphore_mem>>
      %dma_wait3A_110 = tpu.memref_squeeze %dma_wait3A_109 : memref<1x!tpu.dma_semaphore, #tpu.memory_space<semaphore_mem>> -> memref<!tpu.dma_semaphore, #tpu.memory_space<semaphore_mem>>
      tpu.wait_indirect_dma semaphore(%dma_wait3A_110 : memref<!tpu.dma_semaphore, #tpu.memory_space<semaphore_mem>>) src(%dma_wait3A_102 : memref<64x128xf32, #tpu.memory_space<vmem>>) dst(%dma_wait3A_108 : memref<10112x128xf32, #tpu.memory_space<vmem_shared>>)
      %dma_wait3A_111 = arith.constant 2 : i32
      %dma_wait3A_112 = arith.constant 62 : i32
      %dma_wait3A_113 = arith.constant 2 : i32
      %dma_wait3A_114 = arith.constant 0 : i32
      %dma_wait3A_115 = arith.constant 0 : i32
      %dma_wait3A_116 = tpu.memref_slice %arg9[%dma_wait3A_111, %dma_wait3A_114, %dma_wait3A_115] : memref<4x64x128xf32, #tpu.memory_space<vmem>> -> memref<1x64x128xf32, #tpu.memory_space<vmem>>
      %dma_wait3A_117 = tpu.memref_squeeze %dma_wait3A_116 : memref<1x64x128xf32, #tpu.memory_space<vmem>> -> memref<64x128xf32, #tpu.memory_space<vmem>>
      %dma_wait3A_118 = arith.constant 0 : i32
      %dma_wait3A_119 = tpu.memref_slice %arg8[%dma_wait3A_112, %dma_wait3A_118] : memref<64x64xi32, #tpu.memory_space<vmem>> -> memref<1x64xi32, #tpu.memory_space<vmem>>
      %dma_wait3A_120 = tpu.memref_squeeze %dma_wait3A_119 : memref<1x64xi32, #tpu.memory_space<vmem>> -> memref<64xi32, #tpu.memory_space<vmem>>
      %dma_wait3A_121 = arith.constant 0 : i32
      %dma_wait3A_122 = arith.constant 0 : i32
      %dma_wait3A_123 = tpu.memref_slice %arg10[%dma_wait3A_121, %dma_wait3A_122] : memref<10112x128xf32, #tpu.memory_space<vmem_shared>> -> memref<10112x128xf32, #tpu.memory_space<vmem_shared>>
      %dma_wait3A_124 = tpu.memref_slice %arg12[%dma_wait3A_113] : memref<4x!tpu.dma_semaphore, #tpu.memory_space<semaphore_mem>> -> memref<1x!tpu.dma_semaphore, #tpu.memory_space<semaphore_mem>>
      %dma_wait3A_125 = tpu.memref_squeeze %dma_wait3A_124 : memref<1x!tpu.dma_semaphore, #tpu.memory_space<semaphore_mem>> -> memref<!tpu.dma_semaphore, #tpu.memory_space<semaphore_mem>>
      tpu.wait_indirect_dma semaphore(%dma_wait3A_125 : memref<!tpu.dma_semaphore, #tpu.memory_space<semaphore_mem>>) src(%dma_wait3A_117 : memref<64x128xf32, #tpu.memory_space<vmem>>) dst(%dma_wait3A_123 : memref<10112x128xf32, #tpu.memory_space<vmem_shared>>)
      %dma_wait3A_126 = arith.constant 3 : i32
      %dma_wait3A_127 = arith.constant 63 : i32
      %dma_wait3A_128 = arith.constant 3 : i32
      %dma_wait3A_129 = arith.constant 0 : i32
      %dma_wait3A_130 = arith.constant 0 : i32
      %dma_wait3A_131 = tpu.memref_slice %arg9[%dma_wait3A_126, %dma_wait3A_129, %dma_wait3A_130] : memref<4x64x128xf32, #tpu.memory_space<vmem>> -> memref<1x64x128xf32, #tpu.memory_space<vmem>>
      %dma_wait3A_132 = tpu.memref_squeeze %dma_wait3A_131 : memref<1x64x128xf32, #tpu.memory_space<vmem>> -> memref<64x128xf32, #tpu.memory_space<vmem>>
      %dma_wait3A_133 = arith.constant 0 : i32
      %dma_wait3A_134 = tpu.memref_slice %arg8[%dma_wait3A_127, %dma_wait3A_133] : memref<64x64xi32, #tpu.memory_space<vmem>> -> memref<1x64xi32, #tpu.memory_space<vmem>>
      %dma_wait3A_135 = tpu.memref_squeeze %dma_wait3A_134 : memref<1x64xi32, #tpu.memory_space<vmem>> -> memref<64xi32, #tpu.memory_space<vmem>>
      %dma_wait3A_136 = arith.constant 0 : i32
      %dma_wait3A_137 = arith.constant 0 : i32
      %dma_wait3A_138 = tpu.memref_slice %arg10[%dma_wait3A_136, %dma_wait3A_137] : memref<10112x128xf32, #tpu.memory_space<vmem_shared>> -> memref<10112x128xf32, #tpu.memory_space<vmem_shared>>
      %dma_wait3A_139 = tpu.memref_slice %arg12[%dma_wait3A_128] : memref<4x!tpu.dma_semaphore, #tpu.memory_space<semaphore_mem>> -> memref<1x!tpu.dma_semaphore, #tpu.memory_space<semaphore_mem>>
      %dma_wait3A_140 = tpu.memref_squeeze %dma_wait3A_139 : memref<1x!tpu.dma_semaphore, #tpu.memory_space<semaphore_mem>> -> memref<!tpu.dma_semaphore, #tpu.memory_space<semaphore_mem>>
      tpu.wait_indirect_dma semaphore(%dma_wait3A_140 : memref<!tpu.dma_semaphore, #tpu.memory_space<semaphore_mem>>) src(%dma_wait3A_132 : memref<64x128xf32, #tpu.memory_space<vmem>>) dst(%dma_wait3A_138 : memref<10112x128xf32, #tpu.memory_space<vmem_shared>>)
      %scan3A_141 = arith.constant 0 : i32
      scf.yield %scan3A_141 : i32
    }
    %scan3A_8 = arith.constant 5 : i32
    %barrier3A_9 = arith.constant 0 : index
    tpu.barrier barrier_id(%barrier3A_9)
    "tpu.region"() ({
      %run_scoped3A = tpu.sem_alloc : memref<!tpu.dma_semaphore, #tpu.memory_space<semaphore_mem>>
      %dma_start3A = arith.constant 0 : i32
      %dma_start3A_10 = tpu.memref_slice %arg6[%arg0, %mul3A_2, %dma_start3A] : memref<2x10112x128xf32, #tpu.memory_space<hbm>> -> memref<1x632x128xf32, #tpu.memory_space<hbm>>
      %dma_start3A_11 = tpu.memref_squeeze %dma_start3A_10 : memref<1x632x128xf32, #tpu.memory_space<hbm>> -> memref<632x128xf32, #tpu.memory_space<hbm>>
      %dma_start3A_12 = arith.constant 0 : i32
      %dma_start3A_13 = tpu.memref_slice %arg10[%mul3A_2, %dma_start3A_12] : memref<10112x128xf32, #tpu.memory_space<vmem_shared>> -> memref<632x128xf32, #tpu.memory_space<vmem_shared>>
      tpu.enqueue_dma source(%dma_start3A_13 : memref<632x128xf32, #tpu.memory_space<vmem_shared>>) target(%dma_start3A_11 : memref<632x128xf32, #tpu.memory_space<hbm>>) target_semaphore(%run_scoped3A : memref<!tpu.dma_semaphore, #tpu.memory_space<semaphore_mem>>)
      %dma_wait3A = arith.constant 0 : i32
      %dma_wait3A_14 = tpu.memref_slice %arg6[%arg0, %mul3A_2, %dma_wait3A] : memref<2x10112x128xf32, #tpu.memory_space<hbm>> -> memref<1x632x128xf32, #tpu.memory_space<hbm>>
      %dma_wait3A_15 = tpu.memref_squeeze %dma_wait3A_14 : memref<1x632x128xf32, #tpu.memory_space<hbm>> -> memref<632x128xf32, #tpu.memory_space<hbm>>
      %dma_wait3A_16 = arith.constant 0 : i32
      %dma_wait3A_17 = tpu.memref_slice %arg10[%mul3A_2, %dma_wait3A_16] : memref<10112x128xf32, #tpu.memory_space<vmem_shared>> -> memref<632x128xf32, #tpu.memory_space<vmem_shared>>
      tpu.wait_dma2 semaphore(%run_scoped3A : memref<!tpu.dma_semaphore, #tpu.memory_space<semaphore_mem>>) src(%dma_wait3A_17 : memref<632x128xf32, #tpu.memory_space<vmem_shared>>) dst(%dma_wait3A_15 : memref<632x128xf32, #tpu.memory_space<hbm>>)
      tpu.yield
    }) : () -> ()
    return
  }
}

module attributes {stable_mosaic.version = 14 : i64} {
  func.func @_embed_body(%arg0: i32, %arg1: memref<1000x29xf32, #tpu.memory_space<vmem>>, %arg2: memref<29x128xf32, #tpu.memory_space<vmem>>, %arg3: memref<1000x64xf32, #tpu.memory_space<vmem>>, %arg4: memref<64x128xf32, #tpu.memory_space<vmem>>, %arg5: memref<4x128xf32, #tpu.memory_space<vmem>>, %arg6: memref<1000x128xf32, #tpu.memory_space<vmem>>, %arg7: memref<1000x128xf32, #tpu.memory_space<vmem>>, %arg8: memref<1000x4x128xf32, #tpu.memory_space<vmem>>) attributes {dimension_semantics = [#tpu.dimension_semantics<arbitrary>], iteration_bounds = array<i64: 10>, scalar_prefetch = 0 : i64, scratch_operands = 0 : i64, tpu.core_type = #tpu.core_type<tc>, window_params = [{transform_indices = @transform_0, window_bounds = array<i64: 1000, 29>}, {pipeline_mode = #tpu.pipeline_mode<synchronous>, transform_indices = @transform_1, window_bounds = array<i64: 29, 128>}, {transform_indices = @transform_2, window_bounds = array<i64: 1000, 64>}, {pipeline_mode = #tpu.pipeline_mode<synchronous>, transform_indices = @transform_3, window_bounds = array<i64: 64, 128>}, {pipeline_mode = #tpu.pipeline_mode<synchronous>, transform_indices = @transform_4, window_bounds = array<i64: 4, 128>}, {transform_indices = @transform_5, window_bounds = array<i64: 1000, 128>}, {transform_indices = @transform_6, window_bounds = array<i64: 1000, 128>}, {transform_indices = @transform_7, window_bounds = array<i64: 1000, 4, 128>}]} {
    %get3A = arith.constant 0 : index
    %get3A_0 = arith.constant 0 : index
    %get3A_1 = vector.load %arg1[%get3A, %get3A_0] : memref<1000x29xf32, #tpu.memory_space<vmem>>, vector<1000x29xf32>
    %get3A_2 = arith.constant 0 : index
    %get3A_3 = arith.constant 0 : index
    %get3A_4 = vector.load %arg2[%get3A_2, %get3A_3] : memref<29x128xf32, #tpu.memory_space<vmem>>, vector<29x128xf32>
    %dot_general3A = arith.constant dense<0.000000e+00> : vector<1000x128xf32>
    %dot_general3A_5 = tpu.matmul %get3A_1, %get3A_4, %dot_general3A {dimension_numbers = #tpu.dot_dimension_numbers<[1], [0], [0], [1], [0, 0, 1, 1], [], []>, precision = #tpu.contract_precision<fp32>, transpose_lhs_hint = false} : vector<1000x29xf32>, vector<29x128xf32>, vector<1000x128xf32> -> vector<1000x128xf32>
    %get3A_6 = arith.constant 0 : index
    %get3A_7 = arith.constant 0 : index
    %get3A_8 = vector.load %arg3[%get3A_6, %get3A_7] : memref<1000x64xf32, #tpu.memory_space<vmem>>, vector<1000x64xf32>
    %get3A_9 = arith.constant 0 : index
    %get3A_10 = arith.constant 0 : index
    %get3A_11 = vector.load %arg4[%get3A_9, %get3A_10] : memref<64x128xf32, #tpu.memory_space<vmem>>, vector<64x128xf32>
    %dot_general3A_12 = arith.constant dense<0.000000e+00> : vector<1000x128xf32>
    %dot_general3A_13 = tpu.matmul %get3A_8, %get3A_11, %dot_general3A_12 {dimension_numbers = #tpu.dot_dimension_numbers<[1], [0], [0], [1], [0, 0, 1, 1], [], []>, precision = #tpu.contract_precision<fp32>, transpose_lhs_hint = false} : vector<1000x64xf32>, vector<64x128xf32>, vector<1000x128xf32> -> vector<1000x128xf32>
    %add3A = arith.addf %dot_general3A_5, %dot_general3A_13 : vector<1000x128xf32>
    %swap3A = arith.constant 0 : index
    %swap3A_14 = arith.constant 0 : index
    %swap3A_15 = vector.load %arg6[%swap3A, %swap3A_14] : memref<1000x128xf32, #tpu.memory_space<vmem>>, vector<1000x128xf32>
    tpu.vector_store %arg6[%swap3A, %swap3A_14], %dot_general3A_5 {strides = array<i32>} : memref<1000x128xf32, #tpu.memory_space<vmem>>, vector<1000x128xf32>,
    %swap3A_16 = arith.constant 0 : index
    %swap3A_17 = arith.constant 0 : index
    %swap3A_18 = vector.load %arg7[%swap3A_16, %swap3A_17] : memref<1000x128xf32, #tpu.memory_space<vmem>>, vector<1000x128xf32>
    tpu.vector_store %arg7[%swap3A_16, %swap3A_17], %add3A {strides = array<i32>} : memref<1000x128xf32, #tpu.memory_space<vmem>>, vector<1000x128xf32>,
    %get3A_19 = arith.constant 0 : index
    %get3A_20 = arith.constant 0 : index
    %get3A_21 = vector.load %arg5[%get3A_19, %get3A_20] : memref<4x128xf32, #tpu.memory_space<vmem>>, vector<1x128xf32>
    %get3A_22 = vector.shape_cast %get3A_21 : vector<1x128xf32> to vector<128xf32>
    %broadcast_in_dim3A = vector.shape_cast %get3A_22 : vector<128xf32> to vector<1x128xf32>
    %add3A_23 = vector.broadcast %broadcast_in_dim3A : vector<1x128xf32> to vector<1000x128xf32>
    %add3A_24 = arith.addf %add3A, %add3A_23 : vector<1000x128xf32>
    %max3A = arith.constant 0.000000e+00 : f32
    %max3A_25 = vector.broadcast %max3A : f32 to vector<1000x128xf32>
    %max3A_26 = arith.maximumf %add3A_24, %max3A_25 : vector<1000x128xf32>
    %swap3A_27 = arith.constant 0 : index
    %swap3A_28 = arith.constant 0 : index
    %swap3A_29 = arith.constant 0 : index
    %swap3A_30 = vector.load %arg8[%swap3A_27, %swap3A_28, %swap3A_29] : memref<1000x4x128xf32, #tpu.memory_space<vmem>>, vector<1000x1x128xf32>
    %swap3A_31 = vector.shape_cast %swap3A_30 : vector<1000x1x128xf32> to vector<1000x128xf32>
    %swap3A_32 = vector.shape_cast %max3A_26 : vector<1000x128xf32> to vector<1000x1x128xf32>
    tpu.vector_store %arg8[%swap3A_27, %swap3A_28, %swap3A_29], %swap3A_32 {strides = array<i32>} : memref<1000x4x128xf32, #tpu.memory_space<vmem>>, vector<1000x1x128xf32>,
    %get3A_33 = arith.constant 1 : index
    %get3A_34 = arith.constant 0 : index
    %get3A_35 = vector.load %arg5[%get3A_33, %get3A_34] : memref<4x128xf32, #tpu.memory_space<vmem>>, vector<1x128xf32>
    %get3A_36 = vector.shape_cast %get3A_35 : vector<1x128xf32> to vector<128xf32>
    %broadcast_in_dim3A_37 = vector.shape_cast %get3A_36 : vector<128xf32> to vector<1x128xf32>
    %add3A_38 = vector.broadcast %broadcast_in_dim3A_37 : vector<1x128xf32> to vector<1000x128xf32>
    %add3A_39 = arith.addf %add3A, %add3A_38 : vector<1000x128xf32>
    %max3A_40 = arith.constant 0.000000e+00 : f32
    %max3A_41 = vector.broadcast %max3A_40 : f32 to vector<1000x128xf32>
    %max3A_42 = arith.maximumf %add3A_39, %max3A_41 : vector<1000x128xf32>
    %swap3A_43 = arith.constant 0 : index
    %swap3A_44 = arith.constant 1 : index
    %swap3A_45 = arith.constant 0 : index
    %swap3A_46 = vector.load %arg8[%swap3A_43, %swap3A_44, %swap3A_45] : memref<1000x4x128xf32, #tpu.memory_space<vmem>>, vector<1000x1x128xf32>
    %swap3A_47 = vector.shape_cast %swap3A_46 : vector<1000x1x128xf32> to vector<1000x128xf32>
    %swap3A_48 = vector.shape_cast %max3A_42 : vector<1000x128xf32> to vector<1000x1x128xf32>
    tpu.vector_store %arg8[%swap3A_43, %swap3A_44, %swap3A_45], %swap3A_48 {strides = array<i32>} : memref<1000x4x128xf32, #tpu.memory_space<vmem>>, vector<1000x1x128xf32>,
    %get3A_49 = arith.constant 2 : index
    %get3A_50 = arith.constant 0 : index
    %get3A_51 = vector.load %arg5[%get3A_49, %get3A_50] : memref<4x128xf32, #tpu.memory_space<vmem>>, vector<1x128xf32>
    %get3A_52 = vector.shape_cast %get3A_51 : vector<1x128xf32> to vector<128xf32>
    %broadcast_in_dim3A_53 = vector.shape_cast %get3A_52 : vector<128xf32> to vector<1x128xf32>
    %add3A_54 = vector.broadcast %broadcast_in_dim3A_53 : vector<1x128xf32> to vector<1000x128xf32>
    %add3A_55 = arith.addf %add3A, %add3A_54 : vector<1000x128xf32>
    %max3A_56 = arith.constant 0.000000e+00 : f32
    %max3A_57 = vector.broadcast %max3A_56 : f32 to vector<1000x128xf32>
    %max3A_58 = arith.maximumf %add3A_55, %max3A_57 : vector<1000x128xf32>
    %swap3A_59 = arith.constant 0 : index
    %swap3A_60 = arith.constant 2 : index
    %swap3A_61 = arith.constant 0 : index
    %swap3A_62 = vector.load %arg8[%swap3A_59, %swap3A_60, %swap3A_61] : memref<1000x4x128xf32, #tpu.memory_space<vmem>>, vector<1000x1x128xf32>
    %swap3A_63 = vector.shape_cast %swap3A_62 : vector<1000x1x128xf32> to vector<1000x128xf32>
    %swap3A_64 = vector.shape_cast %max3A_58 : vector<1000x128xf32> to vector<1000x1x128xf32>
    tpu.vector_store %arg8[%swap3A_59, %swap3A_60, %swap3A_61], %swap3A_64 {strides = array<i32>} : memref<1000x4x128xf32, #tpu.memory_space<vmem>>, vector<1000x1x128xf32>,
    %get3A_65 = arith.constant 3 : index
    %get3A_66 = arith.constant 0 : index
    %get3A_67 = vector.load %arg5[%get3A_65, %get3A_66] : memref<4x128xf32, #tpu.memory_space<vmem>>, vector<1x128xf32>
    %get3A_68 = vector.shape_cast %get3A_67 : vector<1x128xf32> to vector<128xf32>
    %broadcast_in_dim3A_69 = vector.shape_cast %get3A_68 : vector<128xf32> to vector<1x128xf32>
    %add3A_70 = vector.broadcast %broadcast_in_dim3A_69 : vector<1x128xf32> to vector<1000x128xf32>
    %add3A_71 = arith.addf %add3A, %add3A_70 : vector<1000x128xf32>
    %max3A_72 = arith.constant 0.000000e+00 : f32
    %max3A_73 = vector.broadcast %max3A_72 : f32 to vector<1000x128xf32>
    %max3A_74 = arith.maximumf %add3A_71, %max3A_73 : vector<1000x128xf32>
    %swap3A_75 = arith.constant 0 : index
    %swap3A_76 = arith.constant 3 : index
    %swap3A_77 = arith.constant 0 : index
    %swap3A_78 = vector.load %arg8[%swap3A_75, %swap3A_76, %swap3A_77] : memref<1000x4x128xf32, #tpu.memory_space<vmem>>, vector<1000x1x128xf32>
    %swap3A_79 = vector.shape_cast %swap3A_78 : vector<1000x1x128xf32> to vector<1000x128xf32>
    %swap3A_80 = vector.shape_cast %max3A_74 : vector<1000x128xf32> to vector<1000x1x128xf32>
    tpu.vector_store %arg8[%swap3A_75, %swap3A_76, %swap3A_77], %swap3A_80 {strides = array<i32>} : memref<1000x4x128xf32, #tpu.memory_space<vmem>>, vector<1000x1x128xf32>,
    return
  }
  func.func @transform_0(%arg0: i32) -> (i32, i32) {
    %c0_i32 = arith.constant 0 : i32
    %c0_i32_0 = arith.constant 0 : i32
    return %arg0, %c0_i32 : i32, i32
  }
  func.func @transform_1(%arg0: i32) -> (i32, i32) {
    %c0_i32 = arith.constant 0 : i32
    %c0_i32_0 = arith.constant 0 : i32
    %c0_i32_1 = arith.constant 0 : i32
    return %c0_i32, %c0_i32_0 : i32, i32
  }
  func.func @transform_2(%arg0: i32) -> (i32, i32) {
    %c0_i32 = arith.constant 0 : i32
    %c0_i32_0 = arith.constant 0 : i32
    return %arg0, %c0_i32 : i32, i32
  }
  func.func @transform_3(%arg0: i32) -> (i32, i32) {
    %c0_i32 = arith.constant 0 : i32
    %c0_i32_0 = arith.constant 0 : i32
    %c0_i32_1 = arith.constant 0 : i32
    return %c0_i32, %c0_i32_0 : i32, i32
  }
  func.func @transform_4(%arg0: i32) -> (i32, i32) {
    %c0_i32 = arith.constant 0 : i32
    %c0_i32_0 = arith.constant 0 : i32
    %c0_i32_1 = arith.constant 0 : i32
    return %c0_i32, %c0_i32_0 : i32, i32
  }
  func.func @transform_5(%arg0: i32) -> (i32, i32) {
    %c0_i32 = arith.constant 0 : i32
    %c0_i32_0 = arith.constant 0 : i32
    return %arg0, %c0_i32 : i32, i32
  }
  func.func @transform_6(%arg0: i32) -> (i32, i32) {
    %c0_i32 = arith.constant 0 : i32
    %c0_i32_0 = arith.constant 0 : i32
    return %arg0, %c0_i32 : i32, i32
  }
  func.func @transform_7(%arg0: i32) -> (i32, i32, i32) {
    %c0_i32 = arith.constant 0 : i32
    %c0_i32_0 = arith.constant 0 : i32
    %c0_i32_1 = arith.constant 0 : i32
    return %arg0, %c0_i32, %c0_i32_0 : i32, i32, i32
  }
}

module attributes {stable_mosaic.version = 14 : i64} {
  func.func @_dense_body(%arg0: i32, %arg1: memref<1000x128xf32, #tpu.memory_space<vmem>>, %arg2: memref<1x1000x128xf32, #tpu.memory_space<vmem>>, %arg3: memref<1x1000x128xf32, #tpu.memory_space<vmem>>, %arg4: memref<128x128xf32, #tpu.memory_space<vmem>>, %arg5: memref<1x128xf32, #tpu.memory_space<vmem>>, %arg6: memref<128x128xf32, #tpu.memory_space<vmem>>, %arg7: memref<1x128xf32, #tpu.memory_space<vmem>>, %arg8: memref<1x1xf32, #tpu.memory_space<vmem>>, %arg9: memref<1x128xf32, #tpu.memory_space<vmem>>, %arg10: memref<1x128xf32, #tpu.memory_space<vmem>>, %arg11: memref<1000x64xf32, #tpu.memory_space<vmem>>, %arg12: memref<64x128xf32, #tpu.memory_space<vmem>>, %arg13: memref<128x128xf32, #tpu.memory_space<vmem>>, %arg14: memref<1x128xf32, #tpu.memory_space<vmem>>, %arg15: memref<1x128xf32, #tpu.memory_space<vmem>>, %arg16: memref<1x128xf32, #tpu.memory_space<vmem>>, %arg17: memref<1000x128xf32, #tpu.memory_space<vmem>>, %arg18: memref<64x128xf32, #tpu.memory_space<vmem>>, %arg19: memref<64x128xf32, #tpu.memory_space<vmem>>) attributes {dimension_semantics = [#tpu.dimension_semantics<arbitrary>], iteration_bounds = array<i64: 10>, scalar_prefetch = 0 : i64, scratch_operands = 1 : i64, tpu.core_type = #tpu.core_type<tc>, window_params = [{transform_indices = @transform_0, window_bounds = array<i64: 1000, 128>}, {transform_indices = @transform_1, window_bounds = array<i64: 1, 1000, 128>}, {transform_indices = @transform_2, window_bounds = array<i64: 1, 1000, 128>}, {pipeline_mode = #tpu.pipeline_mode<synchronous>, transform_indices = @transform_3, window_bounds = array<i64: 128, 128>}, {pipeline_mode = #tpu.pipeline_mode<synchronous>, transform_indices = @transform_4, window_bounds = array<i64: 1, 128>}, {pipeline_mode = #tpu.pipeline_mode<synchronous>, transform_indices = @transform_5, window_bounds = array<i64: 128, 128>}, {pipeline_mode = #tpu.pipeline_mode<synchronous>, transform_indices = @transform_6, window_bounds = array<i64: 1, 128>}, {pipeline_mode = #tpu.pipeline_mode<synchronous>, transform_indices = @transform_7, window_bounds = array<i64: 1, 1>}, {pipeline_mode = #tpu.pipeline_mode<synchronous>, transform_indices = @transform_8, window_bounds = array<i64: 1, 128>}, {pipeline_mode = #tpu.pipeline_mode<synchronous>, transform_indices = @transform_9, window_bounds = array<i64: 1, 128>}, {transform_indices = @transform_10, window_bounds = array<i64: 1000, 64>}, {pipeline_mode = #tpu.pipeline_mode<synchronous>, transform_indices = @transform_11, window_bounds = array<i64: 64, 128>}, {pipeline_mode = #tpu.pipeline_mode<synchronous>, transform_indices = @transform_12, window_bounds = array<i64: 128, 128>}, {pipeline_mode = #tpu.pipeline_mode<synchronous>, transform_indices = @transform_13, window_bounds = array<i64: 1, 128>}, {pipeline_mode = #tpu.pipeline_mode<synchronous>, transform_indices = @transform_14, window_bounds = array<i64: 1, 128>}, {pipeline_mode = #tpu.pipeline_mode<synchronous>, transform_indices = @transform_15, window_bounds = array<i64: 1, 128>}, {transform_indices = @transform_16, window_bounds = array<i64: 1000, 128>}, {pipeline_mode = #tpu.pipeline_mode<synchronous>, transform_indices = @transform_17, window_bounds = array<i64: 64, 128>}]} {
    %get3A = arith.constant 0 : index
    %get3A_0 = arith.constant 0 : index
    %get3A_1 = vector.load %arg1[%get3A, %get3A_0] : memref<1000x128xf32, #tpu.memory_space<vmem>>, vector<1000x128xf32>
    %get3A_2 = arith.constant 0 : index
    %get3A_3 = arith.constant 0 : index
    %get3A_4 = arith.constant 0 : index
    %get3A_5 = vector.load %arg2[%get3A_2, %get3A_3, %get3A_4] : memref<1x1000x128xf32, #tpu.memory_space<vmem>>, vector<1x1000x128xf32>
    %get3A_6 = vector.shape_cast %get3A_5 : vector<1x1000x128xf32> to vector<1000x128xf32>
    %get3A_7 = arith.constant 0 : index
    %get3A_8 = arith.constant 0 : index
    %get3A_9 = arith.constant 0 : index
    %get3A_10 = vector.load %arg3[%get3A_7, %get3A_8, %get3A_9] : memref<1x1000x128xf32, #tpu.memory_space<vmem>>, vector<1x1000x128xf32>
    %get3A_11 = vector.shape_cast %get3A_10 : vector<1x1000x128xf32> to vector<1000x128xf32>
    %add3A = arith.addf %get3A_6, %get3A_11 : vector<1000x128xf32>
    %get3A_12 = arith.constant 0 : index
    %get3A_13 = arith.constant 0 : index
    %get3A_14 = vector.load %arg8[%get3A_12, %get3A_13] : memref<1x1xf32, #tpu.memory_space<vmem>>, vector<1x1xf32>
    %get3A_15 = vector.extract %get3A_14[0, 0] : f32 from vector<1x1xf32>
    %add3A_16 = arith.constant 1.000000e+00 : f32
    %add3A_17 = arith.addf %add3A_16, %get3A_15 : f32
    %mul3A = vector.broadcast %add3A_17 : f32 to vector<1000x128xf32>
    %mul3A_18 = arith.mulf %mul3A, %get3A_1 : vector<1000x128xf32>
    %add3A_19 = arith.addf %mul3A_18, %add3A : vector<1000x128xf32>
    %get3A_20 = arith.constant 0 : index
    %get3A_21 = arith.constant 0 : index
    %get3A_22 = vector.load %arg4[%get3A_20, %get3A_21] : memref<128x128xf32, #tpu.memory_space<vmem>>, vector<128x128xf32>
    %dot_general3A = arith.constant dense<0.000000e+00> : vector<1000x128xf32>
    %dot_general3A_23 = tpu.matmul %add3A_19, %get3A_22, %dot_general3A {dimension_numbers = #tpu.dot_dimension_numbers<[1], [0], [0], [1], [0, 0, 1, 1], [], []>, precision = #tpu.contract_precision<fp32>, transpose_lhs_hint = false} : vector<1000x128xf32>, vector<128x128xf32>, vector<1000x128xf32> -> vector<1000x128xf32>
    %get3A_24 = arith.constant 0 : index
    %get3A_25 = arith.constant 0 : index
    %get3A_26 = vector.load %arg5[%get3A_24, %get3A_25] : memref<1x128xf32, #tpu.memory_space<vmem>>, vector<1x128xf32>
    %add3A_27 = vector.broadcast %get3A_26 : vector<1x128xf32> to vector<1000x128xf32>
    %add3A_28 = arith.addf %dot_general3A_23, %add3A_27 : vector<1000x128xf32>
    %max3A = arith.constant 0.000000e+00 : f32
    %max3A_29 = vector.broadcast %max3A : f32 to vector<1000x128xf32>
    %max3A_30 = arith.maximumf %add3A_28, %max3A_29 : vector<1000x128xf32>
    %get3A_31 = arith.constant 0 : index
    %get3A_32 = arith.constant 0 : index
    %get3A_33 = vector.load %arg6[%get3A_31, %get3A_32] : memref<128x128xf32, #tpu.memory_space<vmem>>, vector<128x128xf32>
    %dot_general3A_34 = arith.constant dense<0.000000e+00> : vector<1000x128xf32>
    %dot_general3A_35 = tpu.matmul %max3A_30, %get3A_33, %dot_general3A_34 {dimension_numbers = #tpu.dot_dimension_numbers<[1], [0], [0], [1], [0, 0, 1, 1], [], []>, precision = #tpu.contract_precision<fp32>, transpose_lhs_hint = false} : vector<1000x128xf32>, vector<128x128xf32>, vector<1000x128xf32> -> vector<1000x128xf32>
    %get3A_36 = arith.constant 0 : index
    %get3A_37 = arith.constant 0 : index
    %get3A_38 = vector.load %arg7[%get3A_36, %get3A_37] : memref<1x128xf32, #tpu.memory_space<vmem>>, vector<1x128xf32>
    %add3A_39 = vector.broadcast %get3A_38 : vector<1x128xf32> to vector<1000x128xf32>
    %add3A_40 = arith.addf %dot_general3A_35, %add3A_39 : vector<1000x128xf32>
    %get3A_41 = arith.constant 0 : index
    %get3A_42 = arith.constant 0 : index
    %get3A_43 = vector.load %arg9[%get3A_41, %get3A_42] : memref<1x128xf32, #tpu.memory_space<vmem>>, vector<1x128xf32>
    %get3A_44 = arith.constant 0 : index
    %get3A_45 = arith.constant 0 : index
    %get3A_46 = vector.load %arg10[%get3A_44, %get3A_45] : memref<1x128xf32, #tpu.memory_space<vmem>>, vector<1x128xf32>
    %reduce_sum3A = arith.constant dense<0.000000e+00> : vector<1000xf32>
    %reduce_sum3A_47 = vector.multi_reduction <add>, %add3A_40, %reduce_sum3A [1] : vector<1000x128xf32> to vector<1000xf32>
    %broadcast_in_dim3A = vector.shape_cast %reduce_sum3A_47 : vector<1000xf32> to vector<1000x1xf32>
    %div3A = arith.constant 1.280000e+02 : f32
    %div3A_48 = vector.broadcast %div3A : f32 to vector<1000x1xf32>
    %div3A_49 = arith.divf %broadcast_in_dim3A, %div3A_48 : vector<1000x1xf32>
    %sub3A = vector.broadcast %div3A_49 : vector<1000x1xf32> to vector<1000x128xf32>
    %sub3A_50 = arith.subf %add3A_40, %sub3A : vector<1000x128xf32>
    %integer_pow3A = arith.mulf %sub3A_50, %sub3A_50 : vector<1000x128xf32>
    %reduce_sum3A_51 = arith.constant dense<0.000000e+00> : vector<1000xf32>
    %reduce_sum3A_52 = vector.multi_reduction <add>, %integer_pow3A, %reduce_sum3A_51 [1] : vector<1000x128xf32> to vector<1000xf32>
    %broadcast_in_dim3A_53 = vector.shape_cast %reduce_sum3A_52 : vector<1000xf32> to vector<1000x1xf32>
    %div3A_54 = arith.constant 1.280000e+02 : f32
    %div3A_55 = vector.broadcast %div3A_54 : f32 to vector<1000x1xf32>
    %div3A_56 = arith.divf %broadcast_in_dim3A_53, %div3A_55 : vector<1000x1xf32>
    %sub3A_57 = vector.broadcast %div3A_49 : vector<1000x1xf32> to vector<1000x128xf32>
    %sub3A_58 = arith.subf %add3A_40, %sub3A_57 : vector<1000x128xf32>
    %add3A_59 = arith.constant 9.99999974E-6 : f32
    %add3A_60 = vector.broadcast %add3A_59 : f32 to vector<1000x1xf32>
    %add3A_61 = arith.addf %div3A_56, %add3A_60 : vector<1000x1xf32>
    %rsqrt3A = math.rsqrt %add3A_61 : vector<1000x1xf32>
    %mul3A_62 = vector.broadcast %rsqrt3A : vector<1000x1xf32> to vector<1000x128xf32>
    %mul3A_63 = arith.mulf %sub3A_58, %mul3A_62 : vector<1000x128xf32>
    %mul3A_64 = vector.broadcast %get3A_43 : vector<1x128xf32> to vector<1000x128xf32>
    %mul3A_65 = arith.mulf %mul3A_63, %mul3A_64 : vector<1000x128xf32>
    %add3A_66 = vector.broadcast %get3A_46 : vector<1x128xf32> to vector<1000x128xf32>
    %add3A_67 = arith.addf %mul3A_65, %add3A_66 : vector<1000x128xf32>
    %max3A_68 = arith.constant 0.000000e+00 : f32
    %max3A_69 = vector.broadcast %max3A_68 : f32 to vector<1000x128xf32>
    %max3A_70 = arith.maximumf %add3A_67, %max3A_69 : vector<1000x128xf32>
    %add3A_71 = arith.addf %max3A_70, %get3A_1 : vector<1000x128xf32>
    %swap3A = arith.constant 0 : index
    %swap3A_72 = arith.constant 0 : index
    %swap3A_73 = vector.load %arg17[%swap3A, %swap3A_72] : memref<1000x128xf32, #tpu.memory_space<vmem>>, vector<1000x128xf32>
    tpu.vector_store %arg17[%swap3A, %swap3A_72], %add3A_71 {strides = array<i32>} : memref<1000x128xf32, #tpu.memory_space<vmem>>, vector<1000x128xf32>,
    %get3A_74 = arith.constant 0 : index
    %get3A_75 = arith.constant 0 : index
    %get3A_76 = vector.load %arg11[%get3A_74, %get3A_75] : memref<1000x64xf32, #tpu.memory_space<vmem>>, vector<1000x64xf32>
    %dot_general3A_77 = arith.constant dense<0.000000e+00> : vector<64x128xf32>
    %dot_general3A_78 = tpu.matmul %get3A_76, %add3A_71, %dot_general3A_77 {dimension_numbers = #tpu.dot_dimension_numbers<[0], [0], [1], [1], [0, 1, 1, 1], [], []>, precision = #tpu.contract_precision<fp32>, transpose_lhs_hint = false} : vector<1000x64xf32>, vector<1000x128xf32>, vector<64x128xf32> -> vector<64x128xf32>
    %eq3A = arith.constant 0 : i32
    %eq3A_79 = arith.cmpi eq, %arg0, %eq3A : i32
    %convert_element_type3A = arith.extui %eq3A_79 : i1 to i32
    %cond3A = arith.constant 0 : i32
    %cond3A_80 = arith.cmpi ne, %convert_element_type3A, %cond3A : i32
    scf.if %cond3A_80 {
      %swap3A_90 = arith.constant 0 : index
      %swap3A_91 = arith.constant 0 : index
      %swap3A_92 = vector.load %arg19[%swap3A_90, %swap3A_91] : memref<64x128xf32, #tpu.memory_space<vmem>>, vector<64x128xf32>
      tpu.vector_store %arg19[%swap3A_90, %swap3A_91], %dot_general3A_78 {strides = array<i32>} : memref<64x128xf32, #tpu.memory_space<vmem>>, vector<64x128xf32>,
    } else {
    }
    %gt3A = arith.constant 0 : i32
    %gt3A_81 = arith.cmpi sgt, %arg0, %gt3A : i32
    %convert_element_type3A_82 = arith.extui %gt3A_81 : i1 to i32
    %cond3A_83 = arith.constant 0 : i32
    %cond3A_84 = arith.cmpi ne, %convert_element_type3A_82, %cond3A_83 : i32
    scf.if %cond3A_84 {
      %get3A_90 = arith.constant 0 : index
      %get3A_91 = arith.constant 0 : index
      %get3A_92 = vector.load %arg19[%get3A_90, %get3A_91] : memref<64x128xf32, #tpu.memory_space<vmem>>, vector<64x128xf32>
      %add3A_93 = arith.addf %get3A_92, %dot_general3A_78 : vector<64x128xf32>
      %swap3A_94 = arith.constant 0 : index
      %swap3A_95 = arith.constant 0 : index
      %swap3A_96 = vector.load %arg19[%swap3A_94, %swap3A_95] : memref<64x128xf32, #tpu.memory_space<vmem>>, vector<64x128xf32>
      tpu.vector_store %arg19[%swap3A_94, %swap3A_95], %add3A_93 {strides = array<i32>} : memref<64x128xf32, #tpu.memory_space<vmem>>, vector<64x128xf32>,
    } else {
    }
    %eq3A_85 = arith.constant 9 : i32
    %eq3A_86 = arith.cmpi eq, %arg0, %eq3A_85 : i32
    %convert_element_type3A_87 = arith.extui %eq3A_86 : i1 to i32
    %cond3A_88 = arith.constant 0 : i32
    %cond3A_89 = arith.cmpi ne, %convert_element_type3A_87, %cond3A_88 : i32
    scf.if %cond3A_89 {
      %get3A_90 = arith.constant 0 : index
      %get3A_91 = arith.constant 0 : index
      %get3A_92 = vector.load %arg19[%get3A_90, %get3A_91] : memref<64x128xf32, #tpu.memory_space<vmem>>, vector<64x128xf32>
      %get3A_93 = arith.constant 0 : index
      %get3A_94 = arith.constant 0 : index
      %get3A_95 = vector.load %arg12[%get3A_93, %get3A_94] : memref<64x128xf32, #tpu.memory_space<vmem>>, vector<64x128xf32>
      %add3A_96 = arith.addf %get3A_92, %get3A_95 : vector<64x128xf32>
      %get3A_97 = arith.constant 0 : index
      %get3A_98 = arith.constant 0 : index
      %get3A_99 = vector.load %arg13[%get3A_97, %get3A_98] : memref<128x128xf32, #tpu.memory_space<vmem>>, vector<128x128xf32>
      %dot_general3A_100 = arith.constant dense<0.000000e+00> : vector<64x128xf32>
      %dot_general3A_101 = tpu.matmul %add3A_96, %get3A_99, %dot_general3A_100 {dimension_numbers = #tpu.dot_dimension_numbers<[1], [0], [0], [1], [0, 0, 1, 1], [], []>, precision = #tpu.contract_precision<fp32>, transpose_lhs_hint = false} : vector<64x128xf32>, vector<128x128xf32>, vector<64x128xf32> -> vector<64x128xf32>
      %get3A_102 = arith.constant 0 : index
      %get3A_103 = arith.constant 0 : index
      %get3A_104 = vector.load %arg14[%get3A_102, %get3A_103] : memref<1x128xf32, #tpu.memory_space<vmem>>, vector<1x128xf32>
      %add3A_105 = vector.broadcast %get3A_104 : vector<1x128xf32> to vector<64x128xf32>
      %add3A_106 = arith.addf %dot_general3A_101, %add3A_105 : vector<64x128xf32>
      %get3A_107 = arith.constant 0 : index
      %get3A_108 = arith.constant 0 : index
      %get3A_109 = vector.load %arg15[%get3A_107, %get3A_108] : memref<1x128xf32, #tpu.memory_space<vmem>>, vector<1x128xf32>
      %get3A_110 = arith.constant 0 : index
      %get3A_111 = arith.constant 0 : index
      %get3A_112 = vector.load %arg16[%get3A_110, %get3A_111] : memref<1x128xf32, #tpu.memory_space<vmem>>, vector<1x128xf32>
      %reduce_sum3A_113 = arith.constant dense<0.000000e+00> : vector<64xf32>
      %reduce_sum3A_114 = vector.multi_reduction <add>, %add3A_106, %reduce_sum3A_113 [1] : vector<64x128xf32> to vector<64xf32>
      %broadcast_in_dim3A_115 = vector.shape_cast %reduce_sum3A_114 : vector<64xf32> to vector<64x1xf32>
      %div3A_116 = arith.constant 1.280000e+02 : f32
      %div3A_117 = vector.broadcast %div3A_116 : f32 to vector<64x1xf32>
      %div3A_118 = arith.divf %broadcast_in_dim3A_115, %div3A_117 : vector<64x1xf32>
      %sub3A_119 = vector.broadcast %div3A_118 : vector<64x1xf32> to vector<64x128xf32>
      %sub3A_120 = arith.subf %add3A_106, %sub3A_119 : vector<64x128xf32>
      %integer_pow3A_121 = arith.mulf %sub3A_120, %sub3A_120 : vector<64x128xf32>
      %reduce_sum3A_122 = arith.constant dense<0.000000e+00> : vector<64xf32>
      %reduce_sum3A_123 = vector.multi_reduction <add>, %integer_pow3A_121, %reduce_sum3A_122 [1] : vector<64x128xf32> to vector<64xf32>
      %broadcast_in_dim3A_124 = vector.shape_cast %reduce_sum3A_123 : vector<64xf32> to vector<64x1xf32>
      %div3A_125 = arith.constant 1.280000e+02 : f32
      %div3A_126 = vector.broadcast %div3A_125 : f32 to vector<64x1xf32>
      %div3A_127 = arith.divf %broadcast_in_dim3A_124, %div3A_126 : vector<64x1xf32>
      %sub3A_128 = vector.broadcast %div3A_118 : vector<64x1xf32> to vector<64x128xf32>
      %sub3A_129 = arith.subf %add3A_106, %sub3A_128 : vector<64x128xf32>
      %add3A_130 = arith.constant 9.99999974E-6 : f32
      %add3A_131 = vector.broadcast %add3A_130 : f32 to vector<64x1xf32>
      %add3A_132 = arith.addf %div3A_127, %add3A_131 : vector<64x1xf32>
      %rsqrt3A_133 = math.rsqrt %add3A_132 : vector<64x1xf32>
      %mul3A_134 = vector.broadcast %rsqrt3A_133 : vector<64x1xf32> to vector<64x128xf32>
      %mul3A_135 = arith.mulf %sub3A_129, %mul3A_134 : vector<64x128xf32>
      %mul3A_136 = vector.broadcast %get3A_109 : vector<1x128xf32> to vector<64x128xf32>
      %mul3A_137 = arith.mulf %mul3A_135, %mul3A_136 : vector<64x128xf32>
      %add3A_138 = vector.broadcast %get3A_112 : vector<1x128xf32> to vector<64x128xf32>
      %add3A_139 = arith.addf %mul3A_137, %add3A_138 : vector<64x128xf32>
      %max3A_140 = arith.constant 0.000000e+00 : f32
      %max3A_141 = vector.broadcast %max3A_140 : f32 to vector<64x128xf32>
      %max3A_142 = arith.maximumf %add3A_139, %max3A_141 : vector<64x128xf32>
      %swap3A_143 = arith.constant 0 : index
      %swap3A_144 = arith.constant 0 : index
      %swap3A_145 = vector.load %arg18[%swap3A_143, %swap3A_144] : memref<64x128xf32, #tpu.memory_space<vmem>>, vector<64x128xf32>
      tpu.vector_store %arg18[%swap3A_143, %swap3A_144], %max3A_142 {strides = array<i32>} : memref<64x128xf32, #tpu.memory_space<vmem>>, vector<64x128xf32>,
    } else {
    }
    return
  }
  func.func @transform_0(%arg0: i32) -> (i32, i32) {
    %c0_i32 = arith.constant 0 : i32
    %c0_i32_0 = arith.constant 0 : i32
    return %arg0, %c0_i32 : i32, i32
  }
  func.func @transform_1(%arg0: i32) -> (i32, i32, i32) {
    %c0_i32 = arith.constant 0 : i32
    %c0_i32_0 = arith.constant 0 : i32
    %c0_i32_1 = arith.constant 0 : i32
    return %c0_i32, %arg0, %c0_i32_0 : i32, i32, i32
  }
  func.func @transform_2(%arg0: i32) -> (i32, i32, i32) {
    %c1_i32 = arith.constant 1 : i32
    %c0_i32 = arith.constant 0 : i32
    %c0_i32_0 = arith.constant 0 : i32
    return %c1_i32, %arg0, %c0_i32 : i32, i32, i32
  }
  func.func @transform_3(%arg0: i32) -> (i32, i32) {
    %c0_i32 = arith.constant 0 : i32
    %c0_i32_0 = arith.constant 0 : i32
    %c0_i32_1 = arith.constant 0 : i32
    return %c0_i32, %c0_i32_0 : i32, i32
  }
  func.func @transform_4(%arg0: i32) -> (i32, i32) {
    %c0_i32 = arith.constant 0 : i32
    %c0_i32_0 = arith.constant 0 : i32
    %c0_i32_1 = arith.constant 0 : i32
    return %c0_i32, %c0_i32_0 : i32, i32
  }
  func.func @transform_5(%arg0: i32) -> (i32, i32) {
    %c0_i32 = arith.constant 0 : i32
    %c0_i32_0 = arith.constant 0 : i32
    %c0_i32_1 = arith.constant 0 : i32
    return %c0_i32, %c0_i32_0 : i32, i32
  }
  func.func @transform_6(%arg0: i32) -> (i32, i32) {
    %c0_i32 = arith.constant 0 : i32
    %c0_i32_0 = arith.constant 0 : i32
    %c0_i32_1 = arith.constant 0 : i32
    return %c0_i32, %c0_i32_0 : i32, i32
  }
  func.func @transform_7(%arg0: i32) -> (i32, i32) {
    %c0_i32 = arith.constant 0 : i32
    %c0_i32_0 = arith.constant 0 : i32
    %c0_i32_1 = arith.constant 0 : i32
    return %c0_i32, %c0_i32_0 : i32, i32
  }
  func.func @transform_8(%arg0: i32) -> (i32, i32) {
    %c0_i32 = arith.constant 0 : i32
    %c0_i32_0 = arith.constant 0 : i32
    %c0_i32_1 = arith.constant 0 : i32
    return %c0_i32, %c0_i32_0 : i32, i32
  }
  func.func @transform_9(%arg0: i32) -> (i32, i32) {
    %c0_i32 = arith.constant 0 : i32
    %c0_i32_0 = arith.constant 0 : i32
    %c0_i32_1 = arith.constant 0 : i32
    return %c0_i32, %c0_i32_0 : i32, i32
  }
  func.func @transform_10(%arg0: i32) -> (i32, i32) {
    %c0_i32 = arith.constant 0 : i32
    %c0_i32_0 = arith.constant 0 : i32
    return %arg0, %c0_i32 : i32, i32
  }
  func.func @transform_11(%arg0: i32) -> (i32, i32) {
    %c0_i32 = arith.constant 0 : i32
    %c0_i32_0 = arith.constant 0 : i32
    %c0_i32_1 = arith.constant 0 : i32
    return %c0_i32, %c0_i32_0 : i32, i32
  }
  func.func @transform_12(%arg0: i32) -> (i32, i32) {
    %c0_i32 = arith.constant 0 : i32
    %c0_i32_0 = arith.constant 0 : i32
    %c0_i32_1 = arith.constant 0 : i32
    return %c0_i32, %c0_i32_0 : i32, i32
  }
  func.func @transform_13(%arg0: i32) -> (i32, i32) {
    %c0_i32 = arith.constant 0 : i32
    %c0_i32_0 = arith.constant 0 : i32
    %c0_i32_1 = arith.constant 0 : i32
    return %c0_i32, %c0_i32_0 : i32, i32
  }
  func.func @transform_14(%arg0: i32) -> (i32, i32) {
    %c0_i32 = arith.constant 0 : i32
    %c0_i32_0 = arith.constant 0 : i32
    %c0_i32_1 = arith.constant 0 : i32
    return %c0_i32, %c0_i32_0 : i32, i32
  }
  func.func @transform_15(%arg0: i32) -> (i32, i32) {
    %c0_i32 = arith.constant 0 : i32
    %c0_i32_0 = arith.constant 0 : i32
    %c0_i32_1 = arith.constant 0 : i32
    return %c0_i32, %c0_i32_0 : i32, i32
  }
  func.func @transform_16(%arg0: i32) -> (i32, i32) {
    %c0_i32 = arith.constant 0 : i32
    %c0_i32_0 = arith.constant 0 : i32
    return %arg0, %c0_i32 : i32, i32
  }
  func.func @transform_17(%arg0: i32) -> (i32, i32) {
    %c0_i32 = arith.constant 0 : i32
    %c0_i32_0 = arith.constant 0 : i32
    %c0_i32_1 = arith.constant 0 : i32
    return %c0_i32, %c0_i32_0 : i32, i32
  }
}

module attributes {stable_mosaic.version = 14 : i64} {
  func.func @_vnadd_body(%arg0: i32, %arg1: memref<1000x128xf32, #tpu.memory_space<vmem>>, %arg2: memref<1000x64xf32, #tpu.memory_space<vmem>>, %arg3: memref<64x128xf32, #tpu.memory_space<vmem>>, %arg4: memref<4x128xf32, #tpu.memory_space<vmem>>, %arg5: memref<1000x128xf32, #tpu.memory_space<vmem>>, %arg6: memref<1000x4x128xf32, #tpu.memory_space<vmem>>) attributes {dimension_semantics = [#tpu.dimension_semantics<arbitrary>], iteration_bounds = array<i64: 10>, scalar_prefetch = 0 : i64, scratch_operands = 0 : i64, tpu.core_type = #tpu.core_type<tc>, window_params = [{transform_indices = @transform_0, window_bounds = array<i64: 1000, 128>}, {transform_indices = @transform_1, window_bounds = array<i64: 1000, 64>}, {pipeline_mode = #tpu.pipeline_mode<synchronous>, transform_indices = @transform_2, window_bounds = array<i64: 64, 128>}, {pipeline_mode = #tpu.pipeline_mode<synchronous>, transform_indices = @transform_3, window_bounds = array<i64: 4, 128>}, {transform_indices = @transform_4, window_bounds = array<i64: 1000, 128>}, {transform_indices = @transform_5, window_bounds = array<i64: 1000, 4, 128>}]} {
    %get3A = arith.constant 0 : index
    %get3A_0 = arith.constant 0 : index
    %get3A_1 = vector.load %arg1[%get3A, %get3A_0] : memref<1000x128xf32, #tpu.memory_space<vmem>>, vector<1000x128xf32>
    %get3A_2 = arith.constant 0 : index
    %get3A_3 = arith.constant 0 : index
    %get3A_4 = vector.load %arg2[%get3A_2, %get3A_3] : memref<1000x64xf32, #tpu.memory_space<vmem>>, vector<1000x64xf32>
    %get3A_5 = arith.constant 0 : index
    %get3A_6 = arith.constant 0 : index
    %get3A_7 = vector.load %arg3[%get3A_5, %get3A_6] : memref<64x128xf32, #tpu.memory_space<vmem>>, vector<64x128xf32>
    %dot_general3A = arith.constant dense<0.000000e+00> : vector<1000x128xf32>
    %dot_general3A_8 = tpu.matmul %get3A_4, %get3A_7, %dot_general3A {dimension_numbers = #tpu.dot_dimension_numbers<[1], [0], [0], [1], [0, 0, 1, 1], [], []>, precision = #tpu.contract_precision<fp32>, transpose_lhs_hint = false} : vector<1000x64xf32>, vector<64x128xf32>, vector<1000x128xf32> -> vector<1000x128xf32>
    %add3A = arith.addf %get3A_1, %dot_general3A_8 : vector<1000x128xf32>
    %swap3A = arith.constant 0 : index
    %swap3A_9 = arith.constant 0 : index
    %swap3A_10 = vector.load %arg5[%swap3A, %swap3A_9] : memref<1000x128xf32, #tpu.memory_space<vmem>>, vector<1000x128xf32>
    tpu.vector_store %arg5[%swap3A, %swap3A_9], %add3A {strides = array<i32>} : memref<1000x128xf32, #tpu.memory_space<vmem>>, vector<1000x128xf32>,
    %get3A_11 = arith.constant 0 : index
    %get3A_12 = arith.constant 0 : index
    %get3A_13 = vector.load %arg4[%get3A_11, %get3A_12] : memref<4x128xf32, #tpu.memory_space<vmem>>, vector<1x128xf32>
    %get3A_14 = vector.shape_cast %get3A_13 : vector<1x128xf32> to vector<128xf32>
    %broadcast_in_dim3A = vector.shape_cast %get3A_14 : vector<128xf32> to vector<1x128xf32>
    %add3A_15 = vector.broadcast %broadcast_in_dim3A : vector<1x128xf32> to vector<1000x128xf32>
    %add3A_16 = arith.addf %add3A, %add3A_15 : vector<1000x128xf32>
    %max3A = arith.constant 0.000000e+00 : f32
    %max3A_17 = vector.broadcast %max3A : f32 to vector<1000x128xf32>
    %max3A_18 = arith.maximumf %add3A_16, %max3A_17 : vector<1000x128xf32>
    %swap3A_19 = arith.constant 0 : index
    %swap3A_20 = arith.constant 0 : index
    %swap3A_21 = arith.constant 0 : index
    %swap3A_22 = vector.load %arg6[%swap3A_19, %swap3A_20, %swap3A_21] : memref<1000x4x128xf32, #tpu.memory_space<vmem>>, vector<1000x1x128xf32>
    %swap3A_23 = vector.shape_cast %swap3A_22 : vector<1000x1x128xf32> to vector<1000x128xf32>
    %swap3A_24 = vector.shape_cast %max3A_18 : vector<1000x128xf32> to vector<1000x1x128xf32>
    tpu.vector_store %arg6[%swap3A_19, %swap3A_20, %swap3A_21], %swap3A_24 {strides = array<i32>} : memref<1000x4x128xf32, #tpu.memory_space<vmem>>, vector<1000x1x128xf32>,
    %get3A_25 = arith.constant 1 : index
    %get3A_26 = arith.constant 0 : index
    %get3A_27 = vector.load %arg4[%get3A_25, %get3A_26] : memref<4x128xf32, #tpu.memory_space<vmem>>, vector<1x128xf32>
    %get3A_28 = vector.shape_cast %get3A_27 : vector<1x128xf32> to vector<128xf32>
    %broadcast_in_dim3A_29 = vector.shape_cast %get3A_28 : vector<128xf32> to vector<1x128xf32>
    %add3A_30 = vector.broadcast %broadcast_in_dim3A_29 : vector<1x128xf32> to vector<1000x128xf32>
    %add3A_31 = arith.addf %add3A, %add3A_30 : vector<1000x128xf32>
    %max3A_32 = arith.constant 0.000000e+00 : f32
    %max3A_33 = vector.broadcast %max3A_32 : f32 to vector<1000x128xf32>
    %max3A_34 = arith.maximumf %add3A_31, %max3A_33 : vector<1000x128xf32>
    %swap3A_35 = arith.constant 0 : index
    %swap3A_36 = arith.constant 1 : index
    %swap3A_37 = arith.constant 0 : index
    %swap3A_38 = vector.load %arg6[%swap3A_35, %swap3A_36, %swap3A_37] : memref<1000x4x128xf32, #tpu.memory_space<vmem>>, vector<1000x1x128xf32>
    %swap3A_39 = vector.shape_cast %swap3A_38 : vector<1000x1x128xf32> to vector<1000x128xf32>
    %swap3A_40 = vector.shape_cast %max3A_34 : vector<1000x128xf32> to vector<1000x1x128xf32>
    tpu.vector_store %arg6[%swap3A_35, %swap3A_36, %swap3A_37], %swap3A_40 {strides = array<i32>} : memref<1000x4x128xf32, #tpu.memory_space<vmem>>, vector<1000x1x128xf32>,
    %get3A_41 = arith.constant 2 : index
    %get3A_42 = arith.constant 0 : index
    %get3A_43 = vector.load %arg4[%get3A_41, %get3A_42] : memref<4x128xf32, #tpu.memory_space<vmem>>, vector<1x128xf32>
    %get3A_44 = vector.shape_cast %get3A_43 : vector<1x128xf32> to vector<128xf32>
    %broadcast_in_dim3A_45 = vector.shape_cast %get3A_44 : vector<128xf32> to vector<1x128xf32>
    %add3A_46 = vector.broadcast %broadcast_in_dim3A_45 : vector<1x128xf32> to vector<1000x128xf32>
    %add3A_47 = arith.addf %add3A, %add3A_46 : vector<1000x128xf32>
    %max3A_48 = arith.constant 0.000000e+00 : f32
    %max3A_49 = vector.broadcast %max3A_48 : f32 to vector<1000x128xf32>
    %max3A_50 = arith.maximumf %add3A_47, %max3A_49 : vector<1000x128xf32>
    %swap3A_51 = arith.constant 0 : index
    %swap3A_52 = arith.constant 2 : index
    %swap3A_53 = arith.constant 0 : index
    %swap3A_54 = vector.load %arg6[%swap3A_51, %swap3A_52, %swap3A_53] : memref<1000x4x128xf32, #tpu.memory_space<vmem>>, vector<1000x1x128xf32>
    %swap3A_55 = vector.shape_cast %swap3A_54 : vector<1000x1x128xf32> to vector<1000x128xf32>
    %swap3A_56 = vector.shape_cast %max3A_50 : vector<1000x128xf32> to vector<1000x1x128xf32>
    tpu.vector_store %arg6[%swap3A_51, %swap3A_52, %swap3A_53], %swap3A_56 {strides = array<i32>} : memref<1000x4x128xf32, #tpu.memory_space<vmem>>, vector<1000x1x128xf32>,
    %get3A_57 = arith.constant 3 : index
    %get3A_58 = arith.constant 0 : index
    %get3A_59 = vector.load %arg4[%get3A_57, %get3A_58] : memref<4x128xf32, #tpu.memory_space<vmem>>, vector<1x128xf32>
    %get3A_60 = vector.shape_cast %get3A_59 : vector<1x128xf32> to vector<128xf32>
    %broadcast_in_dim3A_61 = vector.shape_cast %get3A_60 : vector<128xf32> to vector<1x128xf32>
    %add3A_62 = vector.broadcast %broadcast_in_dim3A_61 : vector<1x128xf32> to vector<1000x128xf32>
    %add3A_63 = arith.addf %add3A, %add3A_62 : vector<1000x128xf32>
    %max3A_64 = arith.constant 0.000000e+00 : f32
    %max3A_65 = vector.broadcast %max3A_64 : f32 to vector<1000x128xf32>
    %max3A_66 = arith.maximumf %add3A_63, %max3A_65 : vector<1000x128xf32>
    %swap3A_67 = arith.constant 0 : index
    %swap3A_68 = arith.constant 3 : index
    %swap3A_69 = arith.constant 0 : index
    %swap3A_70 = vector.load %arg6[%swap3A_67, %swap3A_68, %swap3A_69] : memref<1000x4x128xf32, #tpu.memory_space<vmem>>, vector<1000x1x128xf32>
    %swap3A_71 = vector.shape_cast %swap3A_70 : vector<1000x1x128xf32> to vector<1000x128xf32>
    %swap3A_72 = vector.shape_cast %max3A_66 : vector<1000x128xf32> to vector<1000x1x128xf32>
    tpu.vector_store %arg6[%swap3A_67, %swap3A_68, %swap3A_69], %swap3A_72 {strides = array<i32>} : memref<1000x4x128xf32, #tpu.memory_space<vmem>>, vector<1000x1x128xf32>,
    return
  }
  func.func @transform_0(%arg0: i32) -> (i32, i32) {
    %c0_i32 = arith.constant 0 : i32
    %c0_i32_0 = arith.constant 0 : i32
    return %arg0, %c0_i32 : i32, i32
  }
  func.func @transform_1(%arg0: i32) -> (i32, i32) {
    %c0_i32 = arith.constant 0 : i32
    %c0_i32_0 = arith.constant 0 : i32
    return %arg0, %c0_i32 : i32, i32
  }
  func.func @transform_2(%arg0: i32) -> (i32, i32) {
    %c0_i32 = arith.constant 0 : i32
    %c0_i32_0 = arith.constant 0 : i32
    %c0_i32_1 = arith.constant 0 : i32
    return %c0_i32, %c0_i32_0 : i32, i32
  }
  func.func @transform_3(%arg0: i32) -> (i32, i32) {
    %c0_i32 = arith.constant 0 : i32
    %c0_i32_0 = arith.constant 0 : i32
    %c0_i32_1 = arith.constant 0 : i32
    return %c0_i32, %c0_i32_0 : i32, i32
  }
  func.func @transform_4(%arg0: i32) -> (i32, i32) {
    %c0_i32 = arith.constant 0 : i32
    %c0_i32_0 = arith.constant 0 : i32
    return %arg0, %c0_i32 : i32, i32
  }
  func.func @transform_5(%arg0: i32) -> (i32, i32, i32) {
    %c0_i32 = arith.constant 0 : i32
    %c0_i32_0 = arith.constant 0 : i32
    %c0_i32_1 = arith.constant 0 : i32
    return %arg0, %c0_i32, %c0_i32_0 : i32, i32, i32
  }
}

module attributes {stable_mosaic.version = 14 : i64} {
  func.func @_dense_body(%arg0: i32, %arg1: memref<1000x128xf32, #tpu.memory_space<vmem>>, %arg2: memref<1x1000x128xf32, #tpu.memory_space<vmem>>, %arg3: memref<1x1000x128xf32, #tpu.memory_space<vmem>>, %arg4: memref<128x128xf32, #tpu.memory_space<vmem>>, %arg5: memref<1x128xf32, #tpu.memory_space<vmem>>, %arg6: memref<128x128xf32, #tpu.memory_space<vmem>>, %arg7: memref<1x128xf32, #tpu.memory_space<vmem>>, %arg8: memref<1x1xf32, #tpu.memory_space<vmem>>, %arg9: memref<1x128xf32, #tpu.memory_space<vmem>>, %arg10: memref<1x128xf32, #tpu.memory_space<vmem>>, %arg11: memref<1000x64xf32, #tpu.memory_space<vmem>>, %arg12: memref<64x128xf32, #tpu.memory_space<vmem>>, %arg13: memref<128x128xf32, #tpu.memory_space<vmem>>, %arg14: memref<1x128xf32, #tpu.memory_space<vmem>>, %arg15: memref<1x128xf32, #tpu.memory_space<vmem>>, %arg16: memref<1x128xf32, #tpu.memory_space<vmem>>, %arg17: memref<1000x128xf32, #tpu.memory_space<vmem>>, %arg18: memref<64x128xf32, #tpu.memory_space<vmem>>, %arg19: memref<64x128xf32, #tpu.memory_space<vmem>>) attributes {dimension_semantics = [#tpu.dimension_semantics<arbitrary>], iteration_bounds = array<i64: 10>, scalar_prefetch = 0 : i64, scratch_operands = 1 : i64, tpu.core_type = #tpu.core_type<tc>, window_params = [{transform_indices = @transform_0, window_bounds = array<i64: 1000, 128>}, {transform_indices = @transform_1, window_bounds = array<i64: 1, 1000, 128>}, {transform_indices = @transform_2, window_bounds = array<i64: 1, 1000, 128>}, {pipeline_mode = #tpu.pipeline_mode<synchronous>, transform_indices = @transform_3, window_bounds = array<i64: 128, 128>}, {pipeline_mode = #tpu.pipeline_mode<synchronous>, transform_indices = @transform_4, window_bounds = array<i64: 1, 128>}, {pipeline_mode = #tpu.pipeline_mode<synchronous>, transform_indices = @transform_5, window_bounds = array<i64: 128, 128>}, {pipeline_mode = #tpu.pipeline_mode<synchronous>, transform_indices = @transform_6, window_bounds = array<i64: 1, 128>}, {pipeline_mode = #tpu.pipeline_mode<synchronous>, transform_indices = @transform_7, window_bounds = array<i64: 1, 1>}, {pipeline_mode = #tpu.pipeline_mode<synchronous>, transform_indices = @transform_8, window_bounds = array<i64: 1, 128>}, {pipeline_mode = #tpu.pipeline_mode<synchronous>, transform_indices = @transform_9, window_bounds = array<i64: 1, 128>}, {transform_indices = @transform_10, window_bounds = array<i64: 1000, 64>}, {pipeline_mode = #tpu.pipeline_mode<synchronous>, transform_indices = @transform_11, window_bounds = array<i64: 64, 128>}, {pipeline_mode = #tpu.pipeline_mode<synchronous>, transform_indices = @transform_12, window_bounds = array<i64: 128, 128>}, {pipeline_mode = #tpu.pipeline_mode<synchronous>, transform_indices = @transform_13, window_bounds = array<i64: 1, 128>}, {pipeline_mode = #tpu.pipeline_mode<synchronous>, transform_indices = @transform_14, window_bounds = array<i64: 1, 128>}, {pipeline_mode = #tpu.pipeline_mode<synchronous>, transform_indices = @transform_15, window_bounds = array<i64: 1, 128>}, {transform_indices = @transform_16, window_bounds = array<i64: 1000, 128>}, {pipeline_mode = #tpu.pipeline_mode<synchronous>, transform_indices = @transform_17, window_bounds = array<i64: 64, 128>}]} {
    %get3A = arith.constant 0 : index
    %get3A_0 = arith.constant 0 : index
    %get3A_1 = vector.load %arg1[%get3A, %get3A_0] : memref<1000x128xf32, #tpu.memory_space<vmem>>, vector<1000x128xf32>
    %get3A_2 = arith.constant 0 : index
    %get3A_3 = arith.constant 0 : index
    %get3A_4 = arith.constant 0 : index
    %get3A_5 = vector.load %arg2[%get3A_2, %get3A_3, %get3A_4] : memref<1x1000x128xf32, #tpu.memory_space<vmem>>, vector<1x1000x128xf32>
    %get3A_6 = vector.shape_cast %get3A_5 : vector<1x1000x128xf32> to vector<1000x128xf32>
    %get3A_7 = arith.constant 0 : index
    %get3A_8 = arith.constant 0 : index
    %get3A_9 = arith.constant 0 : index
    %get3A_10 = vector.load %arg3[%get3A_7, %get3A_8, %get3A_9] : memref<1x1000x128xf32, #tpu.memory_space<vmem>>, vector<1x1000x128xf32>
    %get3A_11 = vector.shape_cast %get3A_10 : vector<1x1000x128xf32> to vector<1000x128xf32>
    %add3A = arith.addf %get3A_6, %get3A_11 : vector<1000x128xf32>
    %get3A_12 = arith.constant 0 : index
    %get3A_13 = arith.constant 0 : index
    %get3A_14 = vector.load %arg8[%get3A_12, %get3A_13] : memref<1x1xf32, #tpu.memory_space<vmem>>, vector<1x1xf32>
    %get3A_15 = vector.extract %get3A_14[0, 0] : f32 from vector<1x1xf32>
    %add3A_16 = arith.constant 1.000000e+00 : f32
    %add3A_17 = arith.addf %add3A_16, %get3A_15 : f32
    %mul3A = vector.broadcast %add3A_17 : f32 to vector<1000x128xf32>
    %mul3A_18 = arith.mulf %mul3A, %get3A_1 : vector<1000x128xf32>
    %add3A_19 = arith.addf %mul3A_18, %add3A : vector<1000x128xf32>
    %get3A_20 = arith.constant 0 : index
    %get3A_21 = arith.constant 0 : index
    %get3A_22 = vector.load %arg4[%get3A_20, %get3A_21] : memref<128x128xf32, #tpu.memory_space<vmem>>, vector<128x128xf32>
    %dot_general3A = arith.constant dense<0.000000e+00> : vector<1000x128xf32>
    %dot_general3A_23 = tpu.matmul %add3A_19, %get3A_22, %dot_general3A {dimension_numbers = #tpu.dot_dimension_numbers<[1], [0], [0], [1], [0, 0, 1, 1], [], []>, precision = #tpu.contract_precision<fp32>, transpose_lhs_hint = false} : vector<1000x128xf32>, vector<128x128xf32>, vector<1000x128xf32> -> vector<1000x128xf32>
    %get3A_24 = arith.constant 0 : index
    %get3A_25 = arith.constant 0 : index
    %get3A_26 = vector.load %arg5[%get3A_24, %get3A_25] : memref<1x128xf32, #tpu.memory_space<vmem>>, vector<1x128xf32>
    %add3A_27 = vector.broadcast %get3A_26 : vector<1x128xf32> to vector<1000x128xf32>
    %add3A_28 = arith.addf %dot_general3A_23, %add3A_27 : vector<1000x128xf32>
    %max3A = arith.constant 0.000000e+00 : f32
    %max3A_29 = vector.broadcast %max3A : f32 to vector<1000x128xf32>
    %max3A_30 = arith.maximumf %add3A_28, %max3A_29 : vector<1000x128xf32>
    %get3A_31 = arith.constant 0 : index
    %get3A_32 = arith.constant 0 : index
    %get3A_33 = vector.load %arg6[%get3A_31, %get3A_32] : memref<128x128xf32, #tpu.memory_space<vmem>>, vector<128x128xf32>
    %dot_general3A_34 = arith.constant dense<0.000000e+00> : vector<1000x128xf32>
    %dot_general3A_35 = tpu.matmul %max3A_30, %get3A_33, %dot_general3A_34 {dimension_numbers = #tpu.dot_dimension_numbers<[1], [0], [0], [1], [0, 0, 1, 1], [], []>, precision = #tpu.contract_precision<fp32>, transpose_lhs_hint = false} : vector<1000x128xf32>, vector<128x128xf32>, vector<1000x128xf32> -> vector<1000x128xf32>
    %get3A_36 = arith.constant 0 : index
    %get3A_37 = arith.constant 0 : index
    %get3A_38 = vector.load %arg7[%get3A_36, %get3A_37] : memref<1x128xf32, #tpu.memory_space<vmem>>, vector<1x128xf32>
    %add3A_39 = vector.broadcast %get3A_38 : vector<1x128xf32> to vector<1000x128xf32>
    %add3A_40 = arith.addf %dot_general3A_35, %add3A_39 : vector<1000x128xf32>
    %get3A_41 = arith.constant 0 : index
    %get3A_42 = arith.constant 0 : index
    %get3A_43 = vector.load %arg9[%get3A_41, %get3A_42] : memref<1x128xf32, #tpu.memory_space<vmem>>, vector<1x128xf32>
    %get3A_44 = arith.constant 0 : index
    %get3A_45 = arith.constant 0 : index
    %get3A_46 = vector.load %arg10[%get3A_44, %get3A_45] : memref<1x128xf32, #tpu.memory_space<vmem>>, vector<1x128xf32>
    %reduce_sum3A = arith.constant dense<0.000000e+00> : vector<1000xf32>
    %reduce_sum3A_47 = vector.multi_reduction <add>, %add3A_40, %reduce_sum3A [1] : vector<1000x128xf32> to vector<1000xf32>
    %broadcast_in_dim3A = vector.shape_cast %reduce_sum3A_47 : vector<1000xf32> to vector<1000x1xf32>
    %div3A = arith.constant 1.280000e+02 : f32
    %div3A_48 = vector.broadcast %div3A : f32 to vector<1000x1xf32>
    %div3A_49 = arith.divf %broadcast_in_dim3A, %div3A_48 : vector<1000x1xf32>
    %sub3A = vector.broadcast %div3A_49 : vector<1000x1xf32> to vector<1000x128xf32>
    %sub3A_50 = arith.subf %add3A_40, %sub3A : vector<1000x128xf32>
    %integer_pow3A = arith.mulf %sub3A_50, %sub3A_50 : vector<1000x128xf32>
    %reduce_sum3A_51 = arith.constant dense<0.000000e+00> : vector<1000xf32>
    %reduce_sum3A_52 = vector.multi_reduction <add>, %integer_pow3A, %reduce_sum3A_51 [1] : vector<1000x128xf32> to vector<1000xf32>
    %broadcast_in_dim3A_53 = vector.shape_cast %reduce_sum3A_52 : vector<1000xf32> to vector<1000x1xf32>
    %div3A_54 = arith.constant 1.280000e+02 : f32
    %div3A_55 = vector.broadcast %div3A_54 : f32 to vector<1000x1xf32>
    %div3A_56 = arith.divf %broadcast_in_dim3A_53, %div3A_55 : vector<1000x1xf32>
    %sub3A_57 = vector.broadcast %div3A_49 : vector<1000x1xf32> to vector<1000x128xf32>
    %sub3A_58 = arith.subf %add3A_40, %sub3A_57 : vector<1000x128xf32>
    %add3A_59 = arith.constant 9.99999974E-6 : f32
    %add3A_60 = vector.broadcast %add3A_59 : f32 to vector<1000x1xf32>
    %add3A_61 = arith.addf %div3A_56, %add3A_60 : vector<1000x1xf32>
    %rsqrt3A = math.rsqrt %add3A_61 : vector<1000x1xf32>
    %mul3A_62 = vector.broadcast %rsqrt3A : vector<1000x1xf32> to vector<1000x128xf32>
    %mul3A_63 = arith.mulf %sub3A_58, %mul3A_62 : vector<1000x128xf32>
    %mul3A_64 = vector.broadcast %get3A_43 : vector<1x128xf32> to vector<1000x128xf32>
    %mul3A_65 = arith.mulf %mul3A_63, %mul3A_64 : vector<1000x128xf32>
    %add3A_66 = vector.broadcast %get3A_46 : vector<1x128xf32> to vector<1000x128xf32>
    %add3A_67 = arith.addf %mul3A_65, %add3A_66 : vector<1000x128xf32>
    %max3A_68 = arith.constant 0.000000e+00 : f32
    %max3A_69 = vector.broadcast %max3A_68 : f32 to vector<1000x128xf32>
    %max3A_70 = arith.maximumf %add3A_67, %max3A_69 : vector<1000x128xf32>
    %add3A_71 = arith.addf %max3A_70, %get3A_1 : vector<1000x128xf32>
    %swap3A = arith.constant 0 : index
    %swap3A_72 = arith.constant 0 : index
    %swap3A_73 = vector.load %arg17[%swap3A, %swap3A_72] : memref<1000x128xf32, #tpu.memory_space<vmem>>, vector<1000x128xf32>
    tpu.vector_store %arg17[%swap3A, %swap3A_72], %add3A_71 {strides = array<i32>} : memref<1000x128xf32, #tpu.memory_space<vmem>>, vector<1000x128xf32>,
    %get3A_74 = arith.constant 0 : index
    %get3A_75 = arith.constant 0 : index
    %get3A_76 = vector.load %arg11[%get3A_74, %get3A_75] : memref<1000x64xf32, #tpu.memory_space<vmem>>, vector<1000x64xf32>
    %dot_general3A_77 = arith.constant dense<0.000000e+00> : vector<64x128xf32>
    %dot_general3A_78 = tpu.matmul %get3A_76, %add3A_71, %dot_general3A_77 {dimension_numbers = #tpu.dot_dimension_numbers<[0], [0], [1], [1], [0, 1, 1, 1], [], []>, precision = #tpu.contract_precision<fp32>, transpose_lhs_hint = false} : vector<1000x64xf32>, vector<1000x128xf32>, vector<64x128xf32> -> vector<64x128xf32>
    %eq3A = arith.constant 0 : i32
    %eq3A_79 = arith.cmpi eq, %arg0, %eq3A : i32
    %convert_element_type3A = arith.extui %eq3A_79 : i1 to i32
    %cond3A = arith.constant 0 : i32
    %cond3A_80 = arith.cmpi ne, %convert_element_type3A, %cond3A : i32
    scf.if %cond3A_80 {
      %swap3A_90 = arith.constant 0 : index
      %swap3A_91 = arith.constant 0 : index
      %swap3A_92 = vector.load %arg19[%swap3A_90, %swap3A_91] : memref<64x128xf32, #tpu.memory_space<vmem>>, vector<64x128xf32>
      tpu.vector_store %arg19[%swap3A_90, %swap3A_91], %dot_general3A_78 {strides = array<i32>} : memref<64x128xf32, #tpu.memory_space<vmem>>, vector<64x128xf32>,
    } else {
    }
    %gt3A = arith.constant 0 : i32
    %gt3A_81 = arith.cmpi sgt, %arg0, %gt3A : i32
    %convert_element_type3A_82 = arith.extui %gt3A_81 : i1 to i32
    %cond3A_83 = arith.constant 0 : i32
    %cond3A_84 = arith.cmpi ne, %convert_element_type3A_82, %cond3A_83 : i32
    scf.if %cond3A_84 {
      %get3A_90 = arith.constant 0 : index
      %get3A_91 = arith.constant 0 : index
      %get3A_92 = vector.load %arg19[%get3A_90, %get3A_91] : memref<64x128xf32, #tpu.memory_space<vmem>>, vector<64x128xf32>
      %add3A_93 = arith.addf %get3A_92, %dot_general3A_78 : vector<64x128xf32>
      %swap3A_94 = arith.constant 0 : index
      %swap3A_95 = arith.constant 0 : index
      %swap3A_96 = vector.load %arg19[%swap3A_94, %swap3A_95] : memref<64x128xf32, #tpu.memory_space<vmem>>, vector<64x128xf32>
      tpu.vector_store %arg19[%swap3A_94, %swap3A_95], %add3A_93 {strides = array<i32>} : memref<64x128xf32, #tpu.memory_space<vmem>>, vector<64x128xf32>,
    } else {
    }
    %eq3A_85 = arith.constant 9 : i32
    %eq3A_86 = arith.cmpi eq, %arg0, %eq3A_85 : i32
    %convert_element_type3A_87 = arith.extui %eq3A_86 : i1 to i32
    %cond3A_88 = arith.constant 0 : i32
    %cond3A_89 = arith.cmpi ne, %convert_element_type3A_87, %cond3A_88 : i32
    scf.if %cond3A_89 {
      %get3A_90 = arith.constant 0 : index
      %get3A_91 = arith.constant 0 : index
      %get3A_92 = vector.load %arg19[%get3A_90, %get3A_91] : memref<64x128xf32, #tpu.memory_space<vmem>>, vector<64x128xf32>
      %get3A_93 = arith.constant 0 : index
      %get3A_94 = arith.constant 0 : index
      %get3A_95 = vector.load %arg12[%get3A_93, %get3A_94] : memref<64x128xf32, #tpu.memory_space<vmem>>, vector<64x128xf32>
      %add3A_96 = arith.addf %get3A_92, %get3A_95 : vector<64x128xf32>
      %get3A_97 = arith.constant 0 : index
      %get3A_98 = arith.constant 0 : index
      %get3A_99 = vector.load %arg13[%get3A_97, %get3A_98] : memref<128x128xf32, #tpu.memory_space<vmem>>, vector<128x128xf32>
      %dot_general3A_100 = arith.constant dense<0.000000e+00> : vector<64x128xf32>
      %dot_general3A_101 = tpu.matmul %add3A_96, %get3A_99, %dot_general3A_100 {dimension_numbers = #tpu.dot_dimension_numbers<[1], [0], [0], [1], [0, 0, 1, 1], [], []>, precision = #tpu.contract_precision<fp32>, transpose_lhs_hint = false} : vector<64x128xf32>, vector<128x128xf32>, vector<64x128xf32> -> vector<64x128xf32>
      %get3A_102 = arith.constant 0 : index
      %get3A_103 = arith.constant 0 : index
      %get3A_104 = vector.load %arg14[%get3A_102, %get3A_103] : memref<1x128xf32, #tpu.memory_space<vmem>>, vector<1x128xf32>
      %add3A_105 = vector.broadcast %get3A_104 : vector<1x128xf32> to vector<64x128xf32>
      %add3A_106 = arith.addf %dot_general3A_101, %add3A_105 : vector<64x128xf32>
      %get3A_107 = arith.constant 0 : index
      %get3A_108 = arith.constant 0 : index
      %get3A_109 = vector.load %arg15[%get3A_107, %get3A_108] : memref<1x128xf32, #tpu.memory_space<vmem>>, vector<1x128xf32>
      %get3A_110 = arith.constant 0 : index
      %get3A_111 = arith.constant 0 : index
      %get3A_112 = vector.load %arg16[%get3A_110, %get3A_111] : memref<1x128xf32, #tpu.memory_space<vmem>>, vector<1x128xf32>
      %reduce_sum3A_113 = arith.constant dense<0.000000e+00> : vector<64xf32>
      %reduce_sum3A_114 = vector.multi_reduction <add>, %add3A_106, %reduce_sum3A_113 [1] : vector<64x128xf32> to vector<64xf32>
      %broadcast_in_dim3A_115 = vector.shape_cast %reduce_sum3A_114 : vector<64xf32> to vector<64x1xf32>
      %div3A_116 = arith.constant 1.280000e+02 : f32
      %div3A_117 = vector.broadcast %div3A_116 : f32 to vector<64x1xf32>
      %div3A_118 = arith.divf %broadcast_in_dim3A_115, %div3A_117 : vector<64x1xf32>
      %sub3A_119 = vector.broadcast %div3A_118 : vector<64x1xf32> to vector<64x128xf32>
      %sub3A_120 = arith.subf %add3A_106, %sub3A_119 : vector<64x128xf32>
      %integer_pow3A_121 = arith.mulf %sub3A_120, %sub3A_120 : vector<64x128xf32>
      %reduce_sum3A_122 = arith.constant dense<0.000000e+00> : vector<64xf32>
      %reduce_sum3A_123 = vector.multi_reduction <add>, %integer_pow3A_121, %reduce_sum3A_122 [1] : vector<64x128xf32> to vector<64xf32>
      %broadcast_in_dim3A_124 = vector.shape_cast %reduce_sum3A_123 : vector<64xf32> to vector<64x1xf32>
      %div3A_125 = arith.constant 1.280000e+02 : f32
      %div3A_126 = vector.broadcast %div3A_125 : f32 to vector<64x1xf32>
      %div3A_127 = arith.divf %broadcast_in_dim3A_124, %div3A_126 : vector<64x1xf32>
      %sub3A_128 = vector.broadcast %div3A_118 : vector<64x1xf32> to vector<64x128xf32>
      %sub3A_129 = arith.subf %add3A_106, %sub3A_128 : vector<64x128xf32>
      %add3A_130 = arith.constant 9.99999974E-6 : f32
      %add3A_131 = vector.broadcast %add3A_130 : f32 to vector<64x1xf32>
      %add3A_132 = arith.addf %div3A_127, %add3A_131 : vector<64x1xf32>
      %rsqrt3A_133 = math.rsqrt %add3A_132 : vector<64x1xf32>
      %mul3A_134 = vector.broadcast %rsqrt3A_133 : vector<64x1xf32> to vector<64x128xf32>
      %mul3A_135 = arith.mulf %sub3A_129, %mul3A_134 : vector<64x128xf32>
      %mul3A_136 = vector.broadcast %get3A_109 : vector<1x128xf32> to vector<64x128xf32>
      %mul3A_137 = arith.mulf %mul3A_135, %mul3A_136 : vector<64x128xf32>
      %add3A_138 = vector.broadcast %get3A_112 : vector<1x128xf32> to vector<64x128xf32>
      %add3A_139 = arith.addf %mul3A_137, %add3A_138 : vector<64x128xf32>
      %max3A_140 = arith.constant 0.000000e+00 : f32
      %max3A_141 = vector.broadcast %max3A_140 : f32 to vector<64x128xf32>
      %max3A_142 = arith.maximumf %add3A_139, %max3A_141 : vector<64x128xf32>
      %swap3A_143 = arith.constant 0 : index
      %swap3A_144 = arith.constant 0 : index
      %swap3A_145 = vector.load %arg18[%swap3A_143, %swap3A_144] : memref<64x128xf32, #tpu.memory_space<vmem>>, vector<64x128xf32>
      tpu.vector_store %arg18[%swap3A_143, %swap3A_144], %max3A_142 {strides = array<i32>} : memref<64x128xf32, #tpu.memory_space<vmem>>, vector<64x128xf32>,
    } else {
    }
    return
  }
  func.func @transform_0(%arg0: i32) -> (i32, i32) {
    %c0_i32 = arith.constant 0 : i32
    %c0_i32_0 = arith.constant 0 : i32
    return %arg0, %c0_i32 : i32, i32
  }
  func.func @transform_1(%arg0: i32) -> (i32, i32, i32) {
    %c0_i32 = arith.constant 0 : i32
    %c0_i32_0 = arith.constant 0 : i32
    %c0_i32_1 = arith.constant 0 : i32
    return %c0_i32, %arg0, %c0_i32_0 : i32, i32, i32
  }
  func.func @transform_2(%arg0: i32) -> (i32, i32, i32) {
    %c1_i32 = arith.constant 1 : i32
    %c0_i32 = arith.constant 0 : i32
    %c0_i32_0 = arith.constant 0 : i32
    return %c1_i32, %arg0, %c0_i32 : i32, i32, i32
  }
  func.func @transform_3(%arg0: i32) -> (i32, i32) {
    %c0_i32 = arith.constant 0 : i32
    %c0_i32_0 = arith.constant 0 : i32
    %c0_i32_1 = arith.constant 0 : i32
    return %c0_i32, %c0_i32_0 : i32, i32
  }
  func.func @transform_4(%arg0: i32) -> (i32, i32) {
    %c0_i32 = arith.constant 0 : i32
    %c0_i32_0 = arith.constant 0 : i32
    %c0_i32_1 = arith.constant 0 : i32
    return %c0_i32, %c0_i32_0 : i32, i32
  }
  func.func @transform_5(%arg0: i32) -> (i32, i32) {
    %c0_i32 = arith.constant 0 : i32
    %c0_i32_0 = arith.constant 0 : i32
    %c0_i32_1 = arith.constant 0 : i32
    return %c0_i32, %c0_i32_0 : i32, i32
  }
  func.func @transform_6(%arg0: i32) -> (i32, i32) {
    %c0_i32 = arith.constant 0 : i32
    %c0_i32_0 = arith.constant 0 : i32
    %c0_i32_1 = arith.constant 0 : i32
    return %c0_i32, %c0_i32_0 : i32, i32
  }
  func.func @transform_7(%arg0: i32) -> (i32, i32) {
    %c0_i32 = arith.constant 0 : i32
    %c0_i32_0 = arith.constant 0 : i32
    %c0_i32_1 = arith.constant 0 : i32
    return %c0_i32, %c0_i32_0 : i32, i32
  }
  func.func @transform_8(%arg0: i32) -> (i32, i32) {
    %c0_i32 = arith.constant 0 : i32
    %c0_i32_0 = arith.constant 0 : i32
    %c0_i32_1 = arith.constant 0 : i32
    return %c0_i32, %c0_i32_0 : i32, i32
  }
  func.func @transform_9(%arg0: i32) -> (i32, i32) {
    %c0_i32 = arith.constant 0 : i32
    %c0_i32_0 = arith.constant 0 : i32
    %c0_i32_1 = arith.constant 0 : i32
    return %c0_i32, %c0_i32_0 : i32, i32
  }
  func.func @transform_10(%arg0: i32) -> (i32, i32) {
    %c0_i32 = arith.constant 0 : i32
    %c0_i32_0 = arith.constant 0 : i32
    return %arg0, %c0_i32 : i32, i32
  }
  func.func @transform_11(%arg0: i32) -> (i32, i32) {
    %c0_i32 = arith.constant 0 : i32
    %c0_i32_0 = arith.constant 0 : i32
    %c0_i32_1 = arith.constant 0 : i32
    return %c0_i32, %c0_i32_0 : i32, i32
  }
  func.func @transform_12(%arg0: i32) -> (i32, i32) {
    %c0_i32 = arith.constant 0 : i32
    %c0_i32_0 = arith.constant 0 : i32
    %c0_i32_1 = arith.constant 0 : i32
    return %c0_i32, %c0_i32_0 : i32, i32
  }
  func.func @transform_13(%arg0: i32) -> (i32, i32) {
    %c0_i32 = arith.constant 0 : i32
    %c0_i32_0 = arith.constant 0 : i32
    %c0_i32_1 = arith.constant 0 : i32
    return %c0_i32, %c0_i32_0 : i32, i32
  }
  func.func @transform_14(%arg0: i32) -> (i32, i32) {
    %c0_i32 = arith.constant 0 : i32
    %c0_i32_0 = arith.constant 0 : i32
    %c0_i32_1 = arith.constant 0 : i32
    return %c0_i32, %c0_i32_0 : i32, i32
  }
  func.func @transform_15(%arg0: i32) -> (i32, i32) {
    %c0_i32 = arith.constant 0 : i32
    %c0_i32_0 = arith.constant 0 : i32
    %c0_i32_1 = arith.constant 0 : i32
    return %c0_i32, %c0_i32_0 : i32, i32
  }
  func.func @transform_16(%arg0: i32) -> (i32, i32) {
    %c0_i32 = arith.constant 0 : i32
    %c0_i32_0 = arith.constant 0 : i32
    return %arg0, %c0_i32 : i32, i32
  }
  func.func @transform_17(%arg0: i32) -> (i32, i32) {
    %c0_i32 = arith.constant 0 : i32
    %c0_i32_0 = arith.constant 0 : i32
    %c0_i32_1 = arith.constant 0 : i32
    return %c0_i32, %c0_i32_0 : i32, i32
  }
}

module attributes {stable_mosaic.version = 14 : i64} {
  func.func @_head_body(%arg0: i32, %arg1: memref<1000x128xf32, #tpu.memory_space<vmem>>, %arg2: memref<1000x128xf32, #tpu.memory_space<vmem>>, %arg3: memref<1000x128xf32, #tpu.memory_space<vmem>>, %arg4: memref<1000x128xf32, #tpu.memory_space<vmem>>, %arg5: memref<1000x128xf32, #tpu.memory_space<vmem>>, %arg6: memref<1000x128xf32, #tpu.memory_space<vmem>>, %arg7: memref<6x128x128xf32, #tpu.memory_space<vmem>>, %arg8: memref<1x128xf32, #tpu.memory_space<vmem>>, %arg9: memref<128x128xf32, #tpu.memory_space<vmem>>, %arg10: memref<1x128xf32, #tpu.memory_space<vmem>>, %arg11: memref<1000x128xf32, #tpu.memory_space<vmem>>) attributes {dimension_semantics = [#tpu.dimension_semantics<arbitrary>], iteration_bounds = array<i64: 10>, scalar_prefetch = 0 : i64, scratch_operands = 0 : i64, tpu.core_type = #tpu.core_type<tc>, window_params = [{transform_indices = @transform_0, window_bounds = array<i64: 1000, 128>}, {transform_indices = @transform_1, window_bounds = array<i64: 1000, 128>}, {transform_indices = @transform_2, window_bounds = array<i64: 1000, 128>}, {transform_indices = @transform_3, window_bounds = array<i64: 1000, 128>}, {transform_indices = @transform_4, window_bounds = array<i64: 1000, 128>}, {transform_indices = @transform_5, window_bounds = array<i64: 1000, 128>}, {pipeline_mode = #tpu.pipeline_mode<synchronous>, transform_indices = @transform_6, window_bounds = array<i64: 6, 128, 128>}, {pipeline_mode = #tpu.pipeline_mode<synchronous>, transform_indices = @transform_7, window_bounds = array<i64: 1, 128>}, {pipeline_mode = #tpu.pipeline_mode<synchronous>, transform_indices = @transform_8, window_bounds = array<i64: 128, 128>}, {pipeline_mode = #tpu.pipeline_mode<synchronous>, transform_indices = @transform_9, window_bounds = array<i64: 1, 128>}, {transform_indices = @transform_10, window_bounds = array<i64: 1000, 128>}]} {
    %get3A = arith.constant 0 : index
    %get3A_0 = arith.constant 0 : index
    %get3A_1 = vector.load %arg1[%get3A, %get3A_0] : memref<1000x128xf32, #tpu.memory_space<vmem>>, vector<1000x128xf32>
    %get3A_2 = arith.constant 0 : index
    %get3A_3 = arith.constant 0 : index
    %get3A_4 = arith.constant 0 : index
    %get3A_5 = vector.load %arg7[%get3A_2, %get3A_3, %get3A_4] : memref<6x128x128xf32, #tpu.memory_space<vmem>>, vector<1x128x128xf32>
    %get3A_6 = vector.shape_cast %get3A_5 : vector<1x128x128xf32> to vector<128x128xf32>
    %dot_general3A = arith.constant dense<0.000000e+00> : vector<1000x128xf32>
    %dot_general3A_7 = tpu.matmul %get3A_1, %get3A_6, %dot_general3A {dimension_numbers = #tpu.dot_dimension_numbers<[1], [0], [0], [1], [0, 0, 1, 1], [], []>, precision = #tpu.contract_precision<fp32>, transpose_lhs_hint = false} : vector<1000x128xf32>, vector<128x128xf32>, vector<1000x128xf32> -> vector<1000x128xf32>
    %get3A_8 = arith.constant 0 : index
    %get3A_9 = arith.constant 0 : index
    %get3A_10 = vector.load %arg2[%get3A_8, %get3A_9] : memref<1000x128xf32, #tpu.memory_space<vmem>>, vector<1000x128xf32>
    %get3A_11 = arith.constant 1 : index
    %get3A_12 = arith.constant 0 : index
    %get3A_13 = arith.constant 0 : index
    %get3A_14 = vector.load %arg7[%get3A_11, %get3A_12, %get3A_13] : memref<6x128x128xf32, #tpu.memory_space<vmem>>, vector<1x128x128xf32>
    %get3A_15 = vector.shape_cast %get3A_14 : vector<1x128x128xf32> to vector<128x128xf32>
    %dot_general3A_16 = arith.constant dense<0.000000e+00> : vector<1000x128xf32>
    %dot_general3A_17 = tpu.matmul %get3A_10, %get3A_15, %dot_general3A_16 {dimension_numbers = #tpu.dot_dimension_numbers<[1], [0], [0], [1], [0, 0, 1, 1], [], []>, precision = #tpu.contract_precision<fp32>, transpose_lhs_hint = false} : vector<1000x128xf32>, vector<128x128xf32>, vector<1000x128xf32> -> vector<1000x128xf32>
    %add3A = arith.addf %dot_general3A_7, %dot_general3A_17 : vector<1000x128xf32>
    %get3A_18 = arith.constant 0 : index
    %get3A_19 = arith.constant 0 : index
    %get3A_20 = vector.load %arg3[%get3A_18, %get3A_19] : memref<1000x128xf32, #tpu.memory_space<vmem>>, vector<1000x128xf32>
    %get3A_21 = arith.constant 2 : index
    %get3A_22 = arith.constant 0 : index
    %get3A_23 = arith.constant 0 : index
    %get3A_24 = vector.load %arg7[%get3A_21, %get3A_22, %get3A_23] : memref<6x128x128xf32, #tpu.memory_space<vmem>>, vector<1x128x128xf32>
    %get3A_25 = vector.shape_cast %get3A_24 : vector<1x128x128xf32> to vector<128x128xf32>
    %dot_general3A_26 = arith.constant dense<0.000000e+00> : vector<1000x128xf32>
    %dot_general3A_27 = tpu.matmul %get3A_20, %get3A_25, %dot_general3A_26 {dimension_numbers = #tpu.dot_dimension_numbers<[1], [0], [0], [1], [0, 0, 1, 1], [], []>, precision = #tpu.contract_precision<fp32>, transpose_lhs_hint = false} : vector<1000x128xf32>, vector<128x128xf32>, vector<1000x128xf32> -> vector<1000x128xf32>
    %add3A_28 = arith.addf %add3A, %dot_general3A_27 : vector<1000x128xf32>
    %get3A_29 = arith.constant 0 : index
    %get3A_30 = arith.constant 0 : index
    %get3A_31 = vector.load %arg4[%get3A_29, %get3A_30] : memref<1000x128xf32, #tpu.memory_space<vmem>>, vector<1000x128xf32>
    %get3A_32 = arith.constant 3 : index
    %get3A_33 = arith.constant 0 : index
    %get3A_34 = arith.constant 0 : index
    %get3A_35 = vector.load %arg7[%get3A_32, %get3A_33, %get3A_34] : memref<6x128x128xf32, #tpu.memory_space<vmem>>, vector<1x128x128xf32>
    %get3A_36 = vector.shape_cast %get3A_35 : vector<1x128x128xf32> to vector<128x128xf32>
    %dot_general3A_37 = arith.constant dense<0.000000e+00> : vector<1000x128xf32>
    %dot_general3A_38 = tpu.matmul %get3A_31, %get3A_36, %dot_general3A_37 {dimension_numbers = #tpu.dot_dimension_numbers<[1], [0], [0], [1], [0, 0, 1, 1], [], []>, precision = #tpu.contract_precision<fp32>, transpose_lhs_hint = false} : vector<1000x128xf32>, vector<128x128xf32>, vector<1000x128xf32> -> vector<1000x128xf32>
    %add3A_39 = arith.addf %add3A_28, %dot_general3A_38 : vector<1000x128xf32>
    %get3A_40 = arith.constant 0 : index
    %get3A_41 = arith.constant 0 : index
    %get3A_42 = vector.load %arg5[%get3A_40, %get3A_41] : memref<1000x128xf32, #tpu.memory_space<vmem>>, vector<1000x128xf32>
    %get3A_43 = arith.constant 4 : index
    %get3A_44 = arith.constant 0 : index
    %get3A_45 = arith.constant 0 : index
    %get3A_46 = vector.load %arg7[%get3A_43, %get3A_44, %get3A_45] : memref<6x128x128xf32, #tpu.memory_space<vmem>>, vector<1x128x128xf32>
    %get3A_47 = vector.shape_cast %get3A_46 : vector<1x128x128xf32> to vector<128x128xf32>
    %dot_general3A_48 = arith.constant dense<0.000000e+00> : vector<1000x128xf32>
    %dot_general3A_49 = tpu.matmul %get3A_42, %get3A_47, %dot_general3A_48 {dimension_numbers = #tpu.dot_dimension_numbers<[1], [0], [0], [1], [0, 0, 1, 1], [], []>, precision = #tpu.contract_precision<fp32>, transpose_lhs_hint = false} : vector<1000x128xf32>, vector<128x128xf32>, vector<1000x128xf32> -> vector<1000x128xf32>
    %add3A_50 = arith.addf %add3A_39, %dot_general3A_49 : vector<1000x128xf32>
    %get3A_51 = arith.constant 0 : index
    %get3A_52 = arith.constant 0 : index
    %get3A_53 = vector.load %arg6[%get3A_51, %get3A_52] : memref<1000x128xf32, #tpu.memory_space<vmem>>, vector<1000x128xf32>
    %get3A_54 = arith.constant 5 : index
    %get3A_55 = arith.constant 0 : index
    %get3A_56 = arith.constant 0 : index
    %get3A_57 = vector.load %arg7[%get3A_54, %get3A_55, %get3A_56] : memref<6x128x128xf32, #tpu.memory_space<vmem>>, vector<1x128x128xf32>
    %get3A_58 = vector.shape_cast %get3A_57 : vector<1x128x128xf32> to vector<128x128xf32>
    %dot_general3A_59 = arith.constant dense<0.000000e+00> : vector<1000x128xf32>
    %dot_general3A_60 = tpu.matmul %get3A_53, %get3A_58, %dot_general3A_59 {dimension_numbers = #tpu.dot_dimension_numbers<[1], [0], [0], [1], [0, 0, 1, 1], [], []>, precision = #tpu.contract_precision<fp32>, transpose_lhs_hint = false} : vector<1000x128xf32>, vector<128x128xf32>, vector<1000x128xf32> -> vector<1000x128xf32>
    %add3A_61 = arith.addf %add3A_50, %dot_general3A_60 : vector<1000x128xf32>
    %get3A_62 = arith.constant 0 : index
    %get3A_63 = arith.constant 0 : index
    %get3A_64 = vector.load %arg8[%get3A_62, %get3A_63] : memref<1x128xf32, #tpu.memory_space<vmem>>, vector<1x128xf32>
    %add3A_65 = vector.broadcast %get3A_64 : vector<1x128xf32> to vector<1000x128xf32>
    %add3A_66 = arith.addf %add3A_61, %add3A_65 : vector<1000x128xf32>
    %max3A = arith.constant 0.000000e+00 : f32
    %max3A_67 = vector.broadcast %max3A : f32 to vector<1000x128xf32>
    %max3A_68 = arith.maximumf %add3A_66, %max3A_67 : vector<1000x128xf32>
    %get3A_69 = arith.constant 0 : index
    %get3A_70 = arith.constant 0 : index
    %get3A_71 = vector.load %arg9[%get3A_69, %get3A_70] : memref<128x128xf32, #tpu.memory_space<vmem>>, vector<128x128xf32>
    %dot_general3A_72 = arith.constant dense<0.000000e+00> : vector<1000x128xf32>
    %dot_general3A_73 = tpu.matmul %max3A_68, %get3A_71, %dot_general3A_72 {dimension_numbers = #tpu.dot_dimension_numbers<[1], [0], [0], [1], [0, 0, 1, 1], [], []>, precision = #tpu.contract_precision<fp32>, transpose_lhs_hint = false} : vector<1000x128xf32>, vector<128x128xf32>, vector<1000x128xf32> -> vector<1000x128xf32>
    %get3A_74 = arith.constant 0 : index
    %get3A_75 = arith.constant 0 : index
    %get3A_76 = vector.load %arg10[%get3A_74, %get3A_75] : memref<1x128xf32, #tpu.memory_space<vmem>>, vector<1x128xf32>
    %add3A_77 = vector.broadcast %get3A_76 : vector<1x128xf32> to vector<1000x128xf32>
    %add3A_78 = arith.addf %dot_general3A_73, %add3A_77 : vector<1000x128xf32>
    %swap3A = arith.constant 0 : index
    %swap3A_79 = arith.constant 0 : index
    %swap3A_80 = vector.load %arg11[%swap3A, %swap3A_79] : memref<1000x128xf32, #tpu.memory_space<vmem>>, vector<1000x128xf32>
    tpu.vector_store %arg11[%swap3A, %swap3A_79], %add3A_78 {strides = array<i32>} : memref<1000x128xf32, #tpu.memory_space<vmem>>, vector<1000x128xf32>,
    return
  }
  func.func @transform_0(%arg0: i32) -> (i32, i32) {
    %c0_i32 = arith.constant 0 : i32
    %c0_i32_0 = arith.constant 0 : i32
    return %arg0, %c0_i32 : i32, i32
  }
  func.func @transform_1(%arg0: i32) -> (i32, i32) {
    %c0_i32 = arith.constant 0 : i32
    %c0_i32_0 = arith.constant 0 : i32
    return %arg0, %c0_i32 : i32, i32
  }
  func.func @transform_2(%arg0: i32) -> (i32, i32) {
    %c0_i32 = arith.constant 0 : i32
    %c0_i32_0 = arith.constant 0 : i32
    return %arg0, %c0_i32 : i32, i32
  }
  func.func @transform_3(%arg0: i32) -> (i32, i32) {
    %c0_i32 = arith.constant 0 : i32
    %c0_i32_0 = arith.constant 0 : i32
    return %arg0, %c0_i32 : i32, i32
  }
  func.func @transform_4(%arg0: i32) -> (i32, i32) {
    %c0_i32 = arith.constant 0 : i32
    %c0_i32_0 = arith.constant 0 : i32
    return %arg0, %c0_i32 : i32, i32
  }
  func.func @transform_5(%arg0: i32) -> (i32, i32) {
    %c0_i32 = arith.constant 0 : i32
    %c0_i32_0 = arith.constant 0 : i32
    return %arg0, %c0_i32 : i32, i32
  }
  func.func @transform_6(%arg0: i32) -> (i32, i32, i32) {
    %c0_i32 = arith.constant 0 : i32
    %c0_i32_0 = arith.constant 0 : i32
    %c0_i32_1 = arith.constant 0 : i32
    %c0_i32_2 = arith.constant 0 : i32
    return %c0_i32, %c0_i32_0, %c0_i32_1 : i32, i32, i32
  }
  func.func @transform_7(%arg0: i32) -> (i32, i32) {
    %c0_i32 = arith.constant 0 : i32
    %c0_i32_0 = arith.constant 0 : i32
    %c0_i32_1 = arith.constant 0 : i32
    return %c0_i32, %c0_i32_0 : i32, i32
  }
  func.func @transform_8(%arg0: i32) -> (i32, i32) {
    %c0_i32 = arith.constant 0 : i32
    %c0_i32_0 = arith.constant 0 : i32
    %c0_i32_1 = arith.constant 0 : i32
    return %c0_i32, %c0_i32_0 : i32, i32
  }
  func.func @transform_9(%arg0: i32) -> (i32, i32) {
    %c0_i32 = arith.constant 0 : i32
    %c0_i32_0 = arith.constant 0 : i32
    %c0_i32_1 = arith.constant 0 : i32
    return %c0_i32, %c0_i32_0 : i32, i32
  }
  func.func @transform_10(%arg0: i32) -> (i32, i32) {
    %c0_i32 = arith.constant 0 : i32
    %c0_i32_0 = arith.constant 0 : i32
    return %arg0, %c0_i32 : i32, i32
  }
}

</mosaic_0001>

<sc_bundles>
// kernel: kernel.18.cloned.1.call-start
scs
__scs_entry_jumppad:
0x0: {  	(pc) =	sbr.rel $0x88, $3  }
0x1: {  	(tag) =	ssettag $0x0;
	lr =	simm.s32 $0x1  }
0x2: {  	[smem:$0x3F5F] =	sst lr;
	_ =	strace $0xD0000000  }
0x3: {  	_ = 	snop  }
0x4: {  	_ = 	snop  }
0x5: {  	_ = 	snop  }
0x6: {  	_ = 	snop  }
0x7: {  	_ = 	snop  }
__scs_overlays_trampoline_lowered:
0x8: {  	[smem:$0x3F6E] =	sst s0  }
0x9: {  	[smem:$0x3F6F] =	sst s1  }
0xa: {  	[smem:$0x3F70] =	sst s2  }
0xb: {  	[smem:$0x3F71] =	sst s3  }
0xc: {  	[smem:$0x3F72] =	sst s4  }
0xd: {  	[smem:$0x3F73] =	sst s5  }
0xe: {  	[smem:$0x3F74] =	sst s6  }
0xf: {  	[smem:$0x3F75] =	sst s7  }
0x10: {  	[smem:$0x3F76] =	sst s8  }
0x11: {  	[smem:$0x3F77] =	sst s9;
	s0 =	simm.s32 @!p0 $0x0  }
0x12: {  	s1 =	sld [smem:$0x3F5D];
	s0 =	simm.s32 @p0 $0x1  }
0x13: {  	[smem:$0x3F78] =	sst s0;
	s0 =	simm.s32 @!p1 $0x0  }
0x14: {  	s2 =	sld [smem:$0x3F5C];
	s0 =	simm.s32 @p1 $0x1  }
0x15: {  	[smem:$0x3F79] =	sst s0;
	s0 =	simm.s32 @!p2 $0x0  }
0x16: {  	s3 =	sld [smem:$0x3FDB];
	s0 =	simm.s32 @p2 $0x1  }
0x17: {  	s4 =	simm.s32 $0x1BF5;
	[smem:$0x3F7B] =	sst s0  }
0x18: {  	s0 =	sld [smem:$0x3F5E];
	_ =	swait.ge [sflag:s4], $0x0  }
0x19: {  	s7 =	sld [smem:$0x3F5F]  }
0x1a: {  	s8 =	sadd.s32 $0xFFFFE003, lr  }
0x1b: {  	s9 =	sadd.s32 $0xFFFFFEF7, lr;
	s5 =	simm.s32 $0xFFFFFFFF;
	p2 =	slt.u32 s8, $0xFFFFF086  }
0x1c: {  	p1 =	slt.u32 s9, $0xF7A;
	s5 =	simm.s32 @!p2 $0x0  }
0x1d: {  	s5 =	simm.s32 @p1 $0x1;
	p0 =	seq.s32 s7, s2  }
0x1e: {  	s7 =	smul.u32 @!p0 $0xF7A, s2;
	p2 =	seq.s32 @!p0 s5, $0x0  }
0x1f: {  	s9 =	smul.u32 $0xF7A, s1;
	s8 =	simm.s32 @!p0 $0x1BF5;
	p2 =	por !p2, p0  }
0x20: {  	[sflag:s8] =	ssyncset.s32 @!p0 $0xFFFFF086;
	s6 =	sadd.s32 @!p0 s3, s7;
	s7 =	simm.s32 @!p0 $0x108  }
0x21: {  	s3 =	sadd.s32 s3, s9;
	s6 =	sadd.s32 @!p0 $0x88, s6;
	s7 =	simm.s32 @p2 $0x1082  }
0x22: {  	[simem:s7], [sflag:s8] =	dma.local @!p0 [hbm:s6], $0xF7A  }
0x23: {  	s9 =	sor.u32 $0xD0000000, s2;
	s6 =	simm.s32 $0x108;
	_ =	swait.ge @!p0 [sflag:s8], $0x0  }
0x24: {  	s3 =	sadd.s32 $0x88, s3;
	s6 =	simm.s32 @!p1 $0x1082;
	[sflag:s4] =	ssyncset.s32 $0xFFFFF086  }
0x25: {  	[simem:s6], [sflag:s4] =	dma.local [hbm:s3], $0xF7A  }
0x26: {  	[smem:$0x3F5F] =	sst s1;
	(tag) =	ssettag s2;
	_ =	strace s9  }
0x27: {  	s1 =	sld [smem:$0x3F6F]  }
0x28: {  	s2 =	sld [smem:$0x3F70]  }
0x29: {  	s4 =	sld [smem:$0x3F72]  }
0x2a: {  	p0 =	seq.s32 s5, $0x0;
	s5 =	sld [smem:$0x3F73]  }
0x2b: {  	s6 =	sld [smem:$0x3F74]  }
0x2c: {  	s7 =	sld [smem:$0x3F75]  }
0x2d: {  	s3 =	simm.s32 $0x108;
	s8 =	sld [smem:$0x3F76]  }
0x2e: {  	s3 =	simm.s32 @!p0 $0x1082;
	s9 =	sld [smem:$0x3F77]  }
0x2f: {  	lr =	sadd.s32 s0, s3;
	s0 =	sld [smem:$0x3F6E]  }
0x30: {  	s3 =	sld [smem:$0x3F71]  }
0x31: {  	[smem:$0x3F7A] =	sst s10  }
0x32: {  	s10 =	sld [smem:$0x3F78];
	_ =	sdelay $0x3  }
0x33: {  	p0 =	seq.s32 s10, $0x1;
	s10 =	sld [smem:$0x3F7A];
	_ =	sdelay $0x3  }
0x34: {  	[smem:$0x3F7A] =	sst s10  }
0x35: {  	s10 =	sld [smem:$0x3F79];
	_ =	sdelay $0x3  }
0x36: {  	p1 =	seq.s32 s10, $0x1;
	s10 =	sld [smem:$0x3F7A];
	_ =	sdelay $0x3  }
0x37: {  	[smem:$0x3F7A] =	sst s10  }
0x38: {  	s10 =	sld [smem:$0x3F7B]  }
0x39: {  	_ = 	snop;
	(pc) =	sbr.ind lr, $3  }
0x3a: {  	_ = 	snop  }
0x3b: {  	_ = 	snop  }
0x3c: {  	p2 =	seq.s32 s10, $0x1;
	s10 =	sld [smem:$0x3F7A]  }
0x3d: {  	_ =	shalt  }
0x3e: {  	_ =	shalt  }
0x3f: {  	_ =	shalt  }
0x40: {  	_ =	shalt  }
0x41: {  	_ =	shalt  }
0x42: {  	_ =	shalt  }
0x43: {  	_ =	shalt  }
0x44: {  	_ =	shalt  }
0x45: {  	_ =	shalt  }
0x46: {  	_ =	shalt  }
0x47: {  	_ =	shalt  }
0x48: {  	_ =	shalt  }
0x49: {  	_ =	shalt  }
0x4a: {  	_ =	shalt  }
0x4b: {  	_ =	shalt  }
0x4c: {  	_ =	shalt  }
0x4d: {  	_ =	shalt  }
0x4e: {  	_ =	shalt  }
0x4f: {  	_ =	shalt  }
0x50: {  	_ =	shalt  }
0x51: {  	_ =	shalt  }
0x52: {  	_ =	shalt  }
0x53: {  	_ =	shalt  }
0x54: {  	_ =	shalt  }
0x55: {  	_ =	shalt  }
0x56: {  	_ =	shalt  }
0x57: {  	_ =	shalt  }
0x58: {  	_ =	shalt  }
0x59: {  	_ =	shalt  }
0x5a: {  	_ =	shalt  }
0x5b: {  	_ =	shalt  }
0x5c: {  	_ =	shalt  }
0x5d: {  	_ =	shalt  }
0x5e: {  	_ =	shalt  }
0x5f: {  	_ =	shalt  }
0x60: {  	_ =	shalt  }
0x61: {  	_ =	shalt  }
0x62: {  	_ =	shalt  }
0x63: {  	_ =	shalt  }
0x64: {  	_ =	shalt  }
0x65: {  	_ =	shalt  }
0x66: {  	_ =	shalt  }
0x67: {  	_ =	shalt  }
0x68: {  	_ =	shalt  }
0x69: {  	_ =	shalt  }
0x6a: {  	_ =	shalt  }
0x6b: {  	_ =	shalt  }
0x6c: {  	_ =	shalt  }
0x6d: {  	_ =	shalt  }
0x6e: {  	_ =	shalt  }
0x6f: {  	_ =	shalt  }
0x70: {  	_ =	shalt  }
0x71: {  	_ =	shalt  }
0x72: {  	_ =	shalt  }
0x73: {  	_ =	shalt  }
0x74: {  	_ =	shalt  }
0x75: {  	_ =	shalt  }
0x76: {  	_ =	shalt  }
0x77: {  	_ =	shalt  }
0x78: {  	_ =	shalt  }
0x79: {  	_ =	shalt  }
0x7a: {  	_ =	shalt  }
0x7b: {  	_ =	shalt  }
0x7c: {  	_ =	shalt  }
0x7d: {  	_ =	shalt  }
0x7e: {  	_ =	shalt  }
0x7f: {  	_ =	shalt  }
0x80: {  	_ =	shalt  }
0x81: {  	_ =	shalt  }
0x82: {  	_ =	shalt  }
0x83: {  	_ =	shalt  }
0x84: {  	_ =	shalt  }
0x85: {  	_ =	shalt  }
0x86: {  	_ =	shalt  }
0x87: {  	_ =	shalt  }
.Lfunc_end0:
.L_simem_size_0:
called_computation_lowered:
.L_overlay_start_0:
0x88: {  	s2 =	sld [smem:$0x3FD9]  }
0x89: {  	s3 =	sld [smem:$0x3FFE];
	_ =	sdelay $0x1  }
0x8a: {  	s1 =	srdreg.scid  }
0x8b: {  	s0 =	sand.u32 $0x1, s1  }
0x8c: {  	s16 =	sshll.u32 s0, $0xA;
	s2 =	sadd.s32 s3, s2  }
0x8d: {  	s2 =	sadd.s32 s2, s16  }
0x8e: {  	[smem:$0x3F86] =	sst s2  }
0x8f: {  	_ = 	snop  }
0x90: {  	(tm) =	ssettm $0x1  }
0x91: {  	s17 =	sld [smem:$0x3FFB];
	_ =	sdelay $0x3  }
0x92: {  	_ =	strace s17  }
0x93: {  	s2 =	sld [smem:$0x3FFC];
	_ =	sdelay $0x3  }
0x94: {  	_ =	strace s2  }
0x95: {  	s2 =	sld [smem:$0x3FFD];
	_ =	sdelay $0x3  }
0x96: {  	_ =	strace s2  }
0x97: {  	_ =	strace $0x8FFFFFFF  }
0x98: {  	s18 =	sld [smem:$0x3FDB];
	_ =	sdelay $0x1  }
0x99: {  	s19 =	simm.s32 $_scs_section_size  }
0x9a: {  	s4 =	simm.s32 $_size__tile_overlayer_lowered;
	s5 =	simm.s32 $_tile_overlayer_lowered  }
0x9b: {  	s22 =	simm.s32 $0x1BFF;
	s21 =	sshll.u32 s5, $0x1;
	s2 =	sadd.s32 s19, s18  }
0x9c: {  	s6 =	simm.s32 $0x0;
	s20 =	sshll.u32 s4, $0x1;
	s4 =	sadd.s32 s21, s2  }
0x9d: {  	[timem:s6], [sflag:s22] =	dma.local [hbm:s4], s20  }
0x9e: {  	_ =	swait.ge [sflag:s22], s20  }
0x9f: {  	s3 =	ssub.s32 $0x0, s20;
	[sflag:s22] =	ssyncset.done $0x0  }
0xa0: {  	[sflag:s22] =	ssyncadd.s32 s3;
	_ =	sdelay $0x1  }
0xa1: {  	s23 =	simm.s32 $0x1B8B  }
0xa2: {  	_ =	swait.ge [sflag:s23], $0x1  }
0xa3: {  	[sflag:s23] =	ssyncset.done $0x0  }
0xa4: {  	s25 =	simm.s32 $0x1B8E;
	s24 =	sld [smem:$0x3FFE];
	[sflag:s23] =	ssyncadd.s32 $0xFFFFFFFF  }
0xa5: {  	s26 =	simm.s32 $execute0_lowered;
	[smem:$0x3FD2] =	sst s25  }
0xa6: {  	s4 =	sshll.u32 s26, $0x1;
	_ =	strace $0x80000046;
	[dreg:$0x1] =	wrdreg $0xFFFFFFFF  }
0xa7: {  	s28 =	simm.s32 $_size_execute0_lowered;
	s2 =	sadd.s32 s2, s4;
	[dreg:$0x0] =	wrdreg $0x0  }
0xa8: {  	s4 =	sshll.u32 s28, $0x1;
	[dreg:$0x2] =	wrdreg s2  }
0xa9: {  	[dreg:$0x3] =	wrdreg s4  }
0xaa: {  	[dreg:$0x4] =	wrdreg $0xC0  }
0xab: {  	_ =	task [dreg:s6], $0x5FFFF  }
0xac: {  	[dreg:$0x1] =	wrdreg $0xFFFFFFFF  }
0xad: {  	[dreg:$0x0] =	wrdreg $0x60  }
0xae: {  	[dreg:$0x2] =	wrdreg s24  }
0xaf: {  	[dreg:$0x3] =	wrdreg $0xC0000  }
0xb0: {  	[dreg:$0x4] =	wrdreg $0x9  }
0xb1: {  	_ =	task.clear_ibuf [dreg:s6], $0x5FFFF;
	_ =	strace $0x90000046  }
0xb2: {  	s29 =	simm.s32 $0x9;
	_ =	strace $0x80000048  }
0xb3: {  	_ =	swait.ge [sflag:s29], $0x1  }
0xb4: {  	[sflag:s29] =	ssyncadd.s32 $0xFFFFFFFF  }
0xb5: {  	_ =	strace $0x90000048  }
0xb6: {  	_ =	sfence  }
0xb7: {  	s30 =	sld [smem:$0x0];
	_ =	sdelay $0x2  }
0xb8: {  	s31 =	sshll.u32 s1, $0xD;
	s1 =	sshrl.u32 s1, $0x2  }
0xb9: {  	s3 =	sand.u32 $0x4000, s31;
	s1 =	sadd.s32 s1, s30  }
0xba: {  	s0 =	sor.u32 s3, s0;
	s1 =	sshll.u32 s1, $0x11  }
0xbb: {  	s0 =	sor.u32 s1, s0  }
0xbc: {  	s0 =	sadd.s32 $0x8F2B, s0  }
0xbd: {  	[sflag:s0] =	ssyncadd.remote.s32 $0x1  }
0xbe: {  	_ =	sfence.sel $0xFFFF  }
0xbf: {  	[dreg:$0x0] =	wrdreg $0xFFFFFFFF;
	(pc) =	sbr.abs _section_cstart, $3  }
0xc0: {  	[dreg:$0x1] =	wrdreg $0xFFFFFFFF  }
0xc1: {  	_ =	task.clear_ibuf [dreg:s6], $0x2FFFF;
	_ =	strace $0x9FFFFFFF  }
0xc2: {  	(tm) =	ssettm $0x7FFFFFFF  }
0xc3: {  	_ =	shalt  }
tec
execute0_lowered:
.L_overlay_start_1:
0x0: {  	(tag) =	ssettag $0x1  }
0x1: {  	s0 =	rddreg [dreg:$0x0]  }
0x2: {  	s2 =	rddreg [dreg:$0x1]  }
0x3: {  	s11 =	simm.s32 $0x0;
	s3 =	stileid.u32;
	s1 =	srdreg.scid  }
0x4: {  	s13 =	simm.s32 $0x9;
	s14 =	simm.s32 $0x40;
	s16 =	simm.s32 $0x80  }
0x5: {  	s17 =	simm.s32 $0x6000;
	s18 =	simm.s32 $0x100;
	s19 =	simm.s32 $0x8000  }
0x6: {  	s20 =	simm.s32 $0x180;
	s21 =	simm.s32 $0xA000;
	s22 =	simm.s32 $0x5  }
0x7: {  	[smem:$0x7FF] =	sst s11;
	s7 =	smul.u32 $0x13C00, s3;
	s1 =	sand.u32 $0x1, s1  }
0x8: {  	s4 =	sadd.s32 $0x5BC00, s0;
	s5 =	sadd.s32 $0xBC00, s0;
	s6 =	sadd.s32 $0x33C00, s0  }
0x9: {  	s10 =	smul.u32 $0x4F000, s3;
	s30 =	sshll.u32 s3, $0x6;
	_ =	strace $0x80000047  }
0xa: {  	s8 =	smul.u32 $0x13C000, s1;
	s26 =	ssub.s32 $0x2, s1;
	s1 =	sshll.u32 s1, $0x4  }
0xb: {  	s9 =	sshrl.u32 s7, $0x3;
	s28 =	sshrl.u32 s26, $0x1;
	s1 =	sor.u32 s3, s1  }
0xc: {  	s29 =	sshrl.u32 s10, $0x2;
	s3 =	sor.u32 $0x1C09, s30;
	s7 =	sadd.s32 s7, s8  }
0xd: {  	s9 =	sadd.s32 s9, s0;
	s8 =	sadd.s32 s29, s2;
	s7 =	sshrl.u32 s7, $0x3  }
0xe: {  	[dreg:$0x5] =	wrdreg s3;
	s9 =	sadd.s32 $0x11F200, s9;
	s0 =	sadd.s32 s7, s0  }
0xf: {  	[dreg:$0x4] =	wrdreg s9;
	s9 =	smul.u32 $0xA000, s1;
	s1 =	sshrl.u32 s8, $0x3  }
0x10: {  	s7 =	ssub.s32 s26, s28;
	s0 =	sadd.s32 $0x146A00, s0;
	[dreg:$0x8] =	wrdreg s1  }
0x11: {  	s23 =	simm.s32 $0x6;
	s31 =	smax.u32 s7, $0x1;
	[dreg:$0x6] =	wrdreg s0  }
0x12: {  	s24 =	simm.s32 $0x7;
	s25 =	simm.s32 $0x8;
	[dreg:$0x7] =	wrdreg s31  }
.LBB2_1:
0x13: {  	[dreg:$0x3] =	wrdreg s11  }
0x14: {  	s0 =	rddreg [dreg:$0x4]  }
0x15: {  	[spmem:s1], [sflag:s3] =	dma.local [hbm:s0], $0x2780  }
0x16: {  	_ =	swait.ge [sflag:s13], $0x2780  }
0x17: {  	[sflag:s13] =	ssyncset.done $0x0  }
0x18: {  	[sflag:s13] =	ssyncadd.s32 $0xFFFFD880  }
0x19: {  	s26 =	simm.s32 $0x0;
	[bflag:$0x0] =	sbarrier.arrive $0xFFFF  }
.LBB2_2:
0x1a: {  	s0 =	sshll.u32 s26, $0xD  }
0x1b: {  	s0 =	sadd.s32 s9, s0  }
0x1c: {  	s0 =	sshrl.u32 s0, $0x3  }
0x1d: {  	s7 =	simm.s32 $0x0;
	s1 =	sadd.s32 s5, s0  }
0x1e: {  	[tilespmem:s7], [sflag:$0x9] =	stream.linear.gather [hbm4b:s1+s7], $0x2000, $0x38;
	[tilespmem:$0x1FC00] =	vst v63  }
0x1f: {  	_ =	swait.ge [sflag:s13], $0x2000  }
0x20: {  	[sflag:s13] =	ssyncset.done $0x0  }
0x21: {  	s10 =	simm.s32 $0x2000;
	s0 =	sadd.s32 s6, s0;
	[sflag:s13] =	ssyncadd.s32 $0xFFFFE000  }
0x22: {  	[tilespmem:s10], [sflag:$0x9] =	stream.linear.gather [hbm4b:s0+s7], $0x2000, $0x38;
	[tilespmem:$0x1FC00] =	vst v63  }
0x23: {  	_ =	swait.ge [sflag:s13], $0x2000  }
0x24: {  	[sflag:s13] =	ssyncset.done $0x0  }
0x25: {  	s12 =	simm.s32 $0x4000;
	[sflag:s13] =	ssyncadd.s32 $0xFFFFE000  }
0x26: {  	[tilespmem:s12], [sflag:$0x1] =	stream.indirect.gather [hbm4b:s4+s14], $0x80, s7, s14, $0xb8;
	[tilespmem:$0x1FC00] =	vst v63  }
0x27: {  	_ = 	snop  }
0x28: {  	[tilespmem:s17], [sflag:$0x2] =	stream.indirect.gather [hbm4b:s4+s14], $0x80, s16, s14, $0xb8;
	[tilespmem:$0x1FC00] =	vst v63  }
0x29: {  	s15 =	sand.u32 $0x3, s7  }
0x2a: {  	[tilespmem:s19], [sflag:$0x3] =	stream.indirect.gather [hbm4b:s4+s14], $0x80, s18, s14, $0xb8;
	[tilespmem:$0x1FC00] =	vst v63  }
0x2b: {  	s30 =	sadd.s32 $0x1, s15  }
0x2c: {  	[tilespmem:s21], [sflag:$0x4] =	stream.indirect.gather [hbm4b:s4+s14], $0x80, s20, s14, $0xb8;
	[tilespmem:$0x1FC00] =	vst v63  }
0x2d: {  	s28 =	simm.s32 $0x200;
	s29 =	simm.s32 $0x1;
	_ =	swait.ge [sflag:s30], $0x2000  }
0x2e: {  	p0 =	por $0x0, $0x0;
	s7 =	sshll.u32 s15, $0xD;
	[sflag:s30] =	ssyncset.done $0x0  }
0x2f: {  	s8 =	sadd.s32 $0x5, s15;
	s11 =	sadd.s32 $0x4000, s7;
	[sflag:s30] =	ssyncadd.s32 $0xFFFFE000  }
0x30: {  	[spmem:s2] =	stream.indirect.scatter.add.f32 [tilespmem:s11], [sflag:s8], $0x80, s10, s14, $0xb8;
	[tilespmem:$0x1FC00] =	vst v63  }
0x31: {  	s31 =	simm.s32 $0x280;
	s1 =	simm.s32 $0x2;
	_ =	swait.ge @!p0 [sflag:s8], $0x2000  }
0x32: {  	s0 =	simm.s32 $0x2080;
	s7 =	sand.u32 $0x3, s29;
	[sflag:s8] =	ssyncset.done @!p0 $0x0  }
0x33: {  	s10 =	sshll.u32 s7, $0xD;
	[sflag:s8] =	ssyncadd.s32 @!p0 $0xFFFFE000;
	s8 =	simm.s32 @!p0 $0x40  }
.LBB2_3:
0x34: {  	[tilespmem:s11], [sflag:s30] =	stream.indirect.gather @!p0 [hbm4b:s4+s8], $0x80, s28, s8, $0xb8;
	[tilespmem:$0x1FC00] =	vst v63  }
0x35: {  	s8 =	smov.u32 s1;
	s28 =	smov.u32 s31  }
0x36: {  	s1 =	sadd.s32 $0x1, s1;
	s30 =	sadd.s32 $0x1, s7;
	s12 =	sand.u32 $0x3, s8  }
0x37: {  	p1 =	sne.s32 s1, $0x40;
	s3 =	sshll.u32 s12, $0xD;
	_ =	swait.ge [sflag:s30], $0x2000  }
0x38: {  	s15 =	sadd.s32 $0x5, s7;
	p0 =	sgt.u32 s29, $0x3B;
	[sflag:s30] =	ssyncset.done $0x0  }
.Ltmp0:
0x39: {  	s11 =	sadd.s32 $0x4000, s10;
	[sflag:s30] =	ssyncadd.s32 $0xFFFFE000;
	(pc) =	sbr.rel @p1 .LBB2_3-.Ltmp0, $4  }
0x3a: {  	[spmem:s2] =	stream.indirect.scatter.add.f32 [tilespmem:s11], [sflag:s15], $0x80, s0, s14, $0xb8;
	[tilespmem:$0x1FC00] =	vst v63  }
0x3b: {  	s29 =	smov.u32 s8;
	s7 =	smov.u32 s12;
	_ =	swait.ge @!p0 [sflag:s15], $0x2000  }
0x3c: {  	s10 =	smov.u32 s3;
	s0 =	sadd.s32 $0x80, s0;
	[sflag:s15] =	ssyncset.done @!p0 $0x0  }
0x3d: {  	s31 =	sadd.s32 $0x80, s31;
	s8 =	simm.s32 @!p0 $0x40;
	[sflag:s15] =	ssyncadd.s32 @!p0 $0xFFFFE000  }
0x3e: {  	[tilespmem:s11], [sflag:s30] =	stream.indirect.gather @!p0 [hbm4b:s4+s8], $0x80, s28, s8, $0xb8;
	[tilespmem:$0x1FC00] =	vst v63  }
0x3f: {  	s1 =	sadd.s32 $0x1, s7  }
0x40: {  	_ =	swait.ge [sflag:s1], $0x2000  }
0x41: {  	s3 =	sadd.s32 $0x5, s7;
	[sflag:s1] =	ssyncset.done $0x0  }
0x42: {  	p0 =	sgt.u32 s29, $0x3B;
	s7 =	sadd.s32 $0x4000, s10;
	[sflag:s1] =	ssyncadd.s32 $0xFFFFE000  }
0x43: {  	[spmem:s2] =	stream.indirect.scatter.add.f32 [tilespmem:s7], [sflag:s3], $0x80, s0, s14, $0xb8;
	[tilespmem:$0x1FC00] =	vst v63  }
0x44: {  	_ =	swait.ge @!p0 [sflag:s3], $0x2000  }
0x45: {  	[sflag:s3] =	ssyncset.done @!p0 $0x0  }
0x46: {  	s0 =	simm.s32 @!p0 $0x40;
	[sflag:s3] =	ssyncadd.s32 @!p0 $0xFFFFE000  }
0x47: {  	[tilespmem:s7], [sflag:s1] =	stream.indirect.gather @!p0 [hbm4b:s4+s0], $0x80, s31, s0, $0xb8;
	[tilespmem:$0x1FC00] =	vst v63  }
0x48: {  	_ =	swait.ge [sflag:s22], $0x2000  }
0x49: {  	[sflag:s22] =	ssyncset.done $0x0  }
0x4a: {  	[sflag:s22] =	ssyncadd.s32 $0xFFFFE000  }
0x4b: {  	_ =	swait.ge [sflag:s23], $0x2000  }
0x4c: {  	[sflag:s23] =	ssyncset.done $0x0  }
0x4d: {  	s26 =	sadd.s32 $0x1, s26;
	[sflag:s23] =	ssyncadd.s32 $0xFFFFE000  }
0x4e: {  	p0 =	sne.s32 s26, $0x5;
	_ =	swait.ge [sflag:s24], $0x2000  }
.Ltmp1:
0x4f: {  	[sflag:s24] =	ssyncset.done $0x0;
	(pc) =	sbr.rel @p0 .LBB2_2-.Ltmp1, $4  }
0x50: {  	[sflag:s24] =	ssyncadd.s32 $0xFFFFE000  }
0x51: {  	_ =	swait.ge [sflag:s25], $0x2000  }
0x52: {  	[sflag:s25] =	ssyncset.done $0x0  }
0x53: {  	[sflag:s25] =	ssyncadd.s32 $0xFFFFE000  }
0x54: {  	[bflag:$0x0] =	sbarrier.arrive $0xFFFF  }
0x55: {  	s3 =	rddreg [dreg:$0x5]  }
0x56: {  	s0 =	rddreg [dreg:$0x6]  }
0x57: {  	s1 =	rddreg [dreg:$0x8]  }
0x58: {  	[hbm:s0], [sflag:s3] =	dma.local [spmem:s1], $0x2780  }
0x59: {  	_ =	swait.ge [sflag:s13], $0x2780  }
0x5a: {  	s11 =	rddreg [dreg:$0x3]  }
0x5b: {  	s31 =	rddreg [dreg:$0x7];
	s11 =	sadd.s32 $0x1, s11  }
0x5c: {  	p0 =	sne.s32 s11, s31  }
.Ltmp2:
0x5d: {  	_ = 	snop;
	(pc) =	sbr.rel @p0 .LBB2_1-.Ltmp2, $3  }
0x5e: {  	_ =	sdelay $0x1  }
0x5f: {  	[sflag:s13] =	ssyncset.done $0x0  }
0x60: {  	[sflag:s13] =	ssyncadd.s32 $0xFFFFD880  }
0x61: {  	_ =	sfence.sel $0x180000  }
0x62: {  	[bflag:$0x0] =	sbarrier.arrive $0xFFFF  }
0x63: {  	_ =	strace $0x90000047  }
0x64: {  	s0 =	stileid.u32;
	[bflag:$0x2] =	sbarrier.arrive $0xFFFF  }
0x65: {  	p0 =	sne.s32 s0, $0x0;
	s0 =	rddreg [dreg:$0x2]  }
0x66: {  	s0 =	sadd.s32 @!p0 $0x100000, s0  }
0x67: {  	[sflag:s0] =	ssyncadd.tile.s32 @!p0 $0x1;
	_ =	shalt  }
.Lfunc_end2:
_tile_overlayer_lowered:
.L_overlay_start_2:
0x68: {  	(tag) =	ssettag $0x2  }
0x69: {  	s0 =	rddreg [dreg:$0x0];
	s2 =	stileid.u32  }
0x6a: {  	s1 =	rddreg [dreg:$0x1];
	p0 =	sne.s32 s2, $0x0  }
0x6b: {  	s3 =	rddreg [dreg:$0x2];
	[bflag:$0x3] =	sbarrier.arrive $0xFFFF;
	s2 =	simm.s32 @!p0 $0x1C09  }
0x6c: {  	[timem:s3], [sflag:s2] =	dma.local @!p0 [hbm:s0], s1  }
0x6d: {  	s0 =	simm.s32 @!p0 $0x9  }
0x6e: {  	_ =	swait.ge @!p0 [sflag:s0], s1  }
0x6f: {  	s1 =	ssub.s32 @!p0 $0x0, s1;
	[sflag:s0] =	ssyncset.done @!p0 $0x0  }
0x70: {  	[sflag:s0] =	ssyncadd.s32 @!p0 s1  }
0x71: {  	[bflag:$0x3] =	sbarrier.arrive $0xFFFF  }
0x72: {  	_ =	shalt  }

// kernel: kernel.21.cloned.1.call-start
scs
__scs_entry_jumppad:
0x0: {  	(pc) =	sbr.rel $0x88, $3  }
0x1: {  	(tag) =	ssettag $0x0;
	lr =	simm.s32 $0x1  }
0x2: {  	[smem:$0x3F5F] =	sst lr;
	_ =	strace $0xD0000000  }
0x3: {  	_ = 	snop  }
0x4: {  	_ = 	snop  }
0x5: {  	_ = 	snop  }
0x6: {  	_ = 	snop  }
0x7: {  	_ = 	snop  }
__scs_overlays_trampoline_lowered:
0x8: {  	[smem:$0x3F6E] =	sst s0  }
0x9: {  	[smem:$0x3F6F] =	sst s1  }
0xa: {  	[smem:$0x3F70] =	sst s2  }
0xb: {  	[smem:$0x3F71] =	sst s3  }
0xc: {  	[smem:$0x3F72] =	sst s4  }
0xd: {  	[smem:$0x3F73] =	sst s5  }
0xe: {  	[smem:$0x3F74] =	sst s6  }
0xf: {  	[smem:$0x3F75] =	sst s7  }
0x10: {  	[smem:$0x3F76] =	sst s8  }
0x11: {  	[smem:$0x3F77] =	sst s9;
	s0 =	simm.s32 @!p0 $0x0  }
0x12: {  	s1 =	sld [smem:$0x3F5D];
	s0 =	simm.s32 @p0 $0x1  }
0x13: {  	[smem:$0x3F78] =	sst s0;
	s0 =	simm.s32 @!p1 $0x0  }
0x14: {  	s2 =	sld [smem:$0x3F5C];
	s0 =	simm.s32 @p1 $0x1  }
0x15: {  	[smem:$0x3F79] =	sst s0;
	s0 =	simm.s32 @!p2 $0x0  }
0x16: {  	s3 =	sld [smem:$0x3FDB];
	s0 =	simm.s32 @p2 $0x1  }
0x17: {  	s4 =	simm.s32 $0x1BF5;
	[smem:$0x3F7B] =	sst s0  }
0x18: {  	s0 =	sld [smem:$0x3F5E];
	_ =	swait.ge [sflag:s4], $0x0  }
0x19: {  	s7 =	sld [smem:$0x3F5F]  }
0x1a: {  	s8 =	sadd.s32 $0xFFFFE003, lr  }
0x1b: {  	s9 =	sadd.s32 $0xFFFFFEF7, lr;
	s5 =	simm.s32 $0xFFFFFFFF;
	p2 =	slt.u32 s8, $0xFFFFF086  }
0x1c: {  	p1 =	slt.u32 s9, $0xF7A;
	s5 =	simm.s32 @!p2 $0x0  }
0x1d: {  	s5 =	simm.s32 @p1 $0x1;
	p0 =	seq.s32 s7, s2  }
0x1e: {  	s7 =	smul.u32 @!p0 $0xF7A, s2;
	p2 =	seq.s32 @!p0 s5, $0x0  }
0x1f: {  	s9 =	smul.u32 $0xF7A, s1;
	s8 =	simm.s32 @!p0 $0x1BF5;
	p2 =	por !p2, p0  }
0x20: {  	[sflag:s8] =	ssyncset.s32 @!p0 $0xFFFFF086;
	s6 =	sadd.s32 @!p0 s3, s7;
	s7 =	simm.s32 @!p0 $0x108  }
0x21: {  	s3 =	sadd.s32 s3, s9;
	s6 =	sadd.s32 @!p0 $0x88, s6;
	s7 =	simm.s32 @p2 $0x1082  }
0x22: {  	[simem:s7], [sflag:s8] =	dma.local @!p0 [hbm:s6], $0xF7A  }
0x23: {  	s9 =	sor.u32 $0xD0000000, s2;
	s6 =	simm.s32 $0x108;
	_ =	swait.ge @!p0 [sflag:s8], $0x0  }
0x24: {  	s3 =	sadd.s32 $0x88, s3;
	s6 =	simm.s32 @!p1 $0x1082;
	[sflag:s4] =	ssyncset.s32 $0xFFFFF086  }
0x25: {  	[simem:s6], [sflag:s4] =	dma.local [hbm:s3], $0xF7A  }
0x26: {  	[smem:$0x3F5F] =	sst s1;
	(tag) =	ssettag s2;
	_ =	strace s9  }
0x27: {  	s1 =	sld [smem:$0x3F6F]  }
0x28: {  	s2 =	sld [smem:$0x3F70]  }
0x29: {  	s4 =	sld [smem:$0x3F72]  }
0x2a: {  	p0 =	seq.s32 s5, $0x0;
	s5 =	sld [smem:$0x3F73]  }
0x2b: {  	s6 =	sld [smem:$0x3F74]  }
0x2c: {  	s7 =	sld [smem:$0x3F75]  }
0x2d: {  	s3 =	simm.s32 $0x108;
	s8 =	sld [smem:$0x3F76]  }
0x2e: {  	s3 =	simm.s32 @!p0 $0x1082;
	s9 =	sld [smem:$0x3F77]  }
0x2f: {  	lr =	sadd.s32 s0, s3;
	s0 =	sld [smem:$0x3F6E]  }
0x30: {  	s3 =	sld [smem:$0x3F71]  }
0x31: {  	[smem:$0x3F7A] =	sst s10  }
0x32: {  	s10 =	sld [smem:$0x3F78];
	_ =	sdelay $0x3  }
0x33: {  	p0 =	seq.s32 s10, $0x1;
	s10 =	sld [smem:$0x3F7A];
	_ =	sdelay $0x3  }
0x34: {  	[smem:$0x3F7A] =	sst s10  }
0x35: {  	s10 =	sld [smem:$0x3F79];
	_ =	sdelay $0x3  }
0x36: {  	p1 =	seq.s32 s10, $0x1;
	s10 =	sld [smem:$0x3F7A];
	_ =	sdelay $0x3  }
0x37: {  	[smem:$0x3F7A] =	sst s10  }
0x38: {  	s10 =	sld [smem:$0x3F7B]  }
0x39: {  	_ = 	snop;
	(pc) =	sbr.ind lr, $3  }
0x3a: {  	_ = 	snop  }
0x3b: {  	_ = 	snop  }
0x3c: {  	p2 =	seq.s32 s10, $0x1;
	s10 =	sld [smem:$0x3F7A]  }
0x3d: {  	_ =	shalt  }
0x3e: {  	_ =	shalt  }
0x3f: {  	_ =	shalt  }
0x40: {  	_ =	shalt  }
0x41: {  	_ =	shalt  }
0x42: {  	_ =	shalt  }
0x43: {  	_ =	shalt  }
0x44: {  	_ =	shalt  }
0x45: {  	_ =	shalt  }
0x46: {  	_ =	shalt  }
0x47: {  	_ =	shalt  }
0x48: {  	_ =	shalt  }
0x49: {  	_ =	shalt  }
0x4a: {  	_ =	shalt  }
0x4b: {  	_ =	shalt  }
0x4c: {  	_ =	shalt  }
0x4d: {  	_ =	shalt  }
0x4e: {  	_ =	shalt  }
0x4f: {  	_ =	shalt  }
0x50: {  	_ =	shalt  }
0x51: {  	_ =	shalt  }
0x52: {  	_ =	shalt  }
0x53: {  	_ =	shalt  }
0x54: {  	_ =	shalt  }
0x55: {  	_ =	shalt  }
0x56: {  	_ =	shalt  }
0x57: {  	_ =	shalt  }
0x58: {  	_ =	shalt  }
0x59: {  	_ =	shalt  }
0x5a: {  	_ =	shalt  }
0x5b: {  	_ =	shalt  }
0x5c: {  	_ =	shalt  }
0x5d: {  	_ =	shalt  }
0x5e: {  	_ =	shalt  }
0x5f: {  	_ =	shalt  }
0x60: {  	_ =	shalt  }
0x61: {  	_ =	shalt  }
0x62: {  	_ =	shalt  }
0x63: {  	_ =	shalt  }
0x64: {  	_ =	shalt  }
0x65: {  	_ =	shalt  }
0x66: {  	_ =	shalt  }
0x67: {  	_ =	shalt  }
0x68: {  	_ =	shalt  }
0x69: {  	_ =	shalt  }
0x6a: {  	_ =	shalt  }
0x6b: {  	_ =	shalt  }
0x6c: {  	_ =	shalt  }
0x6d: {  	_ =	shalt  }
0x6e: {  	_ =	shalt  }
0x6f: {  	_ =	shalt  }
0x70: {  	_ =	shalt  }
0x71: {  	_ =	shalt  }
0x72: {  	_ =	shalt  }
0x73: {  	_ =	shalt  }
0x74: {  	_ =	shalt  }
0x75: {  	_ =	shalt  }
0x76: {  	_ =	shalt  }
0x77: {  	_ =	shalt  }
0x78: {  	_ =	shalt  }
0x79: {  	_ =	shalt  }
0x7a: {  	_ =	shalt  }
0x7b: {  	_ =	shalt  }
0x7c: {  	_ =	shalt  }
0x7d: {  	_ =	shalt  }
0x7e: {  	_ =	shalt  }
0x7f: {  	_ =	shalt  }
0x80: {  	_ =	shalt  }
0x81: {  	_ =	shalt  }
0x82: {  	_ =	shalt  }
0x83: {  	_ =	shalt  }
0x84: {  	_ =	shalt  }
0x85: {  	_ =	shalt  }
0x86: {  	_ =	shalt  }
0x87: {  	_ =	shalt  }
.Lfunc_end0:
.L_simem_size_0:
called_computation.1_lowered:
.L_overlay_start_0:
0x88: {  	s2 =	sld [smem:$0x3FD9]  }
0x89: {  	s3 =	sld [smem:$0x3FFE];
	_ =	sdelay $0x1  }
0x8a: {  	s1 =	srdreg.scid  }
0x8b: {  	s0 =	sand.u32 $0x1, s1  }
0x8c: {  	s16 =	sshll.u32 s0, $0xA;
	s2 =	sadd.s32 s3, s2  }
0x8d: {  	s2 =	sadd.s32 s2, s16  }
0x8e: {  	[smem:$0x3F86] =	sst s2  }
0x8f: {  	_ = 	snop  }
0x90: {  	(tm) =	ssettm $0x1  }
0x91: {  	s17 =	sld [smem:$0x3FFB];
	_ =	sdelay $0x3  }
0x92: {  	_ =	strace s17  }
0x93: {  	s2 =	sld [smem:$0x3FFC];
	_ =	sdelay $0x3  }
0x94: {  	_ =	strace s2  }
0x95: {  	s2 =	sld [smem:$0x3FFD];
	_ =	sdelay $0x3  }
0x96: {  	_ =	strace s2  }
0x97: {  	_ =	strace $0x8FFFFFFF  }
0x98: {  	s18 =	sld [smem:$0x3FDB];
	_ =	sdelay $0x1  }
0x99: {  	s19 =	simm.s32 $_scs_section_size  }
0x9a: {  	s4 =	simm.s32 $_size__tile_overlayer_lowered;
	s5 =	simm.s32 $_tile_overlayer_lowered  }
0x9b: {  	s22 =	simm.s32 $0x1BFF;
	s21 =	sshll.u32 s5, $0x1;
	s2 =	sadd.s32 s19, s18  }
0x9c: {  	s6 =	simm.s32 $0x0;
	s20 =	sshll.u32 s4, $0x1;
	s4 =	sadd.s32 s21, s2  }
0x9d: {  	[timem:s6], [sflag:s22] =	dma.local [hbm:s4], s20  }
0x9e: {  	_ =	swait.ge [sflag:s22], s20  }
0x9f: {  	s3 =	ssub.s32 $0x0, s20;
	[sflag:s22] =	ssyncset.done $0x0  }
0xa0: {  	[sflag:s22] =	ssyncadd.s32 s3;
	_ =	sdelay $0x1  }
0xa1: {  	s23 =	simm.s32 $0x1B8B  }
0xa2: {  	_ =	swait.ge [sflag:s23], $0x1  }
0xa3: {  	[sflag:s23] =	ssyncset.done $0x0  }
0xa4: {  	s25 =	simm.s32 $0x1B8E;
	s24 =	sld [smem:$0x3FFE];
	[sflag:s23] =	ssyncadd.s32 $0xFFFFFFFF  }
0xa5: {  	s26 =	simm.s32 $execute0_lowered;
	[smem:$0x3FD2] =	sst s25  }
0xa6: {  	s4 =	sshll.u32 s26, $0x1;
	_ =	strace $0x80000049;
	[dreg:$0x1] =	wrdreg $0xFFFFFFFF  }
0xa7: {  	s28 =	simm.s32 $_size_execute0_lowered;
	s2 =	sadd.s32 s2, s4;
	[dreg:$0x0] =	wrdreg $0x0  }
0xa8: {  	s4 =	sshll.u32 s28, $0x1;
	[dreg:$0x2] =	wrdreg s2  }
0xa9: {  	[dreg:$0x3] =	wrdreg s4  }
0xaa: {  	[dreg:$0x4] =	wrdreg $0xC0  }
0xab: {  	_ =	task [dreg:s6], $0x5FFFF  }
0xac: {  	[dreg:$0x1] =	wrdreg $0xFFFFFFFF  }
0xad: {  	[dreg:$0x0] =	wrdreg $0x60  }
0xae: {  	[dreg:$0x2] =	wrdreg s24  }
0xaf: {  	[dreg:$0x3] =	wrdreg $0xC0000  }
0xb0: {  	[dreg:$0x4] =	wrdreg $0x9  }
0xb1: {  	_ =	task.clear_ibuf [dreg:s6], $0x5FFFF;
	_ =	strace $0x90000049  }
0xb2: {  	s29 =	simm.s32 $0x9;
	_ =	strace $0x8000004B  }
0xb3: {  	_ =	swait.ge [sflag:s29], $0x1  }
0xb4: {  	[sflag:s29] =	ssyncadd.s32 $0xFFFFFFFF  }
0xb5: {  	_ =	strace $0x9000004B  }
0xb6: {  	_ =	sfence  }
0xb7: {  	s30 =	sld [smem:$0x0];
	_ =	sdelay $0x2  }
0xb8: {  	s31 =	sshll.u32 s1, $0xD;
	s1 =	sshrl.u32 s1, $0x2  }
0xb9: {  	s3 =	sand.u32 $0x4000, s31;
	s1 =	sadd.s32 s1, s30  }
0xba: {  	s0 =	sor.u32 s3, s0;
	s1 =	sshll.u32 s1, $0x11  }
0xbb: {  	s0 =	sor.u32 s1, s0  }
0xbc: {  	s0 =	sadd.s32 $0x8F2B, s0  }
0xbd: {  	[sflag:s0] =	ssyncadd.remote.s32 $0x1  }
0xbe: {  	_ =	sfence.sel $0xFFFF  }
0xbf: {  	[dreg:$0x0] =	wrdreg $0xFFFFFFFF;
	(pc) =	sbr.abs _section_cstart, $3  }
0xc0: {  	[dreg:$0x1] =	wrdreg $0xFFFFFFFF  }
0xc1: {  	_ =	task.clear_ibuf [dreg:s6], $0x2FFFF;
	_ =	strace $0x9FFFFFFF  }
0xc2: {  	(tm) =	ssettm $0x7FFFFFFF  }
0xc3: {  	_ =	shalt  }
tec
execute0_lowered:
.L_overlay_start_1:
0x0: {  	(tag) =	ssettag $0x1  }
0x1: {  	s0 =	rddreg [dreg:$0x0]  }
0x2: {  	s2 =	rddreg [dreg:$0x1]  }
0x3: {  	s11 =	simm.s32 $0x0;
	s3 =	stileid.u32;
	s1 =	srdreg.scid  }
0x4: {  	s13 =	simm.s32 $0x9;
	s14 =	simm.s32 $0x40;
	s16 =	simm.s32 $0x80  }
0x5: {  	s17 =	simm.s32 $0x6000;
	s18 =	simm.s32 $0x100;
	s19 =	simm.s32 $0x8000  }
0x6: {  	s20 =	simm.s32 $0x180;
	s21 =	simm.s32 $0xA000;
	s22 =	simm.s32 $0x5  }
0x7: {  	[smem:$0x7FF] =	sst s11;
	s7 =	smul.u32 $0x13C00, s3;
	s1 =	sand.u32 $0x1, s1  }
0x8: {  	s4 =	sadd.s32 $0x146A00, s0;
	s5 =	sadd.s32 $0xBC00, s0;
	s6 =	sadd.s32 $0x33C00, s0  }
0x9: {  	s10 =	smul.u32 $0x4F000, s3;
	s30 =	sshll.u32 s3, $0x6;
	_ =	strace $0x8000004A  }
0xa: {  	s8 =	smul.u32 $0x13C000, s1;
	s26 =	ssub.s32 $0x2, s1;
	s1 =	sshll.u32 s1, $0x4  }
0xb: {  	s9 =	sshrl.u32 s7, $0x3;
	s28 =	sshrl.u32 s26, $0x1;
	s1 =	sor.u32 s3, s1  }
0xc: {  	s29 =	sshrl.u32 s10, $0x2;
	s3 =	sor.u32 $0x1C09, s30;
	s7 =	sadd.s32 s7, s8  }
0xd: {  	s9 =	sadd.s32 s9, s0;
	s8 =	sadd.s32 s29, s2;
	s7 =	sshrl.u32 s7, $0x3  }
0xe: {  	[dreg:$0x5] =	wrdreg s3;
	s9 =	sadd.s32 $0x11F200, s9;
	s0 =	sadd.s32 s7, s0  }
0xf: {  	[dreg:$0x4] =	wrdreg s9;
	s9 =	smul.u32 $0xA000, s1;
	s1 =	sshrl.u32 s8, $0x3  }
0x10: {  	s7 =	ssub.s32 s26, s28;
	s0 =	sadd.s32 $0x82E00, s0;
	[dreg:$0x8] =	wrdreg s1  }
0x11: {  	s23 =	simm.s32 $0x6;
	s31 =	smax.u32 s7, $0x1;
	[dreg:$0x6] =	wrdreg s0  }
0x12: {  	s24 =	simm.s32 $0x7;
	s25 =	simm.s32 $0x8;
	[dreg:$0x7] =	wrdreg s31  }
.LBB2_1:
0x13: {  	[dreg:$0x3] =	wrdreg s11  }
0x14: {  	s0 =	rddreg [dreg:$0x4]  }
0x15: {  	[spmem:s1], [sflag:s3] =	dma.local [hbm:s0], $0x2780  }
0x16: {  	_ =	swait.ge [sflag:s13], $0x2780  }
0x17: {  	[sflag:s13] =	ssyncset.done $0x0  }
0x18: {  	[sflag:s13] =	ssyncadd.s32 $0xFFFFD880  }
0x19: {  	s26 =	simm.s32 $0x0;
	[bflag:$0x0] =	sbarrier.arrive $0xFFFF  }
.LBB2_2:
0x1a: {  	s0 =	sshll.u32 s26, $0xD  }
0x1b: {  	s0 =	sadd.s32 s9, s0  }
0x1c: {  	s0 =	sshrl.u32 s0, $0x3  }
0x1d: {  	s7 =	simm.s32 $0x0;
	s1 =	sadd.s32 s5, s0  }
0x1e: {  	[tilespmem:s7], [sflag:$0x9] =	stream.linear.gather [hbm4b:s1+s7], $0x2000, $0x38;
	[tilespmem:$0x1FC00] =	vst v63  }
0x1f: {  	_ =	swait.ge [sflag:s13], $0x2000  }
0x20: {  	[sflag:s13] =	ssyncset.done $0x0  }
0x21: {  	s10 =	simm.s32 $0x2000;
	s0 =	sadd.s32 s6, s0;
	[sflag:s13] =	ssyncadd.s32 $0xFFFFE000  }
0x22: {  	[tilespmem:s10], [sflag:$0x9] =	stream.linear.gather [hbm4b:s0+s7], $0x2000, $0x38;
	[tilespmem:$0x1FC00] =	vst v63  }
0x23: {  	_ =	swait.ge [sflag:s13], $0x2000  }
0x24: {  	[sflag:s13] =	ssyncset.done $0x0  }
0x25: {  	s12 =	simm.s32 $0x4000;
	[sflag:s13] =	ssyncadd.s32 $0xFFFFE000  }
0x26: {  	[tilespmem:s12], [sflag:$0x1] =	stream.indirect.gather [hbm4b:s4+s14], $0x80, s7, s14, $0xb8;
	[tilespmem:$0x1FC00] =	vst v63  }
0x27: {  	_ = 	snop  }
0x28: {  	[tilespmem:s17], [sflag:$0x2] =	stream.indirect.gather [hbm4b:s4+s14], $0x80, s16, s14, $0xb8;
	[tilespmem:$0x1FC00] =	vst v63  }
0x29: {  	s15 =	sand.u32 $0x3, s7  }
0x2a: {  	[tilespmem:s19], [sflag:$0x3] =	stream.indirect.gather [hbm4b:s4+s14], $0x80, s18, s14, $0xb8;
	[tilespmem:$0x1FC00] =	vst v63  }
0x2b: {  	s30 =	sadd.s32 $0x1, s15  }
0x2c: {  	[tilespmem:s21], [sflag:$0x4] =	stream.indirect.gather [hbm4b:s4+s14], $0x80, s20, s14, $0xb8;
	[tilespmem:$0x1FC00] =	vst v63  }
0x2d: {  	s28 =	simm.s32 $0x200;
	s29 =	simm.s32 $0x1;
	_ =	swait.ge [sflag:s30], $0x2000  }
0x2e: {  	p0 =	por $0x0, $0x0;
	s7 =	sshll.u32 s15, $0xD;
	[sflag:s30] =	ssyncset.done $0x0  }
0x2f: {  	s8 =	sadd.s32 $0x5, s15;
	s11 =	sadd.s32 $0x4000, s7;
	[sflag:s30] =	ssyncadd.s32 $0xFFFFE000  }
0x30: {  	[spmem:s2] =	stream.indirect.scatter.add.f32 [tilespmem:s11], [sflag:s8], $0x80, s10, s14, $0xb8;
	[tilespmem:$0x1FC00] =	vst v63  }
0x31: {  	s31 =	simm.s32 $0x280;
	s1 =	simm.s32 $0x2;
	_ =	swait.ge @!p0 [sflag:s8], $0x2000  }
0x32: {  	s0 =	simm.s32 $0x2080;
	s7 =	sand.u32 $0x3, s29;
	[sflag:s8] =	ssyncset.done @!p0 $0x0  }
0x33: {  	s10 =	sshll.u32 s7, $0xD;
	[sflag:s8] =	ssyncadd.s32 @!p0 $0xFFFFE000;
	s8 =	simm.s32 @!p0 $0x40  }
.LBB2_3:
0x34: {  	[tilespmem:s11], [sflag:s30] =	stream.indirect.gather @!p0 [hbm4b:s4+s8], $0x80, s28, s8, $0xb8;
	[tilespmem:$0x1FC00] =	vst v63  }
0x35: {  	s8 =	smov.u32 s1;
	s28 =	smov.u32 s31  }
0x36: {  	s1 =	sadd.s32 $0x1, s1;
	s30 =	sadd.s32 $0x1, s7;
	s12 =	sand.u32 $0x3, s8  }
0x37: {  	p1 =	sne.s32 s1, $0x40;
	s3 =	sshll.u32 s12, $0xD;
	_ =	swait.ge [sflag:s30], $0x2000  }
0x38: {  	s15 =	sadd.s32 $0x5, s7;
	p0 =	sgt.u32 s29, $0x3B;
	[sflag:s30] =	ssyncset.done $0x0  }
.Ltmp0:
0x39: {  	s11 =	sadd.s32 $0x4000, s10;
	[sflag:s30] =	ssyncadd.s32 $0xFFFFE000;
	(pc) =	sbr.rel @p1 .LBB2_3-.Ltmp0, $4  }
0x3a: {  	[spmem:s2] =	stream.indirect.scatter.add.f32 [tilespmem:s11], [sflag:s15], $0x80, s0, s14, $0xb8;
	[tilespmem:$0x1FC00] =	vst v63  }
0x3b: {  	s29 =	smov.u32 s8;
	s7 =	smov.u32 s12;
	_ =	swait.ge @!p0 [sflag:s15], $0x2000  }
0x3c: {  	s10 =	smov.u32 s3;
	s0 =	sadd.s32 $0x80, s0;
	[sflag:s15] =	ssyncset.done @!p0 $0x0  }
0x3d: {  	s31 =	sadd.s32 $0x80, s31;
	s8 =	simm.s32 @!p0 $0x40;
	[sflag:s15] =	ssyncadd.s32 @!p0 $0xFFFFE000  }
0x3e: {  	[tilespmem:s11], [sflag:s30] =	stream.indirect.gather @!p0 [hbm4b:s4+s8], $0x80, s28, s8, $0xb8;
	[tilespmem:$0x1FC00] =	vst v63  }
0x3f: {  	s1 =	sadd.s32 $0x1, s7  }
0x40: {  	_ =	swait.ge [sflag:s1], $0x2000  }
0x41: {  	s3 =	sadd.s32 $0x5, s7;
	[sflag:s1] =	ssyncset.done $0x0  }
0x42: {  	p0 =	sgt.u32 s29, $0x3B;
	s7 =	sadd.s32 $0x4000, s10;
	[sflag:s1] =	ssyncadd.s32 $0xFFFFE000  }
0x43: {  	[spmem:s2] =	stream.indirect.scatter.add.f32 [tilespmem:s7], [sflag:s3], $0x80, s0, s14, $0xb8;
	[tilespmem:$0x1FC00] =	vst v63  }
0x44: {  	_ =	swait.ge @!p0 [sflag:s3], $0x2000  }
0x45: {  	[sflag:s3] =	ssyncset.done @!p0 $0x0  }
0x46: {  	s0 =	simm.s32 @!p0 $0x40;
	[sflag:s3] =	ssyncadd.s32 @!p0 $0xFFFFE000  }
0x47: {  	[tilespmem:s7], [sflag:s1] =	stream.indirect.gather @!p0 [hbm4b:s4+s0], $0x80, s31, s0, $0xb8;
	[tilespmem:$0x1FC00] =	vst v63  }
0x48: {  	_ =	swait.ge [sflag:s22], $0x2000  }
0x49: {  	[sflag:s22] =	ssyncset.done $0x0  }
0x4a: {  	[sflag:s22] =	ssyncadd.s32 $0xFFFFE000  }
0x4b: {  	_ =	swait.ge [sflag:s23], $0x2000  }
0x4c: {  	[sflag:s23] =	ssyncset.done $0x0  }
0x4d: {  	s26 =	sadd.s32 $0x1, s26;
	[sflag:s23] =	ssyncadd.s32 $0xFFFFE000  }
0x4e: {  	p0 =	sne.s32 s26, $0x5;
	_ =	swait.ge [sflag:s24], $0x2000  }
.Ltmp1:
0x4f: {  	[sflag:s24] =	ssyncset.done $0x0;
	(pc) =	sbr.rel @p0 .LBB2_2-.Ltmp1, $4  }
0x50: {  	[sflag:s24] =	ssyncadd.s32 $0xFFFFE000  }
0x51: {  	_ =	swait.ge [sflag:s25], $0x2000  }
0x52: {  	[sflag:s25] =	ssyncset.done $0x0  }
0x53: {  	[sflag:s25] =	ssyncadd.s32 $0xFFFFE000  }
0x54: {  	[bflag:$0x0] =	sbarrier.arrive $0xFFFF  }
0x55: {  	s3 =	rddreg [dreg:$0x5]  }
0x56: {  	s0 =	rddreg [dreg:$0x6]  }
0x57: {  	s1 =	rddreg [dreg:$0x8]  }
0x58: {  	[hbm:s0], [sflag:s3] =	dma.local [spmem:s1], $0x2780  }
0x59: {  	_ =	swait.ge [sflag:s13], $0x2780  }
0x5a: {  	s11 =	rddreg [dreg:$0x3]  }
0x5b: {  	s31 =	rddreg [dreg:$0x7];
	s11 =	sadd.s32 $0x1, s11  }
0x5c: {  	p0 =	sne.s32 s11, s31  }
.Ltmp2:
0x5d: {  	_ = 	snop;
	(pc) =	sbr.rel @p0 .LBB2_1-.Ltmp2, $3  }
0x5e: {  	_ =	sdelay $0x1  }
0x5f: {  	[sflag:s13] =	ssyncset.done $0x0  }
0x60: {  	[sflag:s13] =	ssyncadd.s32 $0xFFFFD880  }
0x61: {  	_ =	sfence.sel $0x180000  }
0x62: {  	[bflag:$0x0] =	sbarrier.arrive $0xFFFF  }
0x63: {  	_ =	strace $0x9000004A  }
0x64: {  	s0 =	stileid.u32;
	[bflag:$0x2] =	sbarrier.arrive $0xFFFF  }
0x65: {  	p0 =	sne.s32 s0, $0x0;
	s0 =	rddreg [dreg:$0x2]  }
0x66: {  	s0 =	sadd.s32 @!p0 $0x100000, s0  }
0x67: {  	[sflag:s0] =	ssyncadd.tile.s32 @!p0 $0x1;
	_ =	shalt  }
.Lfunc_end2:
_tile_overlayer_lowered:
.L_overlay_start_2:
0x68: {  	(tag) =	ssettag $0x2  }
0x69: {  	s0 =	rddreg [dreg:$0x0];
	s2 =	stileid.u32  }
0x6a: {  	s1 =	rddreg [dreg:$0x1];
	p0 =	sne.s32 s2, $0x0  }
0x6b: {  	s3 =	rddreg [dreg:$0x2];
	[bflag:$0x3] =	sbarrier.arrive $0xFFFF;
	s2 =	simm.s32 @!p0 $0x1C09  }
0x6c: {  	[timem:s3], [sflag:s2] =	dma.local @!p0 [hbm:s0], s1  }
0x6d: {  	s0 =	simm.s32 @!p0 $0x9  }
0x6e: {  	_ =	swait.ge @!p0 [sflag:s0], s1  }
0x6f: {  	s1 =	ssub.s32 @!p0 $0x0, s1;
	[sflag:s0] =	ssyncset.done @!p0 $0x0  }
0x70: {  	[sflag:s0] =	ssyncadd.s32 @!p0 s1  }
0x71: {  	[bflag:$0x3] =	sbarrier.arrive $0xFFFF  }
0x72: {  	_ =	shalt  }

// kernel: kernel.24.cloned.1.call-start
scs
__scs_entry_jumppad:
0x0: {  	(pc) =	sbr.rel $0x88, $3  }
0x1: {  	(tag) =	ssettag $0x0;
	lr =	simm.s32 $0x1  }
0x2: {  	[smem:$0x3F5F] =	sst lr;
	_ =	strace $0xD0000000  }
0x3: {  	_ = 	snop  }
0x4: {  	_ = 	snop  }
0x5: {  	_ = 	snop  }
0x6: {  	_ = 	snop  }
0x7: {  	_ = 	snop  }
__scs_overlays_trampoline_lowered:
0x8: {  	[smem:$0x3F6E] =	sst s0  }
0x9: {  	[smem:$0x3F6F] =	sst s1  }
0xa: {  	[smem:$0x3F70] =	sst s2  }
0xb: {  	[smem:$0x3F71] =	sst s3  }
0xc: {  	[smem:$0x3F72] =	sst s4  }
0xd: {  	[smem:$0x3F73] =	sst s5  }
0xe: {  	[smem:$0x3F74] =	sst s6  }
0xf: {  	[smem:$0x3F75] =	sst s7  }
0x10: {  	[smem:$0x3F76] =	sst s8  }
0x11: {  	[smem:$0x3F77] =	sst s9;
	s0 =	simm.s32 @!p0 $0x0  }
0x12: {  	s1 =	sld [smem:$0x3F5D];
	s0 =	simm.s32 @p0 $0x1  }
0x13: {  	[smem:$0x3F78] =	sst s0;
	s0 =	simm.s32 @!p1 $0x0  }
0x14: {  	s2 =	sld [smem:$0x3F5C];
	s0 =	simm.s32 @p1 $0x1  }
0x15: {  	[smem:$0x3F79] =	sst s0;
	s0 =	simm.s32 @!p2 $0x0  }
0x16: {  	s3 =	sld [smem:$0x3FDB];
	s0 =	simm.s32 @p2 $0x1  }
0x17: {  	s4 =	simm.s32 $0x1BF5;
	[smem:$0x3F7B] =	sst s0  }
0x18: {  	s0 =	sld [smem:$0x3F5E];
	_ =	swait.ge [sflag:s4], $0x0  }
0x19: {  	s7 =	sld [smem:$0x3F5F]  }
0x1a: {  	s8 =	sadd.s32 $0xFFFFE003, lr  }
0x1b: {  	s9 =	sadd.s32 $0xFFFFFEF7, lr;
	s5 =	simm.s32 $0xFFFFFFFF;
	p2 =	slt.u32 s8, $0xFFFFF086  }
0x1c: {  	p1 =	slt.u32 s9, $0xF7A;
	s5 =	simm.s32 @!p2 $0x0  }
0x1d: {  	s5 =	simm.s32 @p1 $0x1;
	p0 =	seq.s32 s7, s2  }
0x1e: {  	s7 =	smul.u32 @!p0 $0xF7A, s2;
	p2 =	seq.s32 @!p0 s5, $0x0  }
0x1f: {  	s9 =	smul.u32 $0xF7A, s1;
	s8 =	simm.s32 @!p0 $0x1BF5;
	p2 =	por !p2, p0  }
0x20: {  	[sflag:s8] =	ssyncset.s32 @!p0 $0xFFFFF086;
	s6 =	sadd.s32 @!p0 s3, s7;
	s7 =	simm.s32 @!p0 $0x108  }
0x21: {  	s3 =	sadd.s32 s3, s9;
	s6 =	sadd.s32 @!p0 $0x88, s6;
	s7 =	simm.s32 @p2 $0x1082  }
0x22: {  	[simem:s7], [sflag:s8] =	dma.local @!p0 [hbm:s6], $0xF7A  }
0x23: {  	s9 =	sor.u32 $0xD0000000, s2;
	s6 =	simm.s32 $0x108;
	_ =	swait.ge @!p0 [sflag:s8], $0x0  }
0x24: {  	s3 =	sadd.s32 $0x88, s3;
	s6 =	simm.s32 @!p1 $0x1082;
	[sflag:s4] =	ssyncset.s32 $0xFFFFF086  }
0x25: {  	[simem:s6], [sflag:s4] =	dma.local [hbm:s3], $0xF7A  }
0x26: {  	[smem:$0x3F5F] =	sst s1;
	(tag) =	ssettag s2;
	_ =	strace s9  }
0x27: {  	s1 =	sld [smem:$0x3F6F]  }
0x28: {  	s2 =	sld [smem:$0x3F70]  }
0x29: {  	s4 =	sld [smem:$0x3F72]  }
0x2a: {  	p0 =	seq.s32 s5, $0x0;
	s5 =	sld [smem:$0x3F73]  }
0x2b: {  	s6 =	sld [smem:$0x3F74]  }
0x2c: {  	s7 =	sld [smem:$0x3F75]  }
0x2d: {  	s3 =	simm.s32 $0x108;
	s8 =	sld [smem:$0x3F76]  }
0x2e: {  	s3 =	simm.s32 @!p0 $0x1082;
	s9 =	sld [smem:$0x3F77]  }
0x2f: {  	lr =	sadd.s32 s0, s3;
	s0 =	sld [smem:$0x3F6E]  }
0x30: {  	s3 =	sld [smem:$0x3F71]  }
0x31: {  	[smem:$0x3F7A] =	sst s10  }
0x32: {  	s10 =	sld [smem:$0x3F78];
	_ =	sdelay $0x3  }
0x33: {  	p0 =	seq.s32 s10, $0x1;
	s10 =	sld [smem:$0x3F7A];
	_ =	sdelay $0x3  }
0x34: {  	[smem:$0x3F7A] =	sst s10  }
0x35: {  	s10 =	sld [smem:$0x3F79];
	_ =	sdelay $0x3  }
0x36: {  	p1 =	seq.s32 s10, $0x1;
	s10 =	sld [smem:$0x3F7A];
	_ =	sdelay $0x3  }
0x37: {  	[smem:$0x3F7A] =	sst s10  }
0x38: {  	s10 =	sld [smem:$0x3F7B]  }
0x39: {  	_ = 	snop;
	(pc) =	sbr.ind lr, $3  }
0x3a: {  	_ = 	snop  }
0x3b: {  	_ = 	snop  }
0x3c: {  	p2 =	seq.s32 s10, $0x1;
	s10 =	sld [smem:$0x3F7A]  }
0x3d: {  	_ =	shalt  }
0x3e: {  	_ =	shalt  }
0x3f: {  	_ =	shalt  }
0x40: {  	_ =	shalt  }
0x41: {  	_ =	shalt  }
0x42: {  	_ =	shalt  }
0x43: {  	_ =	shalt  }
0x44: {  	_ =	shalt  }
0x45: {  	_ =	shalt  }
0x46: {  	_ =	shalt  }
0x47: {  	_ =	shalt  }
0x48: {  	_ =	shalt  }
0x49: {  	_ =	shalt  }
0x4a: {  	_ =	shalt  }
0x4b: {  	_ =	shalt  }
0x4c: {  	_ =	shalt  }
0x4d: {  	_ =	shalt  }
0x4e: {  	_ =	shalt  }
0x4f: {  	_ =	shalt  }
0x50: {  	_ =	shalt  }
0x51: {  	_ =	shalt  }
0x52: {  	_ =	shalt  }
0x53: {  	_ =	shalt  }
0x54: {  	_ =	shalt  }
0x55: {  	_ =	shalt  }
0x56: {  	_ =	shalt  }
0x57: {  	_ =	shalt  }
0x58: {  	_ =	shalt  }
0x59: {  	_ =	shalt  }
0x5a: {  	_ =	shalt  }
0x5b: {  	_ =	shalt  }
0x5c: {  	_ =	shalt  }
0x5d: {  	_ =	shalt  }
0x5e: {  	_ =	shalt  }
0x5f: {  	_ =	shalt  }
0x60: {  	_ =	shalt  }
0x61: {  	_ =	shalt  }
0x62: {  	_ =	shalt  }
0x63: {  	_ =	shalt  }
0x64: {  	_ =	shalt  }
0x65: {  	_ =	shalt  }
0x66: {  	_ =	shalt  }
0x67: {  	_ =	shalt  }
0x68: {  	_ =	shalt  }
0x69: {  	_ =	shalt  }
0x6a: {  	_ =	shalt  }
0x6b: {  	_ =	shalt  }
0x6c: {  	_ =	shalt  }
0x6d: {  	_ =	shalt  }
0x6e: {  	_ =	shalt  }
0x6f: {  	_ =	shalt  }
0x70: {  	_ =	shalt  }
0x71: {  	_ =	shalt  }
0x72: {  	_ =	shalt  }
0x73: {  	_ =	shalt  }
0x74: {  	_ =	shalt  }
0x75: {  	_ =	shalt  }
0x76: {  	_ =	shalt  }
0x77: {  	_ =	shalt  }
0x78: {  	_ =	shalt  }
0x79: {  	_ =	shalt  }
0x7a: {  	_ =	shalt  }
0x7b: {  	_ =	shalt  }
0x7c: {  	_ =	shalt  }
0x7d: {  	_ =	shalt  }
0x7e: {  	_ =	shalt  }
0x7f: {  	_ =	shalt  }
0x80: {  	_ =	shalt  }
0x81: {  	_ =	shalt  }
0x82: {  	_ =	shalt  }
0x83: {  	_ =	shalt  }
0x84: {  	_ =	shalt  }
0x85: {  	_ =	shalt  }
0x86: {  	_ =	shalt  }
0x87: {  	_ =	shalt  }
.Lfunc_end0:
.L_simem_size_0:
called_computation.2_lowered:
.L_overlay_start_0:
0x88: {  	s2 =	sld [smem:$0x3FD9]  }
0x89: {  	s3 =	sld [smem:$0x3FFE];
	_ =	sdelay $0x1  }
0x8a: {  	s1 =	srdreg.scid  }
0x8b: {  	s0 =	sand.u32 $0x1, s1  }
0x8c: {  	s16 =	sshll.u32 s0, $0xA;
	s2 =	sadd.s32 s3, s2  }
0x8d: {  	s2 =	sadd.s32 s2, s16  }
0x8e: {  	[smem:$0x3F86] =	sst s2  }
0x8f: {  	_ = 	snop  }
0x90: {  	(tm) =	ssettm $0x1  }
0x91: {  	s17 =	sld [smem:$0x3FFB];
	_ =	sdelay $0x3  }
0x92: {  	_ =	strace s17  }
0x93: {  	s2 =	sld [smem:$0x3FFC];
	_ =	sdelay $0x3  }
0x94: {  	_ =	strace s2  }
0x95: {  	s2 =	sld [smem:$0x3FFD];
	_ =	sdelay $0x3  }
0x96: {  	_ =	strace s2  }
0x97: {  	_ =	strace $0x8FFFFFFF  }
0x98: {  	s18 =	sld [smem:$0x3FDB];
	_ =	sdelay $0x1  }
0x99: {  	s19 =	simm.s32 $_scs_section_size  }
0x9a: {  	s4 =	simm.s32 $_size__tile_overlayer_lowered;
	s5 =	simm.s32 $_tile_overlayer_lowered  }
0x9b: {  	s22 =	simm.s32 $0x1BFF;
	s21 =	sshll.u32 s5, $0x1;
	s2 =	sadd.s32 s19, s18  }
0x9c: {  	s6 =	simm.s32 $0x0;
	s20 =	sshll.u32 s4, $0x1;
	s4 =	sadd.s32 s21, s2  }
0x9d: {  	[timem:s6], [sflag:s22] =	dma.local [hbm:s4], s20  }
0x9e: {  	_ =	swait.ge [sflag:s22], s20  }
0x9f: {  	s3 =	ssub.s32 $0x0, s20;
	[sflag:s22] =	ssyncset.done $0x0  }
0xa0: {  	[sflag:s22] =	ssyncadd.s32 s3;
	_ =	sdelay $0x1  }
0xa1: {  	s23 =	simm.s32 $0x1B8B  }
0xa2: {  	_ =	swait.ge [sflag:s23], $0x1  }
0xa3: {  	[sflag:s23] =	ssyncset.done $0x0  }
0xa4: {  	s25 =	simm.s32 $0x1B8E;
	s24 =	sld [smem:$0x3FFE];
	[sflag:s23] =	ssyncadd.s32 $0xFFFFFFFF  }
0xa5: {  	s26 =	simm.s32 $execute0_lowered;
	[smem:$0x3FD2] =	sst s25  }
0xa6: {  	s4 =	sshll.u32 s26, $0x1;
	_ =	strace $0x8000004C;
	[dreg:$0x1] =	wrdreg $0xFFFFFFFF  }
0xa7: {  	s28 =	simm.s32 $_size_execute0_lowered;
	s2 =	sadd.s32 s2, s4;
	[dreg:$0x0] =	wrdreg $0x0  }
0xa8: {  	s4 =	sshll.u32 s28, $0x1;
	[dreg:$0x2] =	wrdreg s2  }
0xa9: {  	[dreg:$0x3] =	wrdreg s4  }
0xaa: {  	[dreg:$0x4] =	wrdreg $0xC0  }
0xab: {  	_ =	task [dreg:s6], $0x5FFFF  }
0xac: {  	[dreg:$0x1] =	wrdreg $0xFFFFFFFF  }
0xad: {  	[dreg:$0x0] =	wrdreg $0x60  }
0xae: {  	[dreg:$0x2] =	wrdreg s24  }
0xaf: {  	[dreg:$0x3] =	wrdreg $0xC0000  }
0xb0: {  	[dreg:$0x4] =	wrdreg $0x9  }
0xb1: {  	_ =	task.clear_ibuf [dreg:s6], $0x5FFFF;
	_ =	strace $0x9000004C  }
0xb2: {  	s29 =	simm.s32 $0x9;
	_ =	strace $0x8000004E  }
0xb3: {  	_ =	swait.ge [sflag:s29], $0x1  }
0xb4: {  	[sflag:s29] =	ssyncadd.s32 $0xFFFFFFFF  }
0xb5: {  	_ =	strace $0x9000004E  }
0xb6: {  	_ =	sfence  }
0xb7: {  	s30 =	sld [smem:$0x0];
	_ =	sdelay $0x2  }
0xb8: {  	s31 =	sshll.u32 s1, $0xD;
	s1 =	sshrl.u32 s1, $0x2  }
0xb9: {  	s3 =	sand.u32 $0x4000, s31;
	s1 =	sadd.s32 s1, s30  }
0xba: {  	s0 =	sor.u32 s3, s0;
	s1 =	sshll.u32 s1, $0x11  }
0xbb: {  	s0 =	sor.u32 s1, s0  }
0xbc: {  	s0 =	sadd.s32 $0x8F2B, s0  }
0xbd: {  	[sflag:s0] =	ssyncadd.remote.s32 $0x1  }
0xbe: {  	_ =	sfence.sel $0xFFFF  }
0xbf: {  	[dreg:$0x0] =	wrdreg $0xFFFFFFFF;
	(pc) =	sbr.abs _section_cstart, $3  }
0xc0: {  	[dreg:$0x1] =	wrdreg $0xFFFFFFFF  }
0xc1: {  	_ =	task.clear_ibuf [dreg:s6], $0x2FFFF;
	_ =	strace $0x9FFFFFFF  }
0xc2: {  	(tm) =	ssettm $0x7FFFFFFF  }
0xc3: {  	_ =	shalt  }
tec
execute0_lowered:
.L_overlay_start_1:
0x0: {  	(tag) =	ssettag $0x1  }
0x1: {  	s0 =	rddreg [dreg:$0x0]  }
0x2: {  	s2 =	rddreg [dreg:$0x1]  }
0x3: {  	s11 =	simm.s32 $0x0;
	s3 =	stileid.u32;
	s1 =	srdreg.scid  }
0x4: {  	s13 =	simm.s32 $0x9;
	s14 =	simm.s32 $0x40;
	s16 =	simm.s32 $0x80  }
0x5: {  	s17 =	simm.s32 $0x6000;
	s18 =	simm.s32 $0x100;
	s19 =	simm.s32 $0x8000  }
0x6: {  	s20 =	simm.s32 $0x180;
	s21 =	simm.s32 $0xA000;
	s22 =	simm.s32 $0x5  }
0x7: {  	[smem:$0x7FF] =	sst s11;
	s7 =	smul.u32 $0x13C00, s3;
	s1 =	sand.u32 $0x1, s1  }
0x8: {  	s4 =	sadd.s32 $0x146A00, s0;
	s5 =	sadd.s32 $0xBC00, s0;
	s6 =	sadd.s32 $0x33C00, s0  }
0x9: {  	s10 =	smul.u32 $0x4F000, s3;
	s30 =	sshll.u32 s3, $0x6;
	_ =	strace $0x8000004D  }
0xa: {  	s8 =	smul.u32 $0x13C000, s1;
	s26 =	ssub.s32 $0x2, s1;
	s1 =	sshll.u32 s1, $0x4  }
0xb: {  	s9 =	sshrl.u32 s7, $0x3;
	s28 =	sshrl.u32 s26, $0x1;
	s1 =	sor.u32 s3, s1  }
0xc: {  	s29 =	sshrl.u32 s10, $0x2;
	s3 =	sor.u32 $0x1C09, s30;
	s7 =	sadd.s32 s7, s8  }
0xd: {  	s9 =	sadd.s32 s9, s0;
	s8 =	sadd.s32 s29, s2;
	s7 =	sshrl.u32 s7, $0x3  }
0xe: {  	[dreg:$0x5] =	wrdreg s3;
	s9 =	sadd.s32 $0x11F200, s9;
	s0 =	sadd.s32 s7, s0  }
0xf: {  	[dreg:$0x4] =	wrdreg s9;
	s9 =	smul.u32 $0xA000, s1;
	s1 =	sshrl.u32 s8, $0x3  }
0x10: {  	s7 =	ssub.s32 s26, s28;
	s0 =	sadd.s32 $0x1E2E00, s0;
	[dreg:$0x8] =	wrdreg s1  }
0x11: {  	s23 =	simm.s32 $0x6;
	s31 =	smax.u32 s7, $0x1;
	[dreg:$0x6] =	wrdreg s0  }
0x12: {  	s24 =	simm.s32 $0x7;
	s25 =	simm.s32 $0x8;
	[dreg:$0x7] =	wrdreg s31  }
.LBB2_1:
0x13: {  	[dreg:$0x3] =	wrdreg s11  }
0x14: {  	s0 =	rddreg [dreg:$0x4]  }
0x15: {  	[spmem:s1], [sflag:s3] =	dma.local [hbm:s0], $0x2780  }
0x16: {  	_ =	swait.ge [sflag:s13], $0x2780  }
0x17: {  	[sflag:s13] =	ssyncset.done $0x0  }
0x18: {  	[sflag:s13] =	ssyncadd.s32 $0xFFFFD880  }
0x19: {  	s26 =	simm.s32 $0x0;
	[bflag:$0x0] =	sbarrier.arrive $0xFFFF  }
.LBB2_2:
0x1a: {  	s0 =	sshll.u32 s26, $0xD  }
0x1b: {  	s0 =	sadd.s32 s9, s0  }
0x1c: {  	s0 =	sshrl.u32 s0, $0x3  }
0x1d: {  	s7 =	simm.s32 $0x0;
	s1 =	sadd.s32 s5, s0  }
0x1e: {  	[tilespmem:s7], [sflag:$0x9] =	stream.linear.gather [hbm4b:s1+s7], $0x2000, $0x38;
	[tilespmem:$0x1FC00] =	vst v63  }
0x1f: {  	_ =	swait.ge [sflag:s13], $0x2000  }
0x20: {  	[sflag:s13] =	ssyncset.done $0x0  }
0x21: {  	s10 =	simm.s32 $0x2000;
	s0 =	sadd.s32 s6, s0;
	[sflag:s13] =	ssyncadd.s32 $0xFFFFE000  }
0x22: {  	[tilespmem:s10], [sflag:$0x9] =	stream.linear.gather [hbm4b:s0+s7], $0x2000, $0x38;
	[tilespmem:$0x1FC00] =	vst v63  }
0x23: {  	_ =	swait.ge [sflag:s13], $0x2000  }
0x24: {  	[sflag:s13] =	ssyncset.done $0x0  }
0x25: {  	s12 =	simm.s32 $0x4000;
	[sflag:s13] =	ssyncadd.s32 $0xFFFFE000  }
0x26: {  	[tilespmem:s12], [sflag:$0x1] =	stream.indirect.gather [hbm4b:s4+s14], $0x80, s7, s14, $0xb8;
	[tilespmem:$0x1FC00] =	vst v63  }
0x27: {  	_ = 	snop  }
0x28: {  	[tilespmem:s17], [sflag:$0x2] =	stream.indirect.gather [hbm4b:s4+s14], $0x80, s16, s14, $0xb8;
	[tilespmem:$0x1FC00] =	vst v63  }
0x29: {  	s15 =	sand.u32 $0x3, s7  }
0x2a: {  	[tilespmem:s19], [sflag:$0x3] =	stream.indirect.gather [hbm4b:s4+s14], $0x80, s18, s14, $0xb8;
	[tilespmem:$0x1FC00] =	vst v63  }
0x2b: {  	s30 =	sadd.s32 $0x1, s15  }
0x2c: {  	[tilespmem:s21], [sflag:$0x4] =	stream.indirect.gather [hbm4b:s4+s14], $0x80, s20, s14, $0xb8;
	[tilespmem:$0x1FC00] =	vst v63  }
0x2d: {  	s28 =	simm.s32 $0x200;
	s29 =	simm.s32 $0x1;
	_ =	swait.ge [sflag:s30], $0x2000  }
0x2e: {  	p0 =	por $0x0, $0x0;
	s7 =	sshll.u32 s15, $0xD;
	[sflag:s30] =	ssyncset.done $0x0  }
0x2f: {  	s8 =	sadd.s32 $0x5, s15;
	s11 =	sadd.s32 $0x4000, s7;
	[sflag:s30] =	ssyncadd.s32 $0xFFFFE000  }
0x30: {  	[spmem:s2] =	stream.indirect.scatter.add.f32 [tilespmem:s11], [sflag:s8], $0x80, s10, s14, $0xb8;
	[tilespmem:$0x1FC00] =	vst v63  }
0x31: {  	s31 =	simm.s32 $0x280;
	s1 =	simm.s32 $0x2;
	_ =	swait.ge @!p0 [sflag:s8], $0x2000  }
0x32: {  	s0 =	simm.s32 $0x2080;
	s7 =	sand.u32 $0x3, s29;
	[sflag:s8] =	ssyncset.done @!p0 $0x0  }
0x33: {  	s10 =	sshll.u32 s7, $0xD;
	[sflag:s8] =	ssyncadd.s32 @!p0 $0xFFFFE000;
	s8 =	simm.s32 @!p0 $0x40  }
.LBB2_3:
0x34: {  	[tilespmem:s11], [sflag:s30] =	stream.indirect.gather @!p0 [hbm4b:s4+s8], $0x80, s28, s8, $0xb8;
	[tilespmem:$0x1FC00] =	vst v63  }
0x35: {  	s8 =	smov.u32 s1;
	s28 =	smov.u32 s31  }
0x36: {  	s1 =	sadd.s32 $0x1, s1;
	s30 =	sadd.s32 $0x1, s7;
	s12 =	sand.u32 $0x3, s8  }
0x37: {  	p1 =	sne.s32 s1, $0x40;
	s3 =	sshll.u32 s12, $0xD;
	_ =	swait.ge [sflag:s30], $0x2000  }
0x38: {  	s15 =	sadd.s32 $0x5, s7;
	p0 =	sgt.u32 s29, $0x3B;
	[sflag:s30] =	ssyncset.done $0x0  }
.Ltmp0:
0x39: {  	s11 =	sadd.s32 $0x4000, s10;
	[sflag:s30] =	ssyncadd.s32 $0xFFFFE000;
	(pc) =	sbr.rel @p1 .LBB2_3-.Ltmp0, $4  }
0x3a: {  	[spmem:s2] =	stream.indirect.scatter.add.f32 [tilespmem:s11], [sflag:s15], $0x80, s0, s14, $0xb8;
	[tilespmem:$0x1FC00] =	vst v63  }
0x3b: {  	s29 =	smov.u32 s8;
	s7 =	smov.u32 s12;
	_ =	swait.ge @!p0 [sflag:s15], $0x2000  }
0x3c: {  	s10 =	smov.u32 s3;
	s0 =	sadd.s32 $0x80, s0;
	[sflag:s15] =	ssyncset.done @!p0 $0x0  }
0x3d: {  	s31 =	sadd.s32 $0x80, s31;
	s8 =	simm.s32 @!p0 $0x40;
	[sflag:s15] =	ssyncadd.s32 @!p0 $0xFFFFE000  }
0x3e: {  	[tilespmem:s11], [sflag:s30] =	stream.indirect.gather @!p0 [hbm4b:s4+s8], $0x80, s28, s8, $0xb8;
	[tilespmem:$0x1FC00] =	vst v63  }
0x3f: {  	s1 =	sadd.s32 $0x1, s7  }
0x40: {  	_ =	swait.ge [sflag:s1], $0x2000  }
0x41: {  	s3 =	sadd.s32 $0x5, s7;
	[sflag:s1] =	ssyncset.done $0x0  }
0x42: {  	p0 =	sgt.u32 s29, $0x3B;
	s7 =	sadd.s32 $0x4000, s10;
	[sflag:s1] =	ssyncadd.s32 $0xFFFFE000  }
0x43: {  	[spmem:s2] =	stream.indirect.scatter.add.f32 [tilespmem:s7], [sflag:s3], $0x80, s0, s14, $0xb8;
	[tilespmem:$0x1FC00] =	vst v63  }
0x44: {  	_ =	swait.ge @!p0 [sflag:s3], $0x2000  }
0x45: {  	[sflag:s3] =	ssyncset.done @!p0 $0x0  }
0x46: {  	s0 =	simm.s32 @!p0 $0x40;
	[sflag:s3] =	ssyncadd.s32 @!p0 $0xFFFFE000  }
0x47: {  	[tilespmem:s7], [sflag:s1] =	stream.indirect.gather @!p0 [hbm4b:s4+s0], $0x80, s31, s0, $0xb8;
	[tilespmem:$0x1FC00] =	vst v63  }
0x48: {  	_ =	swait.ge [sflag:s22], $0x2000  }
0x49: {  	[sflag:s22] =	ssyncset.done $0x0  }
0x4a: {  	[sflag:s22] =	ssyncadd.s32 $0xFFFFE000  }
0x4b: {  	_ =	swait.ge [sflag:s23], $0x2000  }
0x4c: {  	[sflag:s23] =	ssyncset.done $0x0  }
0x4d: {  	s26 =	sadd.s32 $0x1, s26;
	[sflag:s23] =	ssyncadd.s32 $0xFFFFE000  }
0x4e: {  	p0 =	sne.s32 s26, $0x5;
	_ =	swait.ge [sflag:s24], $0x2000  }
.Ltmp1:
0x4f: {  	[sflag:s24] =	ssyncset.done $0x0;
	(pc) =	sbr.rel @p0 .LBB2_2-.Ltmp1, $4  }
0x50: {  	[sflag:s24] =	ssyncadd.s32 $0xFFFFE000  }
0x51: {  	_ =	swait.ge [sflag:s25], $0x2000  }
0x52: {  	[sflag:s25] =	ssyncset.done $0x0  }
0x53: {  	[sflag:s25] =	ssyncadd.s32 $0xFFFFE000  }
0x54: {  	[bflag:$0x0] =	sbarrier.arrive $0xFFFF  }
0x55: {  	s3 =	rddreg [dreg:$0x5]  }
0x56: {  	s0 =	rddreg [dreg:$0x6]  }
0x57: {  	s1 =	rddreg [dreg:$0x8]  }
0x58: {  	[hbm:s0], [sflag:s3] =	dma.local [spmem:s1], $0x2780  }
0x59: {  	_ =	swait.ge [sflag:s13], $0x2780  }
0x5a: {  	s11 =	rddreg [dreg:$0x3]  }
0x5b: {  	s31 =	rddreg [dreg:$0x7];
	s11 =	sadd.s32 $0x1, s11  }
0x5c: {  	p0 =	sne.s32 s11, s31  }
.Ltmp2:
0x5d: {  	_ = 	snop;
	(pc) =	sbr.rel @p0 .LBB2_1-.Ltmp2, $3  }
0x5e: {  	_ =	sdelay $0x1  }
0x5f: {  	[sflag:s13] =	ssyncset.done $0x0  }
0x60: {  	[sflag:s13] =	ssyncadd.s32 $0xFFFFD880  }
0x61: {  	_ =	sfence.sel $0x180000  }
0x62: {  	[bflag:$0x0] =	sbarrier.arrive $0xFFFF  }
0x63: {  	_ =	strace $0x9000004D  }
0x64: {  	s0 =	stileid.u32;
	[bflag:$0x2] =	sbarrier.arrive $0xFFFF  }
0x65: {  	p0 =	sne.s32 s0, $0x0;
	s0 =	rddreg [dreg:$0x2]  }
0x66: {  	s0 =	sadd.s32 @!p0 $0x100000, s0  }
0x67: {  	[sflag:s0] =	ssyncadd.tile.s32 @!p0 $0x1;
	_ =	shalt  }
.Lfunc_end2:
_tile_overlayer_lowered:
.L_overlay_start_2:
0x68: {  	(tag) =	ssettag $0x2  }
0x69: {  	s0 =	rddreg [dreg:$0x0];
	s2 =	stileid.u32  }
0x6a: {  	s1 =	rddreg [dreg:$0x1];
	p0 =	sne.s32 s2, $0x0  }
0x6b: {  	s3 =	rddreg [dreg:$0x2];
	[bflag:$0x3] =	sbarrier.arrive $0xFFFF;
	s2 =	simm.s32 @!p0 $0x1C09  }
0x6c: {  	[timem:s3], [sflag:s2] =	dma.local @!p0 [hbm:s0], s1  }
0x6d: {  	s0 =	simm.s32 @!p0 $0x9  }
0x6e: {  	_ =	swait.ge @!p0 [sflag:s0], s1  }
0x6f: {  	s1 =	ssub.s32 @!p0 $0x0, s1;
	[sflag:s0] =	ssyncset.done @!p0 $0x0  }
0x70: {  	[sflag:s0] =	ssyncadd.s32 @!p0 s1  }
0x71: {  	[bflag:$0x3] =	sbarrier.arrive $0xFFFF  }
0x72: {  	_ =	shalt  }

// kernel: kernel.27.cloned.1.call-start
scs
__scs_entry_jumppad:
0x0: {  	(pc) =	sbr.rel $0x88, $3  }
0x1: {  	(tag) =	ssettag $0x0;
	lr =	simm.s32 $0x1  }
0x2: {  	[smem:$0x3F5F] =	sst lr;
	_ =	strace $0xD0000000  }
0x3: {  	_ = 	snop  }
0x4: {  	_ = 	snop  }
0x5: {  	_ = 	snop  }
0x6: {  	_ = 	snop  }
0x7: {  	_ = 	snop  }
__scs_overlays_trampoline_lowered:
0x8: {  	[smem:$0x3F6E] =	sst s0  }
0x9: {  	[smem:$0x3F6F] =	sst s1  }
0xa: {  	[smem:$0x3F70] =	sst s2  }
0xb: {  	[smem:$0x3F71] =	sst s3  }
0xc: {  	[smem:$0x3F72] =	sst s4  }
0xd: {  	[smem:$0x3F73] =	sst s5  }
0xe: {  	[smem:$0x3F74] =	sst s6  }
0xf: {  	[smem:$0x3F75] =	sst s7  }
0x10: {  	[smem:$0x3F76] =	sst s8  }
0x11: {  	[smem:$0x3F77] =	sst s9;
	s0 =	simm.s32 @!p0 $0x0  }
0x12: {  	s1 =	sld [smem:$0x3F5D];
	s0 =	simm.s32 @p0 $0x1  }
0x13: {  	[smem:$0x3F78] =	sst s0;
	s0 =	simm.s32 @!p1 $0x0  }
0x14: {  	s2 =	sld [smem:$0x3F5C];
	s0 =	simm.s32 @p1 $0x1  }
0x15: {  	[smem:$0x3F79] =	sst s0;
	s0 =	simm.s32 @!p2 $0x0  }
0x16: {  	s3 =	sld [smem:$0x3FDB];
	s0 =	simm.s32 @p2 $0x1  }
0x17: {  	s4 =	simm.s32 $0x1BF5;
	[smem:$0x3F7B] =	sst s0  }
0x18: {  	s0 =	sld [smem:$0x3F5E];
	_ =	swait.ge [sflag:s4], $0x0  }
0x19: {  	s7 =	sld [smem:$0x3F5F]  }
0x1a: {  	s8 =	sadd.s32 $0xFFFFE003, lr  }
0x1b: {  	s9 =	sadd.s32 $0xFFFFFEF7, lr;
	s5 =	simm.s32 $0xFFFFFFFF;
	p2 =	slt.u32 s8, $0xFFFFF086  }
0x1c: {  	p1 =	slt.u32 s9, $0xF7A;
	s5 =	simm.s32 @!p2 $0x0  }
0x1d: {  	s5 =	simm.s32 @p1 $0x1;
	p0 =	seq.s32 s7, s2  }
0x1e: {  	s7 =	smul.u32 @!p0 $0xF7A, s2;
	p2 =	seq.s32 @!p0 s5, $0x0  }
0x1f: {  	s9 =	smul.u32 $0xF7A, s1;
	s8 =	simm.s32 @!p0 $0x1BF5;
	p2 =	por !p2, p0  }
0x20: {  	[sflag:s8] =	ssyncset.s32 @!p0 $0xFFFFF086;
	s6 =	sadd.s32 @!p0 s3, s7;
	s7 =	simm.s32 @!p0 $0x108  }
0x21: {  	s3 =	sadd.s32 s3, s9;
	s6 =	sadd.s32 @!p0 $0x88, s6;
	s7 =	simm.s32 @p2 $0x1082  }
0x22: {  	[simem:s7], [sflag:s8] =	dma.local @!p0 [hbm:s6], $0xF7A  }
0x23: {  	s9 =	sor.u32 $0xD0000000, s2;
	s6 =	simm.s32 $0x108;
	_ =	swait.ge @!p0 [sflag:s8], $0x0  }
0x24: {  	s3 =	sadd.s32 $0x88, s3;
	s6 =	simm.s32 @!p1 $0x1082;
	[sflag:s4] =	ssyncset.s32 $0xFFFFF086  }
0x25: {  	[simem:s6], [sflag:s4] =	dma.local [hbm:s3], $0xF7A  }
0x26: {  	[smem:$0x3F5F] =	sst s1;
	(tag) =	ssettag s2;
	_ =	strace s9  }
0x27: {  	s1 =	sld [smem:$0x3F6F]  }
0x28: {  	s2 =	sld [smem:$0x3F70]  }
0x29: {  	s4 =	sld [smem:$0x3F72]  }
0x2a: {  	p0 =	seq.s32 s5, $0x0;
	s5 =	sld [smem:$0x3F73]  }
0x2b: {  	s6 =	sld [smem:$0x3F74]  }
0x2c: {  	s7 =	sld [smem:$0x3F75]  }
0x2d: {  	s3 =	simm.s32 $0x108;
	s8 =	sld [smem:$0x3F76]  }
0x2e: {  	s3 =	simm.s32 @!p0 $0x1082;
	s9 =	sld [smem:$0x3F77]  }
0x2f: {  	lr =	sadd.s32 s0, s3;
	s0 =	sld [smem:$0x3F6E]  }
0x30: {  	s3 =	sld [smem:$0x3F71]  }
0x31: {  	[smem:$0x3F7A] =	sst s10  }
0x32: {  	s10 =	sld [smem:$0x3F78];
	_ =	sdelay $0x3  }
0x33: {  	p0 =	seq.s32 s10, $0x1;
	s10 =	sld [smem:$0x3F7A];
	_ =	sdelay $0x3  }
0x34: {  	[smem:$0x3F7A] =	sst s10  }
0x35: {  	s10 =	sld [smem:$0x3F79];
	_ =	sdelay $0x3  }
0x36: {  	p1 =	seq.s32 s10, $0x1;
	s10 =	sld [smem:$0x3F7A];
	_ =	sdelay $0x3  }
0x37: {  	[smem:$0x3F7A] =	sst s10  }
0x38: {  	s10 =	sld [smem:$0x3F7B]  }
0x39: {  	_ = 	snop;
	(pc) =	sbr.ind lr, $3  }
0x3a: {  	_ = 	snop  }
0x3b: {  	_ = 	snop  }
0x3c: {  	p2 =	seq.s32 s10, $0x1;
	s10 =	sld [smem:$0x3F7A]  }
0x3d: {  	_ =	shalt  }
0x3e: {  	_ =	shalt  }
0x3f: {  	_ =	shalt  }
0x40: {  	_ =	shalt  }
0x41: {  	_ =	shalt  }
0x42: {  	_ =	shalt  }
0x43: {  	_ =	shalt  }
0x44: {  	_ =	shalt  }
0x45: {  	_ =	shalt  }
0x46: {  	_ =	shalt  }
0x47: {  	_ =	shalt  }
0x48: {  	_ =	shalt  }
0x49: {  	_ =	shalt  }
0x4a: {  	_ =	shalt  }
0x4b: {  	_ =	shalt  }
0x4c: {  	_ =	shalt  }
0x4d: {  	_ =	shalt  }
0x4e: {  	_ =	shalt  }
0x4f: {  	_ =	shalt  }
0x50: {  	_ =	shalt  }
0x51: {  	_ =	shalt  }
0x52: {  	_ =	shalt  }
0x53: {  	_ =	shalt  }
0x54: {  	_ =	shalt  }
0x55: {  	_ =	shalt  }
0x56: {  	_ =	shalt  }
0x57: {  	_ =	shalt  }
0x58: {  	_ =	shalt  }
0x59: {  	_ =	shalt  }
0x5a: {  	_ =	shalt  }
0x5b: {  	_ =	shalt  }
0x5c: {  	_ =	shalt  }
0x5d: {  	_ =	shalt  }
0x5e: {  	_ =	shalt  }
0x5f: {  	_ =	shalt  }
0x60: {  	_ =	shalt  }
0x61: {  	_ =	shalt  }
0x62: {  	_ =	shalt  }
0x63: {  	_ =	shalt  }
0x64: {  	_ =	shalt  }
0x65: {  	_ =	shalt  }
0x66: {  	_ =	shalt  }
0x67: {  	_ =	shalt  }
0x68: {  	_ =	shalt  }
0x69: {  	_ =	shalt  }
0x6a: {  	_ =	shalt  }
0x6b: {  	_ =	shalt  }
0x6c: {  	_ =	shalt  }
0x6d: {  	_ =	shalt  }
0x6e: {  	_ =	shalt  }
0x6f: {  	_ =	shalt  }
0x70: {  	_ =	shalt  }
0x71: {  	_ =	shalt  }
0x72: {  	_ =	shalt  }
0x73: {  	_ =	shalt  }
0x74: {  	_ =	shalt  }
0x75: {  	_ =	shalt  }
0x76: {  	_ =	shalt  }
0x77: {  	_ =	shalt  }
0x78: {  	_ =	shalt  }
0x79: {  	_ =	shalt  }
0x7a: {  	_ =	shalt  }
0x7b: {  	_ =	shalt  }
0x7c: {  	_ =	shalt  }
0x7d: {  	_ =	shalt  }
0x7e: {  	_ =	shalt  }
0x7f: {  	_ =	shalt  }
0x80: {  	_ =	shalt  }
0x81: {  	_ =	shalt  }
0x82: {  	_ =	shalt  }
0x83: {  	_ =	shalt  }
0x84: {  	_ =	shalt  }
0x85: {  	_ =	shalt  }
0x86: {  	_ =	shalt  }
0x87: {  	_ =	shalt  }
.Lfunc_end0:
.L_simem_size_0:
called_computation.3_lowered:
.L_overlay_start_0:
0x88: {  	s2 =	sld [smem:$0x3FD9]  }
0x89: {  	s3 =	sld [smem:$0x3FFE];
	_ =	sdelay $0x1  }
0x8a: {  	s1 =	srdreg.scid  }
0x8b: {  	s0 =	sand.u32 $0x1, s1  }
0x8c: {  	s16 =	sshll.u32 s0, $0xA;
	s2 =	sadd.s32 s3, s2  }
0x8d: {  	s2 =	sadd.s32 s2, s16  }
0x8e: {  	[smem:$0x3F86] =	sst s2  }
0x8f: {  	_ = 	snop  }
0x90: {  	(tm) =	ssettm $0x1  }
0x91: {  	s17 =	sld [smem:$0x3FFB];
	_ =	sdelay $0x3  }
0x92: {  	_ =	strace s17  }
0x93: {  	s2 =	sld [smem:$0x3FFC];
	_ =	sdelay $0x3  }
0x94: {  	_ =	strace s2  }
0x95: {  	s2 =	sld [smem:$0x3FFD];
	_ =	sdelay $0x3  }
0x96: {  	_ =	strace s2  }
0x97: {  	_ =	strace $0x8FFFFFFF  }
0x98: {  	s18 =	sld [smem:$0x3FDB];
	_ =	sdelay $0x1  }
0x99: {  	s19 =	simm.s32 $_scs_section_size  }
0x9a: {  	s4 =	simm.s32 $_size__tile_overlayer_lowered;
	s5 =	simm.s32 $_tile_overlayer_lowered  }
0x9b: {  	s22 =	simm.s32 $0x1BFF;
	s21 =	sshll.u32 s5, $0x1;
	s2 =	sadd.s32 s19, s18  }
0x9c: {  	s6 =	simm.s32 $0x0;
	s20 =	sshll.u32 s4, $0x1;
	s4 =	sadd.s32 s21, s2  }
0x9d: {  	[timem:s6], [sflag:s22] =	dma.local [hbm:s4], s20  }
0x9e: {  	_ =	swait.ge [sflag:s22], s20  }
0x9f: {  	s3 =	ssub.s32 $0x0, s20;
	[sflag:s22] =	ssyncset.done $0x0  }
0xa0: {  	[sflag:s22] =	ssyncadd.s32 s3;
	_ =	sdelay $0x1  }
0xa1: {  	s23 =	simm.s32 $0x1B8B  }
0xa2: {  	_ =	swait.ge [sflag:s23], $0x1  }
0xa3: {  	[sflag:s23] =	ssyncset.done $0x0  }
0xa4: {  	s25 =	simm.s32 $0x1B8E;
	s24 =	sld [smem:$0x3FFE];
	[sflag:s23] =	ssyncadd.s32 $0xFFFFFFFF  }
0xa5: {  	s26 =	simm.s32 $execute0_lowered;
	[smem:$0x3FD2] =	sst s25  }
0xa6: {  	s4 =	sshll.u32 s26, $0x1;
	_ =	strace $0x8000004F;
	[dreg:$0x1] =	wrdreg $0xFFFFFFFF  }
0xa7: {  	s28 =	simm.s32 $_size_execute0_lowered;
	s2 =	sadd.s32 s2, s4;
	[dreg:$0x0] =	wrdreg $0x0  }
0xa8: {  	s4 =	sshll.u32 s28, $0x1;
	[dreg:$0x2] =	wrdreg s2  }
0xa9: {  	[dreg:$0x3] =	wrdreg s4  }
0xaa: {  	[dreg:$0x4] =	wrdreg $0xC0  }
0xab: {  	_ =	task [dreg:s6], $0x5FFFF  }
0xac: {  	[dreg:$0x1] =	wrdreg $0xFFFFFFFF  }
0xad: {  	[dreg:$0x0] =	wrdreg $0x60  }
0xae: {  	[dreg:$0x2] =	wrdreg s24  }
0xaf: {  	[dreg:$0x3] =	wrdreg $0xC0000  }
0xb0: {  	[dreg:$0x4] =	wrdreg $0x9  }
0xb1: {  	_ =	task.clear_ibuf [dreg:s6], $0x5FFFF;
	_ =	strace $0x9000004F  }
0xb2: {  	s29 =	simm.s32 $0x9;
	_ =	strace $0x80000051  }
0xb3: {  	_ =	swait.ge [sflag:s29], $0x1  }
0xb4: {  	[sflag:s29] =	ssyncadd.s32 $0xFFFFFFFF  }
0xb5: {  	_ =	strace $0x90000051  }
0xb6: {  	_ =	sfence  }
0xb7: {  	s30 =	sld [smem:$0x0];
	_ =	sdelay $0x2  }
0xb8: {  	s31 =	sshll.u32 s1, $0xD;
	s1 =	sshrl.u32 s1, $0x2  }
0xb9: {  	s3 =	sand.u32 $0x4000, s31;
	s1 =	sadd.s32 s1, s30  }
0xba: {  	s0 =	sor.u32 s3, s0;
	s1 =	sshll.u32 s1, $0x11  }
0xbb: {  	s0 =	sor.u32 s1, s0  }
0xbc: {  	s0 =	sadd.s32 $0x8F2B, s0  }
0xbd: {  	[sflag:s0] =	ssyncadd.remote.s32 $0x1  }
0xbe: {  	_ =	sfence.sel $0xFFFF  }
0xbf: {  	[dreg:$0x0] =	wrdreg $0xFFFFFFFF;
	(pc) =	sbr.abs _section_cstart, $3  }
0xc0: {  	[dreg:$0x1] =	wrdreg $0xFFFFFFFF  }
0xc1: {  	_ =	task.clear_ibuf [dreg:s6], $0x2FFFF;
	_ =	strace $0x9FFFFFFF  }
0xc2: {  	(tm) =	ssettm $0x7FFFFFFF  }
0xc3: {  	_ =	shalt  }
tec
execute0_lowered:
.L_overlay_start_1:
0x0: {  	(tag) =	ssettag $0x1  }
0x1: {  	s0 =	rddreg [dreg:$0x0]  }
0x2: {  	s2 =	rddreg [dreg:$0x1]  }
0x3: {  	s11 =	simm.s32 $0x0;
	s3 =	stileid.u32;
	s1 =	srdreg.scid  }
0x4: {  	s13 =	simm.s32 $0x9;
	s14 =	simm.s32 $0x40;
	s16 =	simm.s32 $0x80  }
0x5: {  	s17 =	simm.s32 $0x6000;
	s18 =	simm.s32 $0x100;
	s19 =	simm.s32 $0x8000  }
0x6: {  	s20 =	simm.s32 $0x180;
	s21 =	simm.s32 $0xA000;
	s22 =	simm.s32 $0x5  }
0x7: {  	[smem:$0x7FF] =	sst s11;
	s7 =	smul.u32 $0x13C00, s3;
	s1 =	sand.u32 $0x1, s1  }
0x8: {  	s4 =	sadd.s32 $0x146A00, s0;
	s5 =	sadd.s32 $0xBC00, s0;
	s6 =	sadd.s32 $0x33C00, s0  }
0x9: {  	s10 =	smul.u32 $0x4F000, s3;
	s30 =	sshll.u32 s3, $0x6;
	_ =	strace $0x80000050  }
0xa: {  	s8 =	smul.u32 $0x13C000, s1;
	s26 =	ssub.s32 $0x2, s1;
	s1 =	sshll.u32 s1, $0x4  }
0xb: {  	s9 =	sshrl.u32 s7, $0x3;
	s28 =	sshrl.u32 s26, $0x1;
	s1 =	sor.u32 s3, s1  }
0xc: {  	s29 =	sshrl.u32 s10, $0x2;
	s3 =	sor.u32 $0x1C09, s30;
	s7 =	sadd.s32 s7, s8  }
0xd: {  	s9 =	sadd.s32 s9, s0;
	s8 =	sadd.s32 s29, s2;
	s7 =	sshrl.u32 s7, $0x3  }
0xe: {  	[dreg:$0x5] =	wrdreg s3;
	s9 =	sadd.s32 $0x11F200, s9;
	s0 =	sadd.s32 s7, s0  }
0xf: {  	[dreg:$0x4] =	wrdreg s9;
	s9 =	smul.u32 $0xA000, s1;
	s1 =	sshrl.u32 s8, $0x3  }
0x10: {  	s7 =	ssub.s32 s26, s28;
	s0 =	sadd.s32 $0x1E2E00, s0;
	[dreg:$0x8] =	wrdreg s1  }
0x11: {  	s23 =	simm.s32 $0x6;
	s31 =	smax.u32 s7, $0x1;
	[dreg:$0x6] =	wrdreg s0  }
0x12: {  	s24 =	simm.s32 $0x7;
	s25 =	simm.s32 $0x8;
	[dreg:$0x7] =	wrdreg s31  }
.LBB2_1:
0x13: {  	[dreg:$0x3] =	wrdreg s11  }
0x14: {  	s0 =	rddreg [dreg:$0x4]  }
0x15: {  	[spmem:s1], [sflag:s3] =	dma.local [hbm:s0], $0x2780  }
0x16: {  	_ =	swait.ge [sflag:s13], $0x2780  }
0x17: {  	[sflag:s13] =	ssyncset.done $0x0  }
0x18: {  	[sflag:s13] =	ssyncadd.s32 $0xFFFFD880  }
0x19: {  	s26 =	simm.s32 $0x0;
	[bflag:$0x0] =	sbarrier.arrive $0xFFFF  }
.LBB2_2:
0x1a: {  	s0 =	sshll.u32 s26, $0xD  }
0x1b: {  	s0 =	sadd.s32 s9, s0  }
0x1c: {  	s0 =	sshrl.u32 s0, $0x3  }
0x1d: {  	s7 =	simm.s32 $0x0;
	s1 =	sadd.s32 s5, s0  }
0x1e: {  	[tilespmem:s7], [sflag:$0x9] =	stream.linear.gather [hbm4b:s1+s7], $0x2000, $0x38;
	[tilespmem:$0x1FC00] =	vst v63  }
0x1f: {  	_ =	swait.ge [sflag:s13], $0x2000  }
0x20: {  	[sflag:s13] =	ssyncset.done $0x0  }
0x21: {  	s10 =	simm.s32 $0x2000;
	s0 =	sadd.s32 s6, s0;
	[sflag:s13] =	ssyncadd.s32 $0xFFFFE000  }
0x22: {  	[tilespmem:s10], [sflag:$0x9] =	stream.linear.gather [hbm4b:s0+s7], $0x2000, $0x38;
	[tilespmem:$0x1FC00] =	vst v63  }
0x23: {  	_ =	swait.ge [sflag:s13], $0x2000  }
0x24: {  	[sflag:s13] =	ssyncset.done $0x0  }
0x25: {  	s12 =	simm.s32 $0x4000;
	[sflag:s13] =	ssyncadd.s32 $0xFFFFE000  }
0x26: {  	[tilespmem:s12], [sflag:$0x1] =	stream.indirect.gather [hbm4b:s4+s14], $0x80, s7, s14, $0xb8;
	[tilespmem:$0x1FC00] =	vst v63  }
0x27: {  	_ = 	snop  }
0x28: {  	[tilespmem:s17], [sflag:$0x2] =	stream.indirect.gather [hbm4b:s4+s14], $0x80, s16, s14, $0xb8;
	[tilespmem:$0x1FC00] =	vst v63  }
0x29: {  	s15 =	sand.u32 $0x3, s7  }
0x2a: {  	[tilespmem:s19], [sflag:$0x3] =	stream.indirect.gather [hbm4b:s4+s14], $0x80, s18, s14, $0xb8;
	[tilespmem:$0x1FC00] =	vst v63  }
0x2b: {  	s30 =	sadd.s32 $0x1, s15  }
0x2c: {  	[tilespmem:s21], [sflag:$0x4] =	stream.indirect.gather [hbm4b:s4+s14], $0x80, s20, s14, $0xb8;
	[tilespmem:$0x1FC00] =	vst v63  }
0x2d: {  	s28 =	simm.s32 $0x200;
	s29 =	simm.s32 $0x1;
	_ =	swait.ge [sflag:s30], $0x2000  }
0x2e: {  	p0 =	por $0x0, $0x0;
	s7 =	sshll.u32 s15, $0xD;
	[sflag:s30] =	ssyncset.done $0x0  }
0x2f: {  	s8 =	sadd.s32 $0x5, s15;
	s11 =	sadd.s32 $0x4000, s7;
	[sflag:s30] =	ssyncadd.s32 $0xFFFFE000  }
0x30: {  	[spmem:s2] =	stream.indirect.scatter.add.f32 [tilespmem:s11], [sflag:s8], $0x80, s10, s14, $0xb8;
	[tilespmem:$0x1FC00] =	vst v63  }
0x31: {  	s31 =	simm.s32 $0x280;
	s1 =	simm.s32 $0x2;
	_ =	swait.ge @!p0 [sflag:s8], $0x2000  }
0x32: {  	s0 =	simm.s32 $0x2080;
	s7 =	sand.u32 $0x3, s29;
	[sflag:s8] =	ssyncset.done @!p0 $0x0  }
0x33: {  	s10 =	sshll.u32 s7, $0xD;
	[sflag:s8] =	ssyncadd.s32 @!p0 $0xFFFFE000;
	s8 =	simm.s32 @!p0 $0x40  }
.LBB2_3:
0x34: {  	[tilespmem:s11], [sflag:s30] =	stream.indirect.gather @!p0 [hbm4b:s4+s8], $0x80, s28, s8, $0xb8;
	[tilespmem:$0x1FC00] =	vst v63  }
0x35: {  	s8 =	smov.u32 s1;
	s28 =	smov.u32 s31  }
0x36: {  	s1 =	sadd.s32 $0x1, s1;
	s30 =	sadd.s32 $0x1, s7;
	s12 =	sand.u32 $0x3, s8  }
0x37: {  	p1 =	sne.s32 s1, $0x40;
	s3 =	sshll.u32 s12, $0xD;
	_ =	swait.ge [sflag:s30], $0x2000  }
0x38: {  	s15 =	sadd.s32 $0x5, s7;
	p0 =	sgt.u32 s29, $0x3B;
	[sflag:s30] =	ssyncset.done $0x0  }
.Ltmp0:
0x39: {  	s11 =	sadd.s32 $0x4000, s10;
	[sflag:s30] =	ssyncadd.s32 $0xFFFFE000;
	(pc) =	sbr.rel @p1 .LBB2_3-.Ltmp0, $4  }
0x3a: {  	[spmem:s2] =	stream.indirect.scatter.add.f32 [tilespmem:s11], [sflag:s15], $0x80, s0, s14, $0xb8;
	[tilespmem:$0x1FC00] =	vst v63  }
0x3b: {  	s29 =	smov.u32 s8;
	s7 =	smov.u32 s12;
	_ =	swait.ge @!p0 [sflag:s15], $0x2000  }
0x3c: {  	s10 =	smov.u32 s3;
	s0 =	sadd.s32 $0x80, s0;
	[sflag:s15] =	ssyncset.done @!p0 $0x0  }
0x3d: {  	s31 =	sadd.s32 $0x80, s31;
	s8 =	simm.s32 @!p0 $0x40;
	[sflag:s15] =	ssyncadd.s32 @!p0 $0xFFFFE000  }
0x3e: {  	[tilespmem:s11], [sflag:s30] =	stream.indirect.gather @!p0 [hbm4b:s4+s8], $0x80, s28, s8, $0xb8;
	[tilespmem:$0x1FC00] =	vst v63  }
0x3f: {  	s1 =	sadd.s32 $0x1, s7  }
0x40: {  	_ =	swait.ge [sflag:s1], $0x2000  }
0x41: {  	s3 =	sadd.s32 $0x5, s7;
	[sflag:s1] =	ssyncset.done $0x0  }
0x42: {  	p0 =	sgt.u32 s29, $0x3B;
	s7 =	sadd.s32 $0x4000, s10;
	[sflag:s1] =	ssyncadd.s32 $0xFFFFE000  }
0x43: {  	[spmem:s2] =	stream.indirect.scatter.add.f32 [tilespmem:s7], [sflag:s3], $0x80, s0, s14, $0xb8;
	[tilespmem:$0x1FC00] =	vst v63  }
0x44: {  	_ =	swait.ge @!p0 [sflag:s3], $0x2000  }
0x45: {  	[sflag:s3] =	ssyncset.done @!p0 $0x0  }
0x46: {  	s0 =	simm.s32 @!p0 $0x40;
	[sflag:s3] =	ssyncadd.s32 @!p0 $0xFFFFE000  }
0x47: {  	[tilespmem:s7], [sflag:s1] =	stream.indirect.gather @!p0 [hbm4b:s4+s0], $0x80, s31, s0, $0xb8;
	[tilespmem:$0x1FC00] =	vst v63  }
0x48: {  	_ =	swait.ge [sflag:s22], $0x2000  }
0x49: {  	[sflag:s22] =	ssyncset.done $0x0  }
0x4a: {  	[sflag:s22] =	ssyncadd.s32 $0xFFFFE000  }
0x4b: {  	_ =	swait.ge [sflag:s23], $0x2000  }
0x4c: {  	[sflag:s23] =	ssyncset.done $0x0  }
0x4d: {  	s26 =	sadd.s32 $0x1, s26;
	[sflag:s23] =	ssyncadd.s32 $0xFFFFE000  }
0x4e: {  	p0 =	sne.s32 s26, $0x5;
	_ =	swait.ge [sflag:s24], $0x2000  }
.Ltmp1:
0x4f: {  	[sflag:s24] =	ssyncset.done $0x0;
	(pc) =	sbr.rel @p0 .LBB2_2-.Ltmp1, $4  }
0x50: {  	[sflag:s24] =	ssyncadd.s32 $0xFFFFE000  }
0x51: {  	_ =	swait.ge [sflag:s25], $0x2000  }
0x52: {  	[sflag:s25] =	ssyncset.done $0x0  }
0x53: {  	[sflag:s25] =	ssyncadd.s32 $0xFFFFE000  }
0x54: {  	[bflag:$0x0] =	sbarrier.arrive $0xFFFF  }
0x55: {  	s3 =	rddreg [dreg:$0x5]  }
0x56: {  	s0 =	rddreg [dreg:$0x6]  }
0x57: {  	s1 =	rddreg [dreg:$0x8]  }
0x58: {  	[hbm:s0], [sflag:s3] =	dma.local [spmem:s1], $0x2780  }
0x59: {  	_ =	swait.ge [sflag:s13], $0x2780  }
0x5a: {  	s11 =	rddreg [dreg:$0x3]  }
0x5b: {  	s31 =	rddreg [dreg:$0x7];
	s11 =	sadd.s32 $0x1, s11  }
0x5c: {  	p0 =	sne.s32 s11, s31  }
.Ltmp2:
0x5d: {  	_ = 	snop;
	(pc) =	sbr.rel @p0 .LBB2_1-.Ltmp2, $3  }
0x5e: {  	_ =	sdelay $0x1  }
0x5f: {  	[sflag:s13] =	ssyncset.done $0x0  }
0x60: {  	[sflag:s13] =	ssyncadd.s32 $0xFFFFD880  }
0x61: {  	_ =	sfence.sel $0x180000  }
0x62: {  	[bflag:$0x0] =	sbarrier.arrive $0xFFFF  }
0x63: {  	_ =	strace $0x90000050  }
0x64: {  	s0 =	stileid.u32;
	[bflag:$0x2] =	sbarrier.arrive $0xFFFF  }
0x65: {  	p0 =	sne.s32 s0, $0x0;
	s0 =	rddreg [dreg:$0x2]  }
0x66: {  	s0 =	sadd.s32 @!p0 $0x100000, s0  }
0x67: {  	[sflag:s0] =	ssyncadd.tile.s32 @!p0 $0x1;
	_ =	shalt  }
.Lfunc_end2:
_tile_overlayer_lowered:
.L_overlay_start_2:
0x68: {  	(tag) =	ssettag $0x2  }
0x69: {  	s0 =	rddreg [dreg:$0x0];
	s2 =	stileid.u32  }
0x6a: {  	s1 =	rddreg [dreg:$0x1];
	p0 =	sne.s32 s2, $0x0  }
0x6b: {  	s3 =	rddreg [dreg:$0x2];
	[bflag:$0x3] =	sbarrier.arrive $0xFFFF;
	s2 =	simm.s32 @!p0 $0x1C09  }
0x6c: {  	[timem:s3], [sflag:s2] =	dma.local @!p0 [hbm:s0], s1  }
0x6d: {  	s0 =	simm.s32 @!p0 $0x9  }
0x6e: {  	_ =	swait.ge @!p0 [sflag:s0], s1  }
0x6f: {  	s1 =	ssub.s32 @!p0 $0x0, s1;
	[sflag:s0] =	ssyncset.done @!p0 $0x0  }
0x70: {  	[sflag:s0] =	ssyncadd.s32 @!p0 s1  }
0x71: {  	[bflag:$0x3] =	sbarrier.arrive $0xFFFF  }
0x72: {  	_ =	shalt  }

// kernel: kernel.30.cloned.1.call-start
scs
__scs_entry_jumppad:
0x0: {  	(pc) =	sbr.rel $0x88, $3  }
0x1: {  	(tag) =	ssettag $0x0;
	lr =	simm.s32 $0x1  }
0x2: {  	[smem:$0x3F5F] =	sst lr;
	_ =	strace $0xD0000000  }
0x3: {  	_ = 	snop  }
0x4: {  	_ = 	snop  }
0x5: {  	_ = 	snop  }
0x6: {  	_ = 	snop  }
0x7: {  	_ = 	snop  }
__scs_overlays_trampoline_lowered:
0x8: {  	[smem:$0x3F6E] =	sst s0  }
0x9: {  	[smem:$0x3F6F] =	sst s1  }
0xa: {  	[smem:$0x3F70] =	sst s2  }
0xb: {  	[smem:$0x3F71] =	sst s3  }
0xc: {  	[smem:$0x3F72] =	sst s4  }
0xd: {  	[smem:$0x3F73] =	sst s5  }
0xe: {  	[smem:$0x3F74] =	sst s6  }
0xf: {  	[smem:$0x3F75] =	sst s7  }
0x10: {  	[smem:$0x3F76] =	sst s8  }
0x11: {  	[smem:$0x3F77] =	sst s9;
	s0 =	simm.s32 @!p0 $0x0  }
0x12: {  	s1 =	sld [smem:$0x3F5D];
	s0 =	simm.s32 @p0 $0x1  }
0x13: {  	[smem:$0x3F78] =	sst s0;
	s0 =	simm.s32 @!p1 $0x0  }
0x14: {  	s2 =	sld [smem:$0x3F5C];
	s0 =	simm.s32 @p1 $0x1  }
0x15: {  	[smem:$0x3F79] =	sst s0;
	s0 =	simm.s32 @!p2 $0x0  }
0x16: {  	s3 =	sld [smem:$0x3FDB];
	s0 =	simm.s32 @p2 $0x1  }
0x17: {  	s4 =	simm.s32 $0x1BF5;
	[smem:$0x3F7B] =	sst s0  }
0x18: {  	s0 =	sld [smem:$0x3F5E];
	_ =	swait.ge [sflag:s4], $0x0  }
0x19: {  	s7 =	sld [smem:$0x3F5F]  }
0x1a: {  	s8 =	sadd.s32 $0xFFFFE003, lr  }
0x1b: {  	s9 =	sadd.s32 $0xFFFFFEF7, lr;
	s5 =	simm.s32 $0xFFFFFFFF;
	p2 =	slt.u32 s8, $0xFFFFF086  }
0x1c: {  	p1 =	slt.u32 s9, $0xF7A;
	s5 =	simm.s32 @!p2 $0x0  }
0x1d: {  	s5 =	simm.s32 @p1 $0x1;
	p0 =	seq.s32 s7, s2  }
0x1e: {  	s7 =	smul.u32 @!p0 $0xF7A, s2;
	p2 =	seq.s32 @!p0 s5, $0x0  }
0x1f: {  	s9 =	smul.u32 $0xF7A, s1;
	s8 =	simm.s32 @!p0 $0x1BF5;
	p2 =	por !p2, p0  }
0x20: {  	[sflag:s8] =	ssyncset.s32 @!p0 $0xFFFFF086;
	s6 =	sadd.s32 @!p0 s3, s7;
	s7 =	simm.s32 @!p0 $0x108  }
0x21: {  	s3 =	sadd.s32 s3, s9;
	s6 =	sadd.s32 @!p0 $0x88, s6;
	s7 =	simm.s32 @p2 $0x1082  }
0x22: {  	[simem:s7], [sflag:s8] =	dma.local @!p0 [hbm:s6], $0xF7A  }
0x23: {  	s9 =	sor.u32 $0xD0000000, s2;
	s6 =	simm.s32 $0x108;
	_ =	swait.ge @!p0 [sflag:s8], $0x0  }
0x24: {  	s3 =	sadd.s32 $0x88, s3;
	s6 =	simm.s32 @!p1 $0x1082;
	[sflag:s4] =	ssyncset.s32 $0xFFFFF086  }
0x25: {  	[simem:s6], [sflag:s4] =	dma.local [hbm:s3], $0xF7A  }
0x26: {  	[smem:$0x3F5F] =	sst s1;
	(tag) =	ssettag s2;
	_ =	strace s9  }
0x27: {  	s1 =	sld [smem:$0x3F6F]  }
0x28: {  	s2 =	sld [smem:$0x3F70]  }
0x29: {  	s4 =	sld [smem:$0x3F72]  }
0x2a: {  	p0 =	seq.s32 s5, $0x0;
	s5 =	sld [smem:$0x3F73]  }
0x2b: {  	s6 =	sld [smem:$0x3F74]  }
0x2c: {  	s7 =	sld [smem:$0x3F75]  }
0x2d: {  	s3 =	simm.s32 $0x108;
	s8 =	sld [smem:$0x3F76]  }
0x2e: {  	s3 =	simm.s32 @!p0 $0x1082;
	s9 =	sld [smem:$0x3F77]  }
0x2f: {  	lr =	sadd.s32 s0, s3;
	s0 =	sld [smem:$0x3F6E]  }
0x30: {  	s3 =	sld [smem:$0x3F71]  }
0x31: {  	[smem:$0x3F7A] =	sst s10  }
0x32: {  	s10 =	sld [smem:$0x3F78];
	_ =	sdelay $0x3  }
0x33: {  	p0 =	seq.s32 s10, $0x1;
	s10 =	sld [smem:$0x3F7A];
	_ =	sdelay $0x3  }
0x34: {  	[smem:$0x3F7A] =	sst s10  }
0x35: {  	s10 =	sld [smem:$0x3F79];
	_ =	sdelay $0x3  }
0x36: {  	p1 =	seq.s32 s10, $0x1;
	s10 =	sld [smem:$0x3F7A];
	_ =	sdelay $0x3  }
0x37: {  	[smem:$0x3F7A] =	sst s10  }
0x38: {  	s10 =	sld [smem:$0x3F7B]  }
0x39: {  	_ = 	snop;
	(pc) =	sbr.ind lr, $3  }
0x3a: {  	_ = 	snop  }
0x3b: {  	_ = 	snop  }
0x3c: {  	p2 =	seq.s32 s10, $0x1;
	s10 =	sld [smem:$0x3F7A]  }
0x3d: {  	_ =	shalt  }
0x3e: {  	_ =	shalt  }
0x3f: {  	_ =	shalt  }
0x40: {  	_ =	shalt  }
0x41: {  	_ =	shalt  }
0x42: {  	_ =	shalt  }
0x43: {  	_ =	shalt  }
0x44: {  	_ =	shalt  }
0x45: {  	_ =	shalt  }
0x46: {  	_ =	shalt  }
0x47: {  	_ =	shalt  }
0x48: {  	_ =	shalt  }
0x49: {  	_ =	shalt  }
0x4a: {  	_ =	shalt  }
0x4b: {  	_ =	shalt  }
0x4c: {  	_ =	shalt  }
0x4d: {  	_ =	shalt  }
0x4e: {  	_ =	shalt  }
0x4f: {  	_ =	shalt  }
0x50: {  	_ =	shalt  }
0x51: {  	_ =	shalt  }
0x52: {  	_ =	shalt  }
0x53: {  	_ =	shalt  }
0x54: {  	_ =	shalt  }
0x55: {  	_ =	shalt  }
0x56: {  	_ =	shalt  }
0x57: {  	_ =	shalt  }
0x58: {  	_ =	shalt  }
0x59: {  	_ =	shalt  }
0x5a: {  	_ =	shalt  }
0x5b: {  	_ =	shalt  }
0x5c: {  	_ =	shalt  }
0x5d: {  	_ =	shalt  }
0x5e: {  	_ =	shalt  }
0x5f: {  	_ =	shalt  }
0x60: {  	_ =	shalt  }
0x61: {  	_ =	shalt  }
0x62: {  	_ =	shalt  }
0x63: {  	_ =	shalt  }
0x64: {  	_ =	shalt  }
0x65: {  	_ =	shalt  }
0x66: {  	_ =	shalt  }
0x67: {  	_ =	shalt  }
0x68: {  	_ =	shalt  }
0x69: {  	_ =	shalt  }
0x6a: {  	_ =	shalt  }
0x6b: {  	_ =	shalt  }
0x6c: {  	_ =	shalt  }
0x6d: {  	_ =	shalt  }
0x6e: {  	_ =	shalt  }
0x6f: {  	_ =	shalt  }
0x70: {  	_ =	shalt  }
0x71: {  	_ =	shalt  }
0x72: {  	_ =	shalt  }
0x73: {  	_ =	shalt  }
0x74: {  	_ =	shalt  }
0x75: {  	_ =	shalt  }
0x76: {  	_ =	shalt  }
0x77: {  	_ =	shalt  }
0x78: {  	_ =	shalt  }
0x79: {  	_ =	shalt  }
0x7a: {  	_ =	shalt  }
0x7b: {  	_ =	shalt  }
0x7c: {  	_ =	shalt  }
0x7d: {  	_ =	shalt  }
0x7e: {  	_ =	shalt  }
0x7f: {  	_ =	shalt  }
0x80: {  	_ =	shalt  }
0x81: {  	_ =	shalt  }
0x82: {  	_ =	shalt  }
0x83: {  	_ =	shalt  }
0x84: {  	_ =	shalt  }
0x85: {  	_ =	shalt  }
0x86: {  	_ =	shalt  }
0x87: {  	_ =	shalt  }
.Lfunc_end0:
.L_simem_size_0:
called_computation.4_lowered:
.L_overlay_start_0:
0x88: {  	s2 =	sld [smem:$0x3FD9]  }
0x89: {  	s3 =	sld [smem:$0x3FFE];
	_ =	sdelay $0x1  }
0x8a: {  	s1 =	srdreg.scid  }
0x8b: {  	s0 =	sand.u32 $0x1, s1  }
0x8c: {  	s16 =	sshll.u32 s0, $0xA;
	s2 =	sadd.s32 s3, s2  }
0x8d: {  	s2 =	sadd.s32 s2, s16  }
0x8e: {  	[smem:$0x3F86] =	sst s2  }
0x8f: {  	_ = 	snop  }
0x90: {  	(tm) =	ssettm $0x1  }
0x91: {  	s17 =	sld [smem:$0x3FFB];
	_ =	sdelay $0x3  }
0x92: {  	_ =	strace s17  }
0x93: {  	s2 =	sld [smem:$0x3FFC];
	_ =	sdelay $0x3  }
0x94: {  	_ =	strace s2  }
0x95: {  	s2 =	sld [smem:$0x3FFD];
	_ =	sdelay $0x3  }
0x96: {  	_ =	strace s2  }
0x97: {  	_ =	strace $0x8FFFFFFF  }
0x98: {  	s18 =	sld [smem:$0x3FDB];
	_ =	sdelay $0x1  }
0x99: {  	s19 =	simm.s32 $_scs_section_size  }
0x9a: {  	s4 =	simm.s32 $_size__tile_overlayer_lowered;
	s5 =	simm.s32 $_tile_overlayer_lowered  }
0x9b: {  	s22 =	simm.s32 $0x1BFF;
	s21 =	sshll.u32 s5, $0x1;
	s2 =	sadd.s32 s19, s18  }
0x9c: {  	s6 =	simm.s32 $0x0;
	s20 =	sshll.u32 s4, $0x1;
	s4 =	sadd.s32 s21, s2  }
0x9d: {  	[timem:s6], [sflag:s22] =	dma.local [hbm:s4], s20  }
0x9e: {  	_ =	swait.ge [sflag:s22], s20  }
0x9f: {  	s3 =	ssub.s32 $0x0, s20;
	[sflag:s22] =	ssyncset.done $0x0  }
0xa0: {  	[sflag:s22] =	ssyncadd.s32 s3;
	_ =	sdelay $0x1  }
0xa1: {  	s23 =	simm.s32 $0x1B8B  }
0xa2: {  	_ =	swait.ge [sflag:s23], $0x1  }
0xa3: {  	[sflag:s23] =	ssyncset.done $0x0  }
0xa4: {  	s25 =	simm.s32 $0x1B8E;
	s24 =	sld [smem:$0x3FFE];
	[sflag:s23] =	ssyncadd.s32 $0xFFFFFFFF  }
0xa5: {  	s26 =	simm.s32 $execute0_lowered;
	[smem:$0x3FD2] =	sst s25  }
0xa6: {  	s4 =	sshll.u32 s26, $0x1;
	_ =	strace $0x80000052;
	[dreg:$0x1] =	wrdreg $0xFFFFFFFF  }
0xa7: {  	s28 =	simm.s32 $_size_execute0_lowered;
	s2 =	sadd.s32 s2, s4;
	[dreg:$0x0] =	wrdreg $0x0  }
0xa8: {  	s4 =	sshll.u32 s28, $0x1;
	[dreg:$0x2] =	wrdreg s2  }
0xa9: {  	[dreg:$0x3] =	wrdreg s4  }
0xaa: {  	[dreg:$0x4] =	wrdreg $0xC0  }
0xab: {  	_ =	task [dreg:s6], $0x5FFFF  }
0xac: {  	[dreg:$0x1] =	wrdreg $0xFFFFFFFF  }
0xad: {  	[dreg:$0x0] =	wrdreg $0x60  }
0xae: {  	[dreg:$0x2] =	wrdreg s24  }
0xaf: {  	[dreg:$0x3] =	wrdreg $0xC0000  }
0xb0: {  	[dreg:$0x4] =	wrdreg $0x9  }
0xb1: {  	_ =	task.clear_ibuf [dreg:s6], $0x5FFFF;
	_ =	strace $0x90000052  }
0xb2: {  	s29 =	simm.s32 $0x9;
	_ =	strace $0x80000054  }
0xb3: {  	_ =	swait.ge [sflag:s29], $0x1  }
0xb4: {  	[sflag:s29] =	ssyncadd.s32 $0xFFFFFFFF  }
0xb5: {  	_ =	strace $0x90000054  }
0xb6: {  	_ =	sfence  }
0xb7: {  	s30 =	sld [smem:$0x0];
	_ =	sdelay $0x2  }
0xb8: {  	s31 =	sshll.u32 s1, $0xD;
	s1 =	sshrl.u32 s1, $0x2  }
0xb9: {  	s3 =	sand.u32 $0x4000, s31;
	s1 =	sadd.s32 s1, s30  }
0xba: {  	s0 =	sor.u32 s3, s0;
	s1 =	sshll.u32 s1, $0x11  }
0xbb: {  	s0 =	sor.u32 s1, s0  }
0xbc: {  	s0 =	sadd.s32 $0x8F2B, s0  }
0xbd: {  	[sflag:s0] =	ssyncadd.remote.s32 $0x1  }
0xbe: {  	_ =	sfence.sel $0xFFFF  }
0xbf: {  	[dreg:$0x0] =	wrdreg $0xFFFFFFFF;
	(pc) =	sbr.abs _section_cstart, $3  }
0xc0: {  	[dreg:$0x1] =	wrdreg $0xFFFFFFFF  }
0xc1: {  	_ =	task.clear_ibuf [dreg:s6], $0x2FFFF;
	_ =	strace $0x9FFFFFFF  }
0xc2: {  	(tm) =	ssettm $0x7FFFFFFF  }
0xc3: {  	_ =	shalt  }
tec
execute0_lowered:
.L_overlay_start_1:
0x0: {  	(tag) =	ssettag $0x1  }
0x1: {  	s0 =	rddreg [dreg:$0x0]  }
0x2: {  	s2 =	rddreg [dreg:$0x1]  }
0x3: {  	s11 =	simm.s32 $0x0;
	s3 =	stileid.u32;
	s1 =	srdreg.scid  }
0x4: {  	s13 =	simm.s32 $0x9;
	s14 =	simm.s32 $0x40;
	s16 =	simm.s32 $0x80  }
0x5: {  	s17 =	simm.s32 $0x6000;
	s18 =	simm.s32 $0x100;
	s19 =	simm.s32 $0x8000  }
0x6: {  	s20 =	simm.s32 $0x180;
	s21 =	simm.s32 $0xA000;
	s22 =	simm.s32 $0x5  }
0x7: {  	[smem:$0x7FF] =	sst s11;
	s7 =	smul.u32 $0x13C00, s3;
	s1 =	sand.u32 $0x1, s1  }
0x8: {  	s4 =	sadd.s32 $0x16DC00, s0;
	s5 =	sadd.s32 $0xBC00, s0;
	s6 =	sadd.s32 $0x33C00, s0  }
0x9: {  	s10 =	smul.u32 $0x4F000, s3;
	s30 =	sshll.u32 s3, $0x6;
	_ =	strace $0x80000053  }
0xa: {  	s8 =	smul.u32 $0x13C000, s1;
	s26 =	ssub.s32 $0x2, s1;
	s1 =	sshll.u32 s1, $0x4  }
0xb: {  	s9 =	sshrl.u32 s7, $0x3;
	s28 =	sshrl.u32 s26, $0x1;
	s1 =	sor.u32 s3, s1  }
0xc: {  	s29 =	sshrl.u32 s10, $0x2;
	s3 =	sor.u32 $0x1C09, s30;
	s7 =	sadd.s32 s7, s8  }
0xd: {  	s9 =	sadd.s32 s9, s0;
	s8 =	sadd.s32 s29, s2;
	s7 =	sshrl.u32 s7, $0x3  }
0xe: {  	[dreg:$0x5] =	wrdreg s3;
	s9 =	sadd.s32 $0x11F200, s9;
	s0 =	sadd.s32 s7, s0  }
0xf: {  	[dreg:$0x4] =	wrdreg s9;
	s9 =	smul.u32 $0xA000, s1;
	s1 =	sshrl.u32 s8, $0x3  }
0x10: {  	s7 =	ssub.s32 s26, s28;
	s0 =	sadd.s32 $0x20A000, s0;
	[dreg:$0x8] =	wrdreg s1  }
0x11: {  	s23 =	simm.s32 $0x6;
	s31 =	smax.u32 s7, $0x1;
	[dreg:$0x6] =	wrdreg s0  }
0x12: {  	s24 =	simm.s32 $0x7;
	s25 =	simm.s32 $0x8;
	[dreg:$0x7] =	wrdreg s31  }
.LBB2_1:
0x13: {  	[dreg:$0x3] =	wrdreg s11  }
0x14: {  	s0 =	rddreg [dreg:$0x4]  }
0x15: {  	[spmem:s1], [sflag:s3] =	dma.local [hbm:s0], $0x2780  }
0x16: {  	_ =	swait.ge [sflag:s13], $0x2780  }
0x17: {  	[sflag:s13] =	ssyncset.done $0x0  }
0x18: {  	[sflag:s13] =	ssyncadd.s32 $0xFFFFD880  }
0x19: {  	s26 =	simm.s32 $0x0;
	[bflag:$0x0] =	sbarrier.arrive $0xFFFF  }
.LBB2_2:
0x1a: {  	s0 =	sshll.u32 s26, $0xD  }
0x1b: {  	s0 =	sadd.s32 s9, s0  }
0x1c: {  	s0 =	sshrl.u32 s0, $0x3  }
0x1d: {  	s7 =	simm.s32 $0x0;
	s1 =	sadd.s32 s5, s0  }
0x1e: {  	[tilespmem:s7], [sflag:$0x9] =	stream.linear.gather [hbm4b:s1+s7], $0x2000, $0x38;
	[tilespmem:$0x1FC00] =	vst v63  }
0x1f: {  	_ =	swait.ge [sflag:s13], $0x2000  }
0x20: {  	[sflag:s13] =	ssyncset.done $0x0  }
0x21: {  	s10 =	simm.s32 $0x2000;
	s0 =	sadd.s32 s6, s0;
	[sflag:s13] =	ssyncadd.s32 $0xFFFFE000  }
0x22: {  	[tilespmem:s10], [sflag:$0x9] =	stream.linear.gather [hbm4b:s0+s7], $0x2000, $0x38;
	[tilespmem:$0x1FC00] =	vst v63  }
0x23: {  	_ =	swait.ge [sflag:s13], $0x2000  }
0x24: {  	[sflag:s13] =	ssyncset.done $0x0  }
0x25: {  	s12 =	simm.s32 $0x4000;
	[sflag:s13] =	ssyncadd.s32 $0xFFFFE000  }
0x26: {  	[tilespmem:s12], [sflag:$0x1] =	stream.indirect.gather [hbm4b:s4+s14], $0x80, s7, s14, $0xb8;
	[tilespmem:$0x1FC00] =	vst v63  }
0x27: {  	_ = 	snop  }
0x28: {  	[tilespmem:s17], [sflag:$0x2] =	stream.indirect.gather [hbm4b:s4+s14], $0x80, s16, s14, $0xb8;
	[tilespmem:$0x1FC00] =	vst v63  }
0x29: {  	s15 =	sand.u32 $0x3, s7  }
0x2a: {  	[tilespmem:s19], [sflag:$0x3] =	stream.indirect.gather [hbm4b:s4+s14], $0x80, s18, s14, $0xb8;
	[tilespmem:$0x1FC00] =	vst v63  }
0x2b: {  	s30 =	sadd.s32 $0x1, s15  }
0x2c: {  	[tilespmem:s21], [sflag:$0x4] =	stream.indirect.gather [hbm4b:s4+s14], $0x80, s20, s14, $0xb8;
	[tilespmem:$0x1FC00] =	vst v63  }
0x2d: {  	s28 =	simm.s32 $0x200;
	s29 =	simm.s32 $0x1;
	_ =	swait.ge [sflag:s30], $0x2000  }
0x2e: {  	p0 =	por $0x0, $0x0;
	s7 =	sshll.u32 s15, $0xD;
	[sflag:s30] =	ssyncset.done $0x0  }
0x2f: {  	s8 =	sadd.s32 $0x5, s15;
	s11 =	sadd.s32 $0x4000, s7;
	[sflag:s30] =	ssyncadd.s32 $0xFFFFE000  }
0x30: {  	[spmem:s2] =	stream.indirect.scatter.add.f32 [tilespmem:s11], [sflag:s8], $0x80, s10, s14, $0xb8;
	[tilespmem:$0x1FC00] =	vst v63  }
0x31: {  	s31 =	simm.s32 $0x280;
	s1 =	simm.s32 $0x2;
	_ =	swait.ge @!p0 [sflag:s8], $0x2000  }
0x32: {  	s0 =	simm.s32 $0x2080;
	s7 =	sand.u32 $0x3, s29;
	[sflag:s8] =	ssyncset.done @!p0 $0x0  }
0x33: {  	s10 =	sshll.u32 s7, $0xD;
	[sflag:s8] =	ssyncadd.s32 @!p0 $0xFFFFE000;
	s8 =	simm.s32 @!p0 $0x40  }
.LBB2_3:
0x34: {  	[tilespmem:s11], [sflag:s30] =	stream.indirect.gather @!p0 [hbm4b:s4+s8], $0x80, s28, s8, $0xb8;
	[tilespmem:$0x1FC00] =	vst v63  }
0x35: {  	s8 =	smov.u32 s1;
	s28 =	smov.u32 s31  }
0x36: {  	s1 =	sadd.s32 $0x1, s1;
	s30 =	sadd.s32 $0x1, s7;
	s12 =	sand.u32 $0x3, s8  }
0x37: {  	p1 =	sne.s32 s1, $0x40;
	s3 =	sshll.u32 s12, $0xD;
	_ =	swait.ge [sflag:s30], $0x2000  }
0x38: {  	s15 =	sadd.s32 $0x5, s7;
	p0 =	sgt.u32 s29, $0x3B;
	[sflag:s30] =	ssyncset.done $0x0  }
.Ltmp0:
0x39: {  	s11 =	sadd.s32 $0x4000, s10;
	[sflag:s30] =	ssyncadd.s32 $0xFFFFE000;
	(pc) =	sbr.rel @p1 .LBB2_3-.Ltmp0, $4  }
0x3a: {  	[spmem:s2] =	stream.indirect.scatter.add.f32 [tilespmem:s11], [sflag:s15], $0x80, s0, s14, $0xb8;
	[tilespmem:$0x1FC00] =	vst v63  }
0x3b: {  	s29 =	smov.u32 s8;
	s7 =	smov.u32 s12;
	_ =	swait.ge @!p0 [sflag:s15], $0x2000  }
0x3c: {  	s10 =	smov.u32 s3;
	s0 =	sadd.s32 $0x80, s0;
	[sflag:s15] =	ssyncset.done @!p0 $0x0  }
0x3d: {  	s31 =	sadd.s32 $0x80, s31;
	s8 =	simm.s32 @!p0 $0x40;
	[sflag:s15] =	ssyncadd.s32 @!p0 $0xFFFFE000  }
0x3e: {  	[tilespmem:s11], [sflag:s30] =	stream.indirect.gather @!p0 [hbm4b:s4+s8], $0x80, s28, s8, $0xb8;
	[tilespmem:$0x1FC00] =	vst v63  }
0x3f: {  	s1 =	sadd.s32 $0x1, s7  }
0x40: {  	_ =	swait.ge [sflag:s1], $0x2000  }
0x41: {  	s3 =	sadd.s32 $0x5, s7;
	[sflag:s1] =	ssyncset.done $0x0  }
0x42: {  	p0 =	sgt.u32 s29, $0x3B;
	s7 =	sadd.s32 $0x4000, s10;
	[sflag:s1] =	ssyncadd.s32 $0xFFFFE000  }
0x43: {  	[spmem:s2] =	stream.indirect.scatter.add.f32 [tilespmem:s7], [sflag:s3], $0x80, s0, s14, $0xb8;
	[tilespmem:$0x1FC00] =	vst v63  }
0x44: {  	_ =	swait.ge @!p0 [sflag:s3], $0x2000  }
0x45: {  	[sflag:s3] =	ssyncset.done @!p0 $0x0  }
0x46: {  	s0 =	simm.s32 @!p0 $0x40;
	[sflag:s3] =	ssyncadd.s32 @!p0 $0xFFFFE000  }
0x47: {  	[tilespmem:s7], [sflag:s1] =	stream.indirect.gather @!p0 [hbm4b:s4+s0], $0x80, s31, s0, $0xb8;
	[tilespmem:$0x1FC00] =	vst v63  }
0x48: {  	_ =	swait.ge [sflag:s22], $0x2000  }
0x49: {  	[sflag:s22] =	ssyncset.done $0x0  }
0x4a: {  	[sflag:s22] =	ssyncadd.s32 $0xFFFFE000  }
0x4b: {  	_ =	swait.ge [sflag:s23], $0x2000  }
0x4c: {  	[sflag:s23] =	ssyncset.done $0x0  }
0x4d: {  	s26 =	sadd.s32 $0x1, s26;
	[sflag:s23] =	ssyncadd.s32 $0xFFFFE000  }
0x4e: {  	p0 =	sne.s32 s26, $0x5;
	_ =	swait.ge [sflag:s24], $0x2000  }
.Ltmp1:
0x4f: {  	[sflag:s24] =	ssyncset.done $0x0;
	(pc) =	sbr.rel @p0 .LBB2_2-.Ltmp1, $4  }
0x50: {  	[sflag:s24] =	ssyncadd.s32 $0xFFFFE000  }
0x51: {  	_ =	swait.ge [sflag:s25], $0x2000  }
0x52: {  	[sflag:s25] =	ssyncset.done $0x0  }
0x53: {  	[sflag:s25] =	ssyncadd.s32 $0xFFFFE000  }
0x54: {  	[bflag:$0x0] =	sbarrier.arrive $0xFFFF  }
0x55: {  	s3 =	rddreg [dreg:$0x5]  }
0x56: {  	s0 =	rddreg [dreg:$0x6]  }
0x57: {  	s1 =	rddreg [dreg:$0x8]  }
0x58: {  	[hbm:s0], [sflag:s3] =	dma.local [spmem:s1], $0x2780  }
0x59: {  	_ =	swait.ge [sflag:s13], $0x2780  }
0x5a: {  	s11 =	rddreg [dreg:$0x3]  }
0x5b: {  	s31 =	rddreg [dreg:$0x7];
	s11 =	sadd.s32 $0x1, s11  }
0x5c: {  	p0 =	sne.s32 s11, s31  }
.Ltmp2:
0x5d: {  	_ = 	snop;
	(pc) =	sbr.rel @p0 .LBB2_1-.Ltmp2, $3  }
0x5e: {  	_ =	sdelay $0x1  }
0x5f: {  	[sflag:s13] =	ssyncset.done $0x0  }
0x60: {  	[sflag:s13] =	ssyncadd.s32 $0xFFFFD880  }
0x61: {  	_ =	sfence.sel $0x180000  }
0x62: {  	[bflag:$0x0] =	sbarrier.arrive $0xFFFF  }
0x63: {  	_ =	strace $0x90000053  }
0x64: {  	s0 =	stileid.u32;
	[bflag:$0x2] =	sbarrier.arrive $0xFFFF  }
0x65: {  	p0 =	sne.s32 s0, $0x0;
	s0 =	rddreg [dreg:$0x2]  }
0x66: {  	s0 =	sadd.s32 @!p0 $0x100000, s0  }
0x67: {  	[sflag:s0] =	ssyncadd.tile.s32 @!p0 $0x1;
	_ =	shalt  }
.Lfunc_end2:
_tile_overlayer_lowered:
.L_overlay_start_2:
0x68: {  	(tag) =	ssettag $0x2  }
0x69: {  	s0 =	rddreg [dreg:$0x0];
	s2 =	stileid.u32  }
0x6a: {  	s1 =	rddreg [dreg:$0x1];
	p0 =	sne.s32 s2, $0x0  }
0x6b: {  	s3 =	rddreg [dreg:$0x2];
	[bflag:$0x3] =	sbarrier.arrive $0xFFFF;
	s2 =	simm.s32 @!p0 $0x1C09  }
0x6c: {  	[timem:s3], [sflag:s2] =	dma.local @!p0 [hbm:s0], s1  }
0x6d: {  	s0 =	simm.s32 @!p0 $0x9  }
0x6e: {  	_ =	swait.ge @!p0 [sflag:s0], s1  }
0x6f: {  	s1 =	ssub.s32 @!p0 $0x0, s1;
	[sflag:s0] =	ssyncset.done @!p0 $0x0  }
0x70: {  	[sflag:s0] =	ssyncadd.s32 @!p0 s1  }
0x71: {  	[bflag:$0x3] =	sbarrier.arrive $0xFFFF  }
0x72: {  	_ =	shalt  }

</sc_bundles>
